<compile_context>
chip_gen: v7x
topology: tpu7x:2x2x1
jax: 0.10.2.dev20260603
libtpu: 0.0.44.dev20260713+nightly
codegen_flags: <defaults>
</compile_context>

<pallas_src>
import functools

import jax
import jax.numpy as jnp
from jax import lax
from jax.experimental import pallas as pl
from jax.experimental.pallas import tpu as pltpu
from jax.experimental.pallas import tpu_sc as plsc

VOCAB_ROWS = 1000000
DIM = 64
B = 16384
NC = 2
NS = 16
NW = NC * NS
BPW = B // NW
CHUNK = 128
NCHUNK = BPW // CHUNK
NPASS = 2
CPP = NCHUNK // NPASS
PP = BPW // NPASS
LANES = 16
GPC = CHUNK // LANES

CB = 16384
HB = CB // 2
NBLK = (VOCAB_ROWS + CB - 1) // CB
SROWS = NBLK * HB


def _repack_body(t_ref, out_ref):
    tt = t_ref[...].T
    out_ref[:, 0:DIM] = tt[0:HB]
    out_ref[:, DIM:2 * DIM] = tt[HB:CB]


_repack = pl.pallas_call(
    _repack_body,
    grid=(NBLK,),
    in_specs=[pl.BlockSpec((DIM, CB), lambda i: (0, i))],
    out_specs=pl.BlockSpec((HB, 128), lambda i: (i, 0)),
    out_shape=jax.ShapeDtypeStruct((SROWS, 128), jnp.float32),
)


def _sc_body(gc_hbm, oc_hbm, gx_hbm, ox_hbm, t_hbm, out_hbm,
             idx_c, idx_x, off_c, off_x, rows_c, rows_x, outv, sem):
    c = lax.axis_index("c")
    s = lax.axis_index("s")
    wid = s * NC + c
    base = wid * NCHUNK

    pltpu.sync_copy(gc_hbm.at[pl.ds(base, NCHUNK)], idx_c)
    pltpu.sync_copy(oc_hbm.at[pl.ds(base, NCHUNK)], off_c)
    pltpu.sync_copy(gx_hbm.at[pl.ds(base, NCHUNK)], idx_x)
    pltpu.sync_copy(ox_hbm.at[pl.ds(base, NCHUNK)], off_x)

    iot = lax.iota(jnp.int32, LANES)
    zero = jnp.zeros((LANES,), jnp.float32)
    accs = (zero, zero, zero, zero)

    for p in range(NPASS):
        copies = []
        for j in range(CPP):
            copies.append(pltpu.async_copy(
                t_hbm.at[idx_c.at[p * CPP + j]],
                rows_c.at[pl.ds(j * CHUNK, CHUNK)], sem))
            copies.append(pltpu.async_copy(
                t_hbm.at[idx_x.at[p * CPP + j]],
                rows_x.at[pl.ds(j * CHUNK, CHUNK)], sem))
        for cp in copies:
            cp.wait()

        for j in range(CPP):
            for h in range(GPC):
                rvec = j * CHUNK + h * LANES + iot
                ocv = off_c[p * CPP + j, pl.ds(h * LANES, LANES)]
                oxv = off_x[p * CPP + j, pl.ds(h * LANES, LANES)]

                def body(k4, a, rvec=rvec, ocv=ocv, oxv=oxv):
                    out = []
                    for u in range(4):
                        k = k4 * 4 + u
                        cv = plsc.load_gather(rows_c, [rvec, ocv + k])
                        xv = plsc.load_gather(rows_x, [rvec, oxv + k])
                        out.append(a[u] + cv * xv)
                    return tuple(out)

                accs = lax.fori_loop(0, DIM // 4, body, accs)

    outv[...] = (accs[0] + accs[1]) + (accs[2] + accs[3])
    pltpu.sync_copy(outv, out_hbm.at[wid])


_sc_call = functools.partial(
    pl.kernel,
    mesh=plsc.VectorSubcoreMesh(core_axis_name="c", subcore_axis_name="s"),
    out_type=jax.ShapeDtypeStruct((NW, LANES), jnp.float32),
    scratch_types=[
        pltpu.VMEM((NCHUNK, CHUNK), jnp.int32),
        pltpu.VMEM((NCHUNK, CHUNK), jnp.int32),
        pltpu.VMEM((NCHUNK, CHUNK), jnp.int32),
        pltpu.VMEM((NCHUNK, CHUNK), jnp.int32),
        pltpu.VMEM((PP, CHUNK), jnp.float32),
        pltpu.VMEM((PP, CHUNK), jnp.float32),
        pltpu.VMEM((LANES,), jnp.float32),
        pltpu.SemaphoreType.DMA,
    ],
    compiler_params=pltpu.CompilerParams(
        use_tc_tiling_on_sc=True, needs_layout_passes=False),
)(_sc_body)


@jax.jit
def kernel(center_words, context_words, embeddings):
    table = _repack(embeddings.T)
    cw = jnp.asarray(center_words, jnp.int32)
    xw = jnp.asarray(context_words, jnp.int32)
    shape2 = (NW * NCHUNK, CHUNK)
    cb_bits = CB.bit_length() - 1

    def sup(r):
        return ((r >> cb_bits) << (cb_bits - 1)) | (r & (HB - 1))

    def off(r):
        return ((r >> (cb_bits - 1)) & 1) << 6

    gc = sup(cw).reshape(shape2)
    oc = off(cw).reshape(shape2)
    gx = sup(xw).reshape(shape2)
    ox = off(xw).reshape(shape2)
    partials = _sc_call(gc, oc, gx, ox, table)
    return jnp.sum(partials)

# --- scband reference (transcript-rebuilt; emitter-appended) ---
"""Pipeline reference for scband-word2-vec-7507602833438 (READ-ONLY COPY).

The authoritative reference and input builder live on the scoring server;
editing this copy changes nothing except your own understanding.
"""

import jax, jax.numpy as jnp
import numpy as np

VOCAB = 1000000
DIM = 64
B = 16384

def setup_inputs(seed: int = 0) -> dict:
    key = jax.random.key(seed)
    k1, k2, k3 = jax.random.split(key, 3)
    center_words = jax.random.randint(k1, (B,), 0, VOCAB)
    context_words = jax.random.randint(k2, (B,), 0, VOCAB)
    embeddings = jax.random.normal(k3, (VOCAB, DIM), dtype=jnp.float32)
    return {"center_words": center_words, "context_words": context_words, "embeddings": embeddings}

def reference(center_words, context_words, embeddings):
    # nn.Embedding lookups -> gather rows
    center_embeds = jnp.take(embeddings, center_words, axis=0)
    context_embeds = jnp.take(embeddings, context_words, axis=0)
    # score = torch.sum(center_embeds * context_embeds)
    score = jnp.sum(center_embeds * context_embeds)
    return score

if __name__ == "__main__":
    import jax
    _d = setup_inputs()
    print(jax.jit(kernel)(*tuple(_d.values())))

</pallas_src>

<mosaic_0001>
#map = affine_map<(d0, d1) -> (0, 0)>
module attributes {stable_mosaic.version = 14 : i64} {
  func.func @_sc_body(%arg0: i32, %arg1: i32, %arg2: memref<128x128xi32, #tpu.memory_space<hbm>>, %arg3: memref<128x128xi32, #tpu.memory_space<hbm>>, %arg4: memref<128x128xi32, #tpu.memory_space<hbm>>, %arg5: memref<128x128xi32, #tpu.memory_space<hbm>>, %arg6: memref<507904x128xf32, #tpu.memory_space<hbm>>, %arg7: memref<32x16xf32, #tpu.memory_space<hbm>>, %arg8: memref<4x128xi32, #tpu.memory_space<vmem>>, %arg9: memref<4x128xi32, #tpu.memory_space<vmem>>, %arg10: memref<4x128xi32, #tpu.memory_space<vmem>>, %arg11: memref<4x128xi32, #tpu.memory_space<vmem>>, %arg12: memref<256x128xf32, #tpu.memory_space<vmem>>, %arg13: memref<256x128xf32, #tpu.memory_space<vmem>>, %arg14: memref<16xf32, #tpu.memory_space<vmem>>, %arg15: memref<!tpu.dma_semaphore, #tpu.memory_space<semaphore_mem>>) attributes {dimension_semantics = [#tpu.dimension_semantics<core_parallel>, #tpu.dimension_semantics<subcore_parallel>], iteration_bounds = array<i64: 2, 16>, scalar_prefetch = 0 : i64, scratch_operands = 8 : i64, tpu.core_type = #tpu.core_type<sc_vector_subcore>, window_params = [{transform_indices = #map}, {transform_indices = #map}, {transform_indices = #map}, {transform_indices = #map}, {transform_indices = #map}, {transform_indices = #map}]} {
    %mul3A = arith.constant 2 : i32
    %mul3A_0 = arith.muli %arg1, %mul3A : i32
    %add3A = arith.addi %mul3A_0, %arg0 : i32
    %mul3A_1 = arith.constant 4 : i32
    %mul3A_2 = arith.muli %add3A, %mul3A_1 : i32
    "tpu.region"() ({
      %run_scoped3A = tpu.sem_alloc : memref<!tpu.dma_semaphore, #tpu.memory_space<semaphore_mem>>
      %dma_start3A_708 = arith.constant 0 : i32
      %dma_start3A_709 = tpu.memref_slice %arg2[%mul3A_2, %dma_start3A_708] : memref<128x128xi32, #tpu.memory_space<hbm>> -> memref<4x128xi32, #tpu.memory_space<hbm>>
      %dma_start3A_710 = arith.constant 0 : i32
      %dma_start3A_711 = tpu.memref_slice %arg2[%mul3A_2, %dma_start3A_710] : memref<128x128xi32, #tpu.memory_space<hbm>> -> memref<4x128xi32, #tpu.memory_space<hbm>>
      tpu.enqueue_dma source(%dma_start3A_711 : memref<4x128xi32, #tpu.memory_space<hbm>>) target(%arg8 : memref<4x128xi32, #tpu.memory_space<vmem>>) target_semaphore(%run_scoped3A : memref<!tpu.dma_semaphore, #tpu.memory_space<semaphore_mem>>)
      %dma_wait3A_712 = arith.constant 0 : i32
      %dma_wait3A_713 = tpu.memref_slice %arg2[%mul3A_2, %dma_wait3A_712] : memref<128x128xi32, #tpu.memory_space<hbm>> -> memref<4x128xi32, #tpu.memory_space<hbm>>
      %dma_wait3A_714 = arith.constant 0 : i32
      %dma_wait3A_715 = tpu.memref_slice %arg2[%mul3A_2, %dma_wait3A_714] : memref<128x128xi32, #tpu.memory_space<hbm>> -> memref<4x128xi32, #tpu.memory_space<hbm>>
      tpu.wait_dma2 semaphore(%run_scoped3A : memref<!tpu.dma_semaphore, #tpu.memory_space<semaphore_mem>>) src(%dma_wait3A_715 : memref<4x128xi32, #tpu.memory_space<hbm>>) dst(%arg8 : memref<4x128xi32, #tpu.memory_space<vmem>>)
      tpu.yield
    }) : () -> ()
    "tpu.region"() ({
      %run_scoped3A = tpu.sem_alloc : memref<!tpu.dma_semaphore, #tpu.memory_space<semaphore_mem>>
      %dma_start3A_708 = arith.constant 0 : i32
      %dma_start3A_709 = tpu.memref_slice %arg3[%mul3A_2, %dma_start3A_708] : memref<128x128xi32, #tpu.memory_space<hbm>> -> memref<4x128xi32, #tpu.memory_space<hbm>>
      %dma_start3A_710 = arith.constant 0 : i32
      %dma_start3A_711 = tpu.memref_slice %arg3[%mul3A_2, %dma_start3A_710] : memref<128x128xi32, #tpu.memory_space<hbm>> -> memref<4x128xi32, #tpu.memory_space<hbm>>
      tpu.enqueue_dma source(%dma_start3A_711 : memref<4x128xi32, #tpu.memory_space<hbm>>) target(%arg10 : memref<4x128xi32, #tpu.memory_space<vmem>>) target_semaphore(%run_scoped3A : memref<!tpu.dma_semaphore, #tpu.memory_space<semaphore_mem>>)
      %dma_wait3A_712 = arith.constant 0 : i32
      %dma_wait3A_713 = tpu.memref_slice %arg3[%mul3A_2, %dma_wait3A_712] : memref<128x128xi32, #tpu.memory_space<hbm>> -> memref<4x128xi32, #tpu.memory_space<hbm>>
      %dma_wait3A_714 = arith.constant 0 : i32
      %dma_wait3A_715 = tpu.memref_slice %arg3[%mul3A_2, %dma_wait3A_714] : memref<128x128xi32, #tpu.memory_space<hbm>> -> memref<4x128xi32, #tpu.memory_space<hbm>>
      tpu.wait_dma2 semaphore(%run_scoped3A : memref<!tpu.dma_semaphore, #tpu.memory_space<semaphore_mem>>) src(%dma_wait3A_715 : memref<4x128xi32, #tpu.memory_space<hbm>>) dst(%arg10 : memref<4x128xi32, #tpu.memory_space<vmem>>)
      tpu.yield
    }) : () -> ()
    "tpu.region"() ({
      %run_scoped3A = tpu.sem_alloc : memref<!tpu.dma_semaphore, #tpu.memory_space<semaphore_mem>>
      %dma_start3A_708 = arith.constant 0 : i32
      %dma_start3A_709 = tpu.memref_slice %arg4[%mul3A_2, %dma_start3A_708] : memref<128x128xi32, #tpu.memory_space<hbm>> -> memref<4x128xi32, #tpu.memory_space<hbm>>
      %dma_start3A_710 = arith.constant 0 : i32
      %dma_start3A_711 = tpu.memref_slice %arg4[%mul3A_2, %dma_start3A_710] : memref<128x128xi32, #tpu.memory_space<hbm>> -> memref<4x128xi32, #tpu.memory_space<hbm>>
      tpu.enqueue_dma source(%dma_start3A_711 : memref<4x128xi32, #tpu.memory_space<hbm>>) target(%arg9 : memref<4x128xi32, #tpu.memory_space<vmem>>) target_semaphore(%run_scoped3A : memref<!tpu.dma_semaphore, #tpu.memory_space<semaphore_mem>>)
      %dma_wait3A_712 = arith.constant 0 : i32
      %dma_wait3A_713 = tpu.memref_slice %arg4[%mul3A_2, %dma_wait3A_712] : memref<128x128xi32, #tpu.memory_space<hbm>> -> memref<4x128xi32, #tpu.memory_space<hbm>>
      %dma_wait3A_714 = arith.constant 0 : i32
      %dma_wait3A_715 = tpu.memref_slice %arg4[%mul3A_2, %dma_wait3A_714] : memref<128x128xi32, #tpu.memory_space<hbm>> -> memref<4x128xi32, #tpu.memory_space<hbm>>
      tpu.wait_dma2 semaphore(%run_scoped3A : memref<!tpu.dma_semaphore, #tpu.memory_space<semaphore_mem>>) src(%dma_wait3A_715 : memref<4x128xi32, #tpu.memory_space<hbm>>) dst(%arg9 : memref<4x128xi32, #tpu.memory_space<vmem>>)
      tpu.yield
    }) : () -> ()
    "tpu.region"() ({
      %run_scoped3A = tpu.sem_alloc : memref<!tpu.dma_semaphore, #tpu.memory_space<semaphore_mem>>
      %dma_start3A_708 = arith.constant 0 : i32
      %dma_start3A_709 = tpu.memref_slice %arg5[%mul3A_2, %dma_start3A_708] : memref<128x128xi32, #tpu.memory_space<hbm>> -> memref<4x128xi32, #tpu.memory_space<hbm>>
      %dma_start3A_710 = arith.constant 0 : i32
      %dma_start3A_711 = tpu.memref_slice %arg5[%mul3A_2, %dma_start3A_710] : memref<128x128xi32, #tpu.memory_space<hbm>> -> memref<4x128xi32, #tpu.memory_space<hbm>>
      tpu.enqueue_dma source(%dma_start3A_711 : memref<4x128xi32, #tpu.memory_space<hbm>>) target(%arg11 : memref<4x128xi32, #tpu.memory_space<vmem>>) target_semaphore(%run_scoped3A : memref<!tpu.dma_semaphore, #tpu.memory_space<semaphore_mem>>)
      %dma_wait3A_712 = arith.constant 0 : i32
      %dma_wait3A_713 = tpu.memref_slice %arg5[%mul3A_2, %dma_wait3A_712] : memref<128x128xi32, #tpu.memory_space<hbm>> -> memref<4x128xi32, #tpu.memory_space<hbm>>
      %dma_wait3A_714 = arith.constant 0 : i32
      %dma_wait3A_715 = tpu.memref_slice %arg5[%mul3A_2, %dma_wait3A_714] : memref<128x128xi32, #tpu.memory_space<hbm>> -> memref<4x128xi32, #tpu.memory_space<hbm>>
      tpu.wait_dma2 semaphore(%run_scoped3A : memref<!tpu.dma_semaphore, #tpu.memory_space<semaphore_mem>>) src(%dma_wait3A_715 : memref<4x128xi32, #tpu.memory_space<hbm>>) dst(%arg11 : memref<4x128xi32, #tpu.memory_space<vmem>>)
      tpu.yield
    }) : () -> ()
    %iota3A = tpu.iota {dimensions = array<i32: 0>} : vector<16xi32>
    %broadcast_in_dim3A = arith.constant 0.000000e+00 : f32
    %broadcast_in_dim3A_3 = vector.broadcast %broadcast_in_dim3A : f32 to vector<16xf32>
    %dma_start3A = arith.constant 0 : i32
    %dma_start3A_4 = arith.constant 0 : i32
    %dma_start3A_5 = arith.constant 0 : i32
    %dma_start3A_6 = tpu.memref_slice %arg12[%dma_start3A_4, %dma_start3A_5] : memref<256x128xf32, #tpu.memory_space<vmem>> -> memref<128x128xf32, #tpu.memory_space<vmem>>
    %dma_start3A_7 = arith.constant 0 : i32
    %dma_start3A_8 = tpu.memref_slice %arg8[%dma_start3A, %dma_start3A_7] : memref<4x128xi32, #tpu.memory_space<vmem>> -> memref<1x128xi32, #tpu.memory_space<vmem>>
    %dma_start3A_9 = tpu.memref_squeeze %dma_start3A_8 : memref<1x128xi32, #tpu.memory_space<vmem>> -> memref<128xi32, #tpu.memory_space<vmem>>
    %dma_start3A_10 = arith.constant 0 : i32
    %dma_start3A_11 = arith.constant 0 : i32
    %dma_start3A_12 = tpu.memref_slice %arg6[%dma_start3A_10, %dma_start3A_11] : memref<507904x128xf32, #tpu.memory_space<hbm>> -> memref<507904x128xf32, #tpu.memory_space<hbm>>
    tpu.enqueue_indirect_dma source(%dma_start3A_12 : memref<507904x128xf32, #tpu.memory_space<hbm>>) target(%dma_start3A_6 : memref<128x128xf32, #tpu.memory_space<vmem>>) offsets(%dma_start3A_9 : memref<128xi32, #tpu.memory_space<vmem>>) semaphore(%arg15 : memref<!tpu.dma_semaphore, #tpu.memory_space<semaphore_mem>>)
    %dma_start3A_13 = arith.constant 0 : i32
    %dma_start3A_14 = arith.constant 0 : i32
    %dma_start3A_15 = arith.constant 0 : i32
    %dma_start3A_16 = tpu.memref_slice %arg13[%dma_start3A_14, %dma_start3A_15] : memref<256x128xf32, #tpu.memory_space<vmem>> -> memref<128x128xf32, #tpu.memory_space<vmem>>
    %dma_start3A_17 = arith.constant 0 : i32
    %dma_start3A_18 = tpu.memref_slice %arg9[%dma_start3A_13, %dma_start3A_17] : memref<4x128xi32, #tpu.memory_space<vmem>> -> memref<1x128xi32, #tpu.memory_space<vmem>>
    %dma_start3A_19 = tpu.memref_squeeze %dma_start3A_18 : memref<1x128xi32, #tpu.memory_space<vmem>> -> memref<128xi32, #tpu.memory_space<vmem>>
    %dma_start3A_20 = arith.constant 0 : i32
    %dma_start3A_21 = arith.constant 0 : i32
    %dma_start3A_22 = tpu.memref_slice %arg6[%dma_start3A_20, %dma_start3A_21] : memref<507904x128xf32, #tpu.memory_space<hbm>> -> memref<507904x128xf32, #tpu.memory_space<hbm>>
    tpu.enqueue_indirect_dma source(%dma_start3A_22 : memref<507904x128xf32, #tpu.memory_space<hbm>>) target(%dma_start3A_16 : memref<128x128xf32, #tpu.memory_space<vmem>>) offsets(%dma_start3A_19 : memref<128xi32, #tpu.memory_space<vmem>>) semaphore(%arg15 : memref<!tpu.dma_semaphore, #tpu.memory_space<semaphore_mem>>)
    %dma_start3A_23 = arith.constant 1 : i32
    %dma_start3A_24 = arith.constant 128 : i32
    %dma_start3A_25 = arith.constant 0 : i32
    %dma_start3A_26 = tpu.memref_slice %arg12[%dma_start3A_24, %dma_start3A_25] : memref<256x128xf32, #tpu.memory_space<vmem>> -> memref<128x128xf32, #tpu.memory_space<vmem>>
    %dma_start3A_27 = arith.constant 0 : i32
    %dma_start3A_28 = tpu.memref_slice %arg8[%dma_start3A_23, %dma_start3A_27] : memref<4x128xi32, #tpu.memory_space<vmem>> -> memref<1x128xi32, #tpu.memory_space<vmem>>
    %dma_start3A_29 = tpu.memref_squeeze %dma_start3A_28 : memref<1x128xi32, #tpu.memory_space<vmem>> -> memref<128xi32, #tpu.memory_space<vmem>>
    %dma_start3A_30 = arith.constant 0 : i32
    %dma_start3A_31 = arith.constant 0 : i32
    %dma_start3A_32 = tpu.memref_slice %arg6[%dma_start3A_30, %dma_start3A_31] : memref<507904x128xf32, #tpu.memory_space<hbm>> -> memref<507904x128xf32, #tpu.memory_space<hbm>>
    tpu.enqueue_indirect_dma source(%dma_start3A_32 : memref<507904x128xf32, #tpu.memory_space<hbm>>) target(%dma_start3A_26 : memref<128x128xf32, #tpu.memory_space<vmem>>) offsets(%dma_start3A_29 : memref<128xi32, #tpu.memory_space<vmem>>) semaphore(%arg15 : memref<!tpu.dma_semaphore, #tpu.memory_space<semaphore_mem>>)
    %dma_start3A_33 = arith.constant 1 : i32
    %dma_start3A_34 = arith.constant 128 : i32
    %dma_start3A_35 = arith.constant 0 : i32
    %dma_start3A_36 = tpu.memref_slice %arg13[%dma_start3A_34, %dma_start3A_35] : memref<256x128xf32, #tpu.memory_space<vmem>> -> memref<128x128xf32, #tpu.memory_space<vmem>>
    %dma_start3A_37 = arith.constant 0 : i32
    %dma_start3A_38 = tpu.memref_slice %arg9[%dma_start3A_33, %dma_start3A_37] : memref<4x128xi32, #tpu.memory_space<vmem>> -> memref<1x128xi32, #tpu.memory_space<vmem>>
    %dma_start3A_39 = tpu.memref_squeeze %dma_start3A_38 : memref<1x128xi32, #tpu.memory_space<vmem>> -> memref<128xi32, #tpu.memory_space<vmem>>
    %dma_start3A_40 = arith.constant 0 : i32
    %dma_start3A_41 = arith.constant 0 : i32
    %dma_start3A_42 = tpu.memref_slice %arg6[%dma_start3A_40, %dma_start3A_41] : memref<507904x128xf32, #tpu.memory_space<hbm>> -> memref<507904x128xf32, #tpu.memory_space<hbm>>
    tpu.enqueue_indirect_dma source(%dma_start3A_42 : memref<507904x128xf32, #tpu.memory_space<hbm>>) target(%dma_start3A_36 : memref<128x128xf32, #tpu.memory_space<vmem>>) offsets(%dma_start3A_39 : memref<128xi32, #tpu.memory_space<vmem>>) semaphore(%arg15 : memref<!tpu.dma_semaphore, #tpu.memory_space<semaphore_mem>>)
    %dma_wait3A = arith.constant 0 : i32
    %dma_wait3A_43 = arith.constant 0 : i32
    %dma_wait3A_44 = arith.constant 0 : i32
    %dma_wait3A_45 = tpu.memref_slice %arg12[%dma_wait3A_43, %dma_wait3A_44] : memref<256x128xf32, #tpu.memory_space<vmem>> -> memref<128x128xf32, #tpu.memory_space<vmem>>
    %dma_wait3A_46 = arith.constant 0 : i32
    %dma_wait3A_47 = tpu.memref_slice %arg8[%dma_wait3A, %dma_wait3A_46] : memref<4x128xi32, #tpu.memory_space<vmem>> -> memref<1x128xi32, #tpu.memory_space<vmem>>
    %dma_wait3A_48 = tpu.memref_squeeze %dma_wait3A_47 : memref<1x128xi32, #tpu.memory_space<vmem>> -> memref<128xi32, #tpu.memory_space<vmem>>
    %dma_wait3A_49 = arith.constant 0 : i32
    %dma_wait3A_50 = arith.constant 0 : i32
    %dma_wait3A_51 = tpu.memref_slice %arg6[%dma_wait3A_49, %dma_wait3A_50] : memref<507904x128xf32, #tpu.memory_space<hbm>> -> memref<507904x128xf32, #tpu.memory_space<hbm>>
    tpu.wait_indirect_dma semaphore(%arg15 : memref<!tpu.dma_semaphore, #tpu.memory_space<semaphore_mem>>) src(%dma_wait3A_51 : memref<507904x128xf32, #tpu.memory_space<hbm>>) dst(%dma_wait3A_45 : memref<128x128xf32, #tpu.memory_space<vmem>>)
    %dma_wait3A_52 = arith.constant 0 : i32
    %dma_wait3A_53 = arith.constant 0 : i32
    %dma_wait3A_54 = arith.constant 0 : i32
    %dma_wait3A_55 = tpu.memref_slice %arg13[%dma_wait3A_53, %dma_wait3A_54] : memref<256x128xf32, #tpu.memory_space<vmem>> -> memref<128x128xf32, #tpu.memory_space<vmem>>
    %dma_wait3A_56 = arith.constant 0 : i32
    %dma_wait3A_57 = tpu.memref_slice %arg9[%dma_wait3A_52, %dma_wait3A_56] : memref<4x128xi32, #tpu.memory_space<vmem>> -> memref<1x128xi32, #tpu.memory_space<vmem>>
    %dma_wait3A_58 = tpu.memref_squeeze %dma_wait3A_57 : memref<1x128xi32, #tpu.memory_space<vmem>> -> memref<128xi32, #tpu.memory_space<vmem>>
    %dma_wait3A_59 = arith.constant 0 : i32
    %dma_wait3A_60 = arith.constant 0 : i32
    %dma_wait3A_61 = tpu.memref_slice %arg6[%dma_wait3A_59, %dma_wait3A_60] : memref<507904x128xf32, #tpu.memory_space<hbm>> -> memref<507904x128xf32, #tpu.memory_space<hbm>>
    tpu.wait_indirect_dma semaphore(%arg15 : memref<!tpu.dma_semaphore, #tpu.memory_space<semaphore_mem>>) src(%dma_wait3A_61 : memref<507904x128xf32, #tpu.memory_space<hbm>>) dst(%dma_wait3A_55 : memref<128x128xf32, #tpu.memory_space<vmem>>)
    %dma_wait3A_62 = arith.constant 1 : i32
    %dma_wait3A_63 = arith.constant 128 : i32
    %dma_wait3A_64 = arith.constant 0 : i32
    %dma_wait3A_65 = tpu.memref_slice %arg12[%dma_wait3A_63, %dma_wait3A_64] : memref<256x128xf32, #tpu.memory_space<vmem>> -> memref<128x128xf32, #tpu.memory_space<vmem>>
    %dma_wait3A_66 = arith.constant 0 : i32
    %dma_wait3A_67 = tpu.memref_slice %arg8[%dma_wait3A_62, %dma_wait3A_66] : memref<4x128xi32, #tpu.memory_space<vmem>> -> memref<1x128xi32, #tpu.memory_space<vmem>>
    %dma_wait3A_68 = tpu.memref_squeeze %dma_wait3A_67 : memref<1x128xi32, #tpu.memory_space<vmem>> -> memref<128xi32, #tpu.memory_space<vmem>>
    %dma_wait3A_69 = arith.constant 0 : i32
    %dma_wait3A_70 = arith.constant 0 : i32
    %dma_wait3A_71 = tpu.memref_slice %arg6[%dma_wait3A_69, %dma_wait3A_70] : memref<507904x128xf32, #tpu.memory_space<hbm>> -> memref<507904x128xf32, #tpu.memory_space<hbm>>
    tpu.wait_indirect_dma semaphore(%arg15 : memref<!tpu.dma_semaphore, #tpu.memory_space<semaphore_mem>>) src(%dma_wait3A_71 : memref<507904x128xf32, #tpu.memory_space<hbm>>) dst(%dma_wait3A_65 : memref<128x128xf32, #tpu.memory_space<vmem>>)
    %dma_wait3A_72 = arith.constant 1 : i32
    %dma_wait3A_73 = arith.constant 128 : i32
    %dma_wait3A_74 = arith.constant 0 : i32
    %dma_wait3A_75 = tpu.memref_slice %arg13[%dma_wait3A_73, %dma_wait3A_74] : memref<256x128xf32, #tpu.memory_space<vmem>> -> memref<128x128xf32, #tpu.memory_space<vmem>>
    %dma_wait3A_76 = arith.constant 0 : i32
    %dma_wait3A_77 = tpu.memref_slice %arg9[%dma_wait3A_72, %dma_wait3A_76] : memref<4x128xi32, #tpu.memory_space<vmem>> -> memref<1x128xi32, #tpu.memory_space<vmem>>
    %dma_wait3A_78 = tpu.memref_squeeze %dma_wait3A_77 : memref<1x128xi32, #tpu.memory_space<vmem>> -> memref<128xi32, #tpu.memory_space<vmem>>
    %dma_wait3A_79 = arith.constant 0 : i32
    %dma_wait3A_80 = arith.constant 0 : i32
    %dma_wait3A_81 = tpu.memref_slice %arg6[%dma_wait3A_79, %dma_wait3A_80] : memref<507904x128xf32, #tpu.memory_space<hbm>> -> memref<507904x128xf32, #tpu.memory_space<hbm>>
    tpu.wait_indirect_dma semaphore(%arg15 : memref<!tpu.dma_semaphore, #tpu.memory_space<semaphore_mem>>) src(%dma_wait3A_81 : memref<507904x128xf32, #tpu.memory_space<hbm>>) dst(%dma_wait3A_75 : memref<128x128xf32, #tpu.memory_space<vmem>>)
    %add3A_82 = arith.constant 0 : i32
    %add3A_83 = vector.broadcast %add3A_82 : i32 to vector<16xi32>
    %add3A_84 = arith.addi %add3A_83, %iota3A : vector<16xi32>
    %get3A = arith.constant 0 : i32
    %get3A_85 = arith.index_cast %get3A : i32 to index
    %get3A_86 = arith.constant 0 : index
    %get3A_87 = tpu.vector_load %arg10[%get3A_85, %get3A_86] {strides = array<i32>} : memref<4x128xi32, #tpu.memory_space<vmem>>, vector<16xi32>,
    %get3A_88 = arith.constant 0 : i32
    %get3A_89 = arith.index_cast %get3A_88 : i32 to index
    %get3A_90 = arith.constant 0 : index
    %get3A_91 = tpu.vector_load %arg11[%get3A_89, %get3A_90] {strides = array<i32>} : memref<4x128xi32, #tpu.memory_space<vmem>>, vector<16xi32>,
    %scan3A = arith.constant 0 : i32
    %scan3A_92 = arith.constant 16 : i32
    %scan3A_93 = arith.addi %scan3A, %scan3A_92 : i32
    %scan3A_94 = arith.constant 1 : i32
    %scan3A_95:4 = scf.for %scan3A_708 = %scan3A to %scan3A_93 step %scan3A_94 iter_args(%scan3A_709 = %broadcast_in_dim3A_3, %scan3A_710 = %broadcast_in_dim3A_3, %scan3A_711 = %broadcast_in_dim3A_3, %scan3A_712 = %broadcast_in_dim3A_3) -> (vector<16xf32>, vector<16xf32>, vector<16xf32>, vector<16xf32>)  : i32 {
      %mul3A_713 = arith.constant 4 : i32
      %mul3A_714 = arith.muli %scan3A_708, %mul3A_713 : i32
      %add3A_715 = arith.constant 0 : i32
      %add3A_716 = arith.addi %mul3A_714, %add3A_715 : i32
      %add3A_717 = vector.broadcast %add3A_716 : i32 to vector<16xi32>
      %add3A_718 = arith.addi %get3A_87, %add3A_717 : vector<16xi32>
      %gather3A = tpu.vector_load_idx %arg12[%add3A_84, %add3A_718] : memref<256x128xf32, #tpu.memory_space<vmem>>[vector<16xi32>, vector<16xi32>], vector<16xf32>,
      %add3A_719 = vector.broadcast %add3A_716 : i32 to vector<16xi32>
      %add3A_720 = arith.addi %get3A_91, %add3A_719 : vector<16xi32>
      %gather3A_721 = tpu.vector_load_idx %arg13[%add3A_84, %add3A_720] : memref<256x128xf32, #tpu.memory_space<vmem>>[vector<16xi32>, vector<16xi32>], vector<16xf32>,
      %mul3A_722 = arith.mulf %gather3A, %gather3A_721 : vector<16xf32>
      %add3A_723 = arith.addf %scan3A_709, %mul3A_722 : vector<16xf32>
      %mul3A_724 = arith.constant 4 : i32
      %mul3A_725 = arith.muli %scan3A_708, %mul3A_724 : i32
      %add3A_726 = arith.constant 1 : i32
      %add3A_727 = arith.addi %mul3A_725, %add3A_726 : i32
      %add3A_728 = vector.broadcast %add3A_727 : i32 to vector<16xi32>
      %add3A_729 = arith.addi %get3A_87, %add3A_728 : vector<16xi32>
      %gather3A_730 = tpu.vector_load_idx %arg12[%add3A_84, %add3A_729] : memref<256x128xf32, #tpu.memory_space<vmem>>[vector<16xi32>, vector<16xi32>], vector<16xf32>,
      %add3A_731 = vector.broadcast %add3A_727 : i32 to vector<16xi32>
      %add3A_732 = arith.addi %get3A_91, %add3A_731 : vector<16xi32>
      %gather3A_733 = tpu.vector_load_idx %arg13[%add3A_84, %add3A_732] : memref<256x128xf32, #tpu.memory_space<vmem>>[vector<16xi32>, vector<16xi32>], vector<16xf32>,
      %mul3A_734 = arith.mulf %gather3A_730, %gather3A_733 : vector<16xf32>
      %add3A_735 = arith.addf %scan3A_710, %mul3A_734 : vector<16xf32>
      %mul3A_736 = arith.constant 4 : i32
      %mul3A_737 = arith.muli %scan3A_708, %mul3A_736 : i32
      %add3A_738 = arith.constant 2 : i32
      %add3A_739 = arith.addi %mul3A_737, %add3A_738 : i32
      %add3A_740 = vector.broadcast %add3A_739 : i32 to vector<16xi32>
      %add3A_741 = arith.addi %get3A_87, %add3A_740 : vector<16xi32>
      %gather3A_742 = tpu.vector_load_idx %arg12[%add3A_84, %add3A_741] : memref<256x128xf32, #tpu.memory_space<vmem>>[vector<16xi32>, vector<16xi32>], vector<16xf32>,
      %add3A_743 = vector.broadcast %add3A_739 : i32 to vector<16xi32>
      %add3A_744 = arith.addi %get3A_91, %add3A_743 : vector<16xi32>
      %gather3A_745 = tpu.vector_load_idx %arg13[%add3A_84, %add3A_744] : memref<256x128xf32, #tpu.memory_space<vmem>>[vector<16xi32>, vector<16xi32>], vector<16xf32>,
      %mul3A_746 = arith.mulf %gather3A_742, %gather3A_745 : vector<16xf32>
      %add3A_747 = arith.addf %scan3A_711, %mul3A_746 : vector<16xf32>
      %mul3A_748 = arith.constant 4 : i32
      %mul3A_749 = arith.muli %scan3A_708, %mul3A_748 : i32
      %add3A_750 = arith.constant 3 : i32
      %add3A_751 = arith.addi %mul3A_749, %add3A_750 : i32
      %add3A_752 = vector.broadcast %add3A_751 : i32 to vector<16xi32>
      %add3A_753 = arith.addi %get3A_87, %add3A_752 : vector<16xi32>
      %gather3A_754 = tpu.vector_load_idx %arg12[%add3A_84, %add3A_753] : memref<256x128xf32, #tpu.memory_space<vmem>>[vector<16xi32>, vector<16xi32>], vector<16xf32>,
      %add3A_755 = vector.broadcast %add3A_751 : i32 to vector<16xi32>
      %add3A_756 = arith.addi %get3A_91, %add3A_755 : vector<16xi32>
      %gather3A_757 = tpu.vector_load_idx %arg13[%add3A_84, %add3A_756] : memref<256x128xf32, #tpu.memory_space<vmem>>[vector<16xi32>, vector<16xi32>], vector<16xf32>,
      %mul3A_758 = arith.mulf %gather3A_754, %gather3A_757 : vector<16xf32>
      %add3A_759 = arith.addf %scan3A_712, %mul3A_758 : vector<16xf32>
      scf.yield %add3A_723, %add3A_735, %add3A_747, %add3A_759 : vector<16xf32>, vector<16xf32>, vector<16xf32>, vector<16xf32>
    }
    %scan3A_96 = arith.constant 16 : i32
    %add3A_97 = arith.constant 16 : i32
    %add3A_98 = vector.broadcast %add3A_97 : i32 to vector<16xi32>
    %add3A_99 = arith.addi %add3A_98, %iota3A : vector<16xi32>
    %get3A_100 = arith.constant 0 : i32
    %get3A_101 = arith.index_cast %get3A_100 : i32 to index
    %get3A_102 = arith.constant 16 : index
    %get3A_103 = tpu.vector_load %arg10[%get3A_101, %get3A_102] {strides = array<i32>} : memref<4x128xi32, #tpu.memory_space<vmem>>, vector<16xi32>,
    %get3A_104 = arith.constant 0 : i32
    %get3A_105 = arith.index_cast %get3A_104 : i32 to index
    %get3A_106 = arith.constant 16 : index
    %get3A_107 = tpu.vector_load %arg11[%get3A_105, %get3A_106] {strides = array<i32>} : memref<4x128xi32, #tpu.memory_space<vmem>>, vector<16xi32>,
    %scan3A_108 = arith.constant 0 : i32
    %scan3A_109 = arith.constant 16 : i32
    %scan3A_110 = arith.addi %scan3A_108, %scan3A_109 : i32
    %scan3A_111 = arith.constant 1 : i32
    %scan3A_112:4 = scf.for %scan3A_708 = %scan3A_108 to %scan3A_110 step %scan3A_111 iter_args(%scan3A_709 = %scan3A_95#0, %scan3A_710 = %scan3A_95#1, %scan3A_711 = %scan3A_95#2, %scan3A_712 = %scan3A_95#3) -> (vector<16xf32>, vector<16xf32>, vector<16xf32>, vector<16xf32>)  : i32 {
      %mul3A_713 = arith.constant 4 : i32
      %mul3A_714 = arith.muli %scan3A_708, %mul3A_713 : i32
      %add3A_715 = arith.constant 0 : i32
      %add3A_716 = arith.addi %mul3A_714, %add3A_715 : i32
      %add3A_717 = vector.broadcast %add3A_716 : i32 to vector<16xi32>
      %add3A_718 = arith.addi %get3A_103, %add3A_717 : vector<16xi32>
      %gather3A = tpu.vector_load_idx %arg12[%add3A_99, %add3A_718] : memref<256x128xf32, #tpu.memory_space<vmem>>[vector<16xi32>, vector<16xi32>], vector<16xf32>,
      %add3A_719 = vector.broadcast %add3A_716 : i32 to vector<16xi32>
      %add3A_720 = arith.addi %get3A_107, %add3A_719 : vector<16xi32>
      %gather3A_721 = tpu.vector_load_idx %arg13[%add3A_99, %add3A_720] : memref<256x128xf32, #tpu.memory_space<vmem>>[vector<16xi32>, vector<16xi32>], vector<16xf32>,
      %mul3A_722 = arith.mulf %gather3A, %gather3A_721 : vector<16xf32>
      %add3A_723 = arith.addf %scan3A_709, %mul3A_722 : vector<16xf32>
      %mul3A_724 = arith.constant 4 : i32
      %mul3A_725 = arith.muli %scan3A_708, %mul3A_724 : i32
      %add3A_726 = arith.constant 1 : i32
      %add3A_727 = arith.addi %mul3A_725, %add3A_726 : i32
      %add3A_728 = vector.broadcast %add3A_727 : i32 to vector<16xi32>
      %add3A_729 = arith.addi %get3A_103, %add3A_728 : vector<16xi32>
      %gather3A_730 = tpu.vector_load_idx %arg12[%add3A_99, %add3A_729] : memref<256x128xf32, #tpu.memory_space<vmem>>[vector<16xi32>, vector<16xi32>], vector<16xf32>,
      %add3A_731 = vector.broadcast %add3A_727 : i32 to vector<16xi32>
      %add3A_732 = arith.addi %get3A_107, %add3A_731 : vector<16xi32>
      %gather3A_733 = tpu.vector_load_idx %arg13[%add3A_99, %add3A_732] : memref<256x128xf32, #tpu.memory_space<vmem>>[vector<16xi32>, vector<16xi32>], vector<16xf32>,
      %mul3A_734 = arith.mulf %gather3A_730, %gather3A_733 : vector<16xf32>
      %add3A_735 = arith.addf %scan3A_710, %mul3A_734 : vector<16xf32>
      %mul3A_736 = arith.constant 4 : i32
      %mul3A_737 = arith.muli %scan3A_708, %mul3A_736 : i32
      %add3A_738 = arith.constant 2 : i32
      %add3A_739 = arith.addi %mul3A_737, %add3A_738 : i32
      %add3A_740 = vector.broadcast %add3A_739 : i32 to vector<16xi32>
      %add3A_741 = arith.addi %get3A_103, %add3A_740 : vector<16xi32>
      %gather3A_742 = tpu.vector_load_idx %arg12[%add3A_99, %add3A_741] : memref<256x128xf32, #tpu.memory_space<vmem>>[vector<16xi32>, vector<16xi32>], vector<16xf32>,
      %add3A_743 = vector.broadcast %add3A_739 : i32 to vector<16xi32>
      %add3A_744 = arith.addi %get3A_107, %add3A_743 : vector<16xi32>
      %gather3A_745 = tpu.vector_load_idx %arg13[%add3A_99, %add3A_744] : memref<256x128xf32, #tpu.memory_space<vmem>>[vector<16xi32>, vector<16xi32>], vector<16xf32>,
      %mul3A_746 = arith.mulf %gather3A_742, %gather3A_745 : vector<16xf32>
      %add3A_747 = arith.addf %scan3A_711, %mul3A_746 : vector<16xf32>
      %mul3A_748 = arith.constant 4 : i32
      %mul3A_749 = arith.muli %scan3A_708, %mul3A_748 : i32
      %add3A_750 = arith.constant 3 : i32
      %add3A_751 = arith.addi %mul3A_749, %add3A_750 : i32
      %add3A_752 = vector.broadcast %add3A_751 : i32 to vector<16xi32>
      %add3A_753 = arith.addi %get3A_103, %add3A_752 : vector<16xi32>
      %gather3A_754 = tpu.vector_load_idx %arg12[%add3A_99, %add3A_753] : memref<256x128xf32, #tpu.memory_space<vmem>>[vector<16xi32>, vector<16xi32>], vector<16xf32>,
      %add3A_755 = vector.broadcast %add3A_751 : i32 to vector<16xi32>
      %add3A_756 = arith.addi %get3A_107, %add3A_755 : vector<16xi32>
      %gather3A_757 = tpu.vector_load_idx %arg13[%add3A_99, %add3A_756] : memref<256x128xf32, #tpu.memory_space<vmem>>[vector<16xi32>, vector<16xi32>], vector<16xf32>,
      %mul3A_758 = arith.mulf %gather3A_754, %gather3A_757 : vector<16xf32>
      %add3A_759 = arith.addf %scan3A_712, %mul3A_758 : vector<16xf32>
      scf.yield %add3A_723, %add3A_735, %add3A_747, %add3A_759 : vector<16xf32>, vector<16xf32>, vector<16xf32>, vector<16xf32>
    }
    %scan3A_113 = arith.constant 16 : i32
    %add3A_114 = arith.constant 32 : i32
    %add3A_115 = vector.broadcast %add3A_114 : i32 to vector<16xi32>
    %add3A_116 = arith.addi %add3A_115, %iota3A : vector<16xi32>
    %get3A_117 = arith.constant 0 : i32
    %get3A_118 = arith.index_cast %get3A_117 : i32 to index
    %get3A_119 = arith.constant 32 : index
    %get3A_120 = tpu.vector_load %arg10[%get3A_118, %get3A_119] {strides = array<i32>} : memref<4x128xi32, #tpu.memory_space<vmem>>, vector<16xi32>,
    %get3A_121 = arith.constant 0 : i32
    %get3A_122 = arith.index_cast %get3A_121 : i32 to index
    %get3A_123 = arith.constant 32 : index
    %get3A_124 = tpu.vector_load %arg11[%get3A_122, %get3A_123] {strides = array<i32>} : memref<4x128xi32, #tpu.memory_space<vmem>>, vector<16xi32>,
    %scan3A_125 = arith.constant 0 : i32
    %scan3A_126 = arith.constant 16 : i32
    %scan3A_127 = arith.addi %scan3A_125, %scan3A_126 : i32
    %scan3A_128 = arith.constant 1 : i32
    %scan3A_129:4 = scf.for %scan3A_708 = %scan3A_125 to %scan3A_127 step %scan3A_128 iter_args(%scan3A_709 = %scan3A_112#0, %scan3A_710 = %scan3A_112#1, %scan3A_711 = %scan3A_112#2, %scan3A_712 = %scan3A_112#3) -> (vector<16xf32>, vector<16xf32>, vector<16xf32>, vector<16xf32>)  : i32 {
      %mul3A_713 = arith.constant 4 : i32
      %mul3A_714 = arith.muli %scan3A_708, %mul3A_713 : i32
      %add3A_715 = arith.constant 0 : i32
      %add3A_716 = arith.addi %mul3A_714, %add3A_715 : i32
      %add3A_717 = vector.broadcast %add3A_716 : i32 to vector<16xi32>
      %add3A_718 = arith.addi %get3A_120, %add3A_717 : vector<16xi32>
      %gather3A = tpu.vector_load_idx %arg12[%add3A_116, %add3A_718] : memref<256x128xf32, #tpu.memory_space<vmem>>[vector<16xi32>, vector<16xi32>], vector<16xf32>,
      %add3A_719 = vector.broadcast %add3A_716 : i32 to vector<16xi32>
      %add3A_720 = arith.addi %get3A_124, %add3A_719 : vector<16xi32>
      %gather3A_721 = tpu.vector_load_idx %arg13[%add3A_116, %add3A_720] : memref<256x128xf32, #tpu.memory_space<vmem>>[vector<16xi32>, vector<16xi32>], vector<16xf32>,
      %mul3A_722 = arith.mulf %gather3A, %gather3A_721 : vector<16xf32>
      %add3A_723 = arith.addf %scan3A_709, %mul3A_722 : vector<16xf32>
      %mul3A_724 = arith.constant 4 : i32
      %mul3A_725 = arith.muli %scan3A_708, %mul3A_724 : i32
      %add3A_726 = arith.constant 1 : i32
      %add3A_727 = arith.addi %mul3A_725, %add3A_726 : i32
      %add3A_728 = vector.broadcast %add3A_727 : i32 to vector<16xi32>
      %add3A_729 = arith.addi %get3A_120, %add3A_728 : vector<16xi32>
      %gather3A_730 = tpu.vector_load_idx %arg12[%add3A_116, %add3A_729] : memref<256x128xf32, #tpu.memory_space<vmem>>[vector<16xi32>, vector<16xi32>], vector<16xf32>,
      %add3A_731 = vector.broadcast %add3A_727 : i32 to vector<16xi32>
      %add3A_732 = arith.addi %get3A_124, %add3A_731 : vector<16xi32>
      %gather3A_733 = tpu.vector_load_idx %arg13[%add3A_116, %add3A_732] : memref<256x128xf32, #tpu.memory_space<vmem>>[vector<16xi32>, vector<16xi32>], vector<16xf32>,
      %mul3A_734 = arith.mulf %gather3A_730, %gather3A_733 : vector<16xf32>
      %add3A_735 = arith.addf %scan3A_710, %mul3A_734 : vector<16xf32>
      %mul3A_736 = arith.constant 4 : i32
      %mul3A_737 = arith.muli %scan3A_708, %mul3A_736 : i32
      %add3A_738 = arith.constant 2 : i32
      %add3A_739 = arith.addi %mul3A_737, %add3A_738 : i32
      %add3A_740 = vector.broadcast %add3A_739 : i32 to vector<16xi32>
      %add3A_741 = arith.addi %get3A_120, %add3A_740 : vector<16xi32>
      %gather3A_742 = tpu.vector_load_idx %arg12[%add3A_116, %add3A_741] : memref<256x128xf32, #tpu.memory_space<vmem>>[vector<16xi32>, vector<16xi32>], vector<16xf32>,
      %add3A_743 = vector.broadcast %add3A_739 : i32 to vector<16xi32>
      %add3A_744 = arith.addi %get3A_124, %add3A_743 : vector<16xi32>
      %gather3A_745 = tpu.vector_load_idx %arg13[%add3A_116, %add3A_744] : memref<256x128xf32, #tpu.memory_space<vmem>>[vector<16xi32>, vector<16xi32>], vector<16xf32>,
      %mul3A_746 = arith.mulf %gather3A_742, %gather3A_745 : vector<16xf32>
      %add3A_747 = arith.addf %scan3A_711, %mul3A_746 : vector<16xf32>
      %mul3A_748 = arith.constant 4 : i32
      %mul3A_749 = arith.muli %scan3A_708, %mul3A_748 : i32
      %add3A_750 = arith.constant 3 : i32
      %add3A_751 = arith.addi %mul3A_749, %add3A_750 : i32
      %add3A_752 = vector.broadcast %add3A_751 : i32 to vector<16xi32>
      %add3A_753 = arith.addi %get3A_120, %add3A_752 : vector<16xi32>
      %gather3A_754 = tpu.vector_load_idx %arg12[%add3A_116, %add3A_753] : memref<256x128xf32, #tpu.memory_space<vmem>>[vector<16xi32>, vector<16xi32>], vector<16xf32>,
      %add3A_755 = vector.broadcast %add3A_751 : i32 to vector<16xi32>
      %add3A_756 = arith.addi %get3A_124, %add3A_755 : vector<16xi32>
      %gather3A_757 = tpu.vector_load_idx %arg13[%add3A_116, %add3A_756] : memref<256x128xf32, #tpu.memory_space<vmem>>[vector<16xi32>, vector<16xi32>], vector<16xf32>,
      %mul3A_758 = arith.mulf %gather3A_754, %gather3A_757 : vector<16xf32>
      %add3A_759 = arith.addf %scan3A_712, %mul3A_758 : vector<16xf32>
      scf.yield %add3A_723, %add3A_735, %add3A_747, %add3A_759 : vector<16xf32>, vector<16xf32>, vector<16xf32>, vector<16xf32>
    }
    %scan3A_130 = arith.constant 16 : i32
    %add3A_131 = arith.constant 48 : i32
    %add3A_132 = vector.broadcast %add3A_131 : i32 to vector<16xi32>
    %add3A_133 = arith.addi %add3A_132, %iota3A : vector<16xi32>
    %get3A_134 = arith.constant 0 : i32
    %get3A_135 = arith.index_cast %get3A_134 : i32 to index
    %get3A_136 = arith.constant 48 : index
    %get3A_137 = tpu.vector_load %arg10[%get3A_135, %get3A_136] {strides = array<i32>} : memref<4x128xi32, #tpu.memory_space<vmem>>, vector<16xi32>,
    %get3A_138 = arith.constant 0 : i32
    %get3A_139 = arith.index_cast %get3A_138 : i32 to index
    %get3A_140 = arith.constant 48 : index
    %get3A_141 = tpu.vector_load %arg11[%get3A_139, %get3A_140] {strides = array<i32>} : memref<4x128xi32, #tpu.memory_space<vmem>>, vector<16xi32>,
    %scan3A_142 = arith.constant 0 : i32
    %scan3A_143 = arith.constant 16 : i32
    %scan3A_144 = arith.addi %scan3A_142, %scan3A_143 : i32
    %scan3A_145 = arith.constant 1 : i32
    %scan3A_146:4 = scf.for %scan3A_708 = %scan3A_142 to %scan3A_144 step %scan3A_145 iter_args(%scan3A_709 = %scan3A_129#0, %scan3A_710 = %scan3A_129#1, %scan3A_711 = %scan3A_129#2, %scan3A_712 = %scan3A_129#3) -> (vector<16xf32>, vector<16xf32>, vector<16xf32>, vector<16xf32>)  : i32 {
      %mul3A_713 = arith.constant 4 : i32
      %mul3A_714 = arith.muli %scan3A_708, %mul3A_713 : i32
      %add3A_715 = arith.constant 0 : i32
      %add3A_716 = arith.addi %mul3A_714, %add3A_715 : i32
      %add3A_717 = vector.broadcast %add3A_716 : i32 to vector<16xi32>
      %add3A_718 = arith.addi %get3A_137, %add3A_717 : vector<16xi32>
      %gather3A = tpu.vector_load_idx %arg12[%add3A_133, %add3A_718] : memref<256x128xf32, #tpu.memory_space<vmem>>[vector<16xi32>, vector<16xi32>], vector<16xf32>,
      %add3A_719 = vector.broadcast %add3A_716 : i32 to vector<16xi32>
      %add3A_720 = arith.addi %get3A_141, %add3A_719 : vector<16xi32>
      %gather3A_721 = tpu.vector_load_idx %arg13[%add3A_133, %add3A_720] : memref<256x128xf32, #tpu.memory_space<vmem>>[vector<16xi32>, vector<16xi32>], vector<16xf32>,
      %mul3A_722 = arith.mulf %gather3A, %gather3A_721 : vector<16xf32>
      %add3A_723 = arith.addf %scan3A_709, %mul3A_722 : vector<16xf32>
      %mul3A_724 = arith.constant 4 : i32
      %mul3A_725 = arith.muli %scan3A_708, %mul3A_724 : i32
      %add3A_726 = arith.constant 1 : i32
      %add3A_727 = arith.addi %mul3A_725, %add3A_726 : i32
      %add3A_728 = vector.broadcast %add3A_727 : i32 to vector<16xi32>
      %add3A_729 = arith.addi %get3A_137, %add3A_728 : vector<16xi32>
      %gather3A_730 = tpu.vector_load_idx %arg12[%add3A_133, %add3A_729] : memref<256x128xf32, #tpu.memory_space<vmem>>[vector<16xi32>, vector<16xi32>], vector<16xf32>,
      %add3A_731 = vector.broadcast %add3A_727 : i32 to vector<16xi32>
      %add3A_732 = arith.addi %get3A_141, %add3A_731 : vector<16xi32>
      %gather3A_733 = tpu.vector_load_idx %arg13[%add3A_133, %add3A_732] : memref<256x128xf32, #tpu.memory_space<vmem>>[vector<16xi32>, vector<16xi32>], vector<16xf32>,
      %mul3A_734 = arith.mulf %gather3A_730, %gather3A_733 : vector<16xf32>
      %add3A_735 = arith.addf %scan3A_710, %mul3A_734 : vector<16xf32>
      %mul3A_736 = arith.constant 4 : i32
      %mul3A_737 = arith.muli %scan3A_708, %mul3A_736 : i32
      %add3A_738 = arith.constant 2 : i32
      %add3A_739 = arith.addi %mul3A_737, %add3A_738 : i32
      %add3A_740 = vector.broadcast %add3A_739 : i32 to vector<16xi32>
      %add3A_741 = arith.addi %get3A_137, %add3A_740 : vector<16xi32>
      %gather3A_742 = tpu.vector_load_idx %arg12[%add3A_133, %add3A_741] : memref<256x128xf32, #tpu.memory_space<vmem>>[vector<16xi32>, vector<16xi32>], vector<16xf32>,
      %add3A_743 = vector.broadcast %add3A_739 : i32 to vector<16xi32>
      %add3A_744 = arith.addi %get3A_141, %add3A_743 : vector<16xi32>
      %gather3A_745 = tpu.vector_load_idx %arg13[%add3A_133, %add3A_744] : memref<256x128xf32, #tpu.memory_space<vmem>>[vector<16xi32>, vector<16xi32>], vector<16xf32>,
      %mul3A_746 = arith.mulf %gather3A_742, %gather3A_745 : vector<16xf32>
      %add3A_747 = arith.addf %scan3A_711, %mul3A_746 : vector<16xf32>
      %mul3A_748 = arith.constant 4 : i32
      %mul3A_749 = arith.muli %scan3A_708, %mul3A_748 : i32
      %add3A_750 = arith.constant 3 : i32
      %add3A_751 = arith.addi %mul3A_749, %add3A_750 : i32
      %add3A_752 = vector.broadcast %add3A_751 : i32 to vector<16xi32>
      %add3A_753 = arith.addi %get3A_137, %add3A_752 : vector<16xi32>
      %gather3A_754 = tpu.vector_load_idx %arg12[%add3A_133, %add3A_753] : memref<256x128xf32, #tpu.memory_space<vmem>>[vector<16xi32>, vector<16xi32>], vector<16xf32>,
      %add3A_755 = vector.broadcast %add3A_751 : i32 to vector<16xi32>
      %add3A_756 = arith.addi %get3A_141, %add3A_755 : vector<16xi32>
      %gather3A_757 = tpu.vector_load_idx %arg13[%add3A_133, %add3A_756] : memref<256x128xf32, #tpu.memory_space<vmem>>[vector<16xi32>, vector<16xi32>], vector<16xf32>,
      %mul3A_758 = arith.mulf %gather3A_754, %gather3A_757 : vector<16xf32>
      %add3A_759 = arith.addf %scan3A_712, %mul3A_758 : vector<16xf32>
      scf.yield %add3A_723, %add3A_735, %add3A_747, %add3A_759 : vector<16xf32>, vector<16xf32>, vector<16xf32>, vector<16xf32>
    }
    %scan3A_147 = arith.constant 16 : i32
    %add3A_148 = arith.constant 64 : i32
    %add3A_149 = vector.broadcast %add3A_148 : i32 to vector<16xi32>
    %add3A_150 = arith.addi %add3A_149, %iota3A : vector<16xi32>
    %get3A_151 = arith.constant 0 : i32
    %get3A_152 = arith.index_cast %get3A_151 : i32 to index
    %get3A_153 = arith.constant 64 : index
    %get3A_154 = tpu.vector_load %arg10[%get3A_152, %get3A_153] {strides = array<i32>} : memref<4x128xi32, #tpu.memory_space<vmem>>, vector<16xi32>,
    %get3A_155 = arith.constant 0 : i32
    %get3A_156 = arith.index_cast %get3A_155 : i32 to index
    %get3A_157 = arith.constant 64 : index
    %get3A_158 = tpu.vector_load %arg11[%get3A_156, %get3A_157] {strides = array<i32>} : memref<4x128xi32, #tpu.memory_space<vmem>>, vector<16xi32>,
    %scan3A_159 = arith.constant 0 : i32
    %scan3A_160 = arith.constant 16 : i32
    %scan3A_161 = arith.addi %scan3A_159, %scan3A_160 : i32
    %scan3A_162 = arith.constant 1 : i32
    %scan3A_163:4 = scf.for %scan3A_708 = %scan3A_159 to %scan3A_161 step %scan3A_162 iter_args(%scan3A_709 = %scan3A_146#0, %scan3A_710 = %scan3A_146#1, %scan3A_711 = %scan3A_146#2, %scan3A_712 = %scan3A_146#3) -> (vector<16xf32>, vector<16xf32>, vector<16xf32>, vector<16xf32>)  : i32 {
      %mul3A_713 = arith.constant 4 : i32
      %mul3A_714 = arith.muli %scan3A_708, %mul3A_713 : i32
      %add3A_715 = arith.constant 0 : i32
      %add3A_716 = arith.addi %mul3A_714, %add3A_715 : i32
      %add3A_717 = vector.broadcast %add3A_716 : i32 to vector<16xi32>
      %add3A_718 = arith.addi %get3A_154, %add3A_717 : vector<16xi32>
      %gather3A = tpu.vector_load_idx %arg12[%add3A_150, %add3A_718] : memref<256x128xf32, #tpu.memory_space<vmem>>[vector<16xi32>, vector<16xi32>], vector<16xf32>,
      %add3A_719 = vector.broadcast %add3A_716 : i32 to vector<16xi32>
      %add3A_720 = arith.addi %get3A_158, %add3A_719 : vector<16xi32>
      %gather3A_721 = tpu.vector_load_idx %arg13[%add3A_150, %add3A_720] : memref<256x128xf32, #tpu.memory_space<vmem>>[vector<16xi32>, vector<16xi32>], vector<16xf32>,
      %mul3A_722 = arith.mulf %gather3A, %gather3A_721 : vector<16xf32>
      %add3A_723 = arith.addf %scan3A_709, %mul3A_722 : vector<16xf32>
      %mul3A_724 = arith.constant 4 : i32
      %mul3A_725 = arith.muli %scan3A_708, %mul3A_724 : i32
      %add3A_726 = arith.constant 1 : i32
      %add3A_727 = arith.addi %mul3A_725, %add3A_726 : i32
      %add3A_728 = vector.broadcast %add3A_727 : i32 to vector<16xi32>
      %add3A_729 = arith.addi %get3A_154, %add3A_728 : vector<16xi32>
      %gather3A_730 = tpu.vector_load_idx %arg12[%add3A_150, %add3A_729] : memref<256x128xf32, #tpu.memory_space<vmem>>[vector<16xi32>, vector<16xi32>], vector<16xf32>,
      %add3A_731 = vector.broadcast %add3A_727 : i32 to vector<16xi32>
      %add3A_732 = arith.addi %get3A_158, %add3A_731 : vector<16xi32>
      %gather3A_733 = tpu.vector_load_idx %arg13[%add3A_150, %add3A_732] : memref<256x128xf32, #tpu.memory_space<vmem>>[vector<16xi32>, vector<16xi32>], vector<16xf32>,
      %mul3A_734 = arith.mulf %gather3A_730, %gather3A_733 : vector<16xf32>
      %add3A_735 = arith.addf %scan3A_710, %mul3A_734 : vector<16xf32>
      %mul3A_736 = arith.constant 4 : i32
      %mul3A_737 = arith.muli %scan3A_708, %mul3A_736 : i32
      %add3A_738 = arith.constant 2 : i32
      %add3A_739 = arith.addi %mul3A_737, %add3A_738 : i32
      %add3A_740 = vector.broadcast %add3A_739 : i32 to vector<16xi32>
      %add3A_741 = arith.addi %get3A_154, %add3A_740 : vector<16xi32>
      %gather3A_742 = tpu.vector_load_idx %arg12[%add3A_150, %add3A_741] : memref<256x128xf32, #tpu.memory_space<vmem>>[vector<16xi32>, vector<16xi32>], vector<16xf32>,
      %add3A_743 = vector.broadcast %add3A_739 : i32 to vector<16xi32>
      %add3A_744 = arith.addi %get3A_158, %add3A_743 : vector<16xi32>
      %gather3A_745 = tpu.vector_load_idx %arg13[%add3A_150, %add3A_744] : memref<256x128xf32, #tpu.memory_space<vmem>>[vector<16xi32>, vector<16xi32>], vector<16xf32>,
      %mul3A_746 = arith.mulf %gather3A_742, %gather3A_745 : vector<16xf32>
      %add3A_747 = arith.addf %scan3A_711, %mul3A_746 : vector<16xf32>
      %mul3A_748 = arith.constant 4 : i32
      %mul3A_749 = arith.muli %scan3A_708, %mul3A_748 : i32
      %add3A_750 = arith.constant 3 : i32
      %add3A_751 = arith.addi %mul3A_749, %add3A_750 : i32
      %add3A_752 = vector.broadcast %add3A_751 : i32 to vector<16xi32>
      %add3A_753 = arith.addi %get3A_154, %add3A_752 : vector<16xi32>
      %gather3A_754 = tpu.vector_load_idx %arg12[%add3A_150, %add3A_753] : memref<256x128xf32, #tpu.memory_space<vmem>>[vector<16xi32>, vector<16xi32>], vector<16xf32>,
      %add3A_755 = vector.broadcast %add3A_751 : i32 to vector<16xi32>
      %add3A_756 = arith.addi %get3A_158, %add3A_755 : vector<16xi32>
      %gather3A_757 = tpu.vector_load_idx %arg13[%add3A_150, %add3A_756] : memref<256x128xf32, #tpu.memory_space<vmem>>[vector<16xi32>, vector<16xi32>], vector<16xf32>,
      %mul3A_758 = arith.mulf %gather3A_754, %gather3A_757 : vector<16xf32>
      %add3A_759 = arith.addf %scan3A_712, %mul3A_758 : vector<16xf32>
      scf.yield %add3A_723, %add3A_735, %add3A_747, %add3A_759 : vector<16xf32>, vector<16xf32>, vector<16xf32>, vector<16xf32>
    }
    %scan3A_164 = arith.constant 16 : i32
    %add3A_165 = arith.constant 80 : i32
    %add3A_166 = vector.broadcast %add3A_165 : i32 to vector<16xi32>
    %add3A_167 = arith.addi %add3A_166, %iota3A : vector<16xi32>
    %get3A_168 = arith.constant 0 : i32
    %get3A_169 = arith.index_cast %get3A_168 : i32 to index
    %get3A_170 = arith.constant 80 : index
    %get3A_171 = tpu.vector_load %arg10[%get3A_169, %get3A_170] {strides = array<i32>} : memref<4x128xi32, #tpu.memory_space<vmem>>, vector<16xi32>,
    %get3A_172 = arith.constant 0 : i32
    %get3A_173 = arith.index_cast %get3A_172 : i32 to index
    %get3A_174 = arith.constant 80 : index
    %get3A_175 = tpu.vector_load %arg11[%get3A_173, %get3A_174] {strides = array<i32>} : memref<4x128xi32, #tpu.memory_space<vmem>>, vector<16xi32>,
    %scan3A_176 = arith.constant 0 : i32
    %scan3A_177 = arith.constant 16 : i32
    %scan3A_178 = arith.addi %scan3A_176, %scan3A_177 : i32
    %scan3A_179 = arith.constant 1 : i32
    %scan3A_180:4 = scf.for %scan3A_708 = %scan3A_176 to %scan3A_178 step %scan3A_179 iter_args(%scan3A_709 = %scan3A_163#0, %scan3A_710 = %scan3A_163#1, %scan3A_711 = %scan3A_163#2, %scan3A_712 = %scan3A_163#3) -> (vector<16xf32>, vector<16xf32>, vector<16xf32>, vector<16xf32>)  : i32 {
      %mul3A_713 = arith.constant 4 : i32
      %mul3A_714 = arith.muli %scan3A_708, %mul3A_713 : i32
      %add3A_715 = arith.constant 0 : i32
      %add3A_716 = arith.addi %mul3A_714, %add3A_715 : i32
      %add3A_717 = vector.broadcast %add3A_716 : i32 to vector<16xi32>
      %add3A_718 = arith.addi %get3A_171, %add3A_717 : vector<16xi32>
      %gather3A = tpu.vector_load_idx %arg12[%add3A_167, %add3A_718] : memref<256x128xf32, #tpu.memory_space<vmem>>[vector<16xi32>, vector<16xi32>], vector<16xf32>,
      %add3A_719 = vector.broadcast %add3A_716 : i32 to vector<16xi32>
      %add3A_720 = arith.addi %get3A_175, %add3A_719 : vector<16xi32>
      %gather3A_721 = tpu.vector_load_idx %arg13[%add3A_167, %add3A_720] : memref<256x128xf32, #tpu.memory_space<vmem>>[vector<16xi32>, vector<16xi32>], vector<16xf32>,
      %mul3A_722 = arith.mulf %gather3A, %gather3A_721 : vector<16xf32>
      %add3A_723 = arith.addf %scan3A_709, %mul3A_722 : vector<16xf32>
      %mul3A_724 = arith.constant 4 : i32
      %mul3A_725 = arith.muli %scan3A_708, %mul3A_724 : i32
      %add3A_726 = arith.constant 1 : i32
      %add3A_727 = arith.addi %mul3A_725, %add3A_726 : i32
      %add3A_728 = vector.broadcast %add3A_727 : i32 to vector<16xi32>
      %add3A_729 = arith.addi %get3A_171, %add3A_728 : vector<16xi32>
      %gather3A_730 = tpu.vector_load_idx %arg12[%add3A_167, %add3A_729] : memref<256x128xf32, #tpu.memory_space<vmem>>[vector<16xi32>, vector<16xi32>], vector<16xf32>,
      %add3A_731 = vector.broadcast %add3A_727 : i32 to vector<16xi32>
      %add3A_732 = arith.addi %get3A_175, %add3A_731 : vector<16xi32>
      %gather3A_733 = tpu.vector_load_idx %arg13[%add3A_167, %add3A_732] : memref<256x128xf32, #tpu.memory_space<vmem>>[vector<16xi32>, vector<16xi32>], vector<16xf32>,
      %mul3A_734 = arith.mulf %gather3A_730, %gather3A_733 : vector<16xf32>
      %add3A_735 = arith.addf %scan3A_710, %mul3A_734 : vector<16xf32>
      %mul3A_736 = arith.constant 4 : i32
      %mul3A_737 = arith.muli %scan3A_708, %mul3A_736 : i32
      %add3A_738 = arith.constant 2 : i32
      %add3A_739 = arith.addi %mul3A_737, %add3A_738 : i32
      %add3A_740 = vector.broadcast %add3A_739 : i32 to vector<16xi32>
      %add3A_741 = arith.addi %get3A_171, %add3A_740 : vector<16xi32>
      %gather3A_742 = tpu.vector_load_idx %arg12[%add3A_167, %add3A_741] : memref<256x128xf32, #tpu.memory_space<vmem>>[vector<16xi32>, vector<16xi32>], vector<16xf32>,
      %add3A_743 = vector.broadcast %add3A_739 : i32 to vector<16xi32>
      %add3A_744 = arith.addi %get3A_175, %add3A_743 : vector<16xi32>
      %gather3A_745 = tpu.vector_load_idx %arg13[%add3A_167, %add3A_744] : memref<256x128xf32, #tpu.memory_space<vmem>>[vector<16xi32>, vector<16xi32>], vector<16xf32>,
      %mul3A_746 = arith.mulf %gather3A_742, %gather3A_745 : vector<16xf32>
      %add3A_747 = arith.addf %scan3A_711, %mul3A_746 : vector<16xf32>
      %mul3A_748 = arith.constant 4 : i32
      %mul3A_749 = arith.muli %scan3A_708, %mul3A_748 : i32
      %add3A_750 = arith.constant 3 : i32
      %add3A_751 = arith.addi %mul3A_749, %add3A_750 : i32
      %add3A_752 = vector.broadcast %add3A_751 : i32 to vector<16xi32>
      %add3A_753 = arith.addi %get3A_171, %add3A_752 : vector<16xi32>
      %gather3A_754 = tpu.vector_load_idx %arg12[%add3A_167, %add3A_753] : memref<256x128xf32, #tpu.memory_space<vmem>>[vector<16xi32>, vector<16xi32>], vector<16xf32>,
      %add3A_755 = vector.broadcast %add3A_751 : i32 to vector<16xi32>
      %add3A_756 = arith.addi %get3A_175, %add3A_755 : vector<16xi32>
      %gather3A_757 = tpu.vector_load_idx %arg13[%add3A_167, %add3A_756] : memref<256x128xf32, #tpu.memory_space<vmem>>[vector<16xi32>, vector<16xi32>], vector<16xf32>,
      %mul3A_758 = arith.mulf %gather3A_754, %gather3A_757 : vector<16xf32>
      %add3A_759 = arith.addf %scan3A_712, %mul3A_758 : vector<16xf32>
      scf.yield %add3A_723, %add3A_735, %add3A_747, %add3A_759 : vector<16xf32>, vector<16xf32>, vector<16xf32>, vector<16xf32>
    }
    %scan3A_181 = arith.constant 16 : i32
    %add3A_182 = arith.constant 96 : i32
    %add3A_183 = vector.broadcast %add3A_182 : i32 to vector<16xi32>
    %add3A_184 = arith.addi %add3A_183, %iota3A : vector<16xi32>
    %get3A_185 = arith.constant 0 : i32
    %get3A_186 = arith.index_cast %get3A_185 : i32 to index
    %get3A_187 = arith.constant 96 : index
    %get3A_188 = tpu.vector_load %arg10[%get3A_186, %get3A_187] {strides = array<i32>} : memref<4x128xi32, #tpu.memory_space<vmem>>, vector<16xi32>,
    %get3A_189 = arith.constant 0 : i32
    %get3A_190 = arith.index_cast %get3A_189 : i32 to index
    %get3A_191 = arith.constant 96 : index
    %get3A_192 = tpu.vector_load %arg11[%get3A_190, %get3A_191] {strides = array<i32>} : memref<4x128xi32, #tpu.memory_space<vmem>>, vector<16xi32>,
    %scan3A_193 = arith.constant 0 : i32
    %scan3A_194 = arith.constant 16 : i32
    %scan3A_195 = arith.addi %scan3A_193, %scan3A_194 : i32
    %scan3A_196 = arith.constant 1 : i32
    %scan3A_197:4 = scf.for %scan3A_708 = %scan3A_193 to %scan3A_195 step %scan3A_196 iter_args(%scan3A_709 = %scan3A_180#0, %scan3A_710 = %scan3A_180#1, %scan3A_711 = %scan3A_180#2, %scan3A_712 = %scan3A_180#3) -> (vector<16xf32>, vector<16xf32>, vector<16xf32>, vector<16xf32>)  : i32 {
      %mul3A_713 = arith.constant 4 : i32
      %mul3A_714 = arith.muli %scan3A_708, %mul3A_713 : i32
      %add3A_715 = arith.constant 0 : i32
      %add3A_716 = arith.addi %mul3A_714, %add3A_715 : i32
      %add3A_717 = vector.broadcast %add3A_716 : i32 to vector<16xi32>
      %add3A_718 = arith.addi %get3A_188, %add3A_717 : vector<16xi32>
      %gather3A = tpu.vector_load_idx %arg12[%add3A_184, %add3A_718] : memref<256x128xf32, #tpu.memory_space<vmem>>[vector<16xi32>, vector<16xi32>], vector<16xf32>,
      %add3A_719 = vector.broadcast %add3A_716 : i32 to vector<16xi32>
      %add3A_720 = arith.addi %get3A_192, %add3A_719 : vector<16xi32>
      %gather3A_721 = tpu.vector_load_idx %arg13[%add3A_184, %add3A_720] : memref<256x128xf32, #tpu.memory_space<vmem>>[vector<16xi32>, vector<16xi32>], vector<16xf32>,
      %mul3A_722 = arith.mulf %gather3A, %gather3A_721 : vector<16xf32>
      %add3A_723 = arith.addf %scan3A_709, %mul3A_722 : vector<16xf32>
      %mul3A_724 = arith.constant 4 : i32
      %mul3A_725 = arith.muli %scan3A_708, %mul3A_724 : i32
      %add3A_726 = arith.constant 1 : i32
      %add3A_727 = arith.addi %mul3A_725, %add3A_726 : i32
      %add3A_728 = vector.broadcast %add3A_727 : i32 to vector<16xi32>
      %add3A_729 = arith.addi %get3A_188, %add3A_728 : vector<16xi32>
      %gather3A_730 = tpu.vector_load_idx %arg12[%add3A_184, %add3A_729] : memref<256x128xf32, #tpu.memory_space<vmem>>[vector<16xi32>, vector<16xi32>], vector<16xf32>,
      %add3A_731 = vector.broadcast %add3A_727 : i32 to vector<16xi32>
      %add3A_732 = arith.addi %get3A_192, %add3A_731 : vector<16xi32>
      %gather3A_733 = tpu.vector_load_idx %arg13[%add3A_184, %add3A_732] : memref<256x128xf32, #tpu.memory_space<vmem>>[vector<16xi32>, vector<16xi32>], vector<16xf32>,
      %mul3A_734 = arith.mulf %gather3A_730, %gather3A_733 : vector<16xf32>
      %add3A_735 = arith.addf %scan3A_710, %mul3A_734 : vector<16xf32>
      %mul3A_736 = arith.constant 4 : i32
      %mul3A_737 = arith.muli %scan3A_708, %mul3A_736 : i32
      %add3A_738 = arith.constant 2 : i32
      %add3A_739 = arith.addi %mul3A_737, %add3A_738 : i32
      %add3A_740 = vector.broadcast %add3A_739 : i32 to vector<16xi32>
      %add3A_741 = arith.addi %get3A_188, %add3A_740 : vector<16xi32>
      %gather3A_742 = tpu.vector_load_idx %arg12[%add3A_184, %add3A_741] : memref<256x128xf32, #tpu.memory_space<vmem>>[vector<16xi32>, vector<16xi32>], vector<16xf32>,
      %add3A_743 = vector.broadcast %add3A_739 : i32 to vector<16xi32>
      %add3A_744 = arith.addi %get3A_192, %add3A_743 : vector<16xi32>
      %gather3A_745 = tpu.vector_load_idx %arg13[%add3A_184, %add3A_744] : memref<256x128xf32, #tpu.memory_space<vmem>>[vector<16xi32>, vector<16xi32>], vector<16xf32>,
      %mul3A_746 = arith.mulf %gather3A_742, %gather3A_745 : vector<16xf32>
      %add3A_747 = arith.addf %scan3A_711, %mul3A_746 : vector<16xf32>
      %mul3A_748 = arith.constant 4 : i32
      %mul3A_749 = arith.muli %scan3A_708, %mul3A_748 : i32
      %add3A_750 = arith.constant 3 : i32
      %add3A_751 = arith.addi %mul3A_749, %add3A_750 : i32
      %add3A_752 = vector.broadcast %add3A_751 : i32 to vector<16xi32>
      %add3A_753 = arith.addi %get3A_188, %add3A_752 : vector<16xi32>
      %gather3A_754 = tpu.vector_load_idx %arg12[%add3A_184, %add3A_753] : memref<256x128xf32, #tpu.memory_space<vmem>>[vector<16xi32>, vector<16xi32>], vector<16xf32>,
      %add3A_755 = vector.broadcast %add3A_751 : i32 to vector<16xi32>
      %add3A_756 = arith.addi %get3A_192, %add3A_755 : vector<16xi32>
      %gather3A_757 = tpu.vector_load_idx %arg13[%add3A_184, %add3A_756] : memref<256x128xf32, #tpu.memory_space<vmem>>[vector<16xi32>, vector<16xi32>], vector<16xf32>,
      %mul3A_758 = arith.mulf %gather3A_754, %gather3A_757 : vector<16xf32>
      %add3A_759 = arith.addf %scan3A_712, %mul3A_758 : vector<16xf32>
      scf.yield %add3A_723, %add3A_735, %add3A_747, %add3A_759 : vector<16xf32>, vector<16xf32>, vector<16xf32>, vector<16xf32>
    }
    %scan3A_198 = arith.constant 16 : i32
    %add3A_199 = arith.constant 112 : i32
    %add3A_200 = vector.broadcast %add3A_199 : i32 to vector<16xi32>
    %add3A_201 = arith.addi %add3A_200, %iota3A : vector<16xi32>
    %get3A_202 = arith.constant 0 : i32
    %get3A_203 = arith.index_cast %get3A_202 : i32 to index
    %get3A_204 = arith.constant 112 : index
    %get3A_205 = tpu.vector_load %arg10[%get3A_203, %get3A_204] {strides = array<i32>} : memref<4x128xi32, #tpu.memory_space<vmem>>, vector<16xi32>,
    %get3A_206 = arith.constant 0 : i32
    %get3A_207 = arith.index_cast %get3A_206 : i32 to index
    %get3A_208 = arith.constant 112 : index
    %get3A_209 = tpu.vector_load %arg11[%get3A_207, %get3A_208] {strides = array<i32>} : memref<4x128xi32, #tpu.memory_space<vmem>>, vector<16xi32>,
    %scan3A_210 = arith.constant 0 : i32
    %scan3A_211 = arith.constant 16 : i32
    %scan3A_212 = arith.addi %scan3A_210, %scan3A_211 : i32
    %scan3A_213 = arith.constant 1 : i32
    %scan3A_214:4 = scf.for %scan3A_708 = %scan3A_210 to %scan3A_212 step %scan3A_213 iter_args(%scan3A_709 = %scan3A_197#0, %scan3A_710 = %scan3A_197#1, %scan3A_711 = %scan3A_197#2, %scan3A_712 = %scan3A_197#3) -> (vector<16xf32>, vector<16xf32>, vector<16xf32>, vector<16xf32>)  : i32 {
      %mul3A_713 = arith.constant 4 : i32
      %mul3A_714 = arith.muli %scan3A_708, %mul3A_713 : i32
      %add3A_715 = arith.constant 0 : i32
      %add3A_716 = arith.addi %mul3A_714, %add3A_715 : i32
      %add3A_717 = vector.broadcast %add3A_716 : i32 to vector<16xi32>
      %add3A_718 = arith.addi %get3A_205, %add3A_717 : vector<16xi32>
      %gather3A = tpu.vector_load_idx %arg12[%add3A_201, %add3A_718] : memref<256x128xf32, #tpu.memory_space<vmem>>[vector<16xi32>, vector<16xi32>], vector<16xf32>,
      %add3A_719 = vector.broadcast %add3A_716 : i32 to vector<16xi32>
      %add3A_720 = arith.addi %get3A_209, %add3A_719 : vector<16xi32>
      %gather3A_721 = tpu.vector_load_idx %arg13[%add3A_201, %add3A_720] : memref<256x128xf32, #tpu.memory_space<vmem>>[vector<16xi32>, vector<16xi32>], vector<16xf32>,
      %mul3A_722 = arith.mulf %gather3A, %gather3A_721 : vector<16xf32>
      %add3A_723 = arith.addf %scan3A_709, %mul3A_722 : vector<16xf32>
      %mul3A_724 = arith.constant 4 : i32
      %mul3A_725 = arith.muli %scan3A_708, %mul3A_724 : i32
      %add3A_726 = arith.constant 1 : i32
      %add3A_727 = arith.addi %mul3A_725, %add3A_726 : i32
      %add3A_728 = vector.broadcast %add3A_727 : i32 to vector<16xi32>
      %add3A_729 = arith.addi %get3A_205, %add3A_728 : vector<16xi32>
      %gather3A_730 = tpu.vector_load_idx %arg12[%add3A_201, %add3A_729] : memref<256x128xf32, #tpu.memory_space<vmem>>[vector<16xi32>, vector<16xi32>], vector<16xf32>,
      %add3A_731 = vector.broadcast %add3A_727 : i32 to vector<16xi32>
      %add3A_732 = arith.addi %get3A_209, %add3A_731 : vector<16xi32>
      %gather3A_733 = tpu.vector_load_idx %arg13[%add3A_201, %add3A_732] : memref<256x128xf32, #tpu.memory_space<vmem>>[vector<16xi32>, vector<16xi32>], vector<16xf32>,
      %mul3A_734 = arith.mulf %gather3A_730, %gather3A_733 : vector<16xf32>
      %add3A_735 = arith.addf %scan3A_710, %mul3A_734 : vector<16xf32>
      %mul3A_736 = arith.constant 4 : i32
      %mul3A_737 = arith.muli %scan3A_708, %mul3A_736 : i32
      %add3A_738 = arith.constant 2 : i32
      %add3A_739 = arith.addi %mul3A_737, %add3A_738 : i32
      %add3A_740 = vector.broadcast %add3A_739 : i32 to vector<16xi32>
      %add3A_741 = arith.addi %get3A_205, %add3A_740 : vector<16xi32>
      %gather3A_742 = tpu.vector_load_idx %arg12[%add3A_201, %add3A_741] : memref<256x128xf32, #tpu.memory_space<vmem>>[vector<16xi32>, vector<16xi32>], vector<16xf32>,
      %add3A_743 = vector.broadcast %add3A_739 : i32 to vector<16xi32>
      %add3A_744 = arith.addi %get3A_209, %add3A_743 : vector<16xi32>
      %gather3A_745 = tpu.vector_load_idx %arg13[%add3A_201, %add3A_744] : memref<256x128xf32, #tpu.memory_space<vmem>>[vector<16xi32>, vector<16xi32>], vector<16xf32>,
      %mul3A_746 = arith.mulf %gather3A_742, %gather3A_745 : vector<16xf32>
      %add3A_747 = arith.addf %scan3A_711, %mul3A_746 : vector<16xf32>
      %mul3A_748 = arith.constant 4 : i32
      %mul3A_749 = arith.muli %scan3A_708, %mul3A_748 : i32
      %add3A_750 = arith.constant 3 : i32
      %add3A_751 = arith.addi %mul3A_749, %add3A_750 : i32
      %add3A_752 = vector.broadcast %add3A_751 : i32 to vector<16xi32>
      %add3A_753 = arith.addi %get3A_205, %add3A_752 : vector<16xi32>
      %gather3A_754 = tpu.vector_load_idx %arg12[%add3A_201, %add3A_753] : memref<256x128xf32, #tpu.memory_space<vmem>>[vector<16xi32>, vector<16xi32>], vector<16xf32>,
      %add3A_755 = vector.broadcast %add3A_751 : i32 to vector<16xi32>
      %add3A_756 = arith.addi %get3A_209, %add3A_755 : vector<16xi32>
      %gather3A_757 = tpu.vector_load_idx %arg13[%add3A_201, %add3A_756] : memref<256x128xf32, #tpu.memory_space<vmem>>[vector<16xi32>, vector<16xi32>], vector<16xf32>,
      %mul3A_758 = arith.mulf %gather3A_754, %gather3A_757 : vector<16xf32>
      %add3A_759 = arith.addf %scan3A_712, %mul3A_758 : vector<16xf32>
      scf.yield %add3A_723, %add3A_735, %add3A_747, %add3A_759 : vector<16xf32>, vector<16xf32>, vector<16xf32>, vector<16xf32>
    }
    %scan3A_215 = arith.constant 16 : i32
    %add3A_216 = arith.constant 128 : i32
    %add3A_217 = vector.broadcast %add3A_216 : i32 to vector<16xi32>
    %add3A_218 = arith.addi %add3A_217, %iota3A : vector<16xi32>
    %get3A_219 = arith.constant 1 : i32
    %get3A_220 = arith.index_cast %get3A_219 : i32 to index
    %get3A_221 = arith.constant 0 : index
    %get3A_222 = tpu.vector_load %arg10[%get3A_220, %get3A_221] {strides = array<i32>} : memref<4x128xi32, #tpu.memory_space<vmem>>, vector<16xi32>,
    %get3A_223 = arith.constant 1 : i32
    %get3A_224 = arith.index_cast %get3A_223 : i32 to index
    %get3A_225 = arith.constant 0 : index
    %get3A_226 = tpu.vector_load %arg11[%get3A_224, %get3A_225] {strides = array<i32>} : memref<4x128xi32, #tpu.memory_space<vmem>>, vector<16xi32>,
    %scan3A_227 = arith.constant 0 : i32
    %scan3A_228 = arith.constant 16 : i32
    %scan3A_229 = arith.addi %scan3A_227, %scan3A_228 : i32
    %scan3A_230 = arith.constant 1 : i32
    %scan3A_231:4 = scf.for %scan3A_708 = %scan3A_227 to %scan3A_229 step %scan3A_230 iter_args(%scan3A_709 = %scan3A_214#0, %scan3A_710 = %scan3A_214#1, %scan3A_711 = %scan3A_214#2, %scan3A_712 = %scan3A_214#3) -> (vector<16xf32>, vector<16xf32>, vector<16xf32>, vector<16xf32>)  : i32 {
      %mul3A_713 = arith.constant 4 : i32
      %mul3A_714 = arith.muli %scan3A_708, %mul3A_713 : i32
      %add3A_715 = arith.constant 0 : i32
      %add3A_716 = arith.addi %mul3A_714, %add3A_715 : i32
      %add3A_717 = vector.broadcast %add3A_716 : i32 to vector<16xi32>
      %add3A_718 = arith.addi %get3A_222, %add3A_717 : vector<16xi32>
      %gather3A = tpu.vector_load_idx %arg12[%add3A_218, %add3A_718] : memref<256x128xf32, #tpu.memory_space<vmem>>[vector<16xi32>, vector<16xi32>], vector<16xf32>,
      %add3A_719 = vector.broadcast %add3A_716 : i32 to vector<16xi32>
      %add3A_720 = arith.addi %get3A_226, %add3A_719 : vector<16xi32>
      %gather3A_721 = tpu.vector_load_idx %arg13[%add3A_218, %add3A_720] : memref<256x128xf32, #tpu.memory_space<vmem>>[vector<16xi32>, vector<16xi32>], vector<16xf32>,
      %mul3A_722 = arith.mulf %gather3A, %gather3A_721 : vector<16xf32>
      %add3A_723 = arith.addf %scan3A_709, %mul3A_722 : vector<16xf32>
      %mul3A_724 = arith.constant 4 : i32
      %mul3A_725 = arith.muli %scan3A_708, %mul3A_724 : i32
      %add3A_726 = arith.constant 1 : i32
      %add3A_727 = arith.addi %mul3A_725, %add3A_726 : i32
      %add3A_728 = vector.broadcast %add3A_727 : i32 to vector<16xi32>
      %add3A_729 = arith.addi %get3A_222, %add3A_728 : vector<16xi32>
      %gather3A_730 = tpu.vector_load_idx %arg12[%add3A_218, %add3A_729] : memref<256x128xf32, #tpu.memory_space<vmem>>[vector<16xi32>, vector<16xi32>], vector<16xf32>,
      %add3A_731 = vector.broadcast %add3A_727 : i32 to vector<16xi32>
      %add3A_732 = arith.addi %get3A_226, %add3A_731 : vector<16xi32>
      %gather3A_733 = tpu.vector_load_idx %arg13[%add3A_218, %add3A_732] : memref<256x128xf32, #tpu.memory_space<vmem>>[vector<16xi32>, vector<16xi32>], vector<16xf32>,
      %mul3A_734 = arith.mulf %gather3A_730, %gather3A_733 : vector<16xf32>
      %add3A_735 = arith.addf %scan3A_710, %mul3A_734 : vector<16xf32>
      %mul3A_736 = arith.constant 4 : i32
      %mul3A_737 = arith.muli %scan3A_708, %mul3A_736 : i32
      %add3A_738 = arith.constant 2 : i32
      %add3A_739 = arith.addi %mul3A_737, %add3A_738 : i32
      %add3A_740 = vector.broadcast %add3A_739 : i32 to vector<16xi32>
      %add3A_741 = arith.addi %get3A_222, %add3A_740 : vector<16xi32>
      %gather3A_742 = tpu.vector_load_idx %arg12[%add3A_218, %add3A_741] : memref<256x128xf32, #tpu.memory_space<vmem>>[vector<16xi32>, vector<16xi32>], vector<16xf32>,
      %add3A_743 = vector.broadcast %add3A_739 : i32 to vector<16xi32>
      %add3A_744 = arith.addi %get3A_226, %add3A_743 : vector<16xi32>
      %gather3A_745 = tpu.vector_load_idx %arg13[%add3A_218, %add3A_744] : memref<256x128xf32, #tpu.memory_space<vmem>>[vector<16xi32>, vector<16xi32>], vector<16xf32>,
      %mul3A_746 = arith.mulf %gather3A_742, %gather3A_745 : vector<16xf32>
      %add3A_747 = arith.addf %scan3A_711, %mul3A_746 : vector<16xf32>
      %mul3A_748 = arith.constant 4 : i32
      %mul3A_749 = arith.muli %scan3A_708, %mul3A_748 : i32
      %add3A_750 = arith.constant 3 : i32
      %add3A_751 = arith.addi %mul3A_749, %add3A_750 : i32
      %add3A_752 = vector.broadcast %add3A_751 : i32 to vector<16xi32>
      %add3A_753 = arith.addi %get3A_222, %add3A_752 : vector<16xi32>
      %gather3A_754 = tpu.vector_load_idx %arg12[%add3A_218, %add3A_753] : memref<256x128xf32, #tpu.memory_space<vmem>>[vector<16xi32>, vector<16xi32>], vector<16xf32>,
      %add3A_755 = vector.broadcast %add3A_751 : i32 to vector<16xi32>
      %add3A_756 = arith.addi %get3A_226, %add3A_755 : vector<16xi32>
      %gather3A_757 = tpu.vector_load_idx %arg13[%add3A_218, %add3A_756] : memref<256x128xf32, #tpu.memory_space<vmem>>[vector<16xi32>, vector<16xi32>], vector<16xf32>,
      %mul3A_758 = arith.mulf %gather3A_754, %gather3A_757 : vector<16xf32>
      %add3A_759 = arith.addf %scan3A_712, %mul3A_758 : vector<16xf32>
      scf.yield %add3A_723, %add3A_735, %add3A_747, %add3A_759 : vector<16xf32>, vector<16xf32>, vector<16xf32>, vector<16xf32>
    }
    %scan3A_232 = arith.constant 16 : i32
    %add3A_233 = arith.constant 144 : i32
    %add3A_234 = vector.broadcast %add3A_233 : i32 to vector<16xi32>
    %add3A_235 = arith.addi %add3A_234, %iota3A : vector<16xi32>
    %get3A_236 = arith.constant 1 : i32
    %get3A_237 = arith.index_cast %get3A_236 : i32 to index
    %get3A_238 = arith.constant 16 : index
    %get3A_239 = tpu.vector_load %arg10[%get3A_237, %get3A_238] {strides = array<i32>} : memref<4x128xi32, #tpu.memory_space<vmem>>, vector<16xi32>,
    %get3A_240 = arith.constant 1 : i32
    %get3A_241 = arith.index_cast %get3A_240 : i32 to index
    %get3A_242 = arith.constant 16 : index
    %get3A_243 = tpu.vector_load %arg11[%get3A_241, %get3A_242] {strides = array<i32>} : memref<4x128xi32, #tpu.memory_space<vmem>>, vector<16xi32>,
    %scan3A_244 = arith.constant 0 : i32
    %scan3A_245 = arith.constant 16 : i32
    %scan3A_246 = arith.addi %scan3A_244, %scan3A_245 : i32
    %scan3A_247 = arith.constant 1 : i32
    %scan3A_248:4 = scf.for %scan3A_708 = %scan3A_244 to %scan3A_246 step %scan3A_247 iter_args(%scan3A_709 = %scan3A_231#0, %scan3A_710 = %scan3A_231#1, %scan3A_711 = %scan3A_231#2, %scan3A_712 = %scan3A_231#3) -> (vector<16xf32>, vector<16xf32>, vector<16xf32>, vector<16xf32>)  : i32 {
      %mul3A_713 = arith.constant 4 : i32
      %mul3A_714 = arith.muli %scan3A_708, %mul3A_713 : i32
      %add3A_715 = arith.constant 0 : i32
      %add3A_716 = arith.addi %mul3A_714, %add3A_715 : i32
      %add3A_717 = vector.broadcast %add3A_716 : i32 to vector<16xi32>
      %add3A_718 = arith.addi %get3A_239, %add3A_717 : vector<16xi32>
      %gather3A = tpu.vector_load_idx %arg12[%add3A_235, %add3A_718] : memref<256x128xf32, #tpu.memory_space<vmem>>[vector<16xi32>, vector<16xi32>], vector<16xf32>,
      %add3A_719 = vector.broadcast %add3A_716 : i32 to vector<16xi32>
      %add3A_720 = arith.addi %get3A_243, %add3A_719 : vector<16xi32>
      %gather3A_721 = tpu.vector_load_idx %arg13[%add3A_235, %add3A_720] : memref<256x128xf32, #tpu.memory_space<vmem>>[vector<16xi32>, vector<16xi32>], vector<16xf32>,
      %mul3A_722 = arith.mulf %gather3A, %gather3A_721 : vector<16xf32>
      %add3A_723 = arith.addf %scan3A_709, %mul3A_722 : vector<16xf32>
      %mul3A_724 = arith.constant 4 : i32
      %mul3A_725 = arith.muli %scan3A_708, %mul3A_724 : i32
      %add3A_726 = arith.constant 1 : i32
      %add3A_727 = arith.addi %mul3A_725, %add3A_726 : i32
      %add3A_728 = vector.broadcast %add3A_727 : i32 to vector<16xi32>
      %add3A_729 = arith.addi %get3A_239, %add3A_728 : vector<16xi32>
      %gather3A_730 = tpu.vector_load_idx %arg12[%add3A_235, %add3A_729] : memref<256x128xf32, #tpu.memory_space<vmem>>[vector<16xi32>, vector<16xi32>], vector<16xf32>,
      %add3A_731 = vector.broadcast %add3A_727 : i32 to vector<16xi32>
      %add3A_732 = arith.addi %get3A_243, %add3A_731 : vector<16xi32>
      %gather3A_733 = tpu.vector_load_idx %arg13[%add3A_235, %add3A_732] : memref<256x128xf32, #tpu.memory_space<vmem>>[vector<16xi32>, vector<16xi32>], vector<16xf32>,
      %mul3A_734 = arith.mulf %gather3A_730, %gather3A_733 : vector<16xf32>
      %add3A_735 = arith.addf %scan3A_710, %mul3A_734 : vector<16xf32>
      %mul3A_736 = arith.constant 4 : i32
      %mul3A_737 = arith.muli %scan3A_708, %mul3A_736 : i32
      %add3A_738 = arith.constant 2 : i32
      %add3A_739 = arith.addi %mul3A_737, %add3A_738 : i32
      %add3A_740 = vector.broadcast %add3A_739 : i32 to vector<16xi32>
      %add3A_741 = arith.addi %get3A_239, %add3A_740 : vector<16xi32>
      %gather3A_742 = tpu.vector_load_idx %arg12[%add3A_235, %add3A_741] : memref<256x128xf32, #tpu.memory_space<vmem>>[vector<16xi32>, vector<16xi32>], vector<16xf32>,
      %add3A_743 = vector.broadcast %add3A_739 : i32 to vector<16xi32>
      %add3A_744 = arith.addi %get3A_243, %add3A_743 : vector<16xi32>
      %gather3A_745 = tpu.vector_load_idx %arg13[%add3A_235, %add3A_744] : memref<256x128xf32, #tpu.memory_space<vmem>>[vector<16xi32>, vector<16xi32>], vector<16xf32>,
      %mul3A_746 = arith.mulf %gather3A_742, %gather3A_745 : vector<16xf32>
      %add3A_747 = arith.addf %scan3A_711, %mul3A_746 : vector<16xf32>
      %mul3A_748 = arith.constant 4 : i32
      %mul3A_749 = arith.muli %scan3A_708, %mul3A_748 : i32
      %add3A_750 = arith.constant 3 : i32
      %add3A_751 = arith.addi %mul3A_749, %add3A_750 : i32
      %add3A_752 = vector.broadcast %add3A_751 : i32 to vector<16xi32>
      %add3A_753 = arith.addi %get3A_239, %add3A_752 : vector<16xi32>
      %gather3A_754 = tpu.vector_load_idx %arg12[%add3A_235, %add3A_753] : memref<256x128xf32, #tpu.memory_space<vmem>>[vector<16xi32>, vector<16xi32>], vector<16xf32>,
      %add3A_755 = vector.broadcast %add3A_751 : i32 to vector<16xi32>
      %add3A_756 = arith.addi %get3A_243, %add3A_755 : vector<16xi32>
      %gather3A_757 = tpu.vector_load_idx %arg13[%add3A_235, %add3A_756] : memref<256x128xf32, #tpu.memory_space<vmem>>[vector<16xi32>, vector<16xi32>], vector<16xf32>,
      %mul3A_758 = arith.mulf %gather3A_754, %gather3A_757 : vector<16xf32>
      %add3A_759 = arith.addf %scan3A_712, %mul3A_758 : vector<16xf32>
      scf.yield %add3A_723, %add3A_735, %add3A_747, %add3A_759 : vector<16xf32>, vector<16xf32>, vector<16xf32>, vector<16xf32>
    }
    %scan3A_249 = arith.constant 16 : i32
    %add3A_250 = arith.constant 160 : i32
    %add3A_251 = vector.broadcast %add3A_250 : i32 to vector<16xi32>
    %add3A_252 = arith.addi %add3A_251, %iota3A : vector<16xi32>
    %get3A_253 = arith.constant 1 : i32
    %get3A_254 = arith.index_cast %get3A_253 : i32 to index
    %get3A_255 = arith.constant 32 : index
    %get3A_256 = tpu.vector_load %arg10[%get3A_254, %get3A_255] {strides = array<i32>} : memref<4x128xi32, #tpu.memory_space<vmem>>, vector<16xi32>,
    %get3A_257 = arith.constant 1 : i32
    %get3A_258 = arith.index_cast %get3A_257 : i32 to index
    %get3A_259 = arith.constant 32 : index
    %get3A_260 = tpu.vector_load %arg11[%get3A_258, %get3A_259] {strides = array<i32>} : memref<4x128xi32, #tpu.memory_space<vmem>>, vector<16xi32>,
    %scan3A_261 = arith.constant 0 : i32
    %scan3A_262 = arith.constant 16 : i32
    %scan3A_263 = arith.addi %scan3A_261, %scan3A_262 : i32
    %scan3A_264 = arith.constant 1 : i32
    %scan3A_265:4 = scf.for %scan3A_708 = %scan3A_261 to %scan3A_263 step %scan3A_264 iter_args(%scan3A_709 = %scan3A_248#0, %scan3A_710 = %scan3A_248#1, %scan3A_711 = %scan3A_248#2, %scan3A_712 = %scan3A_248#3) -> (vector<16xf32>, vector<16xf32>, vector<16xf32>, vector<16xf32>)  : i32 {
      %mul3A_713 = arith.constant 4 : i32
      %mul3A_714 = arith.muli %scan3A_708, %mul3A_713 : i32
      %add3A_715 = arith.constant 0 : i32
      %add3A_716 = arith.addi %mul3A_714, %add3A_715 : i32
      %add3A_717 = vector.broadcast %add3A_716 : i32 to vector<16xi32>
      %add3A_718 = arith.addi %get3A_256, %add3A_717 : vector<16xi32>
      %gather3A = tpu.vector_load_idx %arg12[%add3A_252, %add3A_718] : memref<256x128xf32, #tpu.memory_space<vmem>>[vector<16xi32>, vector<16xi32>], vector<16xf32>,
      %add3A_719 = vector.broadcast %add3A_716 : i32 to vector<16xi32>
      %add3A_720 = arith.addi %get3A_260, %add3A_719 : vector<16xi32>
      %gather3A_721 = tpu.vector_load_idx %arg13[%add3A_252, %add3A_720] : memref<256x128xf32, #tpu.memory_space<vmem>>[vector<16xi32>, vector<16xi32>], vector<16xf32>,
      %mul3A_722 = arith.mulf %gather3A, %gather3A_721 : vector<16xf32>
      %add3A_723 = arith.addf %scan3A_709, %mul3A_722 : vector<16xf32>
      %mul3A_724 = arith.constant 4 : i32
      %mul3A_725 = arith.muli %scan3A_708, %mul3A_724 : i32
      %add3A_726 = arith.constant 1 : i32
      %add3A_727 = arith.addi %mul3A_725, %add3A_726 : i32
      %add3A_728 = vector.broadcast %add3A_727 : i32 to vector<16xi32>
      %add3A_729 = arith.addi %get3A_256, %add3A_728 : vector<16xi32>
      %gather3A_730 = tpu.vector_load_idx %arg12[%add3A_252, %add3A_729] : memref<256x128xf32, #tpu.memory_space<vmem>>[vector<16xi32>, vector<16xi32>], vector<16xf32>,
      %add3A_731 = vector.broadcast %add3A_727 : i32 to vector<16xi32>
      %add3A_732 = arith.addi %get3A_260, %add3A_731 : vector<16xi32>
      %gather3A_733 = tpu.vector_load_idx %arg13[%add3A_252, %add3A_732] : memref<256x128xf32, #tpu.memory_space<vmem>>[vector<16xi32>, vector<16xi32>], vector<16xf32>,
      %mul3A_734 = arith.mulf %gather3A_730, %gather3A_733 : vector<16xf32>
      %add3A_735 = arith.addf %scan3A_710, %mul3A_734 : vector<16xf32>
      %mul3A_736 = arith.constant 4 : i32
      %mul3A_737 = arith.muli %scan3A_708, %mul3A_736 : i32
      %add3A_738 = arith.constant 2 : i32
      %add3A_739 = arith.addi %mul3A_737, %add3A_738 : i32
      %add3A_740 = vector.broadcast %add3A_739 : i32 to vector<16xi32>
      %add3A_741 = arith.addi %get3A_256, %add3A_740 : vector<16xi32>
      %gather3A_742 = tpu.vector_load_idx %arg12[%add3A_252, %add3A_741] : memref<256x128xf32, #tpu.memory_space<vmem>>[vector<16xi32>, vector<16xi32>], vector<16xf32>,
      %add3A_743 = vector.broadcast %add3A_739 : i32 to vector<16xi32>
      %add3A_744 = arith.addi %get3A_260, %add3A_743 : vector<16xi32>
      %gather3A_745 = tpu.vector_load_idx %arg13[%add3A_252, %add3A_744] : memref<256x128xf32, #tpu.memory_space<vmem>>[vector<16xi32>, vector<16xi32>], vector<16xf32>,
      %mul3A_746 = arith.mulf %gather3A_742, %gather3A_745 : vector<16xf32>
      %add3A_747 = arith.addf %scan3A_711, %mul3A_746 : vector<16xf32>
      %mul3A_748 = arith.constant 4 : i32
      %mul3A_749 = arith.muli %scan3A_708, %mul3A_748 : i32
      %add3A_750 = arith.constant 3 : i32
      %add3A_751 = arith.addi %mul3A_749, %add3A_750 : i32
      %add3A_752 = vector.broadcast %add3A_751 : i32 to vector<16xi32>
      %add3A_753 = arith.addi %get3A_256, %add3A_752 : vector<16xi32>
      %gather3A_754 = tpu.vector_load_idx %arg12[%add3A_252, %add3A_753] : memref<256x128xf32, #tpu.memory_space<vmem>>[vector<16xi32>, vector<16xi32>], vector<16xf32>,
      %add3A_755 = vector.broadcast %add3A_751 : i32 to vector<16xi32>
      %add3A_756 = arith.addi %get3A_260, %add3A_755 : vector<16xi32>
      %gather3A_757 = tpu.vector_load_idx %arg13[%add3A_252, %add3A_756] : memref<256x128xf32, #tpu.memory_space<vmem>>[vector<16xi32>, vector<16xi32>], vector<16xf32>,
      %mul3A_758 = arith.mulf %gather3A_754, %gather3A_757 : vector<16xf32>
      %add3A_759 = arith.addf %scan3A_712, %mul3A_758 : vector<16xf32>
      scf.yield %add3A_723, %add3A_735, %add3A_747, %add3A_759 : vector<16xf32>, vector<16xf32>, vector<16xf32>, vector<16xf32>
    }
    %scan3A_266 = arith.constant 16 : i32
    %add3A_267 = arith.constant 176 : i32
    %add3A_268 = vector.broadcast %add3A_267 : i32 to vector<16xi32>
    %add3A_269 = arith.addi %add3A_268, %iota3A : vector<16xi32>
    %get3A_270 = arith.constant 1 : i32
    %get3A_271 = arith.index_cast %get3A_270 : i32 to index
    %get3A_272 = arith.constant 48 : index
    %get3A_273 = tpu.vector_load %arg10[%get3A_271, %get3A_272] {strides = array<i32>} : memref<4x128xi32, #tpu.memory_space<vmem>>, vector<16xi32>,
    %get3A_274 = arith.constant 1 : i32
    %get3A_275 = arith.index_cast %get3A_274 : i32 to index
    %get3A_276 = arith.constant 48 : index
    %get3A_277 = tpu.vector_load %arg11[%get3A_275, %get3A_276] {strides = array<i32>} : memref<4x128xi32, #tpu.memory_space<vmem>>, vector<16xi32>,
    %scan3A_278 = arith.constant 0 : i32
    %scan3A_279 = arith.constant 16 : i32
    %scan3A_280 = arith.addi %scan3A_278, %scan3A_279 : i32
    %scan3A_281 = arith.constant 1 : i32
    %scan3A_282:4 = scf.for %scan3A_708 = %scan3A_278 to %scan3A_280 step %scan3A_281 iter_args(%scan3A_709 = %scan3A_265#0, %scan3A_710 = %scan3A_265#1, %scan3A_711 = %scan3A_265#2, %scan3A_712 = %scan3A_265#3) -> (vector<16xf32>, vector<16xf32>, vector<16xf32>, vector<16xf32>)  : i32 {
      %mul3A_713 = arith.constant 4 : i32
      %mul3A_714 = arith.muli %scan3A_708, %mul3A_713 : i32
      %add3A_715 = arith.constant 0 : i32
      %add3A_716 = arith.addi %mul3A_714, %add3A_715 : i32
      %add3A_717 = vector.broadcast %add3A_716 : i32 to vector<16xi32>
      %add3A_718 = arith.addi %get3A_273, %add3A_717 : vector<16xi32>
      %gather3A = tpu.vector_load_idx %arg12[%add3A_269, %add3A_718] : memref<256x128xf32, #tpu.memory_space<vmem>>[vector<16xi32>, vector<16xi32>], vector<16xf32>,
      %add3A_719 = vector.broadcast %add3A_716 : i32 to vector<16xi32>
      %add3A_720 = arith.addi %get3A_277, %add3A_719 : vector<16xi32>
      %gather3A_721 = tpu.vector_load_idx %arg13[%add3A_269, %add3A_720] : memref<256x128xf32, #tpu.memory_space<vmem>>[vector<16xi32>, vector<16xi32>], vector<16xf32>,
      %mul3A_722 = arith.mulf %gather3A, %gather3A_721 : vector<16xf32>
      %add3A_723 = arith.addf %scan3A_709, %mul3A_722 : vector<16xf32>
      %mul3A_724 = arith.constant 4 : i32
      %mul3A_725 = arith.muli %scan3A_708, %mul3A_724 : i32
      %add3A_726 = arith.constant 1 : i32
      %add3A_727 = arith.addi %mul3A_725, %add3A_726 : i32
      %add3A_728 = vector.broadcast %add3A_727 : i32 to vector<16xi32>
      %add3A_729 = arith.addi %get3A_273, %add3A_728 : vector<16xi32>
      %gather3A_730 = tpu.vector_load_idx %arg12[%add3A_269, %add3A_729] : memref<256x128xf32, #tpu.memory_space<vmem>>[vector<16xi32>, vector<16xi32>], vector<16xf32>,
      %add3A_731 = vector.broadcast %add3A_727 : i32 to vector<16xi32>
      %add3A_732 = arith.addi %get3A_277, %add3A_731 : vector<16xi32>
      %gather3A_733 = tpu.vector_load_idx %arg13[%add3A_269, %add3A_732] : memref<256x128xf32, #tpu.memory_space<vmem>>[vector<16xi32>, vector<16xi32>], vector<16xf32>,
      %mul3A_734 = arith.mulf %gather3A_730, %gather3A_733 : vector<16xf32>
      %add3A_735 = arith.addf %scan3A_710, %mul3A_734 : vector<16xf32>
      %mul3A_736 = arith.constant 4 : i32
      %mul3A_737 = arith.muli %scan3A_708, %mul3A_736 : i32
      %add3A_738 = arith.constant 2 : i32
      %add3A_739 = arith.addi %mul3A_737, %add3A_738 : i32
      %add3A_740 = vector.broadcast %add3A_739 : i32 to vector<16xi32>
      %add3A_741 = arith.addi %get3A_273, %add3A_740 : vector<16xi32>
      %gather3A_742 = tpu.vector_load_idx %arg12[%add3A_269, %add3A_741] : memref<256x128xf32, #tpu.memory_space<vmem>>[vector<16xi32>, vector<16xi32>], vector<16xf32>,
      %add3A_743 = vector.broadcast %add3A_739 : i32 to vector<16xi32>
      %add3A_744 = arith.addi %get3A_277, %add3A_743 : vector<16xi32>
      %gather3A_745 = tpu.vector_load_idx %arg13[%add3A_269, %add3A_744] : memref<256x128xf32, #tpu.memory_space<vmem>>[vector<16xi32>, vector<16xi32>], vector<16xf32>,
      %mul3A_746 = arith.mulf %gather3A_742, %gather3A_745 : vector<16xf32>
      %add3A_747 = arith.addf %scan3A_711, %mul3A_746 : vector<16xf32>
      %mul3A_748 = arith.constant 4 : i32
      %mul3A_749 = arith.muli %scan3A_708, %mul3A_748 : i32
      %add3A_750 = arith.constant 3 : i32
      %add3A_751 = arith.addi %mul3A_749, %add3A_750 : i32
      %add3A_752 = vector.broadcast %add3A_751 : i32 to vector<16xi32>
      %add3A_753 = arith.addi %get3A_273, %add3A_752 : vector<16xi32>
      %gather3A_754 = tpu.vector_load_idx %arg12[%add3A_269, %add3A_753] : memref<256x128xf32, #tpu.memory_space<vmem>>[vector<16xi32>, vector<16xi32>], vector<16xf32>,
      %add3A_755 = vector.broadcast %add3A_751 : i32 to vector<16xi32>
      %add3A_756 = arith.addi %get3A_277, %add3A_755 : vector<16xi32>
      %gather3A_757 = tpu.vector_load_idx %arg13[%add3A_269, %add3A_756] : memref<256x128xf32, #tpu.memory_space<vmem>>[vector<16xi32>, vector<16xi32>], vector<16xf32>,
      %mul3A_758 = arith.mulf %gather3A_754, %gather3A_757 : vector<16xf32>
      %add3A_759 = arith.addf %scan3A_712, %mul3A_758 : vector<16xf32>
      scf.yield %add3A_723, %add3A_735, %add3A_747, %add3A_759 : vector<16xf32>, vector<16xf32>, vector<16xf32>, vector<16xf32>
    }
    %scan3A_283 = arith.constant 16 : i32
    %add3A_284 = arith.constant 192 : i32
    %add3A_285 = vector.broadcast %add3A_284 : i32 to vector<16xi32>
    %add3A_286 = arith.addi %add3A_285, %iota3A : vector<16xi32>
    %get3A_287 = arith.constant 1 : i32
    %get3A_288 = arith.index_cast %get3A_287 : i32 to index
    %get3A_289 = arith.constant 64 : index
    %get3A_290 = tpu.vector_load %arg10[%get3A_288, %get3A_289] {strides = array<i32>} : memref<4x128xi32, #tpu.memory_space<vmem>>, vector<16xi32>,
    %get3A_291 = arith.constant 1 : i32
    %get3A_292 = arith.index_cast %get3A_291 : i32 to index
    %get3A_293 = arith.constant 64 : index
    %get3A_294 = tpu.vector_load %arg11[%get3A_292, %get3A_293] {strides = array<i32>} : memref<4x128xi32, #tpu.memory_space<vmem>>, vector<16xi32>,
    %scan3A_295 = arith.constant 0 : i32
    %scan3A_296 = arith.constant 16 : i32
    %scan3A_297 = arith.addi %scan3A_295, %scan3A_296 : i32
    %scan3A_298 = arith.constant 1 : i32
    %scan3A_299:4 = scf.for %scan3A_708 = %scan3A_295 to %scan3A_297 step %scan3A_298 iter_args(%scan3A_709 = %scan3A_282#0, %scan3A_710 = %scan3A_282#1, %scan3A_711 = %scan3A_282#2, %scan3A_712 = %scan3A_282#3) -> (vector<16xf32>, vector<16xf32>, vector<16xf32>, vector<16xf32>)  : i32 {
      %mul3A_713 = arith.constant 4 : i32
      %mul3A_714 = arith.muli %scan3A_708, %mul3A_713 : i32
      %add3A_715 = arith.constant 0 : i32
      %add3A_716 = arith.addi %mul3A_714, %add3A_715 : i32
      %add3A_717 = vector.broadcast %add3A_716 : i32 to vector<16xi32>
      %add3A_718 = arith.addi %get3A_290, %add3A_717 : vector<16xi32>
      %gather3A = tpu.vector_load_idx %arg12[%add3A_286, %add3A_718] : memref<256x128xf32, #tpu.memory_space<vmem>>[vector<16xi32>, vector<16xi32>], vector<16xf32>,
      %add3A_719 = vector.broadcast %add3A_716 : i32 to vector<16xi32>
      %add3A_720 = arith.addi %get3A_294, %add3A_719 : vector<16xi32>
      %gather3A_721 = tpu.vector_load_idx %arg13[%add3A_286, %add3A_720] : memref<256x128xf32, #tpu.memory_space<vmem>>[vector<16xi32>, vector<16xi32>], vector<16xf32>,
      %mul3A_722 = arith.mulf %gather3A, %gather3A_721 : vector<16xf32>
      %add3A_723 = arith.addf %scan3A_709, %mul3A_722 : vector<16xf32>
      %mul3A_724 = arith.constant 4 : i32
      %mul3A_725 = arith.muli %scan3A_708, %mul3A_724 : i32
      %add3A_726 = arith.constant 1 : i32
      %add3A_727 = arith.addi %mul3A_725, %add3A_726 : i32
      %add3A_728 = vector.broadcast %add3A_727 : i32 to vector<16xi32>
      %add3A_729 = arith.addi %get3A_290, %add3A_728 : vector<16xi32>
      %gather3A_730 = tpu.vector_load_idx %arg12[%add3A_286, %add3A_729] : memref<256x128xf32, #tpu.memory_space<vmem>>[vector<16xi32>, vector<16xi32>], vector<16xf32>,
      %add3A_731 = vector.broadcast %add3A_727 : i32 to vector<16xi32>
      %add3A_732 = arith.addi %get3A_294, %add3A_731 : vector<16xi32>
      %gather3A_733 = tpu.vector_load_idx %arg13[%add3A_286, %add3A_732] : memref<256x128xf32, #tpu.memory_space<vmem>>[vector<16xi32>, vector<16xi32>], vector<16xf32>,
      %mul3A_734 = arith.mulf %gather3A_730, %gather3A_733 : vector<16xf32>
      %add3A_735 = arith.addf %scan3A_710, %mul3A_734 : vector<16xf32>
      %mul3A_736 = arith.constant 4 : i32
      %mul3A_737 = arith.muli %scan3A_708, %mul3A_736 : i32
      %add3A_738 = arith.constant 2 : i32
      %add3A_739 = arith.addi %mul3A_737, %add3A_738 : i32
      %add3A_740 = vector.broadcast %add3A_739 : i32 to vector<16xi32>
      %add3A_741 = arith.addi %get3A_290, %add3A_740 : vector<16xi32>
      %gather3A_742 = tpu.vector_load_idx %arg12[%add3A_286, %add3A_741] : memref<256x128xf32, #tpu.memory_space<vmem>>[vector<16xi32>, vector<16xi32>], vector<16xf32>,
      %add3A_743 = vector.broadcast %add3A_739 : i32 to vector<16xi32>
      %add3A_744 = arith.addi %get3A_294, %add3A_743 : vector<16xi32>
      %gather3A_745 = tpu.vector_load_idx %arg13[%add3A_286, %add3A_744] : memref<256x128xf32, #tpu.memory_space<vmem>>[vector<16xi32>, vector<16xi32>], vector<16xf32>,
      %mul3A_746 = arith.mulf %gather3A_742, %gather3A_745 : vector<16xf32>
      %add3A_747 = arith.addf %scan3A_711, %mul3A_746 : vector<16xf32>
      %mul3A_748 = arith.constant 4 : i32
      %mul3A_749 = arith.muli %scan3A_708, %mul3A_748 : i32
      %add3A_750 = arith.constant 3 : i32
      %add3A_751 = arith.addi %mul3A_749, %add3A_750 : i32
      %add3A_752 = vector.broadcast %add3A_751 : i32 to vector<16xi32>
      %add3A_753 = arith.addi %get3A_290, %add3A_752 : vector<16xi32>
      %gather3A_754 = tpu.vector_load_idx %arg12[%add3A_286, %add3A_753] : memref<256x128xf32, #tpu.memory_space<vmem>>[vector<16xi32>, vector<16xi32>], vector<16xf32>,
      %add3A_755 = vector.broadcast %add3A_751 : i32 to vector<16xi32>
      %add3A_756 = arith.addi %get3A_294, %add3A_755 : vector<16xi32>
      %gather3A_757 = tpu.vector_load_idx %arg13[%add3A_286, %add3A_756] : memref<256x128xf32, #tpu.memory_space<vmem>>[vector<16xi32>, vector<16xi32>], vector<16xf32>,
      %mul3A_758 = arith.mulf %gather3A_754, %gather3A_757 : vector<16xf32>
      %add3A_759 = arith.addf %scan3A_712, %mul3A_758 : vector<16xf32>
      scf.yield %add3A_723, %add3A_735, %add3A_747, %add3A_759 : vector<16xf32>, vector<16xf32>, vector<16xf32>, vector<16xf32>
    }
    %scan3A_300 = arith.constant 16 : i32
    %add3A_301 = arith.constant 208 : i32
    %add3A_302 = vector.broadcast %add3A_301 : i32 to vector<16xi32>
    %add3A_303 = arith.addi %add3A_302, %iota3A : vector<16xi32>
    %get3A_304 = arith.constant 1 : i32
    %get3A_305 = arith.index_cast %get3A_304 : i32 to index
    %get3A_306 = arith.constant 80 : index
    %get3A_307 = tpu.vector_load %arg10[%get3A_305, %get3A_306] {strides = array<i32>} : memref<4x128xi32, #tpu.memory_space<vmem>>, vector<16xi32>,
    %get3A_308 = arith.constant 1 : i32
    %get3A_309 = arith.index_cast %get3A_308 : i32 to index
    %get3A_310 = arith.constant 80 : index
    %get3A_311 = tpu.vector_load %arg11[%get3A_309, %get3A_310] {strides = array<i32>} : memref<4x128xi32, #tpu.memory_space<vmem>>, vector<16xi32>,
    %scan3A_312 = arith.constant 0 : i32
    %scan3A_313 = arith.constant 16 : i32
    %scan3A_314 = arith.addi %scan3A_312, %scan3A_313 : i32
    %scan3A_315 = arith.constant 1 : i32
    %scan3A_316:4 = scf.for %scan3A_708 = %scan3A_312 to %scan3A_314 step %scan3A_315 iter_args(%scan3A_709 = %scan3A_299#0, %scan3A_710 = %scan3A_299#1, %scan3A_711 = %scan3A_299#2, %scan3A_712 = %scan3A_299#3) -> (vector<16xf32>, vector<16xf32>, vector<16xf32>, vector<16xf32>)  : i32 {
      %mul3A_713 = arith.constant 4 : i32
      %mul3A_714 = arith.muli %scan3A_708, %mul3A_713 : i32
      %add3A_715 = arith.constant 0 : i32
      %add3A_716 = arith.addi %mul3A_714, %add3A_715 : i32
      %add3A_717 = vector.broadcast %add3A_716 : i32 to vector<16xi32>
      %add3A_718 = arith.addi %get3A_307, %add3A_717 : vector<16xi32>
      %gather3A = tpu.vector_load_idx %arg12[%add3A_303, %add3A_718] : memref<256x128xf32, #tpu.memory_space<vmem>>[vector<16xi32>, vector<16xi32>], vector<16xf32>,
      %add3A_719 = vector.broadcast %add3A_716 : i32 to vector<16xi32>
      %add3A_720 = arith.addi %get3A_311, %add3A_719 : vector<16xi32>
      %gather3A_721 = tpu.vector_load_idx %arg13[%add3A_303, %add3A_720] : memref<256x128xf32, #tpu.memory_space<vmem>>[vector<16xi32>, vector<16xi32>], vector<16xf32>,
      %mul3A_722 = arith.mulf %gather3A, %gather3A_721 : vector<16xf32>
      %add3A_723 = arith.addf %scan3A_709, %mul3A_722 : vector<16xf32>
      %mul3A_724 = arith.constant 4 : i32
      %mul3A_725 = arith.muli %scan3A_708, %mul3A_724 : i32
      %add3A_726 = arith.constant 1 : i32
      %add3A_727 = arith.addi %mul3A_725, %add3A_726 : i32
      %add3A_728 = vector.broadcast %add3A_727 : i32 to vector<16xi32>
      %add3A_729 = arith.addi %get3A_307, %add3A_728 : vector<16xi32>
      %gather3A_730 = tpu.vector_load_idx %arg12[%add3A_303, %add3A_729] : memref<256x128xf32, #tpu.memory_space<vmem>>[vector<16xi32>, vector<16xi32>], vector<16xf32>,
      %add3A_731 = vector.broadcast %add3A_727 : i32 to vector<16xi32>
      %add3A_732 = arith.addi %get3A_311, %add3A_731 : vector<16xi32>
      %gather3A_733 = tpu.vector_load_idx %arg13[%add3A_303, %add3A_732] : memref<256x128xf32, #tpu.memory_space<vmem>>[vector<16xi32>, vector<16xi32>], vector<16xf32>,
      %mul3A_734 = arith.mulf %gather3A_730, %gather3A_733 : vector<16xf32>
      %add3A_735 = arith.addf %scan3A_710, %mul3A_734 : vector<16xf32>
      %mul3A_736 = arith.constant 4 : i32
      %mul3A_737 = arith.muli %scan3A_708, %mul3A_736 : i32
      %add3A_738 = arith.constant 2 : i32
      %add3A_739 = arith.addi %mul3A_737, %add3A_738 : i32
      %add3A_740 = vector.broadcast %add3A_739 : i32 to vector<16xi32>
      %add3A_741 = arith.addi %get3A_307, %add3A_740 : vector<16xi32>
      %gather3A_742 = tpu.vector_load_idx %arg12[%add3A_303, %add3A_741] : memref<256x128xf32, #tpu.memory_space<vmem>>[vector<16xi32>, vector<16xi32>], vector<16xf32>,
      %add3A_743 = vector.broadcast %add3A_739 : i32 to vector<16xi32>
      %add3A_744 = arith.addi %get3A_311, %add3A_743 : vector<16xi32>
      %gather3A_745 = tpu.vector_load_idx %arg13[%add3A_303, %add3A_744] : memref<256x128xf32, #tpu.memory_space<vmem>>[vector<16xi32>, vector<16xi32>], vector<16xf32>,
      %mul3A_746 = arith.mulf %gather3A_742, %gather3A_745 : vector<16xf32>
      %add3A_747 = arith.addf %scan3A_711, %mul3A_746 : vector<16xf32>
      %mul3A_748 = arith.constant 4 : i32
      %mul3A_749 = arith.muli %scan3A_708, %mul3A_748 : i32
      %add3A_750 = arith.constant 3 : i32
      %add3A_751 = arith.addi %mul3A_749, %add3A_750 : i32
      %add3A_752 = vector.broadcast %add3A_751 : i32 to vector<16xi32>
      %add3A_753 = arith.addi %get3A_307, %add3A_752 : vector<16xi32>
      %gather3A_754 = tpu.vector_load_idx %arg12[%add3A_303, %add3A_753] : memref<256x128xf32, #tpu.memory_space<vmem>>[vector<16xi32>, vector<16xi32>], vector<16xf32>,
      %add3A_755 = vector.broadcast %add3A_751 : i32 to vector<16xi32>
      %add3A_756 = arith.addi %get3A_311, %add3A_755 : vector<16xi32>
      %gather3A_757 = tpu.vector_load_idx %arg13[%add3A_303, %add3A_756] : memref<256x128xf32, #tpu.memory_space<vmem>>[vector<16xi32>, vector<16xi32>], vector<16xf32>,
      %mul3A_758 = arith.mulf %gather3A_754, %gather3A_757 : vector<16xf32>
      %add3A_759 = arith.addf %scan3A_712, %mul3A_758 : vector<16xf32>
      scf.yield %add3A_723, %add3A_735, %add3A_747, %add3A_759 : vector<16xf32>, vector<16xf32>, vector<16xf32>, vector<16xf32>
    }
    %scan3A_317 = arith.constant 16 : i32
    %add3A_318 = arith.constant 224 : i32
    %add3A_319 = vector.broadcast %add3A_318 : i32 to vector<16xi32>
    %add3A_320 = arith.addi %add3A_319, %iota3A : vector<16xi32>
    %get3A_321 = arith.constant 1 : i32
    %get3A_322 = arith.index_cast %get3A_321 : i32 to index
    %get3A_323 = arith.constant 96 : index
    %get3A_324 = tpu.vector_load %arg10[%get3A_322, %get3A_323] {strides = array<i32>} : memref<4x128xi32, #tpu.memory_space<vmem>>, vector<16xi32>,
    %get3A_325 = arith.constant 1 : i32
    %get3A_326 = arith.index_cast %get3A_325 : i32 to index
    %get3A_327 = arith.constant 96 : index
    %get3A_328 = tpu.vector_load %arg11[%get3A_326, %get3A_327] {strides = array<i32>} : memref<4x128xi32, #tpu.memory_space<vmem>>, vector<16xi32>,
    %scan3A_329 = arith.constant 0 : i32
    %scan3A_330 = arith.constant 16 : i32
    %scan3A_331 = arith.addi %scan3A_329, %scan3A_330 : i32
    %scan3A_332 = arith.constant 1 : i32
    %scan3A_333:4 = scf.for %scan3A_708 = %scan3A_329 to %scan3A_331 step %scan3A_332 iter_args(%scan3A_709 = %scan3A_316#0, %scan3A_710 = %scan3A_316#1, %scan3A_711 = %scan3A_316#2, %scan3A_712 = %scan3A_316#3) -> (vector<16xf32>, vector<16xf32>, vector<16xf32>, vector<16xf32>)  : i32 {
      %mul3A_713 = arith.constant 4 : i32
      %mul3A_714 = arith.muli %scan3A_708, %mul3A_713 : i32
      %add3A_715 = arith.constant 0 : i32
      %add3A_716 = arith.addi %mul3A_714, %add3A_715 : i32
      %add3A_717 = vector.broadcast %add3A_716 : i32 to vector<16xi32>
      %add3A_718 = arith.addi %get3A_324, %add3A_717 : vector<16xi32>
      %gather3A = tpu.vector_load_idx %arg12[%add3A_320, %add3A_718] : memref<256x128xf32, #tpu.memory_space<vmem>>[vector<16xi32>, vector<16xi32>], vector<16xf32>,
      %add3A_719 = vector.broadcast %add3A_716 : i32 to vector<16xi32>
      %add3A_720 = arith.addi %get3A_328, %add3A_719 : vector<16xi32>
      %gather3A_721 = tpu.vector_load_idx %arg13[%add3A_320, %add3A_720] : memref<256x128xf32, #tpu.memory_space<vmem>>[vector<16xi32>, vector<16xi32>], vector<16xf32>,
      %mul3A_722 = arith.mulf %gather3A, %gather3A_721 : vector<16xf32>
      %add3A_723 = arith.addf %scan3A_709, %mul3A_722 : vector<16xf32>
      %mul3A_724 = arith.constant 4 : i32
      %mul3A_725 = arith.muli %scan3A_708, %mul3A_724 : i32
      %add3A_726 = arith.constant 1 : i32
      %add3A_727 = arith.addi %mul3A_725, %add3A_726 : i32
      %add3A_728 = vector.broadcast %add3A_727 : i32 to vector<16xi32>
      %add3A_729 = arith.addi %get3A_324, %add3A_728 : vector<16xi32>
      %gather3A_730 = tpu.vector_load_idx %arg12[%add3A_320, %add3A_729] : memref<256x128xf32, #tpu.memory_space<vmem>>[vector<16xi32>, vector<16xi32>], vector<16xf32>,
      %add3A_731 = vector.broadcast %add3A_727 : i32 to vector<16xi32>
      %add3A_732 = arith.addi %get3A_328, %add3A_731 : vector<16xi32>
      %gather3A_733 = tpu.vector_load_idx %arg13[%add3A_320, %add3A_732] : memref<256x128xf32, #tpu.memory_space<vmem>>[vector<16xi32>, vector<16xi32>], vector<16xf32>,
      %mul3A_734 = arith.mulf %gather3A_730, %gather3A_733 : vector<16xf32>
      %add3A_735 = arith.addf %scan3A_710, %mul3A_734 : vector<16xf32>
      %mul3A_736 = arith.constant 4 : i32
      %mul3A_737 = arith.muli %scan3A_708, %mul3A_736 : i32
      %add3A_738 = arith.constant 2 : i32
      %add3A_739 = arith.addi %mul3A_737, %add3A_738 : i32
      %add3A_740 = vector.broadcast %add3A_739 : i32 to vector<16xi32>
      %add3A_741 = arith.addi %get3A_324, %add3A_740 : vector<16xi32>
      %gather3A_742 = tpu.vector_load_idx %arg12[%add3A_320, %add3A_741] : memref<256x128xf32, #tpu.memory_space<vmem>>[vector<16xi32>, vector<16xi32>], vector<16xf32>,
      %add3A_743 = vector.broadcast %add3A_739 : i32 to vector<16xi32>
      %add3A_744 = arith.addi %get3A_328, %add3A_743 : vector<16xi32>
      %gather3A_745 = tpu.vector_load_idx %arg13[%add3A_320, %add3A_744] : memref<256x128xf32, #tpu.memory_space<vmem>>[vector<16xi32>, vector<16xi32>], vector<16xf32>,
      %mul3A_746 = arith.mulf %gather3A_742, %gather3A_745 : vector<16xf32>
      %add3A_747 = arith.addf %scan3A_711, %mul3A_746 : vector<16xf32>
      %mul3A_748 = arith.constant 4 : i32
      %mul3A_749 = arith.muli %scan3A_708, %mul3A_748 : i32
      %add3A_750 = arith.constant 3 : i32
      %add3A_751 = arith.addi %mul3A_749, %add3A_750 : i32
      %add3A_752 = vector.broadcast %add3A_751 : i32 to vector<16xi32>
      %add3A_753 = arith.addi %get3A_324, %add3A_752 : vector<16xi32>
      %gather3A_754 = tpu.vector_load_idx %arg12[%add3A_320, %add3A_753] : memref<256x128xf32, #tpu.memory_space<vmem>>[vector<16xi32>, vector<16xi32>], vector<16xf32>,
      %add3A_755 = vector.broadcast %add3A_751 : i32 to vector<16xi32>
      %add3A_756 = arith.addi %get3A_328, %add3A_755 : vector<16xi32>
      %gather3A_757 = tpu.vector_load_idx %arg13[%add3A_320, %add3A_756] : memref<256x128xf32, #tpu.memory_space<vmem>>[vector<16xi32>, vector<16xi32>], vector<16xf32>,
      %mul3A_758 = arith.mulf %gather3A_754, %gather3A_757 : vector<16xf32>
      %add3A_759 = arith.addf %scan3A_712, %mul3A_758 : vector<16xf32>
      scf.yield %add3A_723, %add3A_735, %add3A_747, %add3A_759 : vector<16xf32>, vector<16xf32>, vector<16xf32>, vector<16xf32>
    }
    %scan3A_334 = arith.constant 16 : i32
    %add3A_335 = arith.constant 240 : i32
    %add3A_336 = vector.broadcast %add3A_335 : i32 to vector<16xi32>
    %add3A_337 = arith.addi %add3A_336, %iota3A : vector<16xi32>
    %get3A_338 = arith.constant 1 : i32
    %get3A_339 = arith.index_cast %get3A_338 : i32 to index
    %get3A_340 = arith.constant 112 : index
    %get3A_341 = tpu.vector_load %arg10[%get3A_339, %get3A_340] {strides = array<i32>} : memref<4x128xi32, #tpu.memory_space<vmem>>, vector<16xi32>,
    %get3A_342 = arith.constant 1 : i32
    %get3A_343 = arith.index_cast %get3A_342 : i32 to index
    %get3A_344 = arith.constant 112 : index
    %get3A_345 = tpu.vector_load %arg11[%get3A_343, %get3A_344] {strides = array<i32>} : memref<4x128xi32, #tpu.memory_space<vmem>>, vector<16xi32>,
    %scan3A_346 = arith.constant 0 : i32
    %scan3A_347 = arith.constant 16 : i32
    %scan3A_348 = arith.addi %scan3A_346, %scan3A_347 : i32
    %scan3A_349 = arith.constant 1 : i32
    %scan3A_350:4 = scf.for %scan3A_708 = %scan3A_346 to %scan3A_348 step %scan3A_349 iter_args(%scan3A_709 = %scan3A_333#0, %scan3A_710 = %scan3A_333#1, %scan3A_711 = %scan3A_333#2, %scan3A_712 = %scan3A_333#3) -> (vector<16xf32>, vector<16xf32>, vector<16xf32>, vector<16xf32>)  : i32 {
      %mul3A_713 = arith.constant 4 : i32
      %mul3A_714 = arith.muli %scan3A_708, %mul3A_713 : i32
      %add3A_715 = arith.constant 0 : i32
      %add3A_716 = arith.addi %mul3A_714, %add3A_715 : i32
      %add3A_717 = vector.broadcast %add3A_716 : i32 to vector<16xi32>
      %add3A_718 = arith.addi %get3A_341, %add3A_717 : vector<16xi32>
      %gather3A = tpu.vector_load_idx %arg12[%add3A_337, %add3A_718] : memref<256x128xf32, #tpu.memory_space<vmem>>[vector<16xi32>, vector<16xi32>], vector<16xf32>,
      %add3A_719 = vector.broadcast %add3A_716 : i32 to vector<16xi32>
      %add3A_720 = arith.addi %get3A_345, %add3A_719 : vector<16xi32>
      %gather3A_721 = tpu.vector_load_idx %arg13[%add3A_337, %add3A_720] : memref<256x128xf32, #tpu.memory_space<vmem>>[vector<16xi32>, vector<16xi32>], vector<16xf32>,
      %mul3A_722 = arith.mulf %gather3A, %gather3A_721 : vector<16xf32>
      %add3A_723 = arith.addf %scan3A_709, %mul3A_722 : vector<16xf32>
      %mul3A_724 = arith.constant 4 : i32
      %mul3A_725 = arith.muli %scan3A_708, %mul3A_724 : i32
      %add3A_726 = arith.constant 1 : i32
      %add3A_727 = arith.addi %mul3A_725, %add3A_726 : i32
      %add3A_728 = vector.broadcast %add3A_727 : i32 to vector<16xi32>
      %add3A_729 = arith.addi %get3A_341, %add3A_728 : vector<16xi32>
      %gather3A_730 = tpu.vector_load_idx %arg12[%add3A_337, %add3A_729] : memref<256x128xf32, #tpu.memory_space<vmem>>[vector<16xi32>, vector<16xi32>], vector<16xf32>,
      %add3A_731 = vector.broadcast %add3A_727 : i32 to vector<16xi32>
      %add3A_732 = arith.addi %get3A_345, %add3A_731 : vector<16xi32>
      %gather3A_733 = tpu.vector_load_idx %arg13[%add3A_337, %add3A_732] : memref<256x128xf32, #tpu.memory_space<vmem>>[vector<16xi32>, vector<16xi32>], vector<16xf32>,
      %mul3A_734 = arith.mulf %gather3A_730, %gather3A_733 : vector<16xf32>
      %add3A_735 = arith.addf %scan3A_710, %mul3A_734 : vector<16xf32>
      %mul3A_736 = arith.constant 4 : i32
      %mul3A_737 = arith.muli %scan3A_708, %mul3A_736 : i32
      %add3A_738 = arith.constant 2 : i32
      %add3A_739 = arith.addi %mul3A_737, %add3A_738 : i32
      %add3A_740 = vector.broadcast %add3A_739 : i32 to vector<16xi32>
      %add3A_741 = arith.addi %get3A_341, %add3A_740 : vector<16xi32>
      %gather3A_742 = tpu.vector_load_idx %arg12[%add3A_337, %add3A_741] : memref<256x128xf32, #tpu.memory_space<vmem>>[vector<16xi32>, vector<16xi32>], vector<16xf32>,
      %add3A_743 = vector.broadcast %add3A_739 : i32 to vector<16xi32>
      %add3A_744 = arith.addi %get3A_345, %add3A_743 : vector<16xi32>
      %gather3A_745 = tpu.vector_load_idx %arg13[%add3A_337, %add3A_744] : memref<256x128xf32, #tpu.memory_space<vmem>>[vector<16xi32>, vector<16xi32>], vector<16xf32>,
      %mul3A_746 = arith.mulf %gather3A_742, %gather3A_745 : vector<16xf32>
      %add3A_747 = arith.addf %scan3A_711, %mul3A_746 : vector<16xf32>
      %mul3A_748 = arith.constant 4 : i32
      %mul3A_749 = arith.muli %scan3A_708, %mul3A_748 : i32
      %add3A_750 = arith.constant 3 : i32
      %add3A_751 = arith.addi %mul3A_749, %add3A_750 : i32
      %add3A_752 = vector.broadcast %add3A_751 : i32 to vector<16xi32>
      %add3A_753 = arith.addi %get3A_341, %add3A_752 : vector<16xi32>
      %gather3A_754 = tpu.vector_load_idx %arg12[%add3A_337, %add3A_753] : memref<256x128xf32, #tpu.memory_space<vmem>>[vector<16xi32>, vector<16xi32>], vector<16xf32>,
      %add3A_755 = vector.broadcast %add3A_751 : i32 to vector<16xi32>
      %add3A_756 = arith.addi %get3A_345, %add3A_755 : vector<16xi32>
      %gather3A_757 = tpu.vector_load_idx %arg13[%add3A_337, %add3A_756] : memref<256x128xf32, #tpu.memory_space<vmem>>[vector<16xi32>, vector<16xi32>], vector<16xf32>,
      %mul3A_758 = arith.mulf %gather3A_754, %gather3A_757 : vector<16xf32>
      %add3A_759 = arith.addf %scan3A_712, %mul3A_758 : vector<16xf32>
      scf.yield %add3A_723, %add3A_735, %add3A_747, %add3A_759 : vector<16xf32>, vector<16xf32>, vector<16xf32>, vector<16xf32>
    }
    %scan3A_351 = arith.constant 16 : i32
    %dma_start3A_352 = arith.constant 2 : i32
    %dma_start3A_353 = arith.constant 0 : i32
    %dma_start3A_354 = arith.constant 0 : i32
    %dma_start3A_355 = tpu.memref_slice %arg12[%dma_start3A_353, %dma_start3A_354] : memref<256x128xf32, #tpu.memory_space<vmem>> -> memref<128x128xf32, #tpu.memory_space<vmem>>
    %dma_start3A_356 = arith.constant 0 : i32
    %dma_start3A_357 = tpu.memref_slice %arg8[%dma_start3A_352, %dma_start3A_356] : memref<4x128xi32, #tpu.memory_space<vmem>> -> memref<1x128xi32, #tpu.memory_space<vmem>>
    %dma_start3A_358 = tpu.memref_squeeze %dma_start3A_357 : memref<1x128xi32, #tpu.memory_space<vmem>> -> memref<128xi32, #tpu.memory_space<vmem>>
    %dma_start3A_359 = arith.constant 0 : i32
    %dma_start3A_360 = arith.constant 0 : i32
    %dma_start3A_361 = tpu.memref_slice %arg6[%dma_start3A_359, %dma_start3A_360] : memref<507904x128xf32, #tpu.memory_space<hbm>> -> memref<507904x128xf32, #tpu.memory_space<hbm>>
    tpu.enqueue_indirect_dma source(%dma_start3A_361 : memref<507904x128xf32, #tpu.memory_space<hbm>>) target(%dma_start3A_355 : memref<128x128xf32, #tpu.memory_space<vmem>>) offsets(%dma_start3A_358 : memref<128xi32, #tpu.memory_space<vmem>>) semaphore(%arg15 : memref<!tpu.dma_semaphore, #tpu.memory_space<semaphore_mem>>)
    %dma_start3A_362 = arith.constant 2 : i32
    %dma_start3A_363 = arith.constant 0 : i32
    %dma_start3A_364 = arith.constant 0 : i32
    %dma_start3A_365 = tpu.memref_slice %arg13[%dma_start3A_363, %dma_start3A_364] : memref<256x128xf32, #tpu.memory_space<vmem>> -> memref<128x128xf32, #tpu.memory_space<vmem>>
    %dma_start3A_366 = arith.constant 0 : i32
    %dma_start3A_367 = tpu.memref_slice %arg9[%dma_start3A_362, %dma_start3A_366] : memref<4x128xi32, #tpu.memory_space<vmem>> -> memref<1x128xi32, #tpu.memory_space<vmem>>
    %dma_start3A_368 = tpu.memref_squeeze %dma_start3A_367 : memref<1x128xi32, #tpu.memory_space<vmem>> -> memref<128xi32, #tpu.memory_space<vmem>>
    %dma_start3A_369 = arith.constant 0 : i32
    %dma_start3A_370 = arith.constant 0 : i32
    %dma_start3A_371 = tpu.memref_slice %arg6[%dma_start3A_369, %dma_start3A_370] : memref<507904x128xf32, #tpu.memory_space<hbm>> -> memref<507904x128xf32, #tpu.memory_space<hbm>>
    tpu.enqueue_indirect_dma source(%dma_start3A_371 : memref<507904x128xf32, #tpu.memory_space<hbm>>) target(%dma_start3A_365 : memref<128x128xf32, #tpu.memory_space<vmem>>) offsets(%dma_start3A_368 : memref<128xi32, #tpu.memory_space<vmem>>) semaphore(%arg15 : memref<!tpu.dma_semaphore, #tpu.memory_space<semaphore_mem>>)
    %dma_start3A_372 = arith.constant 3 : i32
    %dma_start3A_373 = arith.constant 128 : i32
    %dma_start3A_374 = arith.constant 0 : i32
    %dma_start3A_375 = tpu.memref_slice %arg12[%dma_start3A_373, %dma_start3A_374] : memref<256x128xf32, #tpu.memory_space<vmem>> -> memref<128x128xf32, #tpu.memory_space<vmem>>
    %dma_start3A_376 = arith.constant 0 : i32
    %dma_start3A_377 = tpu.memref_slice %arg8[%dma_start3A_372, %dma_start3A_376] : memref<4x128xi32, #tpu.memory_space<vmem>> -> memref<1x128xi32, #tpu.memory_space<vmem>>
    %dma_start3A_378 = tpu.memref_squeeze %dma_start3A_377 : memref<1x128xi32, #tpu.memory_space<vmem>> -> memref<128xi32, #tpu.memory_space<vmem>>
    %dma_start3A_379 = arith.constant 0 : i32
    %dma_start3A_380 = arith.constant 0 : i32
    %dma_start3A_381 = tpu.memref_slice %arg6[%dma_start3A_379, %dma_start3A_380] : memref<507904x128xf32, #tpu.memory_space<hbm>> -> memref<507904x128xf32, #tpu.memory_space<hbm>>
    tpu.enqueue_indirect_dma source(%dma_start3A_381 : memref<507904x128xf32, #tpu.memory_space<hbm>>) target(%dma_start3A_375 : memref<128x128xf32, #tpu.memory_space<vmem>>) offsets(%dma_start3A_378 : memref<128xi32, #tpu.memory_space<vmem>>) semaphore(%arg15 : memref<!tpu.dma_semaphore, #tpu.memory_space<semaphore_mem>>)
    %dma_start3A_382 = arith.constant 3 : i32
    %dma_start3A_383 = arith.constant 128 : i32
    %dma_start3A_384 = arith.constant 0 : i32
    %dma_start3A_385 = tpu.memref_slice %arg13[%dma_start3A_383, %dma_start3A_384] : memref<256x128xf32, #tpu.memory_space<vmem>> -> memref<128x128xf32, #tpu.memory_space<vmem>>
    %dma_start3A_386 = arith.constant 0 : i32
    %dma_start3A_387 = tpu.memref_slice %arg9[%dma_start3A_382, %dma_start3A_386] : memref<4x128xi32, #tpu.memory_space<vmem>> -> memref<1x128xi32, #tpu.memory_space<vmem>>
    %dma_start3A_388 = tpu.memref_squeeze %dma_start3A_387 : memref<1x128xi32, #tpu.memory_space<vmem>> -> memref<128xi32, #tpu.memory_space<vmem>>
    %dma_start3A_389 = arith.constant 0 : i32
    %dma_start3A_390 = arith.constant 0 : i32
    %dma_start3A_391 = tpu.memref_slice %arg6[%dma_start3A_389, %dma_start3A_390] : memref<507904x128xf32, #tpu.memory_space<hbm>> -> memref<507904x128xf32, #tpu.memory_space<hbm>>
    tpu.enqueue_indirect_dma source(%dma_start3A_391 : memref<507904x128xf32, #tpu.memory_space<hbm>>) target(%dma_start3A_385 : memref<128x128xf32, #tpu.memory_space<vmem>>) offsets(%dma_start3A_388 : memref<128xi32, #tpu.memory_space<vmem>>) semaphore(%arg15 : memref<!tpu.dma_semaphore, #tpu.memory_space<semaphore_mem>>)
    %dma_wait3A_392 = arith.constant 2 : i32
    %dma_wait3A_393 = arith.constant 0 : i32
    %dma_wait3A_394 = arith.constant 0 : i32
    %dma_wait3A_395 = tpu.memref_slice %arg12[%dma_wait3A_393, %dma_wait3A_394] : memref<256x128xf32, #tpu.memory_space<vmem>> -> memref<128x128xf32, #tpu.memory_space<vmem>>
    %dma_wait3A_396 = arith.constant 0 : i32
    %dma_wait3A_397 = tpu.memref_slice %arg8[%dma_wait3A_392, %dma_wait3A_396] : memref<4x128xi32, #tpu.memory_space<vmem>> -> memref<1x128xi32, #tpu.memory_space<vmem>>
    %dma_wait3A_398 = tpu.memref_squeeze %dma_wait3A_397 : memref<1x128xi32, #tpu.memory_space<vmem>> -> memref<128xi32, #tpu.memory_space<vmem>>
    %dma_wait3A_399 = arith.constant 0 : i32
    %dma_wait3A_400 = arith.constant 0 : i32
    %dma_wait3A_401 = tpu.memref_slice %arg6[%dma_wait3A_399, %dma_wait3A_400] : memref<507904x128xf32, #tpu.memory_space<hbm>> -> memref<507904x128xf32, #tpu.memory_space<hbm>>
    tpu.wait_indirect_dma semaphore(%arg15 : memref<!tpu.dma_semaphore, #tpu.memory_space<semaphore_mem>>) src(%dma_wait3A_401 : memref<507904x128xf32, #tpu.memory_space<hbm>>) dst(%dma_wait3A_395 : memref<128x128xf32, #tpu.memory_space<vmem>>)
    %dma_wait3A_402 = arith.constant 2 : i32
    %dma_wait3A_403 = arith.constant 0 : i32
    %dma_wait3A_404 = arith.constant 0 : i32
    %dma_wait3A_405 = tpu.memref_slice %arg13[%dma_wait3A_403, %dma_wait3A_404] : memref<256x128xf32, #tpu.memory_space<vmem>> -> memref<128x128xf32, #tpu.memory_space<vmem>>
    %dma_wait3A_406 = arith.constant 0 : i32
    %dma_wait3A_407 = tpu.memref_slice %arg9[%dma_wait3A_402, %dma_wait3A_406] : memref<4x128xi32, #tpu.memory_space<vmem>> -> memref<1x128xi32, #tpu.memory_space<vmem>>
    %dma_wait3A_408 = tpu.memref_squeeze %dma_wait3A_407 : memref<1x128xi32, #tpu.memory_space<vmem>> -> memref<128xi32, #tpu.memory_space<vmem>>
    %dma_wait3A_409 = arith.constant 0 : i32
    %dma_wait3A_410 = arith.constant 0 : i32
    %dma_wait3A_411 = tpu.memref_slice %arg6[%dma_wait3A_409, %dma_wait3A_410] : memref<507904x128xf32, #tpu.memory_space<hbm>> -> memref<507904x128xf32, #tpu.memory_space<hbm>>
    tpu.wait_indirect_dma semaphore(%arg15 : memref<!tpu.dma_semaphore, #tpu.memory_space<semaphore_mem>>) src(%dma_wait3A_411 : memref<507904x128xf32, #tpu.memory_space<hbm>>) dst(%dma_wait3A_405 : memref<128x128xf32, #tpu.memory_space<vmem>>)
    %dma_wait3A_412 = arith.constant 3 : i32
    %dma_wait3A_413 = arith.constant 128 : i32
    %dma_wait3A_414 = arith.constant 0 : i32
    %dma_wait3A_415 = tpu.memref_slice %arg12[%dma_wait3A_413, %dma_wait3A_414] : memref<256x128xf32, #tpu.memory_space<vmem>> -> memref<128x128xf32, #tpu.memory_space<vmem>>
    %dma_wait3A_416 = arith.constant 0 : i32
    %dma_wait3A_417 = tpu.memref_slice %arg8[%dma_wait3A_412, %dma_wait3A_416] : memref<4x128xi32, #tpu.memory_space<vmem>> -> memref<1x128xi32, #tpu.memory_space<vmem>>
    %dma_wait3A_418 = tpu.memref_squeeze %dma_wait3A_417 : memref<1x128xi32, #tpu.memory_space<vmem>> -> memref<128xi32, #tpu.memory_space<vmem>>
    %dma_wait3A_419 = arith.constant 0 : i32
    %dma_wait3A_420 = arith.constant 0 : i32
    %dma_wait3A_421 = tpu.memref_slice %arg6[%dma_wait3A_419, %dma_wait3A_420] : memref<507904x128xf32, #tpu.memory_space<hbm>> -> memref<507904x128xf32, #tpu.memory_space<hbm>>
    tpu.wait_indirect_dma semaphore(%arg15 : memref<!tpu.dma_semaphore, #tpu.memory_space<semaphore_mem>>) src(%dma_wait3A_421 : memref<507904x128xf32, #tpu.memory_space<hbm>>) dst(%dma_wait3A_415 : memref<128x128xf32, #tpu.memory_space<vmem>>)
    %dma_wait3A_422 = arith.constant 3 : i32
    %dma_wait3A_423 = arith.constant 128 : i32
    %dma_wait3A_424 = arith.constant 0 : i32
    %dma_wait3A_425 = tpu.memref_slice %arg13[%dma_wait3A_423, %dma_wait3A_424] : memref<256x128xf32, #tpu.memory_space<vmem>> -> memref<128x128xf32, #tpu.memory_space<vmem>>
    %dma_wait3A_426 = arith.constant 0 : i32
    %dma_wait3A_427 = tpu.memref_slice %arg9[%dma_wait3A_422, %dma_wait3A_426] : memref<4x128xi32, #tpu.memory_space<vmem>> -> memref<1x128xi32, #tpu.memory_space<vmem>>
    %dma_wait3A_428 = tpu.memref_squeeze %dma_wait3A_427 : memref<1x128xi32, #tpu.memory_space<vmem>> -> memref<128xi32, #tpu.memory_space<vmem>>
    %dma_wait3A_429 = arith.constant 0 : i32
    %dma_wait3A_430 = arith.constant 0 : i32
    %dma_wait3A_431 = tpu.memref_slice %arg6[%dma_wait3A_429, %dma_wait3A_430] : memref<507904x128xf32, #tpu.memory_space<hbm>> -> memref<507904x128xf32, #tpu.memory_space<hbm>>
    tpu.wait_indirect_dma semaphore(%arg15 : memref<!tpu.dma_semaphore, #tpu.memory_space<semaphore_mem>>) src(%dma_wait3A_431 : memref<507904x128xf32, #tpu.memory_space<hbm>>) dst(%dma_wait3A_425 : memref<128x128xf32, #tpu.memory_space<vmem>>)
    %add3A_432 = arith.constant 0 : i32
    %add3A_433 = vector.broadcast %add3A_432 : i32 to vector<16xi32>
    %add3A_434 = arith.addi %add3A_433, %iota3A : vector<16xi32>
    %get3A_435 = arith.constant 2 : i32
    %get3A_436 = arith.index_cast %get3A_435 : i32 to index
    %get3A_437 = arith.constant 0 : index
    %get3A_438 = tpu.vector_load %arg10[%get3A_436, %get3A_437] {strides = array<i32>} : memref<4x128xi32, #tpu.memory_space<vmem>>, vector<16xi32>,
    %get3A_439 = arith.constant 2 : i32
    %get3A_440 = arith.index_cast %get3A_439 : i32 to index
    %get3A_441 = arith.constant 0 : index
    %get3A_442 = tpu.vector_load %arg11[%get3A_440, %get3A_441] {strides = array<i32>} : memref<4x128xi32, #tpu.memory_space<vmem>>, vector<16xi32>,
    %scan3A_443 = arith.constant 0 : i32
    %scan3A_444 = arith.constant 16 : i32
    %scan3A_445 = arith.addi %scan3A_443, %scan3A_444 : i32
    %scan3A_446 = arith.constant 1 : i32
    %scan3A_447:4 = scf.for %scan3A_708 = %scan3A_443 to %scan3A_445 step %scan3A_446 iter_args(%scan3A_709 = %scan3A_350#0, %scan3A_710 = %scan3A_350#1, %scan3A_711 = %scan3A_350#2, %scan3A_712 = %scan3A_350#3) -> (vector<16xf32>, vector<16xf32>, vector<16xf32>, vector<16xf32>)  : i32 {
      %mul3A_713 = arith.constant 4 : i32
      %mul3A_714 = arith.muli %scan3A_708, %mul3A_713 : i32
      %add3A_715 = arith.constant 0 : i32
      %add3A_716 = arith.addi %mul3A_714, %add3A_715 : i32
      %add3A_717 = vector.broadcast %add3A_716 : i32 to vector<16xi32>
      %add3A_718 = arith.addi %get3A_438, %add3A_717 : vector<16xi32>
      %gather3A = tpu.vector_load_idx %arg12[%add3A_434, %add3A_718] : memref<256x128xf32, #tpu.memory_space<vmem>>[vector<16xi32>, vector<16xi32>], vector<16xf32>,
      %add3A_719 = vector.broadcast %add3A_716 : i32 to vector<16xi32>
      %add3A_720 = arith.addi %get3A_442, %add3A_719 : vector<16xi32>
      %gather3A_721 = tpu.vector_load_idx %arg13[%add3A_434, %add3A_720] : memref<256x128xf32, #tpu.memory_space<vmem>>[vector<16xi32>, vector<16xi32>], vector<16xf32>,
      %mul3A_722 = arith.mulf %gather3A, %gather3A_721 : vector<16xf32>
      %add3A_723 = arith.addf %scan3A_709, %mul3A_722 : vector<16xf32>
      %mul3A_724 = arith.constant 4 : i32
      %mul3A_725 = arith.muli %scan3A_708, %mul3A_724 : i32
      %add3A_726 = arith.constant 1 : i32
      %add3A_727 = arith.addi %mul3A_725, %add3A_726 : i32
      %add3A_728 = vector.broadcast %add3A_727 : i32 to vector<16xi32>
      %add3A_729 = arith.addi %get3A_438, %add3A_728 : vector<16xi32>
      %gather3A_730 = tpu.vector_load_idx %arg12[%add3A_434, %add3A_729] : memref<256x128xf32, #tpu.memory_space<vmem>>[vector<16xi32>, vector<16xi32>], vector<16xf32>,
      %add3A_731 = vector.broadcast %add3A_727 : i32 to vector<16xi32>
      %add3A_732 = arith.addi %get3A_442, %add3A_731 : vector<16xi32>
      %gather3A_733 = tpu.vector_load_idx %arg13[%add3A_434, %add3A_732] : memref<256x128xf32, #tpu.memory_space<vmem>>[vector<16xi32>, vector<16xi32>], vector<16xf32>,
      %mul3A_734 = arith.mulf %gather3A_730, %gather3A_733 : vector<16xf32>
      %add3A_735 = arith.addf %scan3A_710, %mul3A_734 : vector<16xf32>
      %mul3A_736 = arith.constant 4 : i32
      %mul3A_737 = arith.muli %scan3A_708, %mul3A_736 : i32
      %add3A_738 = arith.constant 2 : i32
      %add3A_739 = arith.addi %mul3A_737, %add3A_738 : i32
      %add3A_740 = vector.broadcast %add3A_739 : i32 to vector<16xi32>
      %add3A_741 = arith.addi %get3A_438, %add3A_740 : vector<16xi32>
      %gather3A_742 = tpu.vector_load_idx %arg12[%add3A_434, %add3A_741] : memref<256x128xf32, #tpu.memory_space<vmem>>[vector<16xi32>, vector<16xi32>], vector<16xf32>,
      %add3A_743 = vector.broadcast %add3A_739 : i32 to vector<16xi32>
      %add3A_744 = arith.addi %get3A_442, %add3A_743 : vector<16xi32>
      %gather3A_745 = tpu.vector_load_idx %arg13[%add3A_434, %add3A_744] : memref<256x128xf32, #tpu.memory_space<vmem>>[vector<16xi32>, vector<16xi32>], vector<16xf32>,
      %mul3A_746 = arith.mulf %gather3A_742, %gather3A_745 : vector<16xf32>
      %add3A_747 = arith.addf %scan3A_711, %mul3A_746 : vector<16xf32>
      %mul3A_748 = arith.constant 4 : i32
      %mul3A_749 = arith.muli %scan3A_708, %mul3A_748 : i32
      %add3A_750 = arith.constant 3 : i32
      %add3A_751 = arith.addi %mul3A_749, %add3A_750 : i32
      %add3A_752 = vector.broadcast %add3A_751 : i32 to vector<16xi32>
      %add3A_753 = arith.addi %get3A_438, %add3A_752 : vector<16xi32>
      %gather3A_754 = tpu.vector_load_idx %arg12[%add3A_434, %add3A_753] : memref<256x128xf32, #tpu.memory_space<vmem>>[vector<16xi32>, vector<16xi32>], vector<16xf32>,
      %add3A_755 = vector.broadcast %add3A_751 : i32 to vector<16xi32>
      %add3A_756 = arith.addi %get3A_442, %add3A_755 : vector<16xi32>
      %gather3A_757 = tpu.vector_load_idx %arg13[%add3A_434, %add3A_756] : memref<256x128xf32, #tpu.memory_space<vmem>>[vector<16xi32>, vector<16xi32>], vector<16xf32>,
      %mul3A_758 = arith.mulf %gather3A_754, %gather3A_757 : vector<16xf32>
      %add3A_759 = arith.addf %scan3A_712, %mul3A_758 : vector<16xf32>
      scf.yield %add3A_723, %add3A_735, %add3A_747, %add3A_759 : vector<16xf32>, vector<16xf32>, vector<16xf32>, vector<16xf32>
    }
    %scan3A_448 = arith.constant 16 : i32
    %add3A_449 = arith.constant 16 : i32
    %add3A_450 = vector.broadcast %add3A_449 : i32 to vector<16xi32>
    %add3A_451 = arith.addi %add3A_450, %iota3A : vector<16xi32>
    %get3A_452 = arith.constant 2 : i32
    %get3A_453 = arith.index_cast %get3A_452 : i32 to index
    %get3A_454 = arith.constant 16 : index
    %get3A_455 = tpu.vector_load %arg10[%get3A_453, %get3A_454] {strides = array<i32>} : memref<4x128xi32, #tpu.memory_space<vmem>>, vector<16xi32>,
    %get3A_456 = arith.constant 2 : i32
    %get3A_457 = arith.index_cast %get3A_456 : i32 to index
    %get3A_458 = arith.constant 16 : index
    %get3A_459 = tpu.vector_load %arg11[%get3A_457, %get3A_458] {strides = array<i32>} : memref<4x128xi32, #tpu.memory_space<vmem>>, vector<16xi32>,
    %scan3A_460 = arith.constant 0 : i32
    %scan3A_461 = arith.constant 16 : i32
    %scan3A_462 = arith.addi %scan3A_460, %scan3A_461 : i32
    %scan3A_463 = arith.constant 1 : i32
    %scan3A_464:4 = scf.for %scan3A_708 = %scan3A_460 to %scan3A_462 step %scan3A_463 iter_args(%scan3A_709 = %scan3A_447#0, %scan3A_710 = %scan3A_447#1, %scan3A_711 = %scan3A_447#2, %scan3A_712 = %scan3A_447#3) -> (vector<16xf32>, vector<16xf32>, vector<16xf32>, vector<16xf32>)  : i32 {
      %mul3A_713 = arith.constant 4 : i32
      %mul3A_714 = arith.muli %scan3A_708, %mul3A_713 : i32
      %add3A_715 = arith.constant 0 : i32
      %add3A_716 = arith.addi %mul3A_714, %add3A_715 : i32
      %add3A_717 = vector.broadcast %add3A_716 : i32 to vector<16xi32>
      %add3A_718 = arith.addi %get3A_455, %add3A_717 : vector<16xi32>
      %gather3A = tpu.vector_load_idx %arg12[%add3A_451, %add3A_718] : memref<256x128xf32, #tpu.memory_space<vmem>>[vector<16xi32>, vector<16xi32>], vector<16xf32>,
      %add3A_719 = vector.broadcast %add3A_716 : i32 to vector<16xi32>
      %add3A_720 = arith.addi %get3A_459, %add3A_719 : vector<16xi32>
      %gather3A_721 = tpu.vector_load_idx %arg13[%add3A_451, %add3A_720] : memref<256x128xf32, #tpu.memory_space<vmem>>[vector<16xi32>, vector<16xi32>], vector<16xf32>,
      %mul3A_722 = arith.mulf %gather3A, %gather3A_721 : vector<16xf32>
      %add3A_723 = arith.addf %scan3A_709, %mul3A_722 : vector<16xf32>
      %mul3A_724 = arith.constant 4 : i32
      %mul3A_725 = arith.muli %scan3A_708, %mul3A_724 : i32
      %add3A_726 = arith.constant 1 : i32
      %add3A_727 = arith.addi %mul3A_725, %add3A_726 : i32
      %add3A_728 = vector.broadcast %add3A_727 : i32 to vector<16xi32>
      %add3A_729 = arith.addi %get3A_455, %add3A_728 : vector<16xi32>
      %gather3A_730 = tpu.vector_load_idx %arg12[%add3A_451, %add3A_729] : memref<256x128xf32, #tpu.memory_space<vmem>>[vector<16xi32>, vector<16xi32>], vector<16xf32>,
      %add3A_731 = vector.broadcast %add3A_727 : i32 to vector<16xi32>
      %add3A_732 = arith.addi %get3A_459, %add3A_731 : vector<16xi32>
      %gather3A_733 = tpu.vector_load_idx %arg13[%add3A_451, %add3A_732] : memref<256x128xf32, #tpu.memory_space<vmem>>[vector<16xi32>, vector<16xi32>], vector<16xf32>,
      %mul3A_734 = arith.mulf %gather3A_730, %gather3A_733 : vector<16xf32>
      %add3A_735 = arith.addf %scan3A_710, %mul3A_734 : vector<16xf32>
      %mul3A_736 = arith.constant 4 : i32
      %mul3A_737 = arith.muli %scan3A_708, %mul3A_736 : i32
      %add3A_738 = arith.constant 2 : i32
      %add3A_739 = arith.addi %mul3A_737, %add3A_738 : i32
      %add3A_740 = vector.broadcast %add3A_739 : i32 to vector<16xi32>
      %add3A_741 = arith.addi %get3A_455, %add3A_740 : vector<16xi32>
      %gather3A_742 = tpu.vector_load_idx %arg12[%add3A_451, %add3A_741] : memref<256x128xf32, #tpu.memory_space<vmem>>[vector<16xi32>, vector<16xi32>], vector<16xf32>,
      %add3A_743 = vector.broadcast %add3A_739 : i32 to vector<16xi32>
      %add3A_744 = arith.addi %get3A_459, %add3A_743 : vector<16xi32>
      %gather3A_745 = tpu.vector_load_idx %arg13[%add3A_451, %add3A_744] : memref<256x128xf32, #tpu.memory_space<vmem>>[vector<16xi32>, vector<16xi32>], vector<16xf32>,
      %mul3A_746 = arith.mulf %gather3A_742, %gather3A_745 : vector<16xf32>
      %add3A_747 = arith.addf %scan3A_711, %mul3A_746 : vector<16xf32>
      %mul3A_748 = arith.constant 4 : i32
      %mul3A_749 = arith.muli %scan3A_708, %mul3A_748 : i32
      %add3A_750 = arith.constant 3 : i32
      %add3A_751 = arith.addi %mul3A_749, %add3A_750 : i32
      %add3A_752 = vector.broadcast %add3A_751 : i32 to vector<16xi32>
      %add3A_753 = arith.addi %get3A_455, %add3A_752 : vector<16xi32>
      %gather3A_754 = tpu.vector_load_idx %arg12[%add3A_451, %add3A_753] : memref<256x128xf32, #tpu.memory_space<vmem>>[vector<16xi32>, vector<16xi32>], vector<16xf32>,
      %add3A_755 = vector.broadcast %add3A_751 : i32 to vector<16xi32>
      %add3A_756 = arith.addi %get3A_459, %add3A_755 : vector<16xi32>
      %gather3A_757 = tpu.vector_load_idx %arg13[%add3A_451, %add3A_756] : memref<256x128xf32, #tpu.memory_space<vmem>>[vector<16xi32>, vector<16xi32>], vector<16xf32>,
      %mul3A_758 = arith.mulf %gather3A_754, %gather3A_757 : vector<16xf32>
      %add3A_759 = arith.addf %scan3A_712, %mul3A_758 : vector<16xf32>
      scf.yield %add3A_723, %add3A_735, %add3A_747, %add3A_759 : vector<16xf32>, vector<16xf32>, vector<16xf32>, vector<16xf32>
    }
    %scan3A_465 = arith.constant 16 : i32
    %add3A_466 = arith.constant 32 : i32
    %add3A_467 = vector.broadcast %add3A_466 : i32 to vector<16xi32>
    %add3A_468 = arith.addi %add3A_467, %iota3A : vector<16xi32>
    %get3A_469 = arith.constant 2 : i32
    %get3A_470 = arith.index_cast %get3A_469 : i32 to index
    %get3A_471 = arith.constant 32 : index
    %get3A_472 = tpu.vector_load %arg10[%get3A_470, %get3A_471] {strides = array<i32>} : memref<4x128xi32, #tpu.memory_space<vmem>>, vector<16xi32>,
    %get3A_473 = arith.constant 2 : i32
    %get3A_474 = arith.index_cast %get3A_473 : i32 to index
    %get3A_475 = arith.constant 32 : index
    %get3A_476 = tpu.vector_load %arg11[%get3A_474, %get3A_475] {strides = array<i32>} : memref<4x128xi32, #tpu.memory_space<vmem>>, vector<16xi32>,
    %scan3A_477 = arith.constant 0 : i32
    %scan3A_478 = arith.constant 16 : i32
    %scan3A_479 = arith.addi %scan3A_477, %scan3A_478 : i32
    %scan3A_480 = arith.constant 1 : i32
    %scan3A_481:4 = scf.for %scan3A_708 = %scan3A_477 to %scan3A_479 step %scan3A_480 iter_args(%scan3A_709 = %scan3A_464#0, %scan3A_710 = %scan3A_464#1, %scan3A_711 = %scan3A_464#2, %scan3A_712 = %scan3A_464#3) -> (vector<16xf32>, vector<16xf32>, vector<16xf32>, vector<16xf32>)  : i32 {
      %mul3A_713 = arith.constant 4 : i32
      %mul3A_714 = arith.muli %scan3A_708, %mul3A_713 : i32
      %add3A_715 = arith.constant 0 : i32
      %add3A_716 = arith.addi %mul3A_714, %add3A_715 : i32
      %add3A_717 = vector.broadcast %add3A_716 : i32 to vector<16xi32>
      %add3A_718 = arith.addi %get3A_472, %add3A_717 : vector<16xi32>
      %gather3A = tpu.vector_load_idx %arg12[%add3A_468, %add3A_718] : memref<256x128xf32, #tpu.memory_space<vmem>>[vector<16xi32>, vector<16xi32>], vector<16xf32>,
      %add3A_719 = vector.broadcast %add3A_716 : i32 to vector<16xi32>
      %add3A_720 = arith.addi %get3A_476, %add3A_719 : vector<16xi32>
      %gather3A_721 = tpu.vector_load_idx %arg13[%add3A_468, %add3A_720] : memref<256x128xf32, #tpu.memory_space<vmem>>[vector<16xi32>, vector<16xi32>], vector<16xf32>,
      %mul3A_722 = arith.mulf %gather3A, %gather3A_721 : vector<16xf32>
      %add3A_723 = arith.addf %scan3A_709, %mul3A_722 : vector<16xf32>
      %mul3A_724 = arith.constant 4 : i32
      %mul3A_725 = arith.muli %scan3A_708, %mul3A_724 : i32
      %add3A_726 = arith.constant 1 : i32
      %add3A_727 = arith.addi %mul3A_725, %add3A_726 : i32
      %add3A_728 = vector.broadcast %add3A_727 : i32 to vector<16xi32>
      %add3A_729 = arith.addi %get3A_472, %add3A_728 : vector<16xi32>
      %gather3A_730 = tpu.vector_load_idx %arg12[%add3A_468, %add3A_729] : memref<256x128xf32, #tpu.memory_space<vmem>>[vector<16xi32>, vector<16xi32>], vector<16xf32>,
      %add3A_731 = vector.broadcast %add3A_727 : i32 to vector<16xi32>
      %add3A_732 = arith.addi %get3A_476, %add3A_731 : vector<16xi32>
      %gather3A_733 = tpu.vector_load_idx %arg13[%add3A_468, %add3A_732] : memref<256x128xf32, #tpu.memory_space<vmem>>[vector<16xi32>, vector<16xi32>], vector<16xf32>,
      %mul3A_734 = arith.mulf %gather3A_730, %gather3A_733 : vector<16xf32>
      %add3A_735 = arith.addf %scan3A_710, %mul3A_734 : vector<16xf32>
      %mul3A_736 = arith.constant 4 : i32
      %mul3A_737 = arith.muli %scan3A_708, %mul3A_736 : i32
      %add3A_738 = arith.constant 2 : i32
      %add3A_739 = arith.addi %mul3A_737, %add3A_738 : i32
      %add3A_740 = vector.broadcast %add3A_739 : i32 to vector<16xi32>
      %add3A_741 = arith.addi %get3A_472, %add3A_740 : vector<16xi32>
      %gather3A_742 = tpu.vector_load_idx %arg12[%add3A_468, %add3A_741] : memref<256x128xf32, #tpu.memory_space<vmem>>[vector<16xi32>, vector<16xi32>], vector<16xf32>,
      %add3A_743 = vector.broadcast %add3A_739 : i32 to vector<16xi32>
      %add3A_744 = arith.addi %get3A_476, %add3A_743 : vector<16xi32>
      %gather3A_745 = tpu.vector_load_idx %arg13[%add3A_468, %add3A_744] : memref<256x128xf32, #tpu.memory_space<vmem>>[vector<16xi32>, vector<16xi32>], vector<16xf32>,
      %mul3A_746 = arith.mulf %gather3A_742, %gather3A_745 : vector<16xf32>
      %add3A_747 = arith.addf %scan3A_711, %mul3A_746 : vector<16xf32>
      %mul3A_748 = arith.constant 4 : i32
      %mul3A_749 = arith.muli %scan3A_708, %mul3A_748 : i32
      %add3A_750 = arith.constant 3 : i32
      %add3A_751 = arith.addi %mul3A_749, %add3A_750 : i32
      %add3A_752 = vector.broadcast %add3A_751 : i32 to vector<16xi32>
      %add3A_753 = arith.addi %get3A_472, %add3A_752 : vector<16xi32>
      %gather3A_754 = tpu.vector_load_idx %arg12[%add3A_468, %add3A_753] : memref<256x128xf32, #tpu.memory_space<vmem>>[vector<16xi32>, vector<16xi32>], vector<16xf32>,
      %add3A_755 = vector.broadcast %add3A_751 : i32 to vector<16xi32>
      %add3A_756 = arith.addi %get3A_476, %add3A_755 : vector<16xi32>
      %gather3A_757 = tpu.vector_load_idx %arg13[%add3A_468, %add3A_756] : memref<256x128xf32, #tpu.memory_space<vmem>>[vector<16xi32>, vector<16xi32>], vector<16xf32>,
      %mul3A_758 = arith.mulf %gather3A_754, %gather3A_757 : vector<16xf32>
      %add3A_759 = arith.addf %scan3A_712, %mul3A_758 : vector<16xf32>
      scf.yield %add3A_723, %add3A_735, %add3A_747, %add3A_759 : vector<16xf32>, vector<16xf32>, vector<16xf32>, vector<16xf32>
    }
    %scan3A_482 = arith.constant 16 : i32
    %add3A_483 = arith.constant 48 : i32
    %add3A_484 = vector.broadcast %add3A_483 : i32 to vector<16xi32>
    %add3A_485 = arith.addi %add3A_484, %iota3A : vector<16xi32>
    %get3A_486 = arith.constant 2 : i32
    %get3A_487 = arith.index_cast %get3A_486 : i32 to index
    %get3A_488 = arith.constant 48 : index
    %get3A_489 = tpu.vector_load %arg10[%get3A_487, %get3A_488] {strides = array<i32>} : memref<4x128xi32, #tpu.memory_space<vmem>>, vector<16xi32>,
    %get3A_490 = arith.constant 2 : i32
    %get3A_491 = arith.index_cast %get3A_490 : i32 to index
    %get3A_492 = arith.constant 48 : index
    %get3A_493 = tpu.vector_load %arg11[%get3A_491, %get3A_492] {strides = array<i32>} : memref<4x128xi32, #tpu.memory_space<vmem>>, vector<16xi32>,
    %scan3A_494 = arith.constant 0 : i32
    %scan3A_495 = arith.constant 16 : i32
    %scan3A_496 = arith.addi %scan3A_494, %scan3A_495 : i32
    %scan3A_497 = arith.constant 1 : i32
    %scan3A_498:4 = scf.for %scan3A_708 = %scan3A_494 to %scan3A_496 step %scan3A_497 iter_args(%scan3A_709 = %scan3A_481#0, %scan3A_710 = %scan3A_481#1, %scan3A_711 = %scan3A_481#2, %scan3A_712 = %scan3A_481#3) -> (vector<16xf32>, vector<16xf32>, vector<16xf32>, vector<16xf32>)  : i32 {
      %mul3A_713 = arith.constant 4 : i32
      %mul3A_714 = arith.muli %scan3A_708, %mul3A_713 : i32
      %add3A_715 = arith.constant 0 : i32
      %add3A_716 = arith.addi %mul3A_714, %add3A_715 : i32
      %add3A_717 = vector.broadcast %add3A_716 : i32 to vector<16xi32>
      %add3A_718 = arith.addi %get3A_489, %add3A_717 : vector<16xi32>
      %gather3A = tpu.vector_load_idx %arg12[%add3A_485, %add3A_718] : memref<256x128xf32, #tpu.memory_space<vmem>>[vector<16xi32>, vector<16xi32>], vector<16xf32>,
      %add3A_719 = vector.broadcast %add3A_716 : i32 to vector<16xi32>
      %add3A_720 = arith.addi %get3A_493, %add3A_719 : vector<16xi32>
      %gather3A_721 = tpu.vector_load_idx %arg13[%add3A_485, %add3A_720] : memref<256x128xf32, #tpu.memory_space<vmem>>[vector<16xi32>, vector<16xi32>], vector<16xf32>,
      %mul3A_722 = arith.mulf %gather3A, %gather3A_721 : vector<16xf32>
      %add3A_723 = arith.addf %scan3A_709, %mul3A_722 : vector<16xf32>
      %mul3A_724 = arith.constant 4 : i32
      %mul3A_725 = arith.muli %scan3A_708, %mul3A_724 : i32
      %add3A_726 = arith.constant 1 : i32
      %add3A_727 = arith.addi %mul3A_725, %add3A_726 : i32
      %add3A_728 = vector.broadcast %add3A_727 : i32 to vector<16xi32>
      %add3A_729 = arith.addi %get3A_489, %add3A_728 : vector<16xi32>
      %gather3A_730 = tpu.vector_load_idx %arg12[%add3A_485, %add3A_729] : memref<256x128xf32, #tpu.memory_space<vmem>>[vector<16xi32>, vector<16xi32>], vector<16xf32>,
      %add3A_731 = vector.broadcast %add3A_727 : i32 to vector<16xi32>
      %add3A_732 = arith.addi %get3A_493, %add3A_731 : vector<16xi32>
      %gather3A_733 = tpu.vector_load_idx %arg13[%add3A_485, %add3A_732] : memref<256x128xf32, #tpu.memory_space<vmem>>[vector<16xi32>, vector<16xi32>], vector<16xf32>,
      %mul3A_734 = arith.mulf %gather3A_730, %gather3A_733 : vector<16xf32>
      %add3A_735 = arith.addf %scan3A_710, %mul3A_734 : vector<16xf32>
      %mul3A_736 = arith.constant 4 : i32
      %mul3A_737 = arith.muli %scan3A_708, %mul3A_736 : i32
      %add3A_738 = arith.constant 2 : i32
      %add3A_739 = arith.addi %mul3A_737, %add3A_738 : i32
      %add3A_740 = vector.broadcast %add3A_739 : i32 to vector<16xi32>
      %add3A_741 = arith.addi %get3A_489, %add3A_740 : vector<16xi32>
      %gather3A_742 = tpu.vector_load_idx %arg12[%add3A_485, %add3A_741] : memref<256x128xf32, #tpu.memory_space<vmem>>[vector<16xi32>, vector<16xi32>], vector<16xf32>,
      %add3A_743 = vector.broadcast %add3A_739 : i32 to vector<16xi32>
      %add3A_744 = arith.addi %get3A_493, %add3A_743 : vector<16xi32>
      %gather3A_745 = tpu.vector_load_idx %arg13[%add3A_485, %add3A_744] : memref<256x128xf32, #tpu.memory_space<vmem>>[vector<16xi32>, vector<16xi32>], vector<16xf32>,
      %mul3A_746 = arith.mulf %gather3A_742, %gather3A_745 : vector<16xf32>
      %add3A_747 = arith.addf %scan3A_711, %mul3A_746 : vector<16xf32>
      %mul3A_748 = arith.constant 4 : i32
      %mul3A_749 = arith.muli %scan3A_708, %mul3A_748 : i32
      %add3A_750 = arith.constant 3 : i32
      %add3A_751 = arith.addi %mul3A_749, %add3A_750 : i32
      %add3A_752 = vector.broadcast %add3A_751 : i32 to vector<16xi32>
      %add3A_753 = arith.addi %get3A_489, %add3A_752 : vector<16xi32>
      %gather3A_754 = tpu.vector_load_idx %arg12[%add3A_485, %add3A_753] : memref<256x128xf32, #tpu.memory_space<vmem>>[vector<16xi32>, vector<16xi32>], vector<16xf32>,
      %add3A_755 = vector.broadcast %add3A_751 : i32 to vector<16xi32>
      %add3A_756 = arith.addi %get3A_493, %add3A_755 : vector<16xi32>
      %gather3A_757 = tpu.vector_load_idx %arg13[%add3A_485, %add3A_756] : memref<256x128xf32, #tpu.memory_space<vmem>>[vector<16xi32>, vector<16xi32>], vector<16xf32>,
      %mul3A_758 = arith.mulf %gather3A_754, %gather3A_757 : vector<16xf32>
      %add3A_759 = arith.addf %scan3A_712, %mul3A_758 : vector<16xf32>
      scf.yield %add3A_723, %add3A_735, %add3A_747, %add3A_759 : vector<16xf32>, vector<16xf32>, vector<16xf32>, vector<16xf32>
    }
    %scan3A_499 = arith.constant 16 : i32
    %add3A_500 = arith.constant 64 : i32
    %add3A_501 = vector.broadcast %add3A_500 : i32 to vector<16xi32>
    %add3A_502 = arith.addi %add3A_501, %iota3A : vector<16xi32>
    %get3A_503 = arith.constant 2 : i32
    %get3A_504 = arith.index_cast %get3A_503 : i32 to index
    %get3A_505 = arith.constant 64 : index
    %get3A_506 = tpu.vector_load %arg10[%get3A_504, %get3A_505] {strides = array<i32>} : memref<4x128xi32, #tpu.memory_space<vmem>>, vector<16xi32>,
    %get3A_507 = arith.constant 2 : i32
    %get3A_508 = arith.index_cast %get3A_507 : i32 to index
    %get3A_509 = arith.constant 64 : index
    %get3A_510 = tpu.vector_load %arg11[%get3A_508, %get3A_509] {strides = array<i32>} : memref<4x128xi32, #tpu.memory_space<vmem>>, vector<16xi32>,
    %scan3A_511 = arith.constant 0 : i32
    %scan3A_512 = arith.constant 16 : i32
    %scan3A_513 = arith.addi %scan3A_511, %scan3A_512 : i32
    %scan3A_514 = arith.constant 1 : i32
    %scan3A_515:4 = scf.for %scan3A_708 = %scan3A_511 to %scan3A_513 step %scan3A_514 iter_args(%scan3A_709 = %scan3A_498#0, %scan3A_710 = %scan3A_498#1, %scan3A_711 = %scan3A_498#2, %scan3A_712 = %scan3A_498#3) -> (vector<16xf32>, vector<16xf32>, vector<16xf32>, vector<16xf32>)  : i32 {
      %mul3A_713 = arith.constant 4 : i32
      %mul3A_714 = arith.muli %scan3A_708, %mul3A_713 : i32
      %add3A_715 = arith.constant 0 : i32
      %add3A_716 = arith.addi %mul3A_714, %add3A_715 : i32
      %add3A_717 = vector.broadcast %add3A_716 : i32 to vector<16xi32>
      %add3A_718 = arith.addi %get3A_506, %add3A_717 : vector<16xi32>
      %gather3A = tpu.vector_load_idx %arg12[%add3A_502, %add3A_718] : memref<256x128xf32, #tpu.memory_space<vmem>>[vector<16xi32>, vector<16xi32>], vector<16xf32>,
      %add3A_719 = vector.broadcast %add3A_716 : i32 to vector<16xi32>
      %add3A_720 = arith.addi %get3A_510, %add3A_719 : vector<16xi32>
      %gather3A_721 = tpu.vector_load_idx %arg13[%add3A_502, %add3A_720] : memref<256x128xf32, #tpu.memory_space<vmem>>[vector<16xi32>, vector<16xi32>], vector<16xf32>,
      %mul3A_722 = arith.mulf %gather3A, %gather3A_721 : vector<16xf32>
      %add3A_723 = arith.addf %scan3A_709, %mul3A_722 : vector<16xf32>
      %mul3A_724 = arith.constant 4 : i32
      %mul3A_725 = arith.muli %scan3A_708, %mul3A_724 : i32
      %add3A_726 = arith.constant 1 : i32
      %add3A_727 = arith.addi %mul3A_725, %add3A_726 : i32
      %add3A_728 = vector.broadcast %add3A_727 : i32 to vector<16xi32>
      %add3A_729 = arith.addi %get3A_506, %add3A_728 : vector<16xi32>
      %gather3A_730 = tpu.vector_load_idx %arg12[%add3A_502, %add3A_729] : memref<256x128xf32, #tpu.memory_space<vmem>>[vector<16xi32>, vector<16xi32>], vector<16xf32>,
      %add3A_731 = vector.broadcast %add3A_727 : i32 to vector<16xi32>
      %add3A_732 = arith.addi %get3A_510, %add3A_731 : vector<16xi32>
      %gather3A_733 = tpu.vector_load_idx %arg13[%add3A_502, %add3A_732] : memref<256x128xf32, #tpu.memory_space<vmem>>[vector<16xi32>, vector<16xi32>], vector<16xf32>,
      %mul3A_734 = arith.mulf %gather3A_730, %gather3A_733 : vector<16xf32>
      %add3A_735 = arith.addf %scan3A_710, %mul3A_734 : vector<16xf32>
      %mul3A_736 = arith.constant 4 : i32
      %mul3A_737 = arith.muli %scan3A_708, %mul3A_736 : i32
      %add3A_738 = arith.constant 2 : i32
      %add3A_739 = arith.addi %mul3A_737, %add3A_738 : i32
      %add3A_740 = vector.broadcast %add3A_739 : i32 to vector<16xi32>
      %add3A_741 = arith.addi %get3A_506, %add3A_740 : vector<16xi32>
      %gather3A_742 = tpu.vector_load_idx %arg12[%add3A_502, %add3A_741] : memref<256x128xf32, #tpu.memory_space<vmem>>[vector<16xi32>, vector<16xi32>], vector<16xf32>,
      %add3A_743 = vector.broadcast %add3A_739 : i32 to vector<16xi32>
      %add3A_744 = arith.addi %get3A_510, %add3A_743 : vector<16xi32>
      %gather3A_745 = tpu.vector_load_idx %arg13[%add3A_502, %add3A_744] : memref<256x128xf32, #tpu.memory_space<vmem>>[vector<16xi32>, vector<16xi32>], vector<16xf32>,
      %mul3A_746 = arith.mulf %gather3A_742, %gather3A_745 : vector<16xf32>
      %add3A_747 = arith.addf %scan3A_711, %mul3A_746 : vector<16xf32>
      %mul3A_748 = arith.constant 4 : i32
      %mul3A_749 = arith.muli %scan3A_708, %mul3A_748 : i32
      %add3A_750 = arith.constant 3 : i32
      %add3A_751 = arith.addi %mul3A_749, %add3A_750 : i32
      %add3A_752 = vector.broadcast %add3A_751 : i32 to vector<16xi32>
      %add3A_753 = arith.addi %get3A_506, %add3A_752 : vector<16xi32>
      %gather3A_754 = tpu.vector_load_idx %arg12[%add3A_502, %add3A_753] : memref<256x128xf32, #tpu.memory_space<vmem>>[vector<16xi32>, vector<16xi32>], vector<16xf32>,
      %add3A_755 = vector.broadcast %add3A_751 : i32 to vector<16xi32>
      %add3A_756 = arith.addi %get3A_510, %add3A_755 : vector<16xi32>
      %gather3A_757 = tpu.vector_load_idx %arg13[%add3A_502, %add3A_756] : memref<256x128xf32, #tpu.memory_space<vmem>>[vector<16xi32>, vector<16xi32>], vector<16xf32>,
      %mul3A_758 = arith.mulf %gather3A_754, %gather3A_757 : vector<16xf32>
      %add3A_759 = arith.addf %scan3A_712, %mul3A_758 : vector<16xf32>
      scf.yield %add3A_723, %add3A_735, %add3A_747, %add3A_759 : vector<16xf32>, vector<16xf32>, vector<16xf32>, vector<16xf32>
    }
    %scan3A_516 = arith.constant 16 : i32
    %add3A_517 = arith.constant 80 : i32
    %add3A_518 = vector.broadcast %add3A_517 : i32 to vector<16xi32>
    %add3A_519 = arith.addi %add3A_518, %iota3A : vector<16xi32>
    %get3A_520 = arith.constant 2 : i32
    %get3A_521 = arith.index_cast %get3A_520 : i32 to index
    %get3A_522 = arith.constant 80 : index
    %get3A_523 = tpu.vector_load %arg10[%get3A_521, %get3A_522] {strides = array<i32>} : memref<4x128xi32, #tpu.memory_space<vmem>>, vector<16xi32>,
    %get3A_524 = arith.constant 2 : i32
    %get3A_525 = arith.index_cast %get3A_524 : i32 to index
    %get3A_526 = arith.constant 80 : index
    %get3A_527 = tpu.vector_load %arg11[%get3A_525, %get3A_526] {strides = array<i32>} : memref<4x128xi32, #tpu.memory_space<vmem>>, vector<16xi32>,
    %scan3A_528 = arith.constant 0 : i32
    %scan3A_529 = arith.constant 16 : i32
    %scan3A_530 = arith.addi %scan3A_528, %scan3A_529 : i32
    %scan3A_531 = arith.constant 1 : i32
    %scan3A_532:4 = scf.for %scan3A_708 = %scan3A_528 to %scan3A_530 step %scan3A_531 iter_args(%scan3A_709 = %scan3A_515#0, %scan3A_710 = %scan3A_515#1, %scan3A_711 = %scan3A_515#2, %scan3A_712 = %scan3A_515#3) -> (vector<16xf32>, vector<16xf32>, vector<16xf32>, vector<16xf32>)  : i32 {
      %mul3A_713 = arith.constant 4 : i32
      %mul3A_714 = arith.muli %scan3A_708, %mul3A_713 : i32
      %add3A_715 = arith.constant 0 : i32
      %add3A_716 = arith.addi %mul3A_714, %add3A_715 : i32
      %add3A_717 = vector.broadcast %add3A_716 : i32 to vector<16xi32>
      %add3A_718 = arith.addi %get3A_523, %add3A_717 : vector<16xi32>
      %gather3A = tpu.vector_load_idx %arg12[%add3A_519, %add3A_718] : memref<256x128xf32, #tpu.memory_space<vmem>>[vector<16xi32>, vector<16xi32>], vector<16xf32>,
      %add3A_719 = vector.broadcast %add3A_716 : i32 to vector<16xi32>
      %add3A_720 = arith.addi %get3A_527, %add3A_719 : vector<16xi32>
      %gather3A_721 = tpu.vector_load_idx %arg13[%add3A_519, %add3A_720] : memref<256x128xf32, #tpu.memory_space<vmem>>[vector<16xi32>, vector<16xi32>], vector<16xf32>,
      %mul3A_722 = arith.mulf %gather3A, %gather3A_721 : vector<16xf32>
      %add3A_723 = arith.addf %scan3A_709, %mul3A_722 : vector<16xf32>
      %mul3A_724 = arith.constant 4 : i32
      %mul3A_725 = arith.muli %scan3A_708, %mul3A_724 : i32
      %add3A_726 = arith.constant 1 : i32
      %add3A_727 = arith.addi %mul3A_725, %add3A_726 : i32
      %add3A_728 = vector.broadcast %add3A_727 : i32 to vector<16xi32>
      %add3A_729 = arith.addi %get3A_523, %add3A_728 : vector<16xi32>
      %gather3A_730 = tpu.vector_load_idx %arg12[%add3A_519, %add3A_729] : memref<256x128xf32, #tpu.memory_space<vmem>>[vector<16xi32>, vector<16xi32>], vector<16xf32>,
      %add3A_731 = vector.broadcast %add3A_727 : i32 to vector<16xi32>
      %add3A_732 = arith.addi %get3A_527, %add3A_731 : vector<16xi32>
      %gather3A_733 = tpu.vector_load_idx %arg13[%add3A_519, %add3A_732] : memref<256x128xf32, #tpu.memory_space<vmem>>[vector<16xi32>, vector<16xi32>], vector<16xf32>,
      %mul3A_734 = arith.mulf %gather3A_730, %gather3A_733 : vector<16xf32>
      %add3A_735 = arith.addf %scan3A_710, %mul3A_734 : vector<16xf32>
      %mul3A_736 = arith.constant 4 : i32
      %mul3A_737 = arith.muli %scan3A_708, %mul3A_736 : i32
      %add3A_738 = arith.constant 2 : i32
      %add3A_739 = arith.addi %mul3A_737, %add3A_738 : i32
      %add3A_740 = vector.broadcast %add3A_739 : i32 to vector<16xi32>
      %add3A_741 = arith.addi %get3A_523, %add3A_740 : vector<16xi32>
      %gather3A_742 = tpu.vector_load_idx %arg12[%add3A_519, %add3A_741] : memref<256x128xf32, #tpu.memory_space<vmem>>[vector<16xi32>, vector<16xi32>], vector<16xf32>,
      %add3A_743 = vector.broadcast %add3A_739 : i32 to vector<16xi32>
      %add3A_744 = arith.addi %get3A_527, %add3A_743 : vector<16xi32>
      %gather3A_745 = tpu.vector_load_idx %arg13[%add3A_519, %add3A_744] : memref<256x128xf32, #tpu.memory_space<vmem>>[vector<16xi32>, vector<16xi32>], vector<16xf32>,
      %mul3A_746 = arith.mulf %gather3A_742, %gather3A_745 : vector<16xf32>
      %add3A_747 = arith.addf %scan3A_711, %mul3A_746 : vector<16xf32>
      %mul3A_748 = arith.constant 4 : i32
      %mul3A_749 = arith.muli %scan3A_708, %mul3A_748 : i32
      %add3A_750 = arith.constant 3 : i32
      %add3A_751 = arith.addi %mul3A_749, %add3A_750 : i32
      %add3A_752 = vector.broadcast %add3A_751 : i32 to vector<16xi32>
      %add3A_753 = arith.addi %get3A_523, %add3A_752 : vector<16xi32>
      %gather3A_754 = tpu.vector_load_idx %arg12[%add3A_519, %add3A_753] : memref<256x128xf32, #tpu.memory_space<vmem>>[vector<16xi32>, vector<16xi32>], vector<16xf32>,
      %add3A_755 = vector.broadcast %add3A_751 : i32 to vector<16xi32>
      %add3A_756 = arith.addi %get3A_527, %add3A_755 : vector<16xi32>
      %gather3A_757 = tpu.vector_load_idx %arg13[%add3A_519, %add3A_756] : memref<256x128xf32, #tpu.memory_space<vmem>>[vector<16xi32>, vector<16xi32>], vector<16xf32>,
      %mul3A_758 = arith.mulf %gather3A_754, %gather3A_757 : vector<16xf32>
      %add3A_759 = arith.addf %scan3A_712, %mul3A_758 : vector<16xf32>
      scf.yield %add3A_723, %add3A_735, %add3A_747, %add3A_759 : vector<16xf32>, vector<16xf32>, vector<16xf32>, vector<16xf32>
    }
    %scan3A_533 = arith.constant 16 : i32
    %add3A_534 = arith.constant 96 : i32
    %add3A_535 = vector.broadcast %add3A_534 : i32 to vector<16xi32>
    %add3A_536 = arith.addi %add3A_535, %iota3A : vector<16xi32>
    %get3A_537 = arith.constant 2 : i32
    %get3A_538 = arith.index_cast %get3A_537 : i32 to index
    %get3A_539 = arith.constant 96 : index
    %get3A_540 = tpu.vector_load %arg10[%get3A_538, %get3A_539] {strides = array<i32>} : memref<4x128xi32, #tpu.memory_space<vmem>>, vector<16xi32>,
    %get3A_541 = arith.constant 2 : i32
    %get3A_542 = arith.index_cast %get3A_541 : i32 to index
    %get3A_543 = arith.constant 96 : index
    %get3A_544 = tpu.vector_load %arg11[%get3A_542, %get3A_543] {strides = array<i32>} : memref<4x128xi32, #tpu.memory_space<vmem>>, vector<16xi32>,
    %scan3A_545 = arith.constant 0 : i32
    %scan3A_546 = arith.constant 16 : i32
    %scan3A_547 = arith.addi %scan3A_545, %scan3A_546 : i32
    %scan3A_548 = arith.constant 1 : i32
    %scan3A_549:4 = scf.for %scan3A_708 = %scan3A_545 to %scan3A_547 step %scan3A_548 iter_args(%scan3A_709 = %scan3A_532#0, %scan3A_710 = %scan3A_532#1, %scan3A_711 = %scan3A_532#2, %scan3A_712 = %scan3A_532#3) -> (vector<16xf32>, vector<16xf32>, vector<16xf32>, vector<16xf32>)  : i32 {
      %mul3A_713 = arith.constant 4 : i32
      %mul3A_714 = arith.muli %scan3A_708, %mul3A_713 : i32
      %add3A_715 = arith.constant 0 : i32
      %add3A_716 = arith.addi %mul3A_714, %add3A_715 : i32
      %add3A_717 = vector.broadcast %add3A_716 : i32 to vector<16xi32>
      %add3A_718 = arith.addi %get3A_540, %add3A_717 : vector<16xi32>
      %gather3A = tpu.vector_load_idx %arg12[%add3A_536, %add3A_718] : memref<256x128xf32, #tpu.memory_space<vmem>>[vector<16xi32>, vector<16xi32>], vector<16xf32>,
      %add3A_719 = vector.broadcast %add3A_716 : i32 to vector<16xi32>
      %add3A_720 = arith.addi %get3A_544, %add3A_719 : vector<16xi32>
      %gather3A_721 = tpu.vector_load_idx %arg13[%add3A_536, %add3A_720] : memref<256x128xf32, #tpu.memory_space<vmem>>[vector<16xi32>, vector<16xi32>], vector<16xf32>,
      %mul3A_722 = arith.mulf %gather3A, %gather3A_721 : vector<16xf32>
      %add3A_723 = arith.addf %scan3A_709, %mul3A_722 : vector<16xf32>
      %mul3A_724 = arith.constant 4 : i32
      %mul3A_725 = arith.muli %scan3A_708, %mul3A_724 : i32
      %add3A_726 = arith.constant 1 : i32
      %add3A_727 = arith.addi %mul3A_725, %add3A_726 : i32
      %add3A_728 = vector.broadcast %add3A_727 : i32 to vector<16xi32>
      %add3A_729 = arith.addi %get3A_540, %add3A_728 : vector<16xi32>
      %gather3A_730 = tpu.vector_load_idx %arg12[%add3A_536, %add3A_729] : memref<256x128xf32, #tpu.memory_space<vmem>>[vector<16xi32>, vector<16xi32>], vector<16xf32>,
      %add3A_731 = vector.broadcast %add3A_727 : i32 to vector<16xi32>
      %add3A_732 = arith.addi %get3A_544, %add3A_731 : vector<16xi32>
      %gather3A_733 = tpu.vector_load_idx %arg13[%add3A_536, %add3A_732] : memref<256x128xf32, #tpu.memory_space<vmem>>[vector<16xi32>, vector<16xi32>], vector<16xf32>,
      %mul3A_734 = arith.mulf %gather3A_730, %gather3A_733 : vector<16xf32>
      %add3A_735 = arith.addf %scan3A_710, %mul3A_734 : vector<16xf32>
      %mul3A_736 = arith.constant 4 : i32
      %mul3A_737 = arith.muli %scan3A_708, %mul3A_736 : i32
      %add3A_738 = arith.constant 2 : i32
      %add3A_739 = arith.addi %mul3A_737, %add3A_738 : i32
      %add3A_740 = vector.broadcast %add3A_739 : i32 to vector<16xi32>
      %add3A_741 = arith.addi %get3A_540, %add3A_740 : vector<16xi32>
      %gather3A_742 = tpu.vector_load_idx %arg12[%add3A_536, %add3A_741] : memref<256x128xf32, #tpu.memory_space<vmem>>[vector<16xi32>, vector<16xi32>], vector<16xf32>,
      %add3A_743 = vector.broadcast %add3A_739 : i32 to vector<16xi32>
      %add3A_744 = arith.addi %get3A_544, %add3A_743 : vector<16xi32>
      %gather3A_745 = tpu.vector_load_idx %arg13[%add3A_536, %add3A_744] : memref<256x128xf32, #tpu.memory_space<vmem>>[vector<16xi32>, vector<16xi32>], vector<16xf32>,
      %mul3A_746 = arith.mulf %gather3A_742, %gather3A_745 : vector<16xf32>
      %add3A_747 = arith.addf %scan3A_711, %mul3A_746 : vector<16xf32>
      %mul3A_748 = arith.constant 4 : i32
      %mul3A_749 = arith.muli %scan3A_708, %mul3A_748 : i32
      %add3A_750 = arith.constant 3 : i32
      %add3A_751 = arith.addi %mul3A_749, %add3A_750 : i32
      %add3A_752 = vector.broadcast %add3A_751 : i32 to vector<16xi32>
      %add3A_753 = arith.addi %get3A_540, %add3A_752 : vector<16xi32>
      %gather3A_754 = tpu.vector_load_idx %arg12[%add3A_536, %add3A_753] : memref<256x128xf32, #tpu.memory_space<vmem>>[vector<16xi32>, vector<16xi32>], vector<16xf32>,
      %add3A_755 = vector.broadcast %add3A_751 : i32 to vector<16xi32>
      %add3A_756 = arith.addi %get3A_544, %add3A_755 : vector<16xi32>
      %gather3A_757 = tpu.vector_load_idx %arg13[%add3A_536, %add3A_756] : memref<256x128xf32, #tpu.memory_space<vmem>>[vector<16xi32>, vector<16xi32>], vector<16xf32>,
      %mul3A_758 = arith.mulf %gather3A_754, %gather3A_757 : vector<16xf32>
      %add3A_759 = arith.addf %scan3A_712, %mul3A_758 : vector<16xf32>
      scf.yield %add3A_723, %add3A_735, %add3A_747, %add3A_759 : vector<16xf32>, vector<16xf32>, vector<16xf32>, vector<16xf32>
    }
    %scan3A_550 = arith.constant 16 : i32
    %add3A_551 = arith.constant 112 : i32
    %add3A_552 = vector.broadcast %add3A_551 : i32 to vector<16xi32>
    %add3A_553 = arith.addi %add3A_552, %iota3A : vector<16xi32>
    %get3A_554 = arith.constant 2 : i32
    %get3A_555 = arith.index_cast %get3A_554 : i32 to index
    %get3A_556 = arith.constant 112 : index
    %get3A_557 = tpu.vector_load %arg10[%get3A_555, %get3A_556] {strides = array<i32>} : memref<4x128xi32, #tpu.memory_space<vmem>>, vector<16xi32>,
    %get3A_558 = arith.constant 2 : i32
    %get3A_559 = arith.index_cast %get3A_558 : i32 to index
    %get3A_560 = arith.constant 112 : index
    %get3A_561 = tpu.vector_load %arg11[%get3A_559, %get3A_560] {strides = array<i32>} : memref<4x128xi32, #tpu.memory_space<vmem>>, vector<16xi32>,
    %scan3A_562 = arith.constant 0 : i32
    %scan3A_563 = arith.constant 16 : i32
    %scan3A_564 = arith.addi %scan3A_562, %scan3A_563 : i32
    %scan3A_565 = arith.constant 1 : i32
    %scan3A_566:4 = scf.for %scan3A_708 = %scan3A_562 to %scan3A_564 step %scan3A_565 iter_args(%scan3A_709 = %scan3A_549#0, %scan3A_710 = %scan3A_549#1, %scan3A_711 = %scan3A_549#2, %scan3A_712 = %scan3A_549#3) -> (vector<16xf32>, vector<16xf32>, vector<16xf32>, vector<16xf32>)  : i32 {
      %mul3A_713 = arith.constant 4 : i32
      %mul3A_714 = arith.muli %scan3A_708, %mul3A_713 : i32
      %add3A_715 = arith.constant 0 : i32
      %add3A_716 = arith.addi %mul3A_714, %add3A_715 : i32
      %add3A_717 = vector.broadcast %add3A_716 : i32 to vector<16xi32>
      %add3A_718 = arith.addi %get3A_557, %add3A_717 : vector<16xi32>
      %gather3A = tpu.vector_load_idx %arg12[%add3A_553, %add3A_718] : memref<256x128xf32, #tpu.memory_space<vmem>>[vector<16xi32>, vector<16xi32>], vector<16xf32>,
      %add3A_719 = vector.broadcast %add3A_716 : i32 to vector<16xi32>
      %add3A_720 = arith.addi %get3A_561, %add3A_719 : vector<16xi32>
      %gather3A_721 = tpu.vector_load_idx %arg13[%add3A_553, %add3A_720] : memref<256x128xf32, #tpu.memory_space<vmem>>[vector<16xi32>, vector<16xi32>], vector<16xf32>,
      %mul3A_722 = arith.mulf %gather3A, %gather3A_721 : vector<16xf32>
      %add3A_723 = arith.addf %scan3A_709, %mul3A_722 : vector<16xf32>
      %mul3A_724 = arith.constant 4 : i32
      %mul3A_725 = arith.muli %scan3A_708, %mul3A_724 : i32
      %add3A_726 = arith.constant 1 : i32
      %add3A_727 = arith.addi %mul3A_725, %add3A_726 : i32
      %add3A_728 = vector.broadcast %add3A_727 : i32 to vector<16xi32>
      %add3A_729 = arith.addi %get3A_557, %add3A_728 : vector<16xi32>
      %gather3A_730 = tpu.vector_load_idx %arg12[%add3A_553, %add3A_729] : memref<256x128xf32, #tpu.memory_space<vmem>>[vector<16xi32>, vector<16xi32>], vector<16xf32>,
      %add3A_731 = vector.broadcast %add3A_727 : i32 to vector<16xi32>
      %add3A_732 = arith.addi %get3A_561, %add3A_731 : vector<16xi32>
      %gather3A_733 = tpu.vector_load_idx %arg13[%add3A_553, %add3A_732] : memref<256x128xf32, #tpu.memory_space<vmem>>[vector<16xi32>, vector<16xi32>], vector<16xf32>,
      %mul3A_734 = arith.mulf %gather3A_730, %gather3A_733 : vector<16xf32>
      %add3A_735 = arith.addf %scan3A_710, %mul3A_734 : vector<16xf32>
      %mul3A_736 = arith.constant 4 : i32
      %mul3A_737 = arith.muli %scan3A_708, %mul3A_736 : i32
      %add3A_738 = arith.constant 2 : i32
      %add3A_739 = arith.addi %mul3A_737, %add3A_738 : i32
      %add3A_740 = vector.broadcast %add3A_739 : i32 to vector<16xi32>
      %add3A_741 = arith.addi %get3A_557, %add3A_740 : vector<16xi32>
      %gather3A_742 = tpu.vector_load_idx %arg12[%add3A_553, %add3A_741] : memref<256x128xf32, #tpu.memory_space<vmem>>[vector<16xi32>, vector<16xi32>], vector<16xf32>,
      %add3A_743 = vector.broadcast %add3A_739 : i32 to vector<16xi32>
      %add3A_744 = arith.addi %get3A_561, %add3A_743 : vector<16xi32>
      %gather3A_745 = tpu.vector_load_idx %arg13[%add3A_553, %add3A_744] : memref<256x128xf32, #tpu.memory_space<vmem>>[vector<16xi32>, vector<16xi32>], vector<16xf32>,
      %mul3A_746 = arith.mulf %gather3A_742, %gather3A_745 : vector<16xf32>
      %add3A_747 = arith.addf %scan3A_711, %mul3A_746 : vector<16xf32>
      %mul3A_748 = arith.constant 4 : i32
      %mul3A_749 = arith.muli %scan3A_708, %mul3A_748 : i32
      %add3A_750 = arith.constant 3 : i32
      %add3A_751 = arith.addi %mul3A_749, %add3A_750 : i32
      %add3A_752 = vector.broadcast %add3A_751 : i32 to vector<16xi32>
      %add3A_753 = arith.addi %get3A_557, %add3A_752 : vector<16xi32>
      %gather3A_754 = tpu.vector_load_idx %arg12[%add3A_553, %add3A_753] : memref<256x128xf32, #tpu.memory_space<vmem>>[vector<16xi32>, vector<16xi32>], vector<16xf32>,
      %add3A_755 = vector.broadcast %add3A_751 : i32 to vector<16xi32>
      %add3A_756 = arith.addi %get3A_561, %add3A_755 : vector<16xi32>
      %gather3A_757 = tpu.vector_load_idx %arg13[%add3A_553, %add3A_756] : memref<256x128xf32, #tpu.memory_space<vmem>>[vector<16xi32>, vector<16xi32>], vector<16xf32>,
      %mul3A_758 = arith.mulf %gather3A_754, %gather3A_757 : vector<16xf32>
      %add3A_759 = arith.addf %scan3A_712, %mul3A_758 : vector<16xf32>
      scf.yield %add3A_723, %add3A_735, %add3A_747, %add3A_759 : vector<16xf32>, vector<16xf32>, vector<16xf32>, vector<16xf32>
    }
    %scan3A_567 = arith.constant 16 : i32
    %add3A_568 = arith.constant 128 : i32
    %add3A_569 = vector.broadcast %add3A_568 : i32 to vector<16xi32>
    %add3A_570 = arith.addi %add3A_569, %iota3A : vector<16xi32>
    %get3A_571 = arith.constant 3 : i32
    %get3A_572 = arith.index_cast %get3A_571 : i32 to index
    %get3A_573 = arith.constant 0 : index
    %get3A_574 = tpu.vector_load %arg10[%get3A_572, %get3A_573] {strides = array<i32>} : memref<4x128xi32, #tpu.memory_space<vmem>>, vector<16xi32>,
    %get3A_575 = arith.constant 3 : i32
    %get3A_576 = arith.index_cast %get3A_575 : i32 to index
    %get3A_577 = arith.constant 0 : index
    %get3A_578 = tpu.vector_load %arg11[%get3A_576, %get3A_577] {strides = array<i32>} : memref<4x128xi32, #tpu.memory_space<vmem>>, vector<16xi32>,
    %scan3A_579 = arith.constant 0 : i32
    %scan3A_580 = arith.constant 16 : i32
    %scan3A_581 = arith.addi %scan3A_579, %scan3A_580 : i32
    %scan3A_582 = arith.constant 1 : i32
    %scan3A_583:4 = scf.for %scan3A_708 = %scan3A_579 to %scan3A_581 step %scan3A_582 iter_args(%scan3A_709 = %scan3A_566#0, %scan3A_710 = %scan3A_566#1, %scan3A_711 = %scan3A_566#2, %scan3A_712 = %scan3A_566#3) -> (vector<16xf32>, vector<16xf32>, vector<16xf32>, vector<16xf32>)  : i32 {
      %mul3A_713 = arith.constant 4 : i32
      %mul3A_714 = arith.muli %scan3A_708, %mul3A_713 : i32
      %add3A_715 = arith.constant 0 : i32
      %add3A_716 = arith.addi %mul3A_714, %add3A_715 : i32
      %add3A_717 = vector.broadcast %add3A_716 : i32 to vector<16xi32>
      %add3A_718 = arith.addi %get3A_574, %add3A_717 : vector<16xi32>
      %gather3A = tpu.vector_load_idx %arg12[%add3A_570, %add3A_718] : memref<256x128xf32, #tpu.memory_space<vmem>>[vector<16xi32>, vector<16xi32>], vector<16xf32>,
      %add3A_719 = vector.broadcast %add3A_716 : i32 to vector<16xi32>
      %add3A_720 = arith.addi %get3A_578, %add3A_719 : vector<16xi32>
      %gather3A_721 = tpu.vector_load_idx %arg13[%add3A_570, %add3A_720] : memref<256x128xf32, #tpu.memory_space<vmem>>[vector<16xi32>, vector<16xi32>], vector<16xf32>,
      %mul3A_722 = arith.mulf %gather3A, %gather3A_721 : vector<16xf32>
      %add3A_723 = arith.addf %scan3A_709, %mul3A_722 : vector<16xf32>
      %mul3A_724 = arith.constant 4 : i32
      %mul3A_725 = arith.muli %scan3A_708, %mul3A_724 : i32
      %add3A_726 = arith.constant 1 : i32
      %add3A_727 = arith.addi %mul3A_725, %add3A_726 : i32
      %add3A_728 = vector.broadcast %add3A_727 : i32 to vector<16xi32>
      %add3A_729 = arith.addi %get3A_574, %add3A_728 : vector<16xi32>
      %gather3A_730 = tpu.vector_load_idx %arg12[%add3A_570, %add3A_729] : memref<256x128xf32, #tpu.memory_space<vmem>>[vector<16xi32>, vector<16xi32>], vector<16xf32>,
      %add3A_731 = vector.broadcast %add3A_727 : i32 to vector<16xi32>
      %add3A_732 = arith.addi %get3A_578, %add3A_731 : vector<16xi32>
      %gather3A_733 = tpu.vector_load_idx %arg13[%add3A_570, %add3A_732] : memref<256x128xf32, #tpu.memory_space<vmem>>[vector<16xi32>, vector<16xi32>], vector<16xf32>,
      %mul3A_734 = arith.mulf %gather3A_730, %gather3A_733 : vector<16xf32>
      %add3A_735 = arith.addf %scan3A_710, %mul3A_734 : vector<16xf32>
      %mul3A_736 = arith.constant 4 : i32
      %mul3A_737 = arith.muli %scan3A_708, %mul3A_736 : i32
      %add3A_738 = arith.constant 2 : i32
      %add3A_739 = arith.addi %mul3A_737, %add3A_738 : i32
      %add3A_740 = vector.broadcast %add3A_739 : i32 to vector<16xi32>
      %add3A_741 = arith.addi %get3A_574, %add3A_740 : vector<16xi32>
      %gather3A_742 = tpu.vector_load_idx %arg12[%add3A_570, %add3A_741] : memref<256x128xf32, #tpu.memory_space<vmem>>[vector<16xi32>, vector<16xi32>], vector<16xf32>,
      %add3A_743 = vector.broadcast %add3A_739 : i32 to vector<16xi32>
      %add3A_744 = arith.addi %get3A_578, %add3A_743 : vector<16xi32>
      %gather3A_745 = tpu.vector_load_idx %arg13[%add3A_570, %add3A_744] : memref<256x128xf32, #tpu.memory_space<vmem>>[vector<16xi32>, vector<16xi32>], vector<16xf32>,
      %mul3A_746 = arith.mulf %gather3A_742, %gather3A_745 : vector<16xf32>
      %add3A_747 = arith.addf %scan3A_711, %mul3A_746 : vector<16xf32>
      %mul3A_748 = arith.constant 4 : i32
      %mul3A_749 = arith.muli %scan3A_708, %mul3A_748 : i32
      %add3A_750 = arith.constant 3 : i32
      %add3A_751 = arith.addi %mul3A_749, %add3A_750 : i32
      %add3A_752 = vector.broadcast %add3A_751 : i32 to vector<16xi32>
      %add3A_753 = arith.addi %get3A_574, %add3A_752 : vector<16xi32>
      %gather3A_754 = tpu.vector_load_idx %arg12[%add3A_570, %add3A_753] : memref<256x128xf32, #tpu.memory_space<vmem>>[vector<16xi32>, vector<16xi32>], vector<16xf32>,
      %add3A_755 = vector.broadcast %add3A_751 : i32 to vector<16xi32>
      %add3A_756 = arith.addi %get3A_578, %add3A_755 : vector<16xi32>
      %gather3A_757 = tpu.vector_load_idx %arg13[%add3A_570, %add3A_756] : memref<256x128xf32, #tpu.memory_space<vmem>>[vector<16xi32>, vector<16xi32>], vector<16xf32>,
      %mul3A_758 = arith.mulf %gather3A_754, %gather3A_757 : vector<16xf32>
      %add3A_759 = arith.addf %scan3A_712, %mul3A_758 : vector<16xf32>
      scf.yield %add3A_723, %add3A_735, %add3A_747, %add3A_759 : vector<16xf32>, vector<16xf32>, vector<16xf32>, vector<16xf32>
    }
    %scan3A_584 = arith.constant 16 : i32
    %add3A_585 = arith.constant 144 : i32
    %add3A_586 = vector.broadcast %add3A_585 : i32 to vector<16xi32>
    %add3A_587 = arith.addi %add3A_586, %iota3A : vector<16xi32>
    %get3A_588 = arith.constant 3 : i32
    %get3A_589 = arith.index_cast %get3A_588 : i32 to index
    %get3A_590 = arith.constant 16 : index
    %get3A_591 = tpu.vector_load %arg10[%get3A_589, %get3A_590] {strides = array<i32>} : memref<4x128xi32, #tpu.memory_space<vmem>>, vector<16xi32>,
    %get3A_592 = arith.constant 3 : i32
    %get3A_593 = arith.index_cast %get3A_592 : i32 to index
    %get3A_594 = arith.constant 16 : index
    %get3A_595 = tpu.vector_load %arg11[%get3A_593, %get3A_594] {strides = array<i32>} : memref<4x128xi32, #tpu.memory_space<vmem>>, vector<16xi32>,
    %scan3A_596 = arith.constant 0 : i32
    %scan3A_597 = arith.constant 16 : i32
    %scan3A_598 = arith.addi %scan3A_596, %scan3A_597 : i32
    %scan3A_599 = arith.constant 1 : i32
    %scan3A_600:4 = scf.for %scan3A_708 = %scan3A_596 to %scan3A_598 step %scan3A_599 iter_args(%scan3A_709 = %scan3A_583#0, %scan3A_710 = %scan3A_583#1, %scan3A_711 = %scan3A_583#2, %scan3A_712 = %scan3A_583#3) -> (vector<16xf32>, vector<16xf32>, vector<16xf32>, vector<16xf32>)  : i32 {
      %mul3A_713 = arith.constant 4 : i32
      %mul3A_714 = arith.muli %scan3A_708, %mul3A_713 : i32
      %add3A_715 = arith.constant 0 : i32
      %add3A_716 = arith.addi %mul3A_714, %add3A_715 : i32
      %add3A_717 = vector.broadcast %add3A_716 : i32 to vector<16xi32>
      %add3A_718 = arith.addi %get3A_591, %add3A_717 : vector<16xi32>
      %gather3A = tpu.vector_load_idx %arg12[%add3A_587, %add3A_718] : memref<256x128xf32, #tpu.memory_space<vmem>>[vector<16xi32>, vector<16xi32>], vector<16xf32>,
      %add3A_719 = vector.broadcast %add3A_716 : i32 to vector<16xi32>
      %add3A_720 = arith.addi %get3A_595, %add3A_719 : vector<16xi32>
      %gather3A_721 = tpu.vector_load_idx %arg13[%add3A_587, %add3A_720] : memref<256x128xf32, #tpu.memory_space<vmem>>[vector<16xi32>, vector<16xi32>], vector<16xf32>,
      %mul3A_722 = arith.mulf %gather3A, %gather3A_721 : vector<16xf32>
      %add3A_723 = arith.addf %scan3A_709, %mul3A_722 : vector<16xf32>
      %mul3A_724 = arith.constant 4 : i32
      %mul3A_725 = arith.muli %scan3A_708, %mul3A_724 : i32
      %add3A_726 = arith.constant 1 : i32
      %add3A_727 = arith.addi %mul3A_725, %add3A_726 : i32
      %add3A_728 = vector.broadcast %add3A_727 : i32 to vector<16xi32>
      %add3A_729 = arith.addi %get3A_591, %add3A_728 : vector<16xi32>
      %gather3A_730 = tpu.vector_load_idx %arg12[%add3A_587, %add3A_729] : memref<256x128xf32, #tpu.memory_space<vmem>>[vector<16xi32>, vector<16xi32>], vector<16xf32>,
      %add3A_731 = vector.broadcast %add3A_727 : i32 to vector<16xi32>
      %add3A_732 = arith.addi %get3A_595, %add3A_731 : vector<16xi32>
      %gather3A_733 = tpu.vector_load_idx %arg13[%add3A_587, %add3A_732] : memref<256x128xf32, #tpu.memory_space<vmem>>[vector<16xi32>, vector<16xi32>], vector<16xf32>,
      %mul3A_734 = arith.mulf %gather3A_730, %gather3A_733 : vector<16xf32>
      %add3A_735 = arith.addf %scan3A_710, %mul3A_734 : vector<16xf32>
      %mul3A_736 = arith.constant 4 : i32
      %mul3A_737 = arith.muli %scan3A_708, %mul3A_736 : i32
      %add3A_738 = arith.constant 2 : i32
      %add3A_739 = arith.addi %mul3A_737, %add3A_738 : i32
      %add3A_740 = vector.broadcast %add3A_739 : i32 to vector<16xi32>
      %add3A_741 = arith.addi %get3A_591, %add3A_740 : vector<16xi32>
      %gather3A_742 = tpu.vector_load_idx %arg12[%add3A_587, %add3A_741] : memref<256x128xf32, #tpu.memory_space<vmem>>[vector<16xi32>, vector<16xi32>], vector<16xf32>,
      %add3A_743 = vector.broadcast %add3A_739 : i32 to vector<16xi32>
      %add3A_744 = arith.addi %get3A_595, %add3A_743 : vector<16xi32>
      %gather3A_745 = tpu.vector_load_idx %arg13[%add3A_587, %add3A_744] : memref<256x128xf32, #tpu.memory_space<vmem>>[vector<16xi32>, vector<16xi32>], vector<16xf32>,
      %mul3A_746 = arith.mulf %gather3A_742, %gather3A_745 : vector<16xf32>
      %add3A_747 = arith.addf %scan3A_711, %mul3A_746 : vector<16xf32>
      %mul3A_748 = arith.constant 4 : i32
      %mul3A_749 = arith.muli %scan3A_708, %mul3A_748 : i32
      %add3A_750 = arith.constant 3 : i32
      %add3A_751 = arith.addi %mul3A_749, %add3A_750 : i32
      %add3A_752 = vector.broadcast %add3A_751 : i32 to vector<16xi32>
      %add3A_753 = arith.addi %get3A_591, %add3A_752 : vector<16xi32>
      %gather3A_754 = tpu.vector_load_idx %arg12[%add3A_587, %add3A_753] : memref<256x128xf32, #tpu.memory_space<vmem>>[vector<16xi32>, vector<16xi32>], vector<16xf32>,
      %add3A_755 = vector.broadcast %add3A_751 : i32 to vector<16xi32>
      %add3A_756 = arith.addi %get3A_595, %add3A_755 : vector<16xi32>
      %gather3A_757 = tpu.vector_load_idx %arg13[%add3A_587, %add3A_756] : memref<256x128xf32, #tpu.memory_space<vmem>>[vector<16xi32>, vector<16xi32>], vector<16xf32>,
      %mul3A_758 = arith.mulf %gather3A_754, %gather3A_757 : vector<16xf32>
      %add3A_759 = arith.addf %scan3A_712, %mul3A_758 : vector<16xf32>
      scf.yield %add3A_723, %add3A_735, %add3A_747, %add3A_759 : vector<16xf32>, vector<16xf32>, vector<16xf32>, vector<16xf32>
    }
    %scan3A_601 = arith.constant 16 : i32
    %add3A_602 = arith.constant 160 : i32
    %add3A_603 = vector.broadcast %add3A_602 : i32 to vector<16xi32>
    %add3A_604 = arith.addi %add3A_603, %iota3A : vector<16xi32>
    %get3A_605 = arith.constant 3 : i32
    %get3A_606 = arith.index_cast %get3A_605 : i32 to index
    %get3A_607 = arith.constant 32 : index
    %get3A_608 = tpu.vector_load %arg10[%get3A_606, %get3A_607] {strides = array<i32>} : memref<4x128xi32, #tpu.memory_space<vmem>>, vector<16xi32>,
    %get3A_609 = arith.constant 3 : i32
    %get3A_610 = arith.index_cast %get3A_609 : i32 to index
    %get3A_611 = arith.constant 32 : index
    %get3A_612 = tpu.vector_load %arg11[%get3A_610, %get3A_611] {strides = array<i32>} : memref<4x128xi32, #tpu.memory_space<vmem>>, vector<16xi32>,
    %scan3A_613 = arith.constant 0 : i32
    %scan3A_614 = arith.constant 16 : i32
    %scan3A_615 = arith.addi %scan3A_613, %scan3A_614 : i32
    %scan3A_616 = arith.constant 1 : i32
    %scan3A_617:4 = scf.for %scan3A_708 = %scan3A_613 to %scan3A_615 step %scan3A_616 iter_args(%scan3A_709 = %scan3A_600#0, %scan3A_710 = %scan3A_600#1, %scan3A_711 = %scan3A_600#2, %scan3A_712 = %scan3A_600#3) -> (vector<16xf32>, vector<16xf32>, vector<16xf32>, vector<16xf32>)  : i32 {
      %mul3A_713 = arith.constant 4 : i32
      %mul3A_714 = arith.muli %scan3A_708, %mul3A_713 : i32
      %add3A_715 = arith.constant 0 : i32
      %add3A_716 = arith.addi %mul3A_714, %add3A_715 : i32
      %add3A_717 = vector.broadcast %add3A_716 : i32 to vector<16xi32>
      %add3A_718 = arith.addi %get3A_608, %add3A_717 : vector<16xi32>
      %gather3A = tpu.vector_load_idx %arg12[%add3A_604, %add3A_718] : memref<256x128xf32, #tpu.memory_space<vmem>>[vector<16xi32>, vector<16xi32>], vector<16xf32>,
      %add3A_719 = vector.broadcast %add3A_716 : i32 to vector<16xi32>
      %add3A_720 = arith.addi %get3A_612, %add3A_719 : vector<16xi32>
      %gather3A_721 = tpu.vector_load_idx %arg13[%add3A_604, %add3A_720] : memref<256x128xf32, #tpu.memory_space<vmem>>[vector<16xi32>, vector<16xi32>], vector<16xf32>,
      %mul3A_722 = arith.mulf %gather3A, %gather3A_721 : vector<16xf32>
      %add3A_723 = arith.addf %scan3A_709, %mul3A_722 : vector<16xf32>
      %mul3A_724 = arith.constant 4 : i32
      %mul3A_725 = arith.muli %scan3A_708, %mul3A_724 : i32
      %add3A_726 = arith.constant 1 : i32
      %add3A_727 = arith.addi %mul3A_725, %add3A_726 : i32
      %add3A_728 = vector.broadcast %add3A_727 : i32 to vector<16xi32>
      %add3A_729 = arith.addi %get3A_608, %add3A_728 : vector<16xi32>
      %gather3A_730 = tpu.vector_load_idx %arg12[%add3A_604, %add3A_729] : memref<256x128xf32, #tpu.memory_space<vmem>>[vector<16xi32>, vector<16xi32>], vector<16xf32>,
      %add3A_731 = vector.broadcast %add3A_727 : i32 to vector<16xi32>
      %add3A_732 = arith.addi %get3A_612, %add3A_731 : vector<16xi32>
      %gather3A_733 = tpu.vector_load_idx %arg13[%add3A_604, %add3A_732] : memref<256x128xf32, #tpu.memory_space<vmem>>[vector<16xi32>, vector<16xi32>], vector<16xf32>,
      %mul3A_734 = arith.mulf %gather3A_730, %gather3A_733 : vector<16xf32>
      %add3A_735 = arith.addf %scan3A_710, %mul3A_734 : vector<16xf32>
      %mul3A_736 = arith.constant 4 : i32
      %mul3A_737 = arith.muli %scan3A_708, %mul3A_736 : i32
      %add3A_738 = arith.constant 2 : i32
      %add3A_739 = arith.addi %mul3A_737, %add3A_738 : i32
      %add3A_740 = vector.broadcast %add3A_739 : i32 to vector<16xi32>
      %add3A_741 = arith.addi %get3A_608, %add3A_740 : vector<16xi32>
      %gather3A_742 = tpu.vector_load_idx %arg12[%add3A_604, %add3A_741] : memref<256x128xf32, #tpu.memory_space<vmem>>[vector<16xi32>, vector<16xi32>], vector<16xf32>,
      %add3A_743 = vector.broadcast %add3A_739 : i32 to vector<16xi32>
      %add3A_744 = arith.addi %get3A_612, %add3A_743 : vector<16xi32>
      %gather3A_745 = tpu.vector_load_idx %arg13[%add3A_604, %add3A_744] : memref<256x128xf32, #tpu.memory_space<vmem>>[vector<16xi32>, vector<16xi32>], vector<16xf32>,
      %mul3A_746 = arith.mulf %gather3A_742, %gather3A_745 : vector<16xf32>
      %add3A_747 = arith.addf %scan3A_711, %mul3A_746 : vector<16xf32>
      %mul3A_748 = arith.constant 4 : i32
      %mul3A_749 = arith.muli %scan3A_708, %mul3A_748 : i32
      %add3A_750 = arith.constant 3 : i32
      %add3A_751 = arith.addi %mul3A_749, %add3A_750 : i32
      %add3A_752 = vector.broadcast %add3A_751 : i32 to vector<16xi32>
      %add3A_753 = arith.addi %get3A_608, %add3A_752 : vector<16xi32>
      %gather3A_754 = tpu.vector_load_idx %arg12[%add3A_604, %add3A_753] : memref<256x128xf32, #tpu.memory_space<vmem>>[vector<16xi32>, vector<16xi32>], vector<16xf32>,
      %add3A_755 = vector.broadcast %add3A_751 : i32 to vector<16xi32>
      %add3A_756 = arith.addi %get3A_612, %add3A_755 : vector<16xi32>
      %gather3A_757 = tpu.vector_load_idx %arg13[%add3A_604, %add3A_756] : memref<256x128xf32, #tpu.memory_space<vmem>>[vector<16xi32>, vector<16xi32>], vector<16xf32>,
      %mul3A_758 = arith.mulf %gather3A_754, %gather3A_757 : vector<16xf32>
      %add3A_759 = arith.addf %scan3A_712, %mul3A_758 : vector<16xf32>
      scf.yield %add3A_723, %add3A_735, %add3A_747, %add3A_759 : vector<16xf32>, vector<16xf32>, vector<16xf32>, vector<16xf32>
    }
    %scan3A_618 = arith.constant 16 : i32
    %add3A_619 = arith.constant 176 : i32
    %add3A_620 = vector.broadcast %add3A_619 : i32 to vector<16xi32>
    %add3A_621 = arith.addi %add3A_620, %iota3A : vector<16xi32>
    %get3A_622 = arith.constant 3 : i32
    %get3A_623 = arith.index_cast %get3A_622 : i32 to index
    %get3A_624 = arith.constant 48 : index
    %get3A_625 = tpu.vector_load %arg10[%get3A_623, %get3A_624] {strides = array<i32>} : memref<4x128xi32, #tpu.memory_space<vmem>>, vector<16xi32>,
    %get3A_626 = arith.constant 3 : i32
    %get3A_627 = arith.index_cast %get3A_626 : i32 to index
    %get3A_628 = arith.constant 48 : index
    %get3A_629 = tpu.vector_load %arg11[%get3A_627, %get3A_628] {strides = array<i32>} : memref<4x128xi32, #tpu.memory_space<vmem>>, vector<16xi32>,
    %scan3A_630 = arith.constant 0 : i32
    %scan3A_631 = arith.constant 16 : i32
    %scan3A_632 = arith.addi %scan3A_630, %scan3A_631 : i32
    %scan3A_633 = arith.constant 1 : i32
    %scan3A_634:4 = scf.for %scan3A_708 = %scan3A_630 to %scan3A_632 step %scan3A_633 iter_args(%scan3A_709 = %scan3A_617#0, %scan3A_710 = %scan3A_617#1, %scan3A_711 = %scan3A_617#2, %scan3A_712 = %scan3A_617#3) -> (vector<16xf32>, vector<16xf32>, vector<16xf32>, vector<16xf32>)  : i32 {
      %mul3A_713 = arith.constant 4 : i32
      %mul3A_714 = arith.muli %scan3A_708, %mul3A_713 : i32
      %add3A_715 = arith.constant 0 : i32
      %add3A_716 = arith.addi %mul3A_714, %add3A_715 : i32
      %add3A_717 = vector.broadcast %add3A_716 : i32 to vector<16xi32>
      %add3A_718 = arith.addi %get3A_625, %add3A_717 : vector<16xi32>
      %gather3A = tpu.vector_load_idx %arg12[%add3A_621, %add3A_718] : memref<256x128xf32, #tpu.memory_space<vmem>>[vector<16xi32>, vector<16xi32>], vector<16xf32>,
      %add3A_719 = vector.broadcast %add3A_716 : i32 to vector<16xi32>
      %add3A_720 = arith.addi %get3A_629, %add3A_719 : vector<16xi32>
      %gather3A_721 = tpu.vector_load_idx %arg13[%add3A_621, %add3A_720] : memref<256x128xf32, #tpu.memory_space<vmem>>[vector<16xi32>, vector<16xi32>], vector<16xf32>,
      %mul3A_722 = arith.mulf %gather3A, %gather3A_721 : vector<16xf32>
      %add3A_723 = arith.addf %scan3A_709, %mul3A_722 : vector<16xf32>
      %mul3A_724 = arith.constant 4 : i32
      %mul3A_725 = arith.muli %scan3A_708, %mul3A_724 : i32
      %add3A_726 = arith.constant 1 : i32
      %add3A_727 = arith.addi %mul3A_725, %add3A_726 : i32
      %add3A_728 = vector.broadcast %add3A_727 : i32 to vector<16xi32>
      %add3A_729 = arith.addi %get3A_625, %add3A_728 : vector<16xi32>
      %gather3A_730 = tpu.vector_load_idx %arg12[%add3A_621, %add3A_729] : memref<256x128xf32, #tpu.memory_space<vmem>>[vector<16xi32>, vector<16xi32>], vector<16xf32>,
      %add3A_731 = vector.broadcast %add3A_727 : i32 to vector<16xi32>
      %add3A_732 = arith.addi %get3A_629, %add3A_731 : vector<16xi32>
      %gather3A_733 = tpu.vector_load_idx %arg13[%add3A_621, %add3A_732] : memref<256x128xf32, #tpu.memory_space<vmem>>[vector<16xi32>, vector<16xi32>], vector<16xf32>,
      %mul3A_734 = arith.mulf %gather3A_730, %gather3A_733 : vector<16xf32>
      %add3A_735 = arith.addf %scan3A_710, %mul3A_734 : vector<16xf32>
      %mul3A_736 = arith.constant 4 : i32
      %mul3A_737 = arith.muli %scan3A_708, %mul3A_736 : i32
      %add3A_738 = arith.constant 2 : i32
      %add3A_739 = arith.addi %mul3A_737, %add3A_738 : i32
      %add3A_740 = vector.broadcast %add3A_739 : i32 to vector<16xi32>
      %add3A_741 = arith.addi %get3A_625, %add3A_740 : vector<16xi32>
      %gather3A_742 = tpu.vector_load_idx %arg12[%add3A_621, %add3A_741] : memref<256x128xf32, #tpu.memory_space<vmem>>[vector<16xi32>, vector<16xi32>], vector<16xf32>,
      %add3A_743 = vector.broadcast %add3A_739 : i32 to vector<16xi32>
      %add3A_744 = arith.addi %get3A_629, %add3A_743 : vector<16xi32>
      %gather3A_745 = tpu.vector_load_idx %arg13[%add3A_621, %add3A_744] : memref<256x128xf32, #tpu.memory_space<vmem>>[vector<16xi32>, vector<16xi32>], vector<16xf32>,
      %mul3A_746 = arith.mulf %gather3A_742, %gather3A_745 : vector<16xf32>
      %add3A_747 = arith.addf %scan3A_711, %mul3A_746 : vector<16xf32>
      %mul3A_748 = arith.constant 4 : i32
      %mul3A_749 = arith.muli %scan3A_708, %mul3A_748 : i32
      %add3A_750 = arith.constant 3 : i32
      %add3A_751 = arith.addi %mul3A_749, %add3A_750 : i32
      %add3A_752 = vector.broadcast %add3A_751 : i32 to vector<16xi32>
      %add3A_753 = arith.addi %get3A_625, %add3A_752 : vector<16xi32>
      %gather3A_754 = tpu.vector_load_idx %arg12[%add3A_621, %add3A_753] : memref<256x128xf32, #tpu.memory_space<vmem>>[vector<16xi32>, vector<16xi32>], vector<16xf32>,
      %add3A_755 = vector.broadcast %add3A_751 : i32 to vector<16xi32>
      %add3A_756 = arith.addi %get3A_629, %add3A_755 : vector<16xi32>
      %gather3A_757 = tpu.vector_load_idx %arg13[%add3A_621, %add3A_756] : memref<256x128xf32, #tpu.memory_space<vmem>>[vector<16xi32>, vector<16xi32>], vector<16xf32>,
      %mul3A_758 = arith.mulf %gather3A_754, %gather3A_757 : vector<16xf32>
      %add3A_759 = arith.addf %scan3A_712, %mul3A_758 : vector<16xf32>
      scf.yield %add3A_723, %add3A_735, %add3A_747, %add3A_759 : vector<16xf32>, vector<16xf32>, vector<16xf32>, vector<16xf32>
    }
    %scan3A_635 = arith.constant 16 : i32
    %add3A_636 = arith.constant 192 : i32
    %add3A_637 = vector.broadcast %add3A_636 : i32 to vector<16xi32>
    %add3A_638 = arith.addi %add3A_637, %iota3A : vector<16xi32>
    %get3A_639 = arith.constant 3 : i32
    %get3A_640 = arith.index_cast %get3A_639 : i32 to index
    %get3A_641 = arith.constant 64 : index
    %get3A_642 = tpu.vector_load %arg10[%get3A_640, %get3A_641] {strides = array<i32>} : memref<4x128xi32, #tpu.memory_space<vmem>>, vector<16xi32>,
    %get3A_643 = arith.constant 3 : i32
    %get3A_644 = arith.index_cast %get3A_643 : i32 to index
    %get3A_645 = arith.constant 64 : index
    %get3A_646 = tpu.vector_load %arg11[%get3A_644, %get3A_645] {strides = array<i32>} : memref<4x128xi32, #tpu.memory_space<vmem>>, vector<16xi32>,
    %scan3A_647 = arith.constant 0 : i32
    %scan3A_648 = arith.constant 16 : i32
    %scan3A_649 = arith.addi %scan3A_647, %scan3A_648 : i32
    %scan3A_650 = arith.constant 1 : i32
    %scan3A_651:4 = scf.for %scan3A_708 = %scan3A_647 to %scan3A_649 step %scan3A_650 iter_args(%scan3A_709 = %scan3A_634#0, %scan3A_710 = %scan3A_634#1, %scan3A_711 = %scan3A_634#2, %scan3A_712 = %scan3A_634#3) -> (vector<16xf32>, vector<16xf32>, vector<16xf32>, vector<16xf32>)  : i32 {
      %mul3A_713 = arith.constant 4 : i32
      %mul3A_714 = arith.muli %scan3A_708, %mul3A_713 : i32
      %add3A_715 = arith.constant 0 : i32
      %add3A_716 = arith.addi %mul3A_714, %add3A_715 : i32
      %add3A_717 = vector.broadcast %add3A_716 : i32 to vector<16xi32>
      %add3A_718 = arith.addi %get3A_642, %add3A_717 : vector<16xi32>
      %gather3A = tpu.vector_load_idx %arg12[%add3A_638, %add3A_718] : memref<256x128xf32, #tpu.memory_space<vmem>>[vector<16xi32>, vector<16xi32>], vector<16xf32>,
      %add3A_719 = vector.broadcast %add3A_716 : i32 to vector<16xi32>
      %add3A_720 = arith.addi %get3A_646, %add3A_719 : vector<16xi32>
      %gather3A_721 = tpu.vector_load_idx %arg13[%add3A_638, %add3A_720] : memref<256x128xf32, #tpu.memory_space<vmem>>[vector<16xi32>, vector<16xi32>], vector<16xf32>,
      %mul3A_722 = arith.mulf %gather3A, %gather3A_721 : vector<16xf32>
      %add3A_723 = arith.addf %scan3A_709, %mul3A_722 : vector<16xf32>
      %mul3A_724 = arith.constant 4 : i32
      %mul3A_725 = arith.muli %scan3A_708, %mul3A_724 : i32
      %add3A_726 = arith.constant 1 : i32
      %add3A_727 = arith.addi %mul3A_725, %add3A_726 : i32
      %add3A_728 = vector.broadcast %add3A_727 : i32 to vector<16xi32>
      %add3A_729 = arith.addi %get3A_642, %add3A_728 : vector<16xi32>
      %gather3A_730 = tpu.vector_load_idx %arg12[%add3A_638, %add3A_729] : memref<256x128xf32, #tpu.memory_space<vmem>>[vector<16xi32>, vector<16xi32>], vector<16xf32>,
      %add3A_731 = vector.broadcast %add3A_727 : i32 to vector<16xi32>
      %add3A_732 = arith.addi %get3A_646, %add3A_731 : vector<16xi32>
      %gather3A_733 = tpu.vector_load_idx %arg13[%add3A_638, %add3A_732] : memref<256x128xf32, #tpu.memory_space<vmem>>[vector<16xi32>, vector<16xi32>], vector<16xf32>,
      %mul3A_734 = arith.mulf %gather3A_730, %gather3A_733 : vector<16xf32>
      %add3A_735 = arith.addf %scan3A_710, %mul3A_734 : vector<16xf32>
      %mul3A_736 = arith.constant 4 : i32
      %mul3A_737 = arith.muli %scan3A_708, %mul3A_736 : i32
      %add3A_738 = arith.constant 2 : i32
      %add3A_739 = arith.addi %mul3A_737, %add3A_738 : i32
      %add3A_740 = vector.broadcast %add3A_739 : i32 to vector<16xi32>
      %add3A_741 = arith.addi %get3A_642, %add3A_740 : vector<16xi32>
      %gather3A_742 = tpu.vector_load_idx %arg12[%add3A_638, %add3A_741] : memref<256x128xf32, #tpu.memory_space<vmem>>[vector<16xi32>, vector<16xi32>], vector<16xf32>,
      %add3A_743 = vector.broadcast %add3A_739 : i32 to vector<16xi32>
      %add3A_744 = arith.addi %get3A_646, %add3A_743 : vector<16xi32>
      %gather3A_745 = tpu.vector_load_idx %arg13[%add3A_638, %add3A_744] : memref<256x128xf32, #tpu.memory_space<vmem>>[vector<16xi32>, vector<16xi32>], vector<16xf32>,
      %mul3A_746 = arith.mulf %gather3A_742, %gather3A_745 : vector<16xf32>
      %add3A_747 = arith.addf %scan3A_711, %mul3A_746 : vector<16xf32>
      %mul3A_748 = arith.constant 4 : i32
      %mul3A_749 = arith.muli %scan3A_708, %mul3A_748 : i32
      %add3A_750 = arith.constant 3 : i32
      %add3A_751 = arith.addi %mul3A_749, %add3A_750 : i32
      %add3A_752 = vector.broadcast %add3A_751 : i32 to vector<16xi32>
      %add3A_753 = arith.addi %get3A_642, %add3A_752 : vector<16xi32>
      %gather3A_754 = tpu.vector_load_idx %arg12[%add3A_638, %add3A_753] : memref<256x128xf32, #tpu.memory_space<vmem>>[vector<16xi32>, vector<16xi32>], vector<16xf32>,
      %add3A_755 = vector.broadcast %add3A_751 : i32 to vector<16xi32>
      %add3A_756 = arith.addi %get3A_646, %add3A_755 : vector<16xi32>
      %gather3A_757 = tpu.vector_load_idx %arg13[%add3A_638, %add3A_756] : memref<256x128xf32, #tpu.memory_space<vmem>>[vector<16xi32>, vector<16xi32>], vector<16xf32>,
      %mul3A_758 = arith.mulf %gather3A_754, %gather3A_757 : vector<16xf32>
      %add3A_759 = arith.addf %scan3A_712, %mul3A_758 : vector<16xf32>
      scf.yield %add3A_723, %add3A_735, %add3A_747, %add3A_759 : vector<16xf32>, vector<16xf32>, vector<16xf32>, vector<16xf32>
    }
    %scan3A_652 = arith.constant 16 : i32
    %add3A_653 = arith.constant 208 : i32
    %add3A_654 = vector.broadcast %add3A_653 : i32 to vector<16xi32>
    %add3A_655 = arith.addi %add3A_654, %iota3A : vector<16xi32>
    %get3A_656 = arith.constant 3 : i32
    %get3A_657 = arith.index_cast %get3A_656 : i32 to index
    %get3A_658 = arith.constant 80 : index
    %get3A_659 = tpu.vector_load %arg10[%get3A_657, %get3A_658] {strides = array<i32>} : memref<4x128xi32, #tpu.memory_space<vmem>>, vector<16xi32>,
    %get3A_660 = arith.constant 3 : i32
    %get3A_661 = arith.index_cast %get3A_660 : i32 to index
    %get3A_662 = arith.constant 80 : index
    %get3A_663 = tpu.vector_load %arg11[%get3A_661, %get3A_662] {strides = array<i32>} : memref<4x128xi32, #tpu.memory_space<vmem>>, vector<16xi32>,
    %scan3A_664 = arith.constant 0 : i32
    %scan3A_665 = arith.constant 16 : i32
    %scan3A_666 = arith.addi %scan3A_664, %scan3A_665 : i32
    %scan3A_667 = arith.constant 1 : i32
    %scan3A_668:4 = scf.for %scan3A_708 = %scan3A_664 to %scan3A_666 step %scan3A_667 iter_args(%scan3A_709 = %scan3A_651#0, %scan3A_710 = %scan3A_651#1, %scan3A_711 = %scan3A_651#2, %scan3A_712 = %scan3A_651#3) -> (vector<16xf32>, vector<16xf32>, vector<16xf32>, vector<16xf32>)  : i32 {
      %mul3A_713 = arith.constant 4 : i32
      %mul3A_714 = arith.muli %scan3A_708, %mul3A_713 : i32
      %add3A_715 = arith.constant 0 : i32
      %add3A_716 = arith.addi %mul3A_714, %add3A_715 : i32
      %add3A_717 = vector.broadcast %add3A_716 : i32 to vector<16xi32>
      %add3A_718 = arith.addi %get3A_659, %add3A_717 : vector<16xi32>
      %gather3A = tpu.vector_load_idx %arg12[%add3A_655, %add3A_718] : memref<256x128xf32, #tpu.memory_space<vmem>>[vector<16xi32>, vector<16xi32>], vector<16xf32>,
      %add3A_719 = vector.broadcast %add3A_716 : i32 to vector<16xi32>
      %add3A_720 = arith.addi %get3A_663, %add3A_719 : vector<16xi32>
      %gather3A_721 = tpu.vector_load_idx %arg13[%add3A_655, %add3A_720] : memref<256x128xf32, #tpu.memory_space<vmem>>[vector<16xi32>, vector<16xi32>], vector<16xf32>,
      %mul3A_722 = arith.mulf %gather3A, %gather3A_721 : vector<16xf32>
      %add3A_723 = arith.addf %scan3A_709, %mul3A_722 : vector<16xf32>
      %mul3A_724 = arith.constant 4 : i32
      %mul3A_725 = arith.muli %scan3A_708, %mul3A_724 : i32
      %add3A_726 = arith.constant 1 : i32
      %add3A_727 = arith.addi %mul3A_725, %add3A_726 : i32
      %add3A_728 = vector.broadcast %add3A_727 : i32 to vector<16xi32>
      %add3A_729 = arith.addi %get3A_659, %add3A_728 : vector<16xi32>
      %gather3A_730 = tpu.vector_load_idx %arg12[%add3A_655, %add3A_729] : memref<256x128xf32, #tpu.memory_space<vmem>>[vector<16xi32>, vector<16xi32>], vector<16xf32>,
      %add3A_731 = vector.broadcast %add3A_727 : i32 to vector<16xi32>
      %add3A_732 = arith.addi %get3A_663, %add3A_731 : vector<16xi32>
      %gather3A_733 = tpu.vector_load_idx %arg13[%add3A_655, %add3A_732] : memref<256x128xf32, #tpu.memory_space<vmem>>[vector<16xi32>, vector<16xi32>], vector<16xf32>,
      %mul3A_734 = arith.mulf %gather3A_730, %gather3A_733 : vector<16xf32>
      %add3A_735 = arith.addf %scan3A_710, %mul3A_734 : vector<16xf32>
      %mul3A_736 = arith.constant 4 : i32
      %mul3A_737 = arith.muli %scan3A_708, %mul3A_736 : i32
      %add3A_738 = arith.constant 2 : i32
      %add3A_739 = arith.addi %mul3A_737, %add3A_738 : i32
      %add3A_740 = vector.broadcast %add3A_739 : i32 to vector<16xi32>
      %add3A_741 = arith.addi %get3A_659, %add3A_740 : vector<16xi32>
      %gather3A_742 = tpu.vector_load_idx %arg12[%add3A_655, %add3A_741] : memref<256x128xf32, #tpu.memory_space<vmem>>[vector<16xi32>, vector<16xi32>], vector<16xf32>,
      %add3A_743 = vector.broadcast %add3A_739 : i32 to vector<16xi32>
      %add3A_744 = arith.addi %get3A_663, %add3A_743 : vector<16xi32>
      %gather3A_745 = tpu.vector_load_idx %arg13[%add3A_655, %add3A_744] : memref<256x128xf32, #tpu.memory_space<vmem>>[vector<16xi32>, vector<16xi32>], vector<16xf32>,
      %mul3A_746 = arith.mulf %gather3A_742, %gather3A_745 : vector<16xf32>
      %add3A_747 = arith.addf %scan3A_711, %mul3A_746 : vector<16xf32>
      %mul3A_748 = arith.constant 4 : i32
      %mul3A_749 = arith.muli %scan3A_708, %mul3A_748 : i32
      %add3A_750 = arith.constant 3 : i32
      %add3A_751 = arith.addi %mul3A_749, %add3A_750 : i32
      %add3A_752 = vector.broadcast %add3A_751 : i32 to vector<16xi32>
      %add3A_753 = arith.addi %get3A_659, %add3A_752 : vector<16xi32>
      %gather3A_754 = tpu.vector_load_idx %arg12[%add3A_655, %add3A_753] : memref<256x128xf32, #tpu.memory_space<vmem>>[vector<16xi32>, vector<16xi32>], vector<16xf32>,
      %add3A_755 = vector.broadcast %add3A_751 : i32 to vector<16xi32>
      %add3A_756 = arith.addi %get3A_663, %add3A_755 : vector<16xi32>
      %gather3A_757 = tpu.vector_load_idx %arg13[%add3A_655, %add3A_756] : memref<256x128xf32, #tpu.memory_space<vmem>>[vector<16xi32>, vector<16xi32>], vector<16xf32>,
      %mul3A_758 = arith.mulf %gather3A_754, %gather3A_757 : vector<16xf32>
      %add3A_759 = arith.addf %scan3A_712, %mul3A_758 : vector<16xf32>
      scf.yield %add3A_723, %add3A_735, %add3A_747, %add3A_759 : vector<16xf32>, vector<16xf32>, vector<16xf32>, vector<16xf32>
    }
    %scan3A_669 = arith.constant 16 : i32
    %add3A_670 = arith.constant 224 : i32
    %add3A_671 = vector.broadcast %add3A_670 : i32 to vector<16xi32>
    %add3A_672 = arith.addi %add3A_671, %iota3A : vector<16xi32>
    %get3A_673 = arith.constant 3 : i32
    %get3A_674 = arith.index_cast %get3A_673 : i32 to index
    %get3A_675 = arith.constant 96 : index
    %get3A_676 = tpu.vector_load %arg10[%get3A_674, %get3A_675] {strides = array<i32>} : memref<4x128xi32, #tpu.memory_space<vmem>>, vector<16xi32>,
    %get3A_677 = arith.constant 3 : i32
    %get3A_678 = arith.index_cast %get3A_677 : i32 to index
    %get3A_679 = arith.constant 96 : index
    %get3A_680 = tpu.vector_load %arg11[%get3A_678, %get3A_679] {strides = array<i32>} : memref<4x128xi32, #tpu.memory_space<vmem>>, vector<16xi32>,
    %scan3A_681 = arith.constant 0 : i32
    %scan3A_682 = arith.constant 16 : i32
    %scan3A_683 = arith.addi %scan3A_681, %scan3A_682 : i32
    %scan3A_684 = arith.constant 1 : i32
    %scan3A_685:4 = scf.for %scan3A_708 = %scan3A_681 to %scan3A_683 step %scan3A_684 iter_args(%scan3A_709 = %scan3A_668#0, %scan3A_710 = %scan3A_668#1, %scan3A_711 = %scan3A_668#2, %scan3A_712 = %scan3A_668#3) -> (vector<16xf32>, vector<16xf32>, vector<16xf32>, vector<16xf32>)  : i32 {
      %mul3A_713 = arith.constant 4 : i32
      %mul3A_714 = arith.muli %scan3A_708, %mul3A_713 : i32
      %add3A_715 = arith.constant 0 : i32
      %add3A_716 = arith.addi %mul3A_714, %add3A_715 : i32
      %add3A_717 = vector.broadcast %add3A_716 : i32 to vector<16xi32>
      %add3A_718 = arith.addi %get3A_676, %add3A_717 : vector<16xi32>
      %gather3A = tpu.vector_load_idx %arg12[%add3A_672, %add3A_718] : memref<256x128xf32, #tpu.memory_space<vmem>>[vector<16xi32>, vector<16xi32>], vector<16xf32>,
      %add3A_719 = vector.broadcast %add3A_716 : i32 to vector<16xi32>
      %add3A_720 = arith.addi %get3A_680, %add3A_719 : vector<16xi32>
      %gather3A_721 = tpu.vector_load_idx %arg13[%add3A_672, %add3A_720] : memref<256x128xf32, #tpu.memory_space<vmem>>[vector<16xi32>, vector<16xi32>], vector<16xf32>,
      %mul3A_722 = arith.mulf %gather3A, %gather3A_721 : vector<16xf32>
      %add3A_723 = arith.addf %scan3A_709, %mul3A_722 : vector<16xf32>
      %mul3A_724 = arith.constant 4 : i32
      %mul3A_725 = arith.muli %scan3A_708, %mul3A_724 : i32
      %add3A_726 = arith.constant 1 : i32
      %add3A_727 = arith.addi %mul3A_725, %add3A_726 : i32
      %add3A_728 = vector.broadcast %add3A_727 : i32 to vector<16xi32>
      %add3A_729 = arith.addi %get3A_676, %add3A_728 : vector<16xi32>
      %gather3A_730 = tpu.vector_load_idx %arg12[%add3A_672, %add3A_729] : memref<256x128xf32, #tpu.memory_space<vmem>>[vector<16xi32>, vector<16xi32>], vector<16xf32>,
      %add3A_731 = vector.broadcast %add3A_727 : i32 to vector<16xi32>
      %add3A_732 = arith.addi %get3A_680, %add3A_731 : vector<16xi32>
      %gather3A_733 = tpu.vector_load_idx %arg13[%add3A_672, %add3A_732] : memref<256x128xf32, #tpu.memory_space<vmem>>[vector<16xi32>, vector<16xi32>], vector<16xf32>,
      %mul3A_734 = arith.mulf %gather3A_730, %gather3A_733 : vector<16xf32>
      %add3A_735 = arith.addf %scan3A_710, %mul3A_734 : vector<16xf32>
      %mul3A_736 = arith.constant 4 : i32
      %mul3A_737 = arith.muli %scan3A_708, %mul3A_736 : i32
      %add3A_738 = arith.constant 2 : i32
      %add3A_739 = arith.addi %mul3A_737, %add3A_738 : i32
      %add3A_740 = vector.broadcast %add3A_739 : i32 to vector<16xi32>
      %add3A_741 = arith.addi %get3A_676, %add3A_740 : vector<16xi32>
      %gather3A_742 = tpu.vector_load_idx %arg12[%add3A_672, %add3A_741] : memref<256x128xf32, #tpu.memory_space<vmem>>[vector<16xi32>, vector<16xi32>], vector<16xf32>,
      %add3A_743 = vector.broadcast %add3A_739 : i32 to vector<16xi32>
      %add3A_744 = arith.addi %get3A_680, %add3A_743 : vector<16xi32>
      %gather3A_745 = tpu.vector_load_idx %arg13[%add3A_672, %add3A_744] : memref<256x128xf32, #tpu.memory_space<vmem>>[vector<16xi32>, vector<16xi32>], vector<16xf32>,
      %mul3A_746 = arith.mulf %gather3A_742, %gather3A_745 : vector<16xf32>
      %add3A_747 = arith.addf %scan3A_711, %mul3A_746 : vector<16xf32>
      %mul3A_748 = arith.constant 4 : i32
      %mul3A_749 = arith.muli %scan3A_708, %mul3A_748 : i32
      %add3A_750 = arith.constant 3 : i32
      %add3A_751 = arith.addi %mul3A_749, %add3A_750 : i32
      %add3A_752 = vector.broadcast %add3A_751 : i32 to vector<16xi32>
      %add3A_753 = arith.addi %get3A_676, %add3A_752 : vector<16xi32>
      %gather3A_754 = tpu.vector_load_idx %arg12[%add3A_672, %add3A_753] : memref<256x128xf32, #tpu.memory_space<vmem>>[vector<16xi32>, vector<16xi32>], vector<16xf32>,
      %add3A_755 = vector.broadcast %add3A_751 : i32 to vector<16xi32>
      %add3A_756 = arith.addi %get3A_680, %add3A_755 : vector<16xi32>
      %gather3A_757 = tpu.vector_load_idx %arg13[%add3A_672, %add3A_756] : memref<256x128xf32, #tpu.memory_space<vmem>>[vector<16xi32>, vector<16xi32>], vector<16xf32>,
      %mul3A_758 = arith.mulf %gather3A_754, %gather3A_757 : vector<16xf32>
      %add3A_759 = arith.addf %scan3A_712, %mul3A_758 : vector<16xf32>
      scf.yield %add3A_723, %add3A_735, %add3A_747, %add3A_759 : vector<16xf32>, vector<16xf32>, vector<16xf32>, vector<16xf32>
    }
    %scan3A_686 = arith.constant 16 : i32
    %add3A_687 = arith.constant 240 : i32
    %add3A_688 = vector.broadcast %add3A_687 : i32 to vector<16xi32>
    %add3A_689 = arith.addi %add3A_688, %iota3A : vector<16xi32>
    %get3A_690 = arith.constant 3 : i32
    %get3A_691 = arith.index_cast %get3A_690 : i32 to index
    %get3A_692 = arith.constant 112 : index
    %get3A_693 = tpu.vector_load %arg10[%get3A_691, %get3A_692] {strides = array<i32>} : memref<4x128xi32, #tpu.memory_space<vmem>>, vector<16xi32>,
    %get3A_694 = arith.constant 3 : i32
    %get3A_695 = arith.index_cast %get3A_694 : i32 to index
    %get3A_696 = arith.constant 112 : index
    %get3A_697 = tpu.vector_load %arg11[%get3A_695, %get3A_696] {strides = array<i32>} : memref<4x128xi32, #tpu.memory_space<vmem>>, vector<16xi32>,
    %scan3A_698 = arith.constant 0 : i32
    %scan3A_699 = arith.constant 16 : i32
    %scan3A_700 = arith.addi %scan3A_698, %scan3A_699 : i32
    %scan3A_701 = arith.constant 1 : i32
    %scan3A_702:4 = scf.for %scan3A_708 = %scan3A_698 to %scan3A_700 step %scan3A_701 iter_args(%scan3A_709 = %scan3A_685#0, %scan3A_710 = %scan3A_685#1, %scan3A_711 = %scan3A_685#2, %scan3A_712 = %scan3A_685#3) -> (vector<16xf32>, vector<16xf32>, vector<16xf32>, vector<16xf32>)  : i32 {
      %mul3A_713 = arith.constant 4 : i32
      %mul3A_714 = arith.muli %scan3A_708, %mul3A_713 : i32
      %add3A_715 = arith.constant 0 : i32
      %add3A_716 = arith.addi %mul3A_714, %add3A_715 : i32
      %add3A_717 = vector.broadcast %add3A_716 : i32 to vector<16xi32>
      %add3A_718 = arith.addi %get3A_693, %add3A_717 : vector<16xi32>
      %gather3A = tpu.vector_load_idx %arg12[%add3A_689, %add3A_718] : memref<256x128xf32, #tpu.memory_space<vmem>>[vector<16xi32>, vector<16xi32>], vector<16xf32>,
      %add3A_719 = vector.broadcast %add3A_716 : i32 to vector<16xi32>
      %add3A_720 = arith.addi %get3A_697, %add3A_719 : vector<16xi32>
      %gather3A_721 = tpu.vector_load_idx %arg13[%add3A_689, %add3A_720] : memref<256x128xf32, #tpu.memory_space<vmem>>[vector<16xi32>, vector<16xi32>], vector<16xf32>,
      %mul3A_722 = arith.mulf %gather3A, %gather3A_721 : vector<16xf32>
      %add3A_723 = arith.addf %scan3A_709, %mul3A_722 : vector<16xf32>
      %mul3A_724 = arith.constant 4 : i32
      %mul3A_725 = arith.muli %scan3A_708, %mul3A_724 : i32
      %add3A_726 = arith.constant 1 : i32
      %add3A_727 = arith.addi %mul3A_725, %add3A_726 : i32
      %add3A_728 = vector.broadcast %add3A_727 : i32 to vector<16xi32>
      %add3A_729 = arith.addi %get3A_693, %add3A_728 : vector<16xi32>
      %gather3A_730 = tpu.vector_load_idx %arg12[%add3A_689, %add3A_729] : memref<256x128xf32, #tpu.memory_space<vmem>>[vector<16xi32>, vector<16xi32>], vector<16xf32>,
      %add3A_731 = vector.broadcast %add3A_727 : i32 to vector<16xi32>
      %add3A_732 = arith.addi %get3A_697, %add3A_731 : vector<16xi32>
      %gather3A_733 = tpu.vector_load_idx %arg13[%add3A_689, %add3A_732] : memref<256x128xf32, #tpu.memory_space<vmem>>[vector<16xi32>, vector<16xi32>], vector<16xf32>,
      %mul3A_734 = arith.mulf %gather3A_730, %gather3A_733 : vector<16xf32>
      %add3A_735 = arith.addf %scan3A_710, %mul3A_734 : vector<16xf32>
      %mul3A_736 = arith.constant 4 : i32
      %mul3A_737 = arith.muli %scan3A_708, %mul3A_736 : i32
      %add3A_738 = arith.constant 2 : i32
      %add3A_739 = arith.addi %mul3A_737, %add3A_738 : i32
      %add3A_740 = vector.broadcast %add3A_739 : i32 to vector<16xi32>
      %add3A_741 = arith.addi %get3A_693, %add3A_740 : vector<16xi32>
      %gather3A_742 = tpu.vector_load_idx %arg12[%add3A_689, %add3A_741] : memref<256x128xf32, #tpu.memory_space<vmem>>[vector<16xi32>, vector<16xi32>], vector<16xf32>,
      %add3A_743 = vector.broadcast %add3A_739 : i32 to vector<16xi32>
      %add3A_744 = arith.addi %get3A_697, %add3A_743 : vector<16xi32>
      %gather3A_745 = tpu.vector_load_idx %arg13[%add3A_689, %add3A_744] : memref<256x128xf32, #tpu.memory_space<vmem>>[vector<16xi32>, vector<16xi32>], vector<16xf32>,
      %mul3A_746 = arith.mulf %gather3A_742, %gather3A_745 : vector<16xf32>
      %add3A_747 = arith.addf %scan3A_711, %mul3A_746 : vector<16xf32>
      %mul3A_748 = arith.constant 4 : i32
      %mul3A_749 = arith.muli %scan3A_708, %mul3A_748 : i32
      %add3A_750 = arith.constant 3 : i32
      %add3A_751 = arith.addi %mul3A_749, %add3A_750 : i32
      %add3A_752 = vector.broadcast %add3A_751 : i32 to vector<16xi32>
      %add3A_753 = arith.addi %get3A_693, %add3A_752 : vector<16xi32>
      %gather3A_754 = tpu.vector_load_idx %arg12[%add3A_689, %add3A_753] : memref<256x128xf32, #tpu.memory_space<vmem>>[vector<16xi32>, vector<16xi32>], vector<16xf32>,
      %add3A_755 = vector.broadcast %add3A_751 : i32 to vector<16xi32>
      %add3A_756 = arith.addi %get3A_697, %add3A_755 : vector<16xi32>
      %gather3A_757 = tpu.vector_load_idx %arg13[%add3A_689, %add3A_756] : memref<256x128xf32, #tpu.memory_space<vmem>>[vector<16xi32>, vector<16xi32>], vector<16xf32>,
      %mul3A_758 = arith.mulf %gather3A_754, %gather3A_757 : vector<16xf32>
      %add3A_759 = arith.addf %scan3A_712, %mul3A_758 : vector<16xf32>
      scf.yield %add3A_723, %add3A_735, %add3A_747, %add3A_759 : vector<16xf32>, vector<16xf32>, vector<16xf32>, vector<16xf32>
    }
    %scan3A_703 = arith.constant 16 : i32
    %add3A_704 = arith.addf %scan3A_702#0, %scan3A_702#1 : vector<16xf32>
    %add3A_705 = arith.addf %scan3A_702#2, %scan3A_702#3 : vector<16xf32>
    %add3A_706 = arith.addf %add3A_704, %add3A_705 : vector<16xf32>
    %swap3A = arith.constant 0 : index
    %swap3A_707 = tpu.vector_load %arg14[%swap3A] {strides = array<i32>} : memref<16xf32, #tpu.memory_space<vmem>>, vector<16xf32>,
    tpu.vector_store %arg14[%swap3A], %add3A_706 {strides = array<i32>} : memref<16xf32, #tpu.memory_space<vmem>>, vector<16xf32>,
    "tpu.region"() ({
      %run_scoped3A = tpu.sem_alloc : memref<!tpu.dma_semaphore, #tpu.memory_space<semaphore_mem>>
      %dma_start3A_708 = arith.constant 0 : i32
      %dma_start3A_709 = tpu.memref_slice %arg7[%add3A, %dma_start3A_708] : memref<32x16xf32, #tpu.memory_space<hbm>> -> memref<1x16xf32, #tpu.memory_space<hbm>>
      %dma_start3A_710 = tpu.memref_squeeze %dma_start3A_709 : memref<1x16xf32, #tpu.memory_space<hbm>> -> memref<16xf32, #tpu.memory_space<hbm>>
      %dma_start3A_711 = arith.constant 0 : i32
      %dma_start3A_712 = tpu.memref_slice %arg7[%add3A, %dma_start3A_711] : memref<32x16xf32, #tpu.memory_space<hbm>> -> memref<1x16xf32, #tpu.memory_space<hbm>>
      %dma_start3A_713 = tpu.memref_squeeze %dma_start3A_712 : memref<1x16xf32, #tpu.memory_space<hbm>> -> memref<16xf32, #tpu.memory_space<hbm>>
      tpu.enqueue_dma source(%arg14 : memref<16xf32, #tpu.memory_space<vmem>>) target(%dma_start3A_713 : memref<16xf32, #tpu.memory_space<hbm>>) target_semaphore(%run_scoped3A : memref<!tpu.dma_semaphore, #tpu.memory_space<semaphore_mem>>)
      %dma_wait3A_714 = arith.constant 0 : i32
      %dma_wait3A_715 = tpu.memref_slice %arg7[%add3A, %dma_wait3A_714] : memref<32x16xf32, #tpu.memory_space<hbm>> -> memref<1x16xf32, #tpu.memory_space<hbm>>
      %dma_wait3A_716 = tpu.memref_squeeze %dma_wait3A_715 : memref<1x16xf32, #tpu.memory_space<hbm>> -> memref<16xf32, #tpu.memory_space<hbm>>
      %dma_wait3A_717 = arith.constant 0 : i32
      %dma_wait3A_718 = tpu.memref_slice %arg7[%add3A, %dma_wait3A_717] : memref<32x16xf32, #tpu.memory_space<hbm>> -> memref<1x16xf32, #tpu.memory_space<hbm>>
      %dma_wait3A_719 = tpu.memref_squeeze %dma_wait3A_718 : memref<1x16xf32, #tpu.memory_space<hbm>> -> memref<16xf32, #tpu.memory_space<hbm>>
      tpu.wait_dma2 semaphore(%run_scoped3A : memref<!tpu.dma_semaphore, #tpu.memory_space<semaphore_mem>>) src(%arg14 : memref<16xf32, #tpu.memory_space<vmem>>) dst(%dma_wait3A_719 : memref<16xf32, #tpu.memory_space<hbm>>)
      tpu.yield
    }) : () -> ()
    return
  }
}

module attributes {stable_mosaic.version = 14 : i64} {
  func.func @_repack_body(%arg0: i32, %arg1: memref<64x16384xf32, #tpu.memory_space<vmem>>, %arg2: memref<8192x128xf32, #tpu.memory_space<vmem>>) attributes {dimension_semantics = [#tpu.dimension_semantics<arbitrary>], iteration_bounds = array<i64: 62>, scalar_prefetch = 0 : i64, scratch_operands = 0 : i64, tpu.core_type = #tpu.core_type<tc>, window_params = [{transform_indices = @transform_0, window_bounds = array<i64: 64, 16384>}, {transform_indices = @transform_1, window_bounds = array<i64: 8192, 128>}]} {
    %get3A = arith.constant 0 : index
    %get3A_0 = arith.constant 0 : index
    %get3A_1 = vector.load %arg1[%get3A, %get3A_0] : memref<64x16384xf32, #tpu.memory_space<vmem>>, vector<64x16384xf32>
    %transpose3A = tpu.transpose %get3A_1, [1, 0] : vector<64x16384xf32> -> vector<16384x64xf32>
    %slice3A = vector.extract_strided_slice %transpose3A {offsets = [0, 0], sizes = [8192, 64], strides = [1, 1]} : vector<16384x64xf32> to vector<8192x64xf32>
    %swap3A = arith.constant 0 : index
    %swap3A_2 = arith.constant 0 : index
    %swap3A_3 = vector.load %arg2[%swap3A, %swap3A_2] : memref<8192x128xf32, #tpu.memory_space<vmem>>, vector<8192x64xf32>
    tpu.vector_store %arg2[%swap3A, %swap3A_2], %slice3A {strides = array<i32>} : memref<8192x128xf32, #tpu.memory_space<vmem>>, vector<8192x64xf32>,
    %slice3A_4 = vector.extract_strided_slice %transpose3A {offsets = [8192, 0], sizes = [8192, 64], strides = [1, 1]} : vector<16384x64xf32> to vector<8192x64xf32>
    %swap3A_5 = arith.constant 0 : index
    %swap3A_6 = arith.constant 64 : index
    %swap3A_7 = vector.load %arg2[%swap3A_5, %swap3A_6] : memref<8192x128xf32, #tpu.memory_space<vmem>>, vector<8192x64xf32>
    tpu.vector_store %arg2[%swap3A_5, %swap3A_6], %slice3A_4 {strides = array<i32>} : memref<8192x128xf32, #tpu.memory_space<vmem>>, vector<8192x64xf32>,
    return
  }
  func.func @transform_0(%arg0: i32) -> (i32, i32) {
    %c0_i32 = arith.constant 0 : i32
    %c0_i32_0 = arith.constant 0 : i32
    return %c0_i32, %arg0 : i32, i32
  }
  func.func @transform_1(%arg0: i32) -> (i32, i32) {
    %c0_i32 = arith.constant 0 : i32
    %c0_i32_0 = arith.constant 0 : i32
    return %arg0, %c0_i32 : i32, i32
  }
}

</mosaic_0001>

<sc_bundles>
// kernel: kernel.4.cloned.1.call-start
scs
__scs_entry_jumppad:
0x0: {  	(pc) =	sbr.rel $0x88, $3  }
0x1: {  	(tag) =	ssettag $0x0;
	lr =	simm.s32 $0x1  }
0x2: {  	[smem:$0x3F9E] =	sst lr;
	_ =	strace $0xD0000000  }
0x3: {  	_ = 	snop  }
0x4: {  	_ = 	snop  }
0x5: {  	_ = 	snop  }
0x6: {  	_ = 	snop  }
0x7: {  	_ = 	snop  }
__scs_overlays_trampoline_lowered:
0x8: {  	[smem:$0x3FAD] =	sst s0  }
0x9: {  	[smem:$0x3FAE] =	sst s1  }
0xa: {  	[smem:$0x3FAF] =	sst s2  }
0xb: {  	[smem:$0x3FB0] =	sst s3  }
0xc: {  	[smem:$0x3FB1] =	sst s4  }
0xd: {  	[smem:$0x3FB2] =	sst s5  }
0xe: {  	[smem:$0x3FB3] =	sst s6  }
0xf: {  	[smem:$0x3FB4] =	sst s7  }
0x10: {  	[smem:$0x3FB5] =	sst s8  }
0x11: {  	[smem:$0x3FB6] =	sst s9;
	s0 =	simm.s32 @!p0 $0x0  }
0x12: {  	s1 =	sld [smem:$0x3F9C];
	s0 =	simm.s32 @p0 $0x1  }
0x13: {  	[smem:$0x3FB7] =	sst s0;
	s0 =	simm.s32 @!p1 $0x0  }
0x14: {  	s2 =	sld [smem:$0x3F9B];
	s0 =	simm.s32 @p1 $0x1  }
0x15: {  	[smem:$0x3FB8] =	sst s0;
	s0 =	simm.s32 @!p2 $0x0  }
0x16: {  	s3 =	sld [smem:$0x3FDB];
	s0 =	simm.s32 @p2 $0x1  }
0x17: {  	s4 =	simm.s32 $0x1BF5;
	[smem:$0x3FBA] =	sst s0  }
0x18: {  	s0 =	sld [smem:$0x3F9D];
	_ =	swait.ge [sflag:s4], $0x0  }
0x19: {  	s7 =	sld [smem:$0x3F9E]  }
0x1a: {  	s8 =	sadd.s32 $0xFFFFE003, lr  }
0x1b: {  	s9 =	sadd.s32 $0xFFFFFEF7, lr;
	s5 =	simm.s32 $0xFFFFFFFF;
	p2 =	slt.u32 s8, $0xFFFFF086  }
0x1c: {  	p1 =	slt.u32 s9, $0xF7A;
	s5 =	simm.s32 @!p2 $0x0  }
0x1d: {  	s5 =	simm.s32 @p1 $0x1;
	p0 =	seq.s32 s7, s2  }
0x1e: {  	s7 =	smul.u32 @!p0 $0xF7A, s2;
	p2 =	seq.s32 @!p0 s5, $0x0  }
0x1f: {  	s9 =	smul.u32 $0xF7A, s1;
	s8 =	simm.s32 @!p0 $0x1BF5;
	p2 =	por !p2, p0  }
0x20: {  	[sflag:s8] =	ssyncset.s32 @!p0 $0xFFFFF086;
	s6 =	sadd.s32 @!p0 s3, s7;
	s7 =	simm.s32 @!p0 $0x108  }
0x21: {  	s3 =	sadd.s32 s3, s9;
	s6 =	sadd.s32 @!p0 $0x88, s6;
	s7 =	simm.s32 @p2 $0x1082  }
0x22: {  	[simem:s7], [sflag:s8] =	dma.local @!p0 [hbm:s6], $0xF7A  }
0x23: {  	s9 =	sor.u32 $0xD0000000, s2;
	s6 =	simm.s32 $0x108;
	_ =	swait.ge @!p0 [sflag:s8], $0x0  }
0x24: {  	s3 =	sadd.s32 $0x88, s3;
	s6 =	simm.s32 @!p1 $0x1082;
	[sflag:s4] =	ssyncset.s32 $0xFFFFF086  }
0x25: {  	[simem:s6], [sflag:s4] =	dma.local [hbm:s3], $0xF7A  }
0x26: {  	[smem:$0x3F9E] =	sst s1;
	(tag) =	ssettag s2;
	_ =	strace s9  }
0x27: {  	s1 =	sld [smem:$0x3FAE]  }
0x28: {  	s2 =	sld [smem:$0x3FAF]  }
0x29: {  	s4 =	sld [smem:$0x3FB1]  }
0x2a: {  	p0 =	seq.s32 s5, $0x0;
	s5 =	sld [smem:$0x3FB2]  }
0x2b: {  	s6 =	sld [smem:$0x3FB3]  }
0x2c: {  	s7 =	sld [smem:$0x3FB4]  }
0x2d: {  	s3 =	simm.s32 $0x108;
	s8 =	sld [smem:$0x3FB5]  }
0x2e: {  	s3 =	simm.s32 @!p0 $0x1082;
	s9 =	sld [smem:$0x3FB6]  }
0x2f: {  	lr =	sadd.s32 s0, s3;
	s0 =	sld [smem:$0x3FAD]  }
0x30: {  	s3 =	sld [smem:$0x3FB0]  }
0x31: {  	[smem:$0x3FB9] =	sst s10  }
0x32: {  	s10 =	sld [smem:$0x3FB7];
	_ =	sdelay $0x3  }
0x33: {  	p0 =	seq.s32 s10, $0x1;
	s10 =	sld [smem:$0x3FB9];
	_ =	sdelay $0x3  }
0x34: {  	[smem:$0x3FB9] =	sst s10  }
0x35: {  	s10 =	sld [smem:$0x3FB8];
	_ =	sdelay $0x3  }
0x36: {  	p1 =	seq.s32 s10, $0x1;
	s10 =	sld [smem:$0x3FB9];
	_ =	sdelay $0x3  }
0x37: {  	[smem:$0x3FB9] =	sst s10  }
0x38: {  	s10 =	sld [smem:$0x3FBA]  }
0x39: {  	_ = 	snop;
	(pc) =	sbr.ind lr, $3  }
0x3a: {  	_ = 	snop  }
0x3b: {  	_ = 	snop  }
0x3c: {  	p2 =	seq.s32 s10, $0x1;
	s10 =	sld [smem:$0x3FB9]  }
0x3d: {  	_ =	shalt  }
0x3e: {  	_ =	shalt  }
0x3f: {  	_ =	shalt  }
0x40: {  	_ =	shalt  }
0x41: {  	_ =	shalt  }
0x42: {  	_ =	shalt  }
0x43: {  	_ =	shalt  }
0x44: {  	_ =	shalt  }
0x45: {  	_ =	shalt  }
0x46: {  	_ =	shalt  }
0x47: {  	_ =	shalt  }
0x48: {  	_ =	shalt  }
0x49: {  	_ =	shalt  }
0x4a: {  	_ =	shalt  }
0x4b: {  	_ =	shalt  }
0x4c: {  	_ =	shalt  }
0x4d: {  	_ =	shalt  }
0x4e: {  	_ =	shalt  }
0x4f: {  	_ =	shalt  }
0x50: {  	_ =	shalt  }
0x51: {  	_ =	shalt  }
0x52: {  	_ =	shalt  }
0x53: {  	_ =	shalt  }
0x54: {  	_ =	shalt  }
0x55: {  	_ =	shalt  }
0x56: {  	_ =	shalt  }
0x57: {  	_ =	shalt  }
0x58: {  	_ =	shalt  }
0x59: {  	_ =	shalt  }
0x5a: {  	_ =	shalt  }
0x5b: {  	_ =	shalt  }
0x5c: {  	_ =	shalt  }
0x5d: {  	_ =	shalt  }
0x5e: {  	_ =	shalt  }
0x5f: {  	_ =	shalt  }
0x60: {  	_ =	shalt  }
0x61: {  	_ =	shalt  }
0x62: {  	_ =	shalt  }
0x63: {  	_ =	shalt  }
0x64: {  	_ =	shalt  }
0x65: {  	_ =	shalt  }
0x66: {  	_ =	shalt  }
0x67: {  	_ =	shalt  }
0x68: {  	_ =	shalt  }
0x69: {  	_ =	shalt  }
0x6a: {  	_ =	shalt  }
0x6b: {  	_ =	shalt  }
0x6c: {  	_ =	shalt  }
0x6d: {  	_ =	shalt  }
0x6e: {  	_ =	shalt  }
0x6f: {  	_ =	shalt  }
0x70: {  	_ =	shalt  }
0x71: {  	_ =	shalt  }
0x72: {  	_ =	shalt  }
0x73: {  	_ =	shalt  }
0x74: {  	_ =	shalt  }
0x75: {  	_ =	shalt  }
0x76: {  	_ =	shalt  }
0x77: {  	_ =	shalt  }
0x78: {  	_ =	shalt  }
0x79: {  	_ =	shalt  }
0x7a: {  	_ =	shalt  }
0x7b: {  	_ =	shalt  }
0x7c: {  	_ =	shalt  }
0x7d: {  	_ =	shalt  }
0x7e: {  	_ =	shalt  }
0x7f: {  	_ =	shalt  }
0x80: {  	_ =	shalt  }
0x81: {  	_ =	shalt  }
0x82: {  	_ =	shalt  }
0x83: {  	_ =	shalt  }
0x84: {  	_ =	shalt  }
0x85: {  	_ =	shalt  }
0x86: {  	_ =	shalt  }
0x87: {  	_ =	shalt  }
.Lfunc_end0:
.L_simem_size_0:
called_computation_lowered:
.L_overlay_start_0:
0x88: {  	s2 =	sld [smem:$0x3FD9]  }
0x89: {  	s3 =	sld [smem:$0x3FFE];
	_ =	sdelay $0x1  }
0x8a: {  	s1 =	srdreg.scid  }
0x8b: {  	s0 =	sand.u32 $0x1, s1  }
0x8c: {  	s16 =	sshll.u32 s0, $0xA;
	s2 =	sadd.s32 s3, s2  }
0x8d: {  	s2 =	sadd.s32 s2, s16  }
0x8e: {  	[smem:$0x3FC5] =	sst s2  }
0x8f: {  	_ = 	snop  }
0x90: {  	(tm) =	ssettm $0x1  }
0x91: {  	s17 =	sld [smem:$0x3FFB];
	_ =	sdelay $0x3  }
0x92: {  	_ =	strace s17  }
0x93: {  	s2 =	sld [smem:$0x3FFC];
	_ =	sdelay $0x3  }
0x94: {  	_ =	strace s2  }
0x95: {  	s2 =	sld [smem:$0x3FFD];
	_ =	sdelay $0x3  }
0x96: {  	_ =	strace s2  }
0x97: {  	_ =	strace $0x8FFFFFFF  }
0x98: {  	s18 =	sld [smem:$0x3FDB];
	_ =	sdelay $0x1  }
0x99: {  	s19 =	simm.s32 $_scs_section_size  }
0x9a: {  	s4 =	simm.s32 $_size__tile_overlayer_lowered;
	s5 =	simm.s32 $_tile_overlayer_lowered  }
0x9b: {  	s22 =	simm.s32 $0x1BFF;
	s21 =	sshll.u32 s5, $0x1;
	s2 =	sadd.s32 s19, s18  }
0x9c: {  	s6 =	simm.s32 $0x0;
	s20 =	sshll.u32 s4, $0x1;
	s4 =	sadd.s32 s21, s2  }
0x9d: {  	[timem:s6], [sflag:s22] =	dma.local [hbm:s4], s20  }
0x9e: {  	_ =	swait.ge [sflag:s22], s20  }
0x9f: {  	s3 =	ssub.s32 $0x0, s20;
	[sflag:s22] =	ssyncset.done $0x0  }
0xa0: {  	[sflag:s22] =	ssyncadd.s32 s3;
	_ =	sdelay $0x1  }
0xa1: {  	s23 =	simm.s32 $0x1B8B  }
0xa2: {  	_ =	swait.ge [sflag:s23], $0x1  }
0xa3: {  	[sflag:s23] =	ssyncset.done $0x0  }
0xa4: {  	s25 =	simm.s32 $0x1B8E;
	s24 =	sld [smem:$0x3FFE];
	[sflag:s23] =	ssyncadd.s32 $0xFFFFFFFF  }
0xa5: {  	s26 =	simm.s32 $execute0_lowered;
	[smem:$0x3FD2] =	sst s25  }
0xa6: {  	s4 =	sshll.u32 s26, $0x1;
	_ =	strace $0x80000046;
	[dreg:$0x1] =	wrdreg $0xFFFFFFFF  }
0xa7: {  	s28 =	simm.s32 $_size_execute0_lowered;
	s2 =	sadd.s32 s2, s4;
	[dreg:$0x0] =	wrdreg $0x0  }
0xa8: {  	s4 =	sshll.u32 s28, $0x1;
	[dreg:$0x2] =	wrdreg s2  }
0xa9: {  	[dreg:$0x3] =	wrdreg s4  }
0xaa: {  	[dreg:$0x4] =	wrdreg $0xC0  }
0xab: {  	_ =	task [dreg:s6], $0x5FFFF  }
0xac: {  	[dreg:$0x1] =	wrdreg $0xFFFFFFFF  }
0xad: {  	[dreg:$0x0] =	wrdreg $0x60  }
0xae: {  	[dreg:$0x2] =	wrdreg s24  }
0xaf: {  	[dreg:$0x3] =	wrdreg $0x9  }
0xb0: {  	_ =	task.clear_ibuf [dreg:s6], $0x4FFFF;
	_ =	strace $0x90000046  }
0xb1: {  	s29 =	simm.s32 $0x9;
	_ =	strace $0x80000048  }
0xb2: {  	_ =	swait.ge [sflag:s29], $0x1  }
0xb3: {  	[sflag:s29] =	ssyncadd.s32 $0xFFFFFFFF  }
0xb4: {  	_ =	strace $0x90000048  }
0xb5: {  	_ =	sfence  }
0xb6: {  	s30 =	sld [smem:$0x0];
	_ =	sdelay $0x2  }
0xb7: {  	s31 =	sshll.u32 s1, $0xD;
	s1 =	sshrl.u32 s1, $0x2  }
0xb8: {  	s3 =	sand.u32 $0x4000, s31;
	s1 =	sadd.s32 s1, s30  }
0xb9: {  	s0 =	sor.u32 s3, s0;
	s1 =	sshll.u32 s1, $0x11  }
0xba: {  	s0 =	sor.u32 s1, s0  }
0xbb: {  	s0 =	sadd.s32 $0x8F2B, s0  }
0xbc: {  	[sflag:s0] =	ssyncadd.remote.s32 $0x1  }
0xbd: {  	_ =	sfence.sel $0xFFFF  }
0xbe: {  	[dreg:$0x0] =	wrdreg $0xFFFFFFFF;
	(pc) =	sbr.abs _section_cstart, $3  }
0xbf: {  	[dreg:$0x1] =	wrdreg $0xFFFFFFFF  }
0xc0: {  	_ =	task.clear_ibuf [dreg:s6], $0x2FFFF;
	_ =	strace $0x9FFFFFFF  }
0xc1: {  	(tm) =	ssettm $0x7FFFFFFF  }
tec
execute0_lowered:
.L_overlay_start_1:
0x0: {  	(tag) =	ssettag $0x1  }
0x1: {  	s4 =	rddreg [dreg:$0x0];
	s2 =	srdreg.scid  }
0x2: {  	s0 =	rddreg [dreg:$0x1];
	s1 =	stileid.u32  }
0x3: {  	s12 =	simm.s32 $0x200;
	s13 =	simm.s32 $0x600;
	s14 =	simm.s32 $0x80  }
0x4: {  	s15 =	simm.s32 $0x800;
	s16 =	simm.s32 $0x8800;
	s17 =	simm.s32 $0x4800  }
0x5: {  	s18 =	simm.s32 $0x280;
	s19 =	simm.s32 $0xC800;
	s20 =	simm.s32 $0x1  }
0x6: {  	s21 =	simm.s32 $0x100;
	s22 =	simm.s32 $0x300;
	s23 =	simm.s32 $0x180  }
0x7: {  	s24 =	simm.s32 $0x380;
	s25 =	simm.s32 $0x10800;
	s26 =	simm.s32 $0x0  }
0x8: {  	s5 =	sand.u32 $0x1, s2;
	s2 =	simm.s32 $0x0;
	s3 =	sshll.u32 s1, $0x7  }
0x9: {  	v0 =	vlaneseq.u32;
	s11 =	sshll.u32 s1, $0x5;
	s6 =	sshll.u32 s5, $0x6;
	[smem:$0x7FF] =	sst s2  }
0xa: {  	v0 =	vmul.u32 $0x80, v0;
	s31 =	sshll.u32 s5, $0x4;
	s9 =	ssub.s32 $0x2, s5;
	s3 =	sor.u32 s6, s3  }
0xb: {  	_ =	strace $0x80000047;
	s8 =	sadd.s32 s31, s4;
	s10 =	sshrl.u32 s9, $0x1  }
0xc: {  	v1 =	vor.u32 $0x800, v0;
	s7 =	sadd.s32 s3, s4;
	s3 =	sadd.s32 $0x600, s4;
	s8 =	sadd.s32 s11, s8  }
0xd: {  	v2 =	vor.u32 $0x1000, v0;
	v3 =	vor.u32 $0x1800, v0;
	v4 =	vor.u32 $0x2000, v0;
	s9 =	ssub.s32 s9, s10;
	s11 =	simm.s32 $0x400;
	s4 =	sadd.s32 $0x7C1600, s7  }
0xe: {  	v5 =	vor.u32 $0x2800, v0;
	v6 =	vor.u32 $0x3000, v0;
	s10 =	simm.s32 $0x2;
	s5 =	sadd.s32 $0x7C1E00, s7;
	s6 =	sadd.s32 $0x7C0E00, s7  }
0xf: {  	v7 =	vor.u32 $0x3800, v0;
	v8 =	vor.u32 $0x4000, v0;
	s7 =	sadd.s32 $0x7C0600, s7;
	s8 =	sadd.s32 $0x7C2600, s8;
	s9 =	smax.u32 s9, $0x1  }
.LBB2_1:
0x10: {  	[tilespmem:s2], [sflag:$0x2] =	stream.linear.gather [hbm4b:s4+s2], $0x200, $0x38;
	[tilespmem:$0x10880] =	vst v63  }
0x11: {  	_ =	swait.ge [sflag:s10], $0x200  }
0x12: {  	[sflag:s10] =	ssyncset.done $0x0  }
0x13: {  	[sflag:s10] =	ssyncadd.s32 $0xFFFFFE00  }
0x14: {  	[tilespmem:s11], [sflag:$0x2] =	stream.linear.gather [hbm4b:s5+s2], $0x200, $0x38;
	[tilespmem:$0x10880] =	vst v63  }
0x15: {  	_ =	swait.ge [sflag:s10], $0x200  }
0x16: {  	[sflag:s10] =	ssyncset.done $0x0  }
0x17: {  	[sflag:s10] =	ssyncadd.s32 $0xFFFFFE00  }
0x18: {  	[tilespmem:s12], [sflag:$0x2] =	stream.linear.gather [hbm4b:s6+s2], $0x200, $0x38;
	[tilespmem:$0x10880] =	vst v63  }
0x19: {  	_ =	swait.ge [sflag:s10], $0x200  }
0x1a: {  	[sflag:s10] =	ssyncset.done $0x0  }
0x1b: {  	[sflag:s10] =	ssyncadd.s32 $0xFFFFFE00  }
0x1c: {  	[tilespmem:s13], [sflag:$0x2] =	stream.linear.gather [hbm4b:s7+s2], $0x200, $0x38;
	[tilespmem:$0x10880] =	vst v63  }
0x1d: {  	_ =	swait.ge [sflag:s10], $0x200  }
0x1e: {  	[sflag:s10] =	ssyncset.done $0x0  }
0x1f: {  	[sflag:s10] =	ssyncadd.s32 $0xFFFFFE00  }
0x20: {  	[tilespmem:s15], [sflag:$0x1] =	stream.indirect.gather [hbm4b:s3+s14], $0x80, s2, s14, $0xb8;
	[tilespmem:$0x10880] =	vst v63  }
0x21: {  	_ = 	snop  }
0x22: {  	[tilespmem:s16], [sflag:$0x1] =	stream.indirect.gather [hbm4b:s3+s14], $0x80, s12, s14, $0xb8;
	[tilespmem:$0x10880] =	vst v63  }
0x23: {  	_ = 	snop  }
0x24: {  	[tilespmem:s17], [sflag:$0x1] =	stream.indirect.gather [hbm4b:s3+s14], $0x80, s14, s14, $0xb8;
	[tilespmem:$0x10880] =	vst v63  }
0x25: {  	_ = 	snop  }
0x26: {  	[tilespmem:s19], [sflag:$0x1] =	stream.indirect.gather [hbm4b:s3+s14], $0x80, s18, s14, $0xb8;
	[tilespmem:$0x10880] =	vst v63  }
0x27: {  	_ =	swait.ge [sflag:s20], $0x4000  }
0x28: {  	[sflag:s20] =	ssyncset.done $0x0  }
0x29: {  	[sflag:s20] =	ssyncadd.s32 $0xFFFFC000  }
0x2a: {  	_ =	swait.ge [sflag:s20], $0x4000  }
0x2b: {  	[sflag:s20] =	ssyncset.done $0x0  }
0x2c: {  	[sflag:s20] =	ssyncadd.s32 $0xFFFFC000  }
0x2d: {  	_ =	swait.ge [sflag:s20], $0x4000  }
0x2e: {  	[sflag:s20] =	ssyncset.done $0x0  }
0x2f: {  	[sflag:s20] =	ssyncadd.s32 $0xFFFFC000  }
0x30: {  	_ =	swait.ge [sflag:s20], $0x4000  }
0x31: {  	[sflag:s20] =	ssyncset.done $0x0  }
0x32: {  	[sflag:s20] =	ssyncadd.s32 $0xFFFFC000  }
0x33: {  	v9 =	vld [tilespmem:$0x400];
	_ =	sdelay $0x1  }
0x34: {  	v10 =	vld [tilespmem:$0x600];
	_ =	sdelay $0x1  }
0x35: {  	s28 =	simm.s32 $0x1  }
0x36: {  	s29 =	simm.s32 $0x3;
	v11 =	vadd.s32 s28, v9  }
0x37: {  	v12 =	vadd.s32 s29, v9;
	v11 =	vadd.s32 v0, v11  }
0x38: {  	v14 =	vadd.s32 s28, v10;
	v12 =	vadd.s32 v0, v12  }
0x39: {  	v13 =	vadd.s32 s2, v10;
	v14 =	vadd.s32 v0, v14  }
0x3a: {  	s28 =	simm.s32 $0x2;
	v16 =	vadd.s32 s29, v10;
	v13 =	vadd.s32 v0, v13  }
0x3b: {  	v17 =	vadd.s32 s28, v9;
	v16 =	vadd.s32 v0, v16  }
0x3c: {  	s30 =	simm.s32 $0x4;
	s31 =	simm.s32 $0x6;
	v15 =	vadd.s32 s2, v9;
	v17 =	vadd.s32 v0, v17;
	v18 =	vld.idx.msk [tilespmem:v11+s15+$0x0], $0xffff  }
0x3d: {  	v22 =	vadd.s32 s30, v9;
	v23 =	vadd.s32 s30, v10;
	v25 =	vadd.s32 s31, v10;
	v19 =	vld.idx.msk [tilespmem:v12+s15+$0x0], $0xffff  }
0x3e: {  	s29 =	simm.s32 $0x7;
	v15 =	vadd.s32 v0, v15;
	v23 =	vadd.s32 v0, v23;
	v11 =	vadd.s32 s28, v10;
	v14 =	vld.idx.msk [tilespmem:v14+s16+$0x0], $0xffff  }
0x3f: {  	v22 =	vadd.s32 v0, v22;
	s28 =	simm.s32 $0x5;
	v21 =	vld.idx.msk [tilespmem:v13+s16+$0x0], $0xffff;
	v13 =	vadd.s32 s29, v9;
	v12 =	vadd.s32 v0, v11  }
0x40: {  	v28 =	vld.idx.msk [tilespmem:v16+s16+$0x0], $0xffff;
	v20 =	vadd.s32 s28, v9;
	v13 =	vadd.s32 v0, v13;
	v24 =	vadd.s32 s28, v10  }
0x41: {  	v30 =	vld.idx.msk [tilespmem:v17+s15+$0x0], $0xffff;
	s28 =	simm.s32 $0x8;
	v17 =	vadd.s32 s31, v9;
	v20 =	vadd.s32 v0, v20;
	v16 =	vadd.s32 v0, v24  }
0x42: {  	s31 =	simm.s32 $0xB;
	v24 =	vadd.s32 s29, v10;
	v34 =	vadd.s32 v0, v17;
	v17 =	vadd.s32 s28, v10;
	s29 =	simm.s32 $0xA  }
0x43: {  	v15 =	vld.idx.msk [tilespmem:v15+s15+$0x0], $0xffff;
	v27 =	vadd.s32 s31, v9;
	v26 =	vadd.s32 s29, v10;
	v14 =	vmul.f32 v14, v18  }
0x44: {  	v18 =	vadd.s32 v0, v17;
	v17 =	vadd.s32 v0, v26;
	v26 =	vadd.s32 v0, v27;
	v27 =	vld.idx.msk [tilespmem:v22+s15+$0x0], $0xffff  }
0x45: {  	v33 =	vld.idx.msk [tilespmem:v12+s16+$0x0], $0xffff  }
0x46: {  	v35 =	vadd.s32 s28, v9;
	s28 =	simm.s32 $0x9;
	v31 =	vadd.s32 v0, v24;
	v12 =	vld.idx.msk [tilespmem:v13+s15+$0x0], $0xffff  }
0x47: {  	v32 =	vadd.s32 v0, v25;
	v25 =	vld.idx.msk [tilespmem:v20+s15+$0x0], $0xffff;
	v20 =	vadd.s32 s28, v9  }
0x48: {  	v24 =	vadd.s32 s28, v10;
	v21 =	vmul.f32 v21, v15;
	v13 =	vld.idx.msk [tilespmem:v23+s16+$0x0], $0xffff;
	v29 =	vadd.s32 v0, v20  }
0x49: {  	v11 =	vimm.f32 $0.0e+00;
	v15 =	vadd.s32 v0, v24;
	v23 =	vmul.f32 v28, v19;
	v24 =	vld.idx.msk [tilespmem:v16+s16+$0x0], $0xffff  }
0x4a: {  	v28 =	vadd.s32 s29, v9;
	v16 =	vadd.f32 v21, v11;
	v21 =	vadd.s32 s31, v10;
	v22 =	vld.idx.msk [tilespmem:v34+s15+$0x0], $0xffff  }
0x4b: {  	v14 =	vadd.f32 v14, v11;
	v20 =	vld.idx.msk [tilespmem:v31+s16+$0x0], $0xffff;
	v19 =	vadd.s32 v0, v21;
	v31 =	vmul.f32 v33, v30  }
0x4c: {  	s28 =	simm.s32 $0xC;
	v21 =	vadd.s32 v0, v28;
	v28 =	vld.idx.msk [tilespmem:v32+s16+$0x0], $0xffff;
	v23 =	vadd.f32 v23, v11;
	v30 =	vadd.s32 v0, v35  }
.LBB2_2:
0x4d: {  	v32 =	vadd.s32 s28, v9;
	v33 =	vadd.s32 s28, v10;
	s29 =	sadd.s32 $0x1, s28;
	s30 =	sadd.s32 $0x2, s28;
	s31 =	sadd.s32 $0x3, s28;
	v34 =	vld.idx.msk [tilespmem:v29+s15+$0x0], $0xffff;
	v11 =	vadd.f32 v31, v11;
	v31 =	vmovc v12;
	v35 =	vmovc v17  }
0x4e: {  	p0 =	sne.s32 s28, $0x3C;
	s28 =	sadd.s32 $0x4, s28;
	v25 =	vmul.f32 v24, v25;
	v17 =	vadd.s32 s29, v9;
	v36 =	vadd.s32 s29, v10;
	v12 =	vld.idx.msk [tilespmem:v26+s15+$0x0], $0xffff  }
0x4f: {  	v26 =	vadd.s32 s30, v10;
	v37 =	vadd.s32 s31, v9;
	v38 =	vmul.f32 v13, v27;
	v13 =	vld.idx.msk [tilespmem:v18+s16+$0x0], $0xffff  }
.Ltmp0:
0x50: {  	v18 =	vadd.s32 v0, v33;
	v29 =	vadd.s32 v0, v17;
	v24 =	vld.idx.msk [tilespmem:v15+s16+$0x0], $0xffff;
	v15 =	vadd.s32 v0, v36;
	(pc) =	sbr.rel @p0 .LBB2_2-.Ltmp0, $4  }
0x51: {  	v17 =	vadd.s32 v0, v26;
	v26 =	vadd.s32 v0, v37;
	v16 =	vadd.f32 v38, v16;
	v27 =	vld.idx.msk [tilespmem:v30+s15+$0x0], $0xffff  }
0x52: {  	v14 =	vadd.f32 v25, v14;
	v33 =	vmul.f32 v20, v31;
	v30 =	vadd.s32 s31, v10;
	v20 =	vld.idx.msk [tilespmem:v19+s16+$0x0], $0xffff  }
0x53: {  	v36 =	vadd.s32 s30, v9;
	v31 =	vmul.f32 v28, v22;
	v19 =	vadd.s32 v0, v30;
	v25 =	vmovc v34;
	v22 =	vld.idx.msk [tilespmem:v21+s15+$0x0], $0xffff  }
0x54: {  	v23 =	vadd.f32 v33, v23;
	v30 =	vadd.s32 v0, v32;
	v21 =	vadd.s32 v0, v36;
	v28 =	vld.idx.msk [tilespmem:v35+s16+$0x0], $0xffff  }
0x55: {  	_ =	sdelay $0x3  }
0x56: {  	v29 =	vld.idx.msk [tilespmem:v29+s15+$0x0], $0xffff  }
0x57: {  	v18 =	vld.idx.msk [tilespmem:v18+s16+$0x0], $0xffff  }
0x58: {  	v9 =	vld [tilespmem:$0x410]  }
0x59: {  	v30 =	vld.idx.msk [tilespmem:v30+s15+$0x0], $0xffff  }
0x5a: {  	v10 =	vld [tilespmem:$0x610]  }
0x5b: {  	v15 =	vld.idx.msk [tilespmem:v15+s16+$0x0], $0xffff  }
0x5c: {  	v24 =	vmul.f32 v24, v25;
	v13 =	vmul.f32 v13, v27  }
0x5d: {  	v11 =	vadd.f32 v31, v11;
	v19 =	vld.idx.msk [tilespmem:v19+s16+$0x0], $0xffff;
	v12 =	vmul.f32 v20, v12  }
0x5e: {  	s28 =	simm.s32 $0x1;
	v21 =	vld.idx.msk [tilespmem:v21+s15+$0x0], $0xffff;
	v14 =	vadd.f32 v24, v14;
	v13 =	vadd.f32 v13, v16;
	v16 =	vmul.f32 v28, v22  }
0x5f: {  	s30 =	simm.s32 $0x0;
	v20 =	vld.idx.msk [tilespmem:v26+s15+$0x0], $0xffff;
	v12 =	vadd.f32 v12, v23;
	v22 =	vadd.s32 s28, v9;
	v18 =	vmul.f32 v18, v30  }
0x60: {  	s29 =	simm.s32 $0x3;
	v17 =	vld.idx.msk [tilespmem:v17+s16+$0x0], $0xffff;
	v23 =	vadd.s32 s30, v10;
	v15 =	vmul.f32 v15, v29;
	v22 =	vadd.s32 v1, v22  }
0x61: {  	v11 =	vadd.f32 v16, v11;
	v16 =	vadd.s32 s29, v9;
	v23 =	vadd.s32 v1, v23  }
0x62: {  	v24 =	vadd.s32 s28, v10;
	v16 =	vadd.s32 v1, v16;
	v28 =	vadd.f32 v18, v13  }
0x63: {  	v13 =	vadd.s32 s30, v9;
	v18 =	vadd.s32 v1, v24;
	v14 =	vadd.f32 v15, v14  }
0x64: {  	s28 =	simm.s32 $0x2;
	v15 =	vadd.s32 s29, v10;
	v19 =	vmul.f32 v19, v20;
	v13 =	vadd.s32 v1, v13  }
0x65: {  	v17 =	vmul.f32 v17, v21;
	v20 =	vadd.s32 s28, v9;
	v15 =	vadd.s32 v1, v15;
	v22 =	vld.idx.msk [tilespmem:v22+s15+$0x0], $0xffff  }
0x66: {  	v21 =	vadd.s32 s28, v10;
	s29 =	simm.s32 $0x7;
	v20 =	vadd.s32 v1, v20;
	v32 =	vadd.f32 v19, v12;
	v19 =	vld.idx.msk [tilespmem:v23+s16+$0x0], $0xffff  }
0x67: {  	s31 =	simm.s32 $0x4;
	v11 =	vadd.f32 v17, v11;
	v17 =	vadd.s32 s29, v9;
	v12 =	vadd.s32 v1, v21;
	v30 =	vld.idx.msk [tilespmem:v16+s15+$0x0], $0xffff  }
0x68: {  	s28 =	simm.s32 $0x5;
	v17 =	vadd.s32 v1, v17;
	v23 =	vadd.s32 s31, v10;
	v18 =	vld.idx.msk [tilespmem:v18+s16+$0x0], $0xffff  }
0x69: {  	v21 =	vadd.s32 s31, v9;
	s31 =	simm.s32 $0x6;
	v16 =	vadd.s32 s28, v9;
	v23 =	vadd.s32 v1, v23;
	v24 =	vld.idx.msk [tilespmem:v13+s15+$0x0], $0xffff  }
0x6a: {  	v21 =	vadd.s32 v1, v21;
	v25 =	vadd.s32 s31, v10;
	v16 =	vadd.s32 v1, v16;
	v31 =	vld.idx.msk [tilespmem:v15+s16+$0x0], $0xffff  }
0x6b: {  	v13 =	vadd.s32 s28, v10;
	v33 =	vadd.s32 v1, v25;
	v34 =	vld.idx.msk [tilespmem:v20+s15+$0x0], $0xffff;
	v15 =	vadd.s32 s31, v9  }
0x6c: {  	s28 =	simm.s32 $0x8;
	s31 =	simm.s32 $0xB;
	v26 =	vadd.s32 v1, v13;
	v13 =	vadd.s32 s29, v10;
	v35 =	vld.idx.msk [tilespmem:v12+s16+$0x0], $0xffff;
	v36 =	vadd.s32 v1, v15  }
0x6d: {  	v37 =	vadd.s32 s28, v9;
	v15 =	vadd.s32 s28, v10;
	s28 =	simm.s32 $0x9;
	s29 =	simm.s32 $0xA;
	v12 =	vld.idx.msk [tilespmem:v17+s15+$0x0], $0xffff;
	v38 =	vadd.s32 s31, v9  }
0x6e: {  	v20 =	vadd.s32 v1, v13;
	v27 =	vadd.s32 s28, v10;
	v17 =	vadd.s32 s29, v10;
	v13 =	vld.idx.msk [tilespmem:v23+s16+$0x0], $0xffff  }
0x6f: {  	v17 =	vadd.s32 v1, v17;
	v22 =	vmul.f32 v18, v22;
	v25 =	vld.idx.msk [tilespmem:v16+s15+$0x0], $0xffff;
	v16 =	vadd.s32 s28, v9  }
0x70: {  	v18 =	vadd.s32 v1, v15;
	v15 =	vadd.s32 v1, v27;
	v27 =	vld.idx.msk [tilespmem:v21+s15+$0x0], $0xffff;
	v29 =	vadd.s32 v1, v16  }
0x71: {  	v21 =	vadd.s32 s29, v9;
	v19 =	vmul.f32 v19, v24;
	v24 =	vld.idx.msk [tilespmem:v26+s16+$0x0], $0xffff;
	v26 =	vadd.s32 v1, v38  }
0x72: {  	v23 =	vmul.f32 v31, v30;
	v30 =	vadd.s32 v1, v37;
	v14 =	vadd.f32 v22, v14;
	v22 =	vld.idx.msk [tilespmem:v36+s15+$0x0], $0xffff  }
0x73: {  	v31 =	vmul.f32 v35, v34;
	v16 =	vadd.f32 v19, v28;
	v19 =	vadd.s32 s31, v10;
	v20 =	vld.idx.msk [tilespmem:v20+s16+$0x0], $0xffff  }
0x74: {  	s28 =	simm.s32 $0xC;
	v21 =	vadd.s32 v1, v21;
	v28 =	vld.idx.msk [tilespmem:v33+s16+$0x0], $0xffff;
	v23 =	vadd.f32 v23, v32;
	v19 =	vadd.s32 v1, v19  }
.LBB2_4:
0x75: {  	v32 =	vadd.s32 s28, v9;
	v33 =	vadd.s32 s28, v10;
	s29 =	sadd.s32 $0x1, s28;
	s30 =	sadd.s32 $0x2, s28;
	s31 =	sadd.s32 $0x3, s28;
	v34 =	vld.idx.msk [tilespmem:v29+s15+$0x0], $0xffff;
	v11 =	vadd.f32 v31, v11;
	v31 =	vmovc v12;
	v35 =	vmovc v17  }
0x76: {  	p0 =	sne.s32 s28, $0x3C;
	s28 =	sadd.s32 $0x4, s28;
	v25 =	vmul.f32 v24, v25;
	v17 =	vadd.s32 s29, v9;
	v36 =	vadd.s32 s29, v10;
	v12 =	vld.idx.msk [tilespmem:v26+s15+$0x0], $0xffff  }
0x77: {  	v26 =	vadd.s32 s30, v10;
	v37 =	vadd.s32 s31, v9;
	v38 =	vmul.f32 v13, v27;
	v13 =	vld.idx.msk [tilespmem:v18+s16+$0x0], $0xffff  }
.Ltmp1:
0x78: {  	v18 =	vadd.s32 v1, v33;
	v29 =	vadd.s32 v1, v17;
	v24 =	vld.idx.msk [tilespmem:v15+s16+$0x0], $0xffff;
	v15 =	vadd.s32 v1, v36;
	(pc) =	sbr.rel @p0 .LBB2_4-.Ltmp1, $4  }
0x79: {  	v17 =	vadd.s32 v1, v26;
	v26 =	vadd.s32 v1, v37;
	v16 =	vadd.f32 v38, v16;
	v27 =	vld.idx.msk [tilespmem:v30+s15+$0x0], $0xffff  }
0x7a: {  	v14 =	vadd.f32 v25, v14;
	v33 =	vmul.f32 v20, v31;
	v30 =	vadd.s32 s31, v10;
	v20 =	vld.idx.msk [tilespmem:v19+s16+$0x0], $0xffff  }
0x7b: {  	v36 =	vadd.s32 s30, v9;
	v31 =	vmul.f32 v28, v22;
	v19 =	vadd.s32 v1, v30;
	v25 =	vmovc v34;
	v22 =	vld.idx.msk [tilespmem:v21+s15+$0x0], $0xffff  }
0x7c: {  	v23 =	vadd.f32 v33, v23;
	v30 =	vadd.s32 v1, v32;
	v21 =	vadd.s32 v1, v36;
	v28 =	vld.idx.msk [tilespmem:v35+s16+$0x0], $0xffff  }
0x7d: {  	_ =	sdelay $0x3  }
0x7e: {  	v29 =	vld.idx.msk [tilespmem:v29+s15+$0x0], $0xffff  }
0x7f: {  	v18 =	vld.idx.msk [tilespmem:v18+s16+$0x0], $0xffff  }
0x80: {  	v9 =	vld [tilespmem:$0x420]  }
0x81: {  	v30 =	vld.idx.msk [tilespmem:v30+s15+$0x0], $0xffff  }
0x82: {  	v10 =	vld [tilespmem:$0x620]  }
0x83: {  	v15 =	vld.idx.msk [tilespmem:v15+s16+$0x0], $0xffff  }
0x84: {  	v24 =	vmul.f32 v24, v25;
	v13 =	vmul.f32 v13, v27  }
0x85: {  	v11 =	vadd.f32 v31, v11;
	v19 =	vld.idx.msk [tilespmem:v19+s16+$0x0], $0xffff;
	v12 =	vmul.f32 v20, v12  }
0x86: {  	s28 =	simm.s32 $0x1;
	v21 =	vld.idx.msk [tilespmem:v21+s15+$0x0], $0xffff;
	v14 =	vadd.f32 v24, v14;
	v13 =	vadd.f32 v13, v16;
	v16 =	vmul.f32 v28, v22  }
0x87: {  	s30 =	simm.s32 $0x0;
	v20 =	vld.idx.msk [tilespmem:v26+s15+$0x0], $0xffff;
	v12 =	vadd.f32 v12, v23;
	v22 =	vadd.s32 s28, v9;
	v18 =	vmul.f32 v18, v30  }
0x88: {  	s29 =	simm.s32 $0x3;
	v17 =	vld.idx.msk [tilespmem:v17+s16+$0x0], $0xffff;
	v23 =	vadd.s32 s30, v10;
	v15 =	vmul.f32 v15, v29;
	v22 =	vadd.s32 v2, v22  }
0x89: {  	v11 =	vadd.f32 v16, v11;
	v16 =	vadd.s32 s29, v9;
	v23 =	vadd.s32 v2, v23  }
0x8a: {  	v24 =	vadd.s32 s28, v10;
	v16 =	vadd.s32 v2, v16;
	v28 =	vadd.f32 v18, v13  }
0x8b: {  	v13 =	vadd.s32 s30, v9;
	v18 =	vadd.s32 v2, v24;
	v14 =	vadd.f32 v15, v14  }
0x8c: {  	s28 =	simm.s32 $0x2;
	v15 =	vadd.s32 s29, v10;
	v19 =	vmul.f32 v19, v20;
	v13 =	vadd.s32 v2, v13  }
0x8d: {  	v17 =	vmul.f32 v17, v21;
	v20 =	vadd.s32 s28, v9;
	v15 =	vadd.s32 v2, v15;
	v22 =	vld.idx.msk [tilespmem:v22+s15+$0x0], $0xffff  }
0x8e: {  	v21 =	vadd.s32 s28, v10;
	s29 =	simm.s32 $0x7;
	v20 =	vadd.s32 v2, v20;
	v32 =	vadd.f32 v19, v12;
	v19 =	vld.idx.msk [tilespmem:v23+s16+$0x0], $0xffff  }
0x8f: {  	s31 =	simm.s32 $0x4;
	v11 =	vadd.f32 v17, v11;
	v17 =	vadd.s32 s29, v9;
	v12 =	vadd.s32 v2, v21;
	v30 =	vld.idx.msk [tilespmem:v16+s15+$0x0], $0xffff  }
0x90: {  	s28 =	simm.s32 $0x5;
	v17 =	vadd.s32 v2, v17;
	v23 =	vadd.s32 s31, v10;
	v18 =	vld.idx.msk [tilespmem:v18+s16+$0x0], $0xffff  }
0x91: {  	v21 =	vadd.s32 s31, v9;
	s31 =	simm.s32 $0x6;
	v16 =	vadd.s32 s28, v9;
	v23 =	vadd.s32 v2, v23;
	v24 =	vld.idx.msk [tilespmem:v13+s15+$0x0], $0xffff  }
0x92: {  	v21 =	vadd.s32 v2, v21;
	v25 =	vadd.s32 s31, v10;
	v16 =	vadd.s32 v2, v16;
	v31 =	vld.idx.msk [tilespmem:v15+s16+$0x0], $0xffff  }
0x93: {  	v13 =	vadd.s32 s28, v10;
	v33 =	vadd.s32 v2, v25;
	v34 =	vld.idx.msk [tilespmem:v20+s15+$0x0], $0xffff;
	v15 =	vadd.s32 s31, v9  }
0x94: {  	s28 =	simm.s32 $0x8;
	s31 =	simm.s32 $0xB;
	v26 =	vadd.s32 v2, v13;
	v13 =	vadd.s32 s29, v10;
	v35 =	vld.idx.msk [tilespmem:v12+s16+$0x0], $0xffff;
	v36 =	vadd.s32 v2, v15  }
0x95: {  	v37 =	vadd.s32 s28, v9;
	v15 =	vadd.s32 s28, v10;
	s28 =	simm.s32 $0x9;
	s29 =	simm.s32 $0xA;
	v12 =	vld.idx.msk [tilespmem:v17+s15+$0x0], $0xffff;
	v38 =	vadd.s32 s31, v9  }
0x96: {  	v20 =	vadd.s32 v2, v13;
	v27 =	vadd.s32 s28, v10;
	v17 =	vadd.s32 s29, v10;
	v13 =	vld.idx.msk [tilespmem:v23+s16+$0x0], $0xffff  }
0x97: {  	v17 =	vadd.s32 v2, v17;
	v22 =	vmul.f32 v18, v22;
	v25 =	vld.idx.msk [tilespmem:v16+s15+$0x0], $0xffff;
	v16 =	vadd.s32 s28, v9  }
0x98: {  	v18 =	vadd.s32 v2, v15;
	v15 =	vadd.s32 v2, v27;
	v27 =	vld.idx.msk [tilespmem:v21+s15+$0x0], $0xffff;
	v29 =	vadd.s32 v2, v16  }
0x99: {  	v21 =	vadd.s32 s29, v9;
	v19 =	vmul.f32 v19, v24;
	v24 =	vld.idx.msk [tilespmem:v26+s16+$0x0], $0xffff;
	v26 =	vadd.s32 v2, v38  }
0x9a: {  	v23 =	vmul.f32 v31, v30;
	v30 =	vadd.s32 v2, v37;
	v14 =	vadd.f32 v22, v14;
	v22 =	vld.idx.msk [tilespmem:v36+s15+$0x0], $0xffff  }
0x9b: {  	v31 =	vmul.f32 v35, v34;
	v16 =	vadd.f32 v19, v28;
	v19 =	vadd.s32 s31, v10;
	v20 =	vld.idx.msk [tilespmem:v20+s16+$0x0], $0xffff  }
0x9c: {  	s28 =	simm.s32 $0xC;
	v21 =	vadd.s32 v2, v21;
	v28 =	vld.idx.msk [tilespmem:v33+s16+$0x0], $0xffff;
	v23 =	vadd.f32 v23, v32;
	v19 =	vadd.s32 v2, v19  }
.LBB2_6:
0x9d: {  	v32 =	vadd.s32 s28, v9;
	v33 =	vadd.s32 s28, v10;
	s29 =	sadd.s32 $0x1, s28;
	s30 =	sadd.s32 $0x2, s28;
	s31 =	sadd.s32 $0x3, s28;
	v34 =	vld.idx.msk [tilespmem:v29+s15+$0x0], $0xffff;
	v11 =	vadd.f32 v31, v11;
	v31 =	vmovc v12;
	v35 =	vmovc v17  }
0x9e: {  	p0 =	sne.s32 s28, $0x3C;
	s28 =	sadd.s32 $0x4, s28;
	v25 =	vmul.f32 v24, v25;
	v17 =	vadd.s32 s29, v9;
	v36 =	vadd.s32 s29, v10;
	v12 =	vld.idx.msk [tilespmem:v26+s15+$0x0], $0xffff  }
0x9f: {  	v26 =	vadd.s32 s30, v10;
	v37 =	vadd.s32 s31, v9;
	v38 =	vmul.f32 v13, v27;
	v13 =	vld.idx.msk [tilespmem:v18+s16+$0x0], $0xffff  }
.Ltmp2:
0xa0: {  	v18 =	vadd.s32 v2, v33;
	v29 =	vadd.s32 v2, v17;
	v24 =	vld.idx.msk [tilespmem:v15+s16+$0x0], $0xffff;
	v15 =	vadd.s32 v2, v36;
	(pc) =	sbr.rel @p0 .LBB2_6-.Ltmp2, $4  }
0xa1: {  	v17 =	vadd.s32 v2, v26;
	v26 =	vadd.s32 v2, v37;
	v16 =	vadd.f32 v38, v16;
	v27 =	vld.idx.msk [tilespmem:v30+s15+$0x0], $0xffff  }
0xa2: {  	v14 =	vadd.f32 v25, v14;
	v33 =	vmul.f32 v20, v31;
	v30 =	vadd.s32 s31, v10;
	v20 =	vld.idx.msk [tilespmem:v19+s16+$0x0], $0xffff  }
0xa3: {  	v36 =	vadd.s32 s30, v9;
	v31 =	vmul.f32 v28, v22;
	v19 =	vadd.s32 v2, v30;
	v25 =	vmovc v34;
	v22 =	vld.idx.msk [tilespmem:v21+s15+$0x0], $0xffff  }
0xa4: {  	v23 =	vadd.f32 v33, v23;
	v30 =	vadd.s32 v2, v32;
	v21 =	vadd.s32 v2, v36;
	v28 =	vld.idx.msk [tilespmem:v35+s16+$0x0], $0xffff  }
0xa5: {  	_ =	sdelay $0x3  }
0xa6: {  	v29 =	vld.idx.msk [tilespmem:v29+s15+$0x0], $0xffff  }
0xa7: {  	v18 =	vld.idx.msk [tilespmem:v18+s16+$0x0], $0xffff  }
0xa8: {  	v9 =	vld [tilespmem:$0x430]  }
0xa9: {  	v30 =	vld.idx.msk [tilespmem:v30+s15+$0x0], $0xffff  }
0xaa: {  	v10 =	vld [tilespmem:$0x630]  }
0xab: {  	v15 =	vld.idx.msk [tilespmem:v15+s16+$0x0], $0xffff  }
0xac: {  	v24 =	vmul.f32 v24, v25;
	v13 =	vmul.f32 v13, v27  }
0xad: {  	v11 =	vadd.f32 v31, v11;
	v19 =	vld.idx.msk [tilespmem:v19+s16+$0x0], $0xffff;
	v12 =	vmul.f32 v20, v12  }
0xae: {  	s28 =	simm.s32 $0x1;
	v21 =	vld.idx.msk [tilespmem:v21+s15+$0x0], $0xffff;
	v14 =	vadd.f32 v24, v14;
	v13 =	vadd.f32 v13, v16;
	v16 =	vmul.f32 v28, v22  }
0xaf: {  	s30 =	simm.s32 $0x0;
	v20 =	vld.idx.msk [tilespmem:v26+s15+$0x0], $0xffff;
	v12 =	vadd.f32 v12, v23;
	v22 =	vadd.s32 s28, v9;
	v18 =	vmul.f32 v18, v30  }
0xb0: {  	s29 =	simm.s32 $0x3;
	v17 =	vld.idx.msk [tilespmem:v17+s16+$0x0], $0xffff;
	v23 =	vadd.s32 s30, v10;
	v15 =	vmul.f32 v15, v29;
	v22 =	vadd.s32 v3, v22  }
0xb1: {  	v11 =	vadd.f32 v16, v11;
	v16 =	vadd.s32 s29, v9;
	v23 =	vadd.s32 v3, v23  }
0xb2: {  	v24 =	vadd.s32 s28, v10;
	v16 =	vadd.s32 v3, v16;
	v28 =	vadd.f32 v18, v13  }
0xb3: {  	v13 =	vadd.s32 s30, v9;
	v18 =	vadd.s32 v3, v24;
	v14 =	vadd.f32 v15, v14  }
0xb4: {  	s28 =	simm.s32 $0x2;
	v15 =	vadd.s32 s29, v10;
	v19 =	vmul.f32 v19, v20;
	v13 =	vadd.s32 v3, v13  }
0xb5: {  	v17 =	vmul.f32 v17, v21;
	v20 =	vadd.s32 s28, v9;
	v15 =	vadd.s32 v3, v15;
	v22 =	vld.idx.msk [tilespmem:v22+s15+$0x0], $0xffff  }
0xb6: {  	v21 =	vadd.s32 s28, v10;
	s29 =	simm.s32 $0x7;
	v20 =	vadd.s32 v3, v20;
	v32 =	vadd.f32 v19, v12;
	v19 =	vld.idx.msk [tilespmem:v23+s16+$0x0], $0xffff  }
0xb7: {  	s31 =	simm.s32 $0x4;
	v11 =	vadd.f32 v17, v11;
	v17 =	vadd.s32 s29, v9;
	v12 =	vadd.s32 v3, v21;
	v30 =	vld.idx.msk [tilespmem:v16+s15+$0x0], $0xffff  }
0xb8: {  	s28 =	simm.s32 $0x5;
	v17 =	vadd.s32 v3, v17;
	v23 =	vadd.s32 s31, v10;
	v18 =	vld.idx.msk [tilespmem:v18+s16+$0x0], $0xffff  }
0xb9: {  	v21 =	vadd.s32 s31, v9;
	s31 =	simm.s32 $0x6;
	v16 =	vadd.s32 s28, v9;
	v23 =	vadd.s32 v3, v23;
	v24 =	vld.idx.msk [tilespmem:v13+s15+$0x0], $0xffff  }
0xba: {  	v21 =	vadd.s32 v3, v21;
	v25 =	vadd.s32 s31, v10;
	v16 =	vadd.s32 v3, v16;
	v31 =	vld.idx.msk [tilespmem:v15+s16+$0x0], $0xffff  }
0xbb: {  	v13 =	vadd.s32 s28, v10;
	v33 =	vadd.s32 v3, v25;
	v34 =	vld.idx.msk [tilespmem:v20+s15+$0x0], $0xffff;
	v15 =	vadd.s32 s31, v9  }
0xbc: {  	s28 =	simm.s32 $0x8;
	s31 =	simm.s32 $0xB;
	v26 =	vadd.s32 v3, v13;
	v13 =	vadd.s32 s29, v10;
	v35 =	vld.idx.msk [tilespmem:v12+s16+$0x0], $0xffff;
	v36 =	vadd.s32 v3, v15  }
0xbd: {  	v37 =	vadd.s32 s28, v9;
	v15 =	vadd.s32 s28, v10;
	s28 =	simm.s32 $0x9;
	s29 =	simm.s32 $0xA;
	v12 =	vld.idx.msk [tilespmem:v17+s15+$0x0], $0xffff;
	v38 =	vadd.s32 s31, v9  }
0xbe: {  	v20 =	vadd.s32 v3, v13;
	v27 =	vadd.s32 s28, v10;
	v17 =	vadd.s32 s29, v10;
	v13 =	vld.idx.msk [tilespmem:v23+s16+$0x0], $0xffff  }
0xbf: {  	v17 =	vadd.s32 v3, v17;
	v22 =	vmul.f32 v18, v22;
	v25 =	vld.idx.msk [tilespmem:v16+s15+$0x0], $0xffff;
	v16 =	vadd.s32 s28, v9  }
0xc0: {  	v18 =	vadd.s32 v3, v15;
	v15 =	vadd.s32 v3, v27;
	v27 =	vld.idx.msk [tilespmem:v21+s15+$0x0], $0xffff;
	v29 =	vadd.s32 v3, v16  }
0xc1: {  	v21 =	vadd.s32 s29, v9;
	v19 =	vmul.f32 v19, v24;
	v24 =	vld.idx.msk [tilespmem:v26+s16+$0x0], $0xffff;
	v26 =	vadd.s32 v3, v38  }
0xc2: {  	v23 =	vmul.f32 v31, v30;
	v30 =	vadd.s32 v3, v37;
	v14 =	vadd.f32 v22, v14;
	v22 =	vld.idx.msk [tilespmem:v36+s15+$0x0], $0xffff  }
0xc3: {  	v31 =	vmul.f32 v35, v34;
	v16 =	vadd.f32 v19, v28;
	v19 =	vadd.s32 s31, v10;
	v20 =	vld.idx.msk [tilespmem:v20+s16+$0x0], $0xffff  }
0xc4: {  	s28 =	simm.s32 $0xC;
	v21 =	vadd.s32 v3, v21;
	v28 =	vld.idx.msk [tilespmem:v33+s16+$0x0], $0xffff;
	v23 =	vadd.f32 v23, v32;
	v19 =	vadd.s32 v3, v19  }
.LBB2_8:
0xc5: {  	v32 =	vadd.s32 s28, v9;
	v33 =	vadd.s32 s28, v10;
	s29 =	sadd.s32 $0x1, s28;
	s30 =	sadd.s32 $0x2, s28;
	s31 =	sadd.s32 $0x3, s28;
	v34 =	vld.idx.msk [tilespmem:v29+s15+$0x0], $0xffff;
	v11 =	vadd.f32 v31, v11;
	v31 =	vmovc v12;
	v35 =	vmovc v17  }
0xc6: {  	p0 =	sne.s32 s28, $0x3C;
	s28 =	sadd.s32 $0x4, s28;
	v25 =	vmul.f32 v24, v25;
	v17 =	vadd.s32 s29, v9;
	v36 =	vadd.s32 s29, v10;
	v12 =	vld.idx.msk [tilespmem:v26+s15+$0x0], $0xffff  }
0xc7: {  	v26 =	vadd.s32 s30, v10;
	v37 =	vadd.s32 s31, v9;
	v38 =	vmul.f32 v13, v27;
	v13 =	vld.idx.msk [tilespmem:v18+s16+$0x0], $0xffff  }
.Ltmp3:
0xc8: {  	v18 =	vadd.s32 v3, v33;
	v29 =	vadd.s32 v3, v17;
	v24 =	vld.idx.msk [tilespmem:v15+s16+$0x0], $0xffff;
	v15 =	vadd.s32 v3, v36;
	(pc) =	sbr.rel @p0 .LBB2_8-.Ltmp3, $4  }
0xc9: {  	v17 =	vadd.s32 v3, v26;
	v26 =	vadd.s32 v3, v37;
	v16 =	vadd.f32 v38, v16;
	v27 =	vld.idx.msk [tilespmem:v30+s15+$0x0], $0xffff  }
0xca: {  	v14 =	vadd.f32 v25, v14;
	v33 =	vmul.f32 v20, v31;
	v30 =	vadd.s32 s31, v10;
	v20 =	vld.idx.msk [tilespmem:v19+s16+$0x0], $0xffff  }
0xcb: {  	v36 =	vadd.s32 s30, v9;
	v31 =	vmul.f32 v28, v22;
	v19 =	vadd.s32 v3, v30;
	v25 =	vmovc v34;
	v22 =	vld.idx.msk [tilespmem:v21+s15+$0x0], $0xffff  }
0xcc: {  	v23 =	vadd.f32 v33, v23;
	v30 =	vadd.s32 v3, v32;
	v21 =	vadd.s32 v3, v36;
	v28 =	vld.idx.msk [tilespmem:v35+s16+$0x0], $0xffff  }
0xcd: {  	_ =	sdelay $0x3  }
0xce: {  	v29 =	vld.idx.msk [tilespmem:v29+s15+$0x0], $0xffff  }
0xcf: {  	v18 =	vld.idx.msk [tilespmem:v18+s16+$0x0], $0xffff  }
0xd0: {  	v9 =	vld [tilespmem:$0x440]  }
0xd1: {  	v30 =	vld.idx.msk [tilespmem:v30+s15+$0x0], $0xffff  }
0xd2: {  	v10 =	vld [tilespmem:$0x640]  }
0xd3: {  	v15 =	vld.idx.msk [tilespmem:v15+s16+$0x0], $0xffff  }
0xd4: {  	v24 =	vmul.f32 v24, v25;
	v13 =	vmul.f32 v13, v27  }
0xd5: {  	v11 =	vadd.f32 v31, v11;
	v19 =	vld.idx.msk [tilespmem:v19+s16+$0x0], $0xffff;
	v12 =	vmul.f32 v20, v12  }
0xd6: {  	s28 =	simm.s32 $0x1;
	v21 =	vld.idx.msk [tilespmem:v21+s15+$0x0], $0xffff;
	v14 =	vadd.f32 v24, v14;
	v13 =	vadd.f32 v13, v16;
	v16 =	vmul.f32 v28, v22  }
0xd7: {  	s30 =	simm.s32 $0x0;
	v20 =	vld.idx.msk [tilespmem:v26+s15+$0x0], $0xffff;
	v12 =	vadd.f32 v12, v23;
	v22 =	vadd.s32 s28, v9;
	v18 =	vmul.f32 v18, v30  }
0xd8: {  	s29 =	simm.s32 $0x3;
	v17 =	vld.idx.msk [tilespmem:v17+s16+$0x0], $0xffff;
	v23 =	vadd.s32 s30, v10;
	v15 =	vmul.f32 v15, v29;
	v22 =	vadd.s32 v4, v22  }
0xd9: {  	v11 =	vadd.f32 v16, v11;
	v16 =	vadd.s32 s29, v9;
	v23 =	vadd.s32 v4, v23  }
0xda: {  	v24 =	vadd.s32 s28, v10;
	v16 =	vadd.s32 v4, v16;
	v28 =	vadd.f32 v18, v13  }
0xdb: {  	v13 =	vadd.s32 s30, v9;
	v18 =	vadd.s32 v4, v24;
	v14 =	vadd.f32 v15, v14  }
0xdc: {  	s28 =	simm.s32 $0x2;
	v15 =	vadd.s32 s29, v10;
	v19 =	vmul.f32 v19, v20;
	v13 =	vadd.s32 v4, v13  }
0xdd: {  	v17 =	vmul.f32 v17, v21;
	v20 =	vadd.s32 s28, v9;
	v15 =	vadd.s32 v4, v15;
	v22 =	vld.idx.msk [tilespmem:v22+s15+$0x0], $0xffff  }
0xde: {  	v21 =	vadd.s32 s28, v10;
	s29 =	simm.s32 $0x7;
	v20 =	vadd.s32 v4, v20;
	v32 =	vadd.f32 v19, v12;
	v19 =	vld.idx.msk [tilespmem:v23+s16+$0x0], $0xffff  }
0xdf: {  	s31 =	simm.s32 $0x4;
	v11 =	vadd.f32 v17, v11;
	v17 =	vadd.s32 s29, v9;
	v12 =	vadd.s32 v4, v21;
	v30 =	vld.idx.msk [tilespmem:v16+s15+$0x0], $0xffff  }
0xe0: {  	s28 =	simm.s32 $0x5;
	v17 =	vadd.s32 v4, v17;
	v23 =	vadd.s32 s31, v10;
	v18 =	vld.idx.msk [tilespmem:v18+s16+$0x0], $0xffff  }
0xe1: {  	v21 =	vadd.s32 s31, v9;
	s31 =	simm.s32 $0x6;
	v16 =	vadd.s32 s28, v9;
	v23 =	vadd.s32 v4, v23;
	v24 =	vld.idx.msk [tilespmem:v13+s15+$0x0], $0xffff  }
0xe2: {  	v21 =	vadd.s32 v4, v21;
	v25 =	vadd.s32 s31, v10;
	v16 =	vadd.s32 v4, v16;
	v31 =	vld.idx.msk [tilespmem:v15+s16+$0x0], $0xffff  }
0xe3: {  	v13 =	vadd.s32 s28, v10;
	v33 =	vadd.s32 v4, v25;
	v34 =	vld.idx.msk [tilespmem:v20+s15+$0x0], $0xffff;
	v15 =	vadd.s32 s31, v9  }
0xe4: {  	s28 =	simm.s32 $0x8;
	s31 =	simm.s32 $0xB;
	v26 =	vadd.s32 v4, v13;
	v13 =	vadd.s32 s29, v10;
	v35 =	vld.idx.msk [tilespmem:v12+s16+$0x0], $0xffff;
	v36 =	vadd.s32 v4, v15  }
0xe5: {  	v37 =	vadd.s32 s28, v9;
	v15 =	vadd.s32 s28, v10;
	s28 =	simm.s32 $0x9;
	s29 =	simm.s32 $0xA;
	v12 =	vld.idx.msk [tilespmem:v17+s15+$0x0], $0xffff;
	v38 =	vadd.s32 s31, v9  }
0xe6: {  	v20 =	vadd.s32 v4, v13;
	v27 =	vadd.s32 s28, v10;
	v17 =	vadd.s32 s29, v10;
	v13 =	vld.idx.msk [tilespmem:v23+s16+$0x0], $0xffff  }
0xe7: {  	v17 =	vadd.s32 v4, v17;
	v22 =	vmul.f32 v18, v22;
	v25 =	vld.idx.msk [tilespmem:v16+s15+$0x0], $0xffff;
	v16 =	vadd.s32 s28, v9  }
0xe8: {  	v18 =	vadd.s32 v4, v15;
	v15 =	vadd.s32 v4, v27;
	v27 =	vld.idx.msk [tilespmem:v21+s15+$0x0], $0xffff;
	v29 =	vadd.s32 v4, v16  }
0xe9: {  	v21 =	vadd.s32 s29, v9;
	v19 =	vmul.f32 v19, v24;
	v24 =	vld.idx.msk [tilespmem:v26+s16+$0x0], $0xffff;
	v26 =	vadd.s32 v4, v38  }
0xea: {  	v23 =	vmul.f32 v31, v30;
	v30 =	vadd.s32 v4, v37;
	v14 =	vadd.f32 v22, v14;
	v22 =	vld.idx.msk [tilespmem:v36+s15+$0x0], $0xffff  }
0xeb: {  	v31 =	vmul.f32 v35, v34;
	v16 =	vadd.f32 v19, v28;
	v19 =	vadd.s32 s31, v10;
	v20 =	vld.idx.msk [tilespmem:v20+s16+$0x0], $0xffff  }
0xec: {  	s28 =	simm.s32 $0xC;
	v21 =	vadd.s32 v4, v21;
	v28 =	vld.idx.msk [tilespmem:v33+s16+$0x0], $0xffff;
	v23 =	vadd.f32 v23, v32;
	v19 =	vadd.s32 v4, v19  }
.LBB2_10:
0xed: {  	v32 =	vadd.s32 s28, v9;
	v33 =	vadd.s32 s28, v10;
	s29 =	sadd.s32 $0x1, s28;
	s30 =	sadd.s32 $0x2, s28;
	s31 =	sadd.s32 $0x3, s28;
	v34 =	vld.idx.msk [tilespmem:v29+s15+$0x0], $0xffff;
	v11 =	vadd.f32 v31, v11;
	v31 =	vmovc v12;
	v35 =	vmovc v17  }
0xee: {  	p0 =	sne.s32 s28, $0x3C;
	s28 =	sadd.s32 $0x4, s28;
	v25 =	vmul.f32 v24, v25;
	v17 =	vadd.s32 s29, v9;
	v36 =	vadd.s32 s29, v10;
	v12 =	vld.idx.msk [tilespmem:v26+s15+$0x0], $0xffff  }
0xef: {  	v26 =	vadd.s32 s30, v10;
	v37 =	vadd.s32 s31, v9;
	v38 =	vmul.f32 v13, v27;
	v13 =	vld.idx.msk [tilespmem:v18+s16+$0x0], $0xffff  }
.Ltmp4:
0xf0: {  	v18 =	vadd.s32 v4, v33;
	v29 =	vadd.s32 v4, v17;
	v24 =	vld.idx.msk [tilespmem:v15+s16+$0x0], $0xffff;
	v15 =	vadd.s32 v4, v36;
	(pc) =	sbr.rel @p0 .LBB2_10-.Ltmp4, $4  }
0xf1: {  	v17 =	vadd.s32 v4, v26;
	v26 =	vadd.s32 v4, v37;
	v16 =	vadd.f32 v38, v16;
	v27 =	vld.idx.msk [tilespmem:v30+s15+$0x0], $0xffff  }
0xf2: {  	v14 =	vadd.f32 v25, v14;
	v33 =	vmul.f32 v20, v31;
	v30 =	vadd.s32 s31, v10;
	v20 =	vld.idx.msk [tilespmem:v19+s16+$0x0], $0xffff  }
0xf3: {  	v36 =	vadd.s32 s30, v9;
	v31 =	vmul.f32 v28, v22;
	v19 =	vadd.s32 v4, v30;
	v25 =	vmovc v34;
	v22 =	vld.idx.msk [tilespmem:v21+s15+$0x0], $0xffff  }
0xf4: {  	v23 =	vadd.f32 v33, v23;
	v30 =	vadd.s32 v4, v32;
	v21 =	vadd.s32 v4, v36;
	v28 =	vld.idx.msk [tilespmem:v35+s16+$0x0], $0xffff  }
0xf5: {  	_ =	sdelay $0x3  }
0xf6: {  	v29 =	vld.idx.msk [tilespmem:v29+s15+$0x0], $0xffff  }
0xf7: {  	v18 =	vld.idx.msk [tilespmem:v18+s16+$0x0], $0xffff  }
0xf8: {  	v9 =	vld [tilespmem:$0x450]  }
0xf9: {  	v30 =	vld.idx.msk [tilespmem:v30+s15+$0x0], $0xffff  }
0xfa: {  	v10 =	vld [tilespmem:$0x650]  }
0xfb: {  	v15 =	vld.idx.msk [tilespmem:v15+s16+$0x0], $0xffff  }
0xfc: {  	v24 =	vmul.f32 v24, v25;
	v13 =	vmul.f32 v13, v27  }
0xfd: {  	v11 =	vadd.f32 v31, v11;
	v19 =	vld.idx.msk [tilespmem:v19+s16+$0x0], $0xffff;
	v12 =	vmul.f32 v20, v12  }
0xfe: {  	s28 =	simm.s32 $0x1;
	v21 =	vld.idx.msk [tilespmem:v21+s15+$0x0], $0xffff;
	v14 =	vadd.f32 v24, v14;
	v13 =	vadd.f32 v13, v16;
	v16 =	vmul.f32 v28, v22  }
0xff: {  	s30 =	simm.s32 $0x0;
	v20 =	vld.idx.msk [tilespmem:v26+s15+$0x0], $0xffff;
	v12 =	vadd.f32 v12, v23;
	v22 =	vadd.s32 s28, v9;
	v18 =	vmul.f32 v18, v30  }
0x100: {  	s29 =	simm.s32 $0x3;
	v17 =	vld.idx.msk [tilespmem:v17+s16+$0x0], $0xffff;
	v23 =	vadd.s32 s30, v10;
	v15 =	vmul.f32 v15, v29;
	v22 =	vadd.s32 v5, v22  }
0x101: {  	v11 =	vadd.f32 v16, v11;
	v16 =	vadd.s32 s29, v9;
	v23 =	vadd.s32 v5, v23  }
0x102: {  	v24 =	vadd.s32 s28, v10;
	v16 =	vadd.s32 v5, v16;
	v28 =	vadd.f32 v18, v13  }
0x103: {  	v13 =	vadd.s32 s30, v9;
	v18 =	vadd.s32 v5, v24;
	v14 =	vadd.f32 v15, v14  }
0x104: {  	s28 =	simm.s32 $0x2;
	v15 =	vadd.s32 s29, v10;
	v19 =	vmul.f32 v19, v20;
	v13 =	vadd.s32 v5, v13  }
0x105: {  	v17 =	vmul.f32 v17, v21;
	v20 =	vadd.s32 s28, v9;
	v15 =	vadd.s32 v5, v15;
	v22 =	vld.idx.msk [tilespmem:v22+s15+$0x0], $0xffff  }
0x106: {  	v21 =	vadd.s32 s28, v10;
	s29 =	simm.s32 $0x7;
	v20 =	vadd.s32 v5, v20;
	v32 =	vadd.f32 v19, v12;
	v19 =	vld.idx.msk [tilespmem:v23+s16+$0x0], $0xffff  }
0x107: {  	s31 =	simm.s32 $0x4;
	v11 =	vadd.f32 v17, v11;
	v17 =	vadd.s32 s29, v9;
	v12 =	vadd.s32 v5, v21;
	v30 =	vld.idx.msk [tilespmem:v16+s15+$0x0], $0xffff  }
0x108: {  	s28 =	simm.s32 $0x5;
	v17 =	vadd.s32 v5, v17;
	v23 =	vadd.s32 s31, v10;
	v18 =	vld.idx.msk [tilespmem:v18+s16+$0x0], $0xffff  }
0x109: {  	v21 =	vadd.s32 s31, v9;
	s31 =	simm.s32 $0x6;
	v16 =	vadd.s32 s28, v9;
	v23 =	vadd.s32 v5, v23;
	v24 =	vld.idx.msk [tilespmem:v13+s15+$0x0], $0xffff  }
0x10a: {  	v21 =	vadd.s32 v5, v21;
	v25 =	vadd.s32 s31, v10;
	v16 =	vadd.s32 v5, v16;
	v31 =	vld.idx.msk [tilespmem:v15+s16+$0x0], $0xffff  }
0x10b: {  	v13 =	vadd.s32 s28, v10;
	v33 =	vadd.s32 v5, v25;
	v34 =	vld.idx.msk [tilespmem:v20+s15+$0x0], $0xffff;
	v15 =	vadd.s32 s31, v9  }
0x10c: {  	s28 =	simm.s32 $0x8;
	s31 =	simm.s32 $0xB;
	v26 =	vadd.s32 v5, v13;
	v13 =	vadd.s32 s29, v10;
	v35 =	vld.idx.msk [tilespmem:v12+s16+$0x0], $0xffff;
	v36 =	vadd.s32 v5, v15  }
0x10d: {  	v37 =	vadd.s32 s28, v9;
	v15 =	vadd.s32 s28, v10;
	s28 =	simm.s32 $0x9;
	s29 =	simm.s32 $0xA;
	v12 =	vld.idx.msk [tilespmem:v17+s15+$0x0], $0xffff;
	v38 =	vadd.s32 s31, v9  }
0x10e: {  	v20 =	vadd.s32 v5, v13;
	v27 =	vadd.s32 s28, v10;
	v17 =	vadd.s32 s29, v10;
	v13 =	vld.idx.msk [tilespmem:v23+s16+$0x0], $0xffff  }
0x10f: {  	v17 =	vadd.s32 v5, v17;
	v22 =	vmul.f32 v18, v22;
	v25 =	vld.idx.msk [tilespmem:v16+s15+$0x0], $0xffff;
	v16 =	vadd.s32 s28, v9  }
0x110: {  	v18 =	vadd.s32 v5, v15;
	v15 =	vadd.s32 v5, v27;
	v27 =	vld.idx.msk [tilespmem:v21+s15+$0x0], $0xffff;
	v29 =	vadd.s32 v5, v16  }
0x111: {  	v21 =	vadd.s32 s29, v9;
	v19 =	vmul.f32 v19, v24;
	v24 =	vld.idx.msk [tilespmem:v26+s16+$0x0], $0xffff;
	v26 =	vadd.s32 v5, v38  }
0x112: {  	v23 =	vmul.f32 v31, v30;
	v30 =	vadd.s32 v5, v37;
	v14 =	vadd.f32 v22, v14;
	v22 =	vld.idx.msk [tilespmem:v36+s15+$0x0], $0xffff  }
0x113: {  	v31 =	vmul.f32 v35, v34;
	v16 =	vadd.f32 v19, v28;
	v19 =	vadd.s32 s31, v10;
	v20 =	vld.idx.msk [tilespmem:v20+s16+$0x0], $0xffff  }
0x114: {  	s28 =	simm.s32 $0xC;
	v21 =	vadd.s32 v5, v21;
	v28 =	vld.idx.msk [tilespmem:v33+s16+$0x0], $0xffff;
	v23 =	vadd.f32 v23, v32;
	v19 =	vadd.s32 v5, v19  }
.LBB2_12:
0x115: {  	v32 =	vadd.s32 s28, v9;
	v33 =	vadd.s32 s28, v10;
	s29 =	sadd.s32 $0x1, s28;
	s30 =	sadd.s32 $0x2, s28;
	s31 =	sadd.s32 $0x3, s28;
	v34 =	vld.idx.msk [tilespmem:v29+s15+$0x0], $0xffff;
	v11 =	vadd.f32 v31, v11;
	v31 =	vmovc v12;
	v35 =	vmovc v17  }
0x116: {  	p0 =	sne.s32 s28, $0x3C;
	s28 =	sadd.s32 $0x4, s28;
	v25 =	vmul.f32 v24, v25;
	v17 =	vadd.s32 s29, v9;
	v36 =	vadd.s32 s29, v10;
	v12 =	vld.idx.msk [tilespmem:v26+s15+$0x0], $0xffff  }
0x117: {  	v26 =	vadd.s32 s30, v10;
	v37 =	vadd.s32 s31, v9;
	v38 =	vmul.f32 v13, v27;
	v13 =	vld.idx.msk [tilespmem:v18+s16+$0x0], $0xffff  }
.Ltmp5:
0x118: {  	v18 =	vadd.s32 v5, v33;
	v29 =	vadd.s32 v5, v17;
	v24 =	vld.idx.msk [tilespmem:v15+s16+$0x0], $0xffff;
	v15 =	vadd.s32 v5, v36;
	(pc) =	sbr.rel @p0 .LBB2_12-.Ltmp5, $4  }
0x119: {  	v17 =	vadd.s32 v5, v26;
	v26 =	vadd.s32 v5, v37;
	v16 =	vadd.f32 v38, v16;
	v27 =	vld.idx.msk [tilespmem:v30+s15+$0x0], $0xffff  }
0x11a: {  	v14 =	vadd.f32 v25, v14;
	v33 =	vmul.f32 v20, v31;
	v30 =	vadd.s32 s31, v10;
	v20 =	vld.idx.msk [tilespmem:v19+s16+$0x0], $0xffff  }
0x11b: {  	v36 =	vadd.s32 s30, v9;
	v31 =	vmul.f32 v28, v22;
	v19 =	vadd.s32 v5, v30;
	v25 =	vmovc v34;
	v22 =	vld.idx.msk [tilespmem:v21+s15+$0x0], $0xffff  }
0x11c: {  	v23 =	vadd.f32 v33, v23;
	v30 =	vadd.s32 v5, v32;
	v21 =	vadd.s32 v5, v36;
	v28 =	vld.idx.msk [tilespmem:v35+s16+$0x0], $0xffff  }
0x11d: {  	_ =	sdelay $0x3  }
0x11e: {  	v29 =	vld.idx.msk [tilespmem:v29+s15+$0x0], $0xffff  }
0x11f: {  	v18 =	vld.idx.msk [tilespmem:v18+s16+$0x0], $0xffff  }
0x120: {  	v9 =	vld [tilespmem:$0x460]  }
0x121: {  	v30 =	vld.idx.msk [tilespmem:v30+s15+$0x0], $0xffff  }
0x122: {  	v10 =	vld [tilespmem:$0x660]  }
0x123: {  	v15 =	vld.idx.msk [tilespmem:v15+s16+$0x0], $0xffff  }
0x124: {  	v24 =	vmul.f32 v24, v25;
	v13 =	vmul.f32 v13, v27  }
0x125: {  	v11 =	vadd.f32 v31, v11;
	v19 =	vld.idx.msk [tilespmem:v19+s16+$0x0], $0xffff;
	v12 =	vmul.f32 v20, v12  }
0x126: {  	s28 =	simm.s32 $0x1;
	v21 =	vld.idx.msk [tilespmem:v21+s15+$0x0], $0xffff;
	v14 =	vadd.f32 v24, v14;
	v13 =	vadd.f32 v13, v16;
	v16 =	vmul.f32 v28, v22  }
0x127: {  	s30 =	simm.s32 $0x0;
	v20 =	vld.idx.msk [tilespmem:v26+s15+$0x0], $0xffff;
	v12 =	vadd.f32 v12, v23;
	v22 =	vadd.s32 s28, v9;
	v18 =	vmul.f32 v18, v30  }
0x128: {  	s29 =	simm.s32 $0x3;
	v17 =	vld.idx.msk [tilespmem:v17+s16+$0x0], $0xffff;
	v23 =	vadd.s32 s30, v10;
	v15 =	vmul.f32 v15, v29;
	v22 =	vadd.s32 v6, v22  }
0x129: {  	v11 =	vadd.f32 v16, v11;
	v16 =	vadd.s32 s29, v9;
	v23 =	vadd.s32 v6, v23  }
0x12a: {  	v24 =	vadd.s32 s28, v10;
	v16 =	vadd.s32 v6, v16;
	v28 =	vadd.f32 v18, v13  }
0x12b: {  	v13 =	vadd.s32 s30, v9;
	v18 =	vadd.s32 v6, v24;
	v14 =	vadd.f32 v15, v14  }
0x12c: {  	s28 =	simm.s32 $0x2;
	v15 =	vadd.s32 s29, v10;
	v19 =	vmul.f32 v19, v20;
	v13 =	vadd.s32 v6, v13  }
0x12d: {  	v17 =	vmul.f32 v17, v21;
	v20 =	vadd.s32 s28, v9;
	v15 =	vadd.s32 v6, v15;
	v22 =	vld.idx.msk [tilespmem:v22+s15+$0x0], $0xffff  }
0x12e: {  	v21 =	vadd.s32 s28, v10;
	s29 =	simm.s32 $0x7;
	v20 =	vadd.s32 v6, v20;
	v32 =	vadd.f32 v19, v12;
	v19 =	vld.idx.msk [tilespmem:v23+s16+$0x0], $0xffff  }
0x12f: {  	s31 =	simm.s32 $0x4;
	v11 =	vadd.f32 v17, v11;
	v17 =	vadd.s32 s29, v9;
	v12 =	vadd.s32 v6, v21;
	v30 =	vld.idx.msk [tilespmem:v16+s15+$0x0], $0xffff  }
0x130: {  	s28 =	simm.s32 $0x5;
	v17 =	vadd.s32 v6, v17;
	v23 =	vadd.s32 s31, v10;
	v18 =	vld.idx.msk [tilespmem:v18+s16+$0x0], $0xffff  }
0x131: {  	v21 =	vadd.s32 s31, v9;
	s31 =	simm.s32 $0x6;
	v16 =	vadd.s32 s28, v9;
	v23 =	vadd.s32 v6, v23;
	v24 =	vld.idx.msk [tilespmem:v13+s15+$0x0], $0xffff  }
0x132: {  	v21 =	vadd.s32 v6, v21;
	v25 =	vadd.s32 s31, v10;
	v16 =	vadd.s32 v6, v16;
	v31 =	vld.idx.msk [tilespmem:v15+s16+$0x0], $0xffff  }
0x133: {  	v13 =	vadd.s32 s28, v10;
	v33 =	vadd.s32 v6, v25;
	v34 =	vld.idx.msk [tilespmem:v20+s15+$0x0], $0xffff;
	v15 =	vadd.s32 s31, v9  }
0x134: {  	s28 =	simm.s32 $0x8;
	s31 =	simm.s32 $0xB;
	v26 =	vadd.s32 v6, v13;
	v13 =	vadd.s32 s29, v10;
	v35 =	vld.idx.msk [tilespmem:v12+s16+$0x0], $0xffff;
	v36 =	vadd.s32 v6, v15  }
0x135: {  	v37 =	vadd.s32 s28, v9;
	v15 =	vadd.s32 s28, v10;
	s28 =	simm.s32 $0x9;
	s29 =	simm.s32 $0xA;
	v12 =	vld.idx.msk [tilespmem:v17+s15+$0x0], $0xffff;
	v38 =	vadd.s32 s31, v9  }
0x136: {  	v20 =	vadd.s32 v6, v13;
	v27 =	vadd.s32 s28, v10;
	v17 =	vadd.s32 s29, v10;
	v13 =	vld.idx.msk [tilespmem:v23+s16+$0x0], $0xffff  }
0x137: {  	v17 =	vadd.s32 v6, v17;
	v22 =	vmul.f32 v18, v22;
	v25 =	vld.idx.msk [tilespmem:v16+s15+$0x0], $0xffff;
	v16 =	vadd.s32 s28, v9  }
0x138: {  	v18 =	vadd.s32 v6, v15;
	v15 =	vadd.s32 v6, v27;
	v27 =	vld.idx.msk [tilespmem:v21+s15+$0x0], $0xffff;
	v29 =	vadd.s32 v6, v16  }
0x139: {  	v21 =	vadd.s32 s29, v9;
	v19 =	vmul.f32 v19, v24;
	v24 =	vld.idx.msk [tilespmem:v26+s16+$0x0], $0xffff;
	v26 =	vadd.s32 v6, v38  }
0x13a: {  	v23 =	vmul.f32 v31, v30;
	v30 =	vadd.s32 v6, v37;
	v14 =	vadd.f32 v22, v14;
	v22 =	vld.idx.msk [tilespmem:v36+s15+$0x0], $0xffff  }
0x13b: {  	v31 =	vmul.f32 v35, v34;
	v16 =	vadd.f32 v19, v28;
	v19 =	vadd.s32 s31, v10;
	v20 =	vld.idx.msk [tilespmem:v20+s16+$0x0], $0xffff  }
0x13c: {  	s28 =	simm.s32 $0xC;
	v21 =	vadd.s32 v6, v21;
	v28 =	vld.idx.msk [tilespmem:v33+s16+$0x0], $0xffff;
	v23 =	vadd.f32 v23, v32;
	v19 =	vadd.s32 v6, v19  }
.LBB2_14:
0x13d: {  	v32 =	vadd.s32 s28, v9;
	v33 =	vadd.s32 s28, v10;
	s29 =	sadd.s32 $0x1, s28;
	s30 =	sadd.s32 $0x2, s28;
	s31 =	sadd.s32 $0x3, s28;
	v34 =	vld.idx.msk [tilespmem:v29+s15+$0x0], $0xffff;
	v11 =	vadd.f32 v31, v11;
	v31 =	vmovc v12;
	v35 =	vmovc v17  }
0x13e: {  	p0 =	sne.s32 s28, $0x3C;
	s28 =	sadd.s32 $0x4, s28;
	v25 =	vmul.f32 v24, v25;
	v17 =	vadd.s32 s29, v9;
	v36 =	vadd.s32 s29, v10;
	v12 =	vld.idx.msk [tilespmem:v26+s15+$0x0], $0xffff  }
0x13f: {  	v26 =	vadd.s32 s30, v10;
	v37 =	vadd.s32 s31, v9;
	v38 =	vmul.f32 v13, v27;
	v13 =	vld.idx.msk [tilespmem:v18+s16+$0x0], $0xffff  }
.Ltmp6:
0x140: {  	v18 =	vadd.s32 v6, v33;
	v29 =	vadd.s32 v6, v17;
	v24 =	vld.idx.msk [tilespmem:v15+s16+$0x0], $0xffff;
	v15 =	vadd.s32 v6, v36;
	(pc) =	sbr.rel @p0 .LBB2_14-.Ltmp6, $4  }
0x141: {  	v17 =	vadd.s32 v6, v26;
	v26 =	vadd.s32 v6, v37;
	v16 =	vadd.f32 v38, v16;
	v27 =	vld.idx.msk [tilespmem:v30+s15+$0x0], $0xffff  }
0x142: {  	v14 =	vadd.f32 v25, v14;
	v33 =	vmul.f32 v20, v31;
	v30 =	vadd.s32 s31, v10;
	v20 =	vld.idx.msk [tilespmem:v19+s16+$0x0], $0xffff  }
0x143: {  	v36 =	vadd.s32 s30, v9;
	v31 =	vmul.f32 v28, v22;
	v19 =	vadd.s32 v6, v30;
	v25 =	vmovc v34;
	v22 =	vld.idx.msk [tilespmem:v21+s15+$0x0], $0xffff  }
0x144: {  	v23 =	vadd.f32 v33, v23;
	v30 =	vadd.s32 v6, v32;
	v21 =	vadd.s32 v6, v36;
	v28 =	vld.idx.msk [tilespmem:v35+s16+$0x0], $0xffff  }
0x145: {  	_ =	sdelay $0x3  }
0x146: {  	v29 =	vld.idx.msk [tilespmem:v29+s15+$0x0], $0xffff  }
0x147: {  	v18 =	vld.idx.msk [tilespmem:v18+s16+$0x0], $0xffff  }
0x148: {  	v9 =	vld [tilespmem:$0x470]  }
0x149: {  	v30 =	vld.idx.msk [tilespmem:v30+s15+$0x0], $0xffff  }
0x14a: {  	v10 =	vld [tilespmem:$0x670]  }
0x14b: {  	v15 =	vld.idx.msk [tilespmem:v15+s16+$0x0], $0xffff  }
0x14c: {  	v24 =	vmul.f32 v24, v25;
	v13 =	vmul.f32 v13, v27  }
0x14d: {  	v11 =	vadd.f32 v31, v11;
	v19 =	vld.idx.msk [tilespmem:v19+s16+$0x0], $0xffff;
	v12 =	vmul.f32 v20, v12  }
0x14e: {  	s28 =	simm.s32 $0x1;
	v21 =	vld.idx.msk [tilespmem:v21+s15+$0x0], $0xffff;
	v14 =	vadd.f32 v24, v14;
	v13 =	vadd.f32 v13, v16;
	v16 =	vmul.f32 v28, v22  }
0x14f: {  	s30 =	simm.s32 $0x0;
	v20 =	vld.idx.msk [tilespmem:v26+s15+$0x0], $0xffff;
	v12 =	vadd.f32 v12, v23;
	v22 =	vadd.s32 s28, v9;
	v18 =	vmul.f32 v18, v30  }
0x150: {  	s29 =	simm.s32 $0x3;
	v17 =	vld.idx.msk [tilespmem:v17+s16+$0x0], $0xffff;
	v23 =	vadd.s32 s30, v10;
	v15 =	vmul.f32 v15, v29;
	v22 =	vadd.s32 v7, v22  }
0x151: {  	v11 =	vadd.f32 v16, v11;
	v16 =	vadd.s32 s29, v9;
	v23 =	vadd.s32 v7, v23  }
0x152: {  	v24 =	vadd.s32 s28, v10;
	v16 =	vadd.s32 v7, v16;
	v28 =	vadd.f32 v18, v13  }
0x153: {  	v13 =	vadd.s32 s30, v9;
	v18 =	vadd.s32 v7, v24;
	v14 =	vadd.f32 v15, v14  }
0x154: {  	s28 =	simm.s32 $0x2;
	v15 =	vadd.s32 s29, v10;
	v19 =	vmul.f32 v19, v20;
	v13 =	vadd.s32 v7, v13  }
0x155: {  	v17 =	vmul.f32 v17, v21;
	v20 =	vadd.s32 s28, v9;
	v15 =	vadd.s32 v7, v15;
	v22 =	vld.idx.msk [tilespmem:v22+s15+$0x0], $0xffff  }
0x156: {  	v21 =	vadd.s32 s28, v10;
	s29 =	simm.s32 $0x7;
	v20 =	vadd.s32 v7, v20;
	v32 =	vadd.f32 v19, v12;
	v19 =	vld.idx.msk [tilespmem:v23+s16+$0x0], $0xffff  }
0x157: {  	s31 =	simm.s32 $0x4;
	v11 =	vadd.f32 v17, v11;
	v17 =	vadd.s32 s29, v9;
	v12 =	vadd.s32 v7, v21;
	v30 =	vld.idx.msk [tilespmem:v16+s15+$0x0], $0xffff  }
0x158: {  	s28 =	simm.s32 $0x5;
	v17 =	vadd.s32 v7, v17;
	v23 =	vadd.s32 s31, v10;
	v18 =	vld.idx.msk [tilespmem:v18+s16+$0x0], $0xffff  }
0x159: {  	v21 =	vadd.s32 s31, v9;
	s31 =	simm.s32 $0x6;
	v16 =	vadd.s32 s28, v9;
	v23 =	vadd.s32 v7, v23;
	v24 =	vld.idx.msk [tilespmem:v13+s15+$0x0], $0xffff  }
0x15a: {  	v21 =	vadd.s32 v7, v21;
	v25 =	vadd.s32 s31, v10;
	v16 =	vadd.s32 v7, v16;
	v31 =	vld.idx.msk [tilespmem:v15+s16+$0x0], $0xffff  }
0x15b: {  	v13 =	vadd.s32 s28, v10;
	v33 =	vadd.s32 v7, v25;
	v34 =	vld.idx.msk [tilespmem:v20+s15+$0x0], $0xffff;
	v15 =	vadd.s32 s31, v9  }
0x15c: {  	s28 =	simm.s32 $0x8;
	s31 =	simm.s32 $0xB;
	v26 =	vadd.s32 v7, v13;
	v13 =	vadd.s32 s29, v10;
	v35 =	vld.idx.msk [tilespmem:v12+s16+$0x0], $0xffff;
	v36 =	vadd.s32 v7, v15  }
0x15d: {  	v37 =	vadd.s32 s28, v9;
	v15 =	vadd.s32 s28, v10;
	s28 =	simm.s32 $0x9;
	s29 =	simm.s32 $0xA;
	v12 =	vld.idx.msk [tilespmem:v17+s15+$0x0], $0xffff;
	v38 =	vadd.s32 s31, v9  }
0x15e: {  	v20 =	vadd.s32 v7, v13;
	v27 =	vadd.s32 s28, v10;
	v17 =	vadd.s32 s29, v10;
	v13 =	vld.idx.msk [tilespmem:v23+s16+$0x0], $0xffff  }
0x15f: {  	v17 =	vadd.s32 v7, v17;
	v22 =	vmul.f32 v18, v22;
	v25 =	vld.idx.msk [tilespmem:v16+s15+$0x0], $0xffff;
	v16 =	vadd.s32 s28, v9  }
0x160: {  	v18 =	vadd.s32 v7, v15;
	v15 =	vadd.s32 v7, v27;
	v27 =	vld.idx.msk [tilespmem:v21+s15+$0x0], $0xffff;
	v29 =	vadd.s32 v7, v16  }
0x161: {  	v21 =	vadd.s32 s29, v9;
	v19 =	vmul.f32 v19, v24;
	v24 =	vld.idx.msk [tilespmem:v26+s16+$0x0], $0xffff;
	v26 =	vadd.s32 v7, v38  }
0x162: {  	v23 =	vmul.f32 v31, v30;
	v30 =	vadd.s32 v7, v37;
	v14 =	vadd.f32 v22, v14;
	v22 =	vld.idx.msk [tilespmem:v36+s15+$0x0], $0xffff  }
0x163: {  	v31 =	vmul.f32 v35, v34;
	v16 =	vadd.f32 v19, v28;
	v19 =	vadd.s32 s31, v10;
	v20 =	vld.idx.msk [tilespmem:v20+s16+$0x0], $0xffff  }
0x164: {  	s28 =	simm.s32 $0xC;
	v21 =	vadd.s32 v7, v21;
	v28 =	vld.idx.msk [tilespmem:v33+s16+$0x0], $0xffff;
	v23 =	vadd.f32 v23, v32;
	v19 =	vadd.s32 v7, v19  }
.LBB2_16:
0x165: {  	v32 =	vadd.s32 s28, v9;
	v33 =	vadd.s32 s28, v10;
	s29 =	sadd.s32 $0x1, s28;
	s30 =	sadd.s32 $0x2, s28;
	s31 =	sadd.s32 $0x3, s28;
	v34 =	vld.idx.msk [tilespmem:v29+s15+$0x0], $0xffff;
	v11 =	vadd.f32 v31, v11;
	v31 =	vmovc v12;
	v35 =	vmovc v17  }
0x166: {  	p0 =	sne.s32 s28, $0x3C;
	s28 =	sadd.s32 $0x4, s28;
	v25 =	vmul.f32 v24, v25;
	v17 =	vadd.s32 s29, v9;
	v36 =	vadd.s32 s29, v10;
	v12 =	vld.idx.msk [tilespmem:v26+s15+$0x0], $0xffff  }
0x167: {  	v26 =	vadd.s32 s30, v10;
	v37 =	vadd.s32 s31, v9;
	v38 =	vmul.f32 v13, v27;
	v13 =	vld.idx.msk [tilespmem:v18+s16+$0x0], $0xffff  }
.Ltmp7:
0x168: {  	v18 =	vadd.s32 v7, v33;
	v29 =	vadd.s32 v7, v17;
	v24 =	vld.idx.msk [tilespmem:v15+s16+$0x0], $0xffff;
	v15 =	vadd.s32 v7, v36;
	(pc) =	sbr.rel @p0 .LBB2_16-.Ltmp7, $4  }
0x169: {  	v17 =	vadd.s32 v7, v26;
	v26 =	vadd.s32 v7, v37;
	v16 =	vadd.f32 v38, v16;
	v27 =	vld.idx.msk [tilespmem:v30+s15+$0x0], $0xffff  }
0x16a: {  	v14 =	vadd.f32 v25, v14;
	v33 =	vmul.f32 v20, v31;
	v30 =	vadd.s32 s31, v10;
	v20 =	vld.idx.msk [tilespmem:v19+s16+$0x0], $0xffff  }
0x16b: {  	v36 =	vadd.s32 s30, v9;
	v31 =	vmul.f32 v28, v22;
	v19 =	vadd.s32 v7, v30;
	v25 =	vmovc v34;
	v22 =	vld.idx.msk [tilespmem:v21+s15+$0x0], $0xffff  }
0x16c: {  	v23 =	vadd.f32 v33, v23;
	v30 =	vadd.s32 v7, v32;
	v21 =	vadd.s32 v7, v36;
	v28 =	vld.idx.msk [tilespmem:v35+s16+$0x0], $0xffff  }
0x16d: {  	_ =	sdelay $0x3  }
0x16e: {  	v29 =	vld.idx.msk [tilespmem:v29+s15+$0x0], $0xffff  }
0x16f: {  	v18 =	vld.idx.msk [tilespmem:v18+s16+$0x0], $0xffff  }
0x170: {  	v9 =	vld [tilespmem:$0x480]  }
0x171: {  	v30 =	vld.idx.msk [tilespmem:v30+s15+$0x0], $0xffff  }
0x172: {  	v10 =	vld [tilespmem:$0x680]  }
0x173: {  	v24 =	vmul.f32 v24, v25;
	v15 =	vld.idx.msk [tilespmem:v15+s16+$0x0], $0xffff  }
0x174: {  	v21 =	vld.idx.msk [tilespmem:v21+s15+$0x0], $0xffff;
	v13 =	vmul.f32 v13, v27;
	v12 =	vmul.f32 v20, v12  }
0x175: {  	v11 =	vadd.f32 v31, v11;
	v17 =	vld.idx.msk [tilespmem:v17+s16+$0x0], $0xffff;
	v14 =	vadd.f32 v24, v14  }
0x176: {  	s28 =	simm.s32 $0x1;
	v19 =	vld.idx.msk [tilespmem:v19+s16+$0x0], $0xffff;
	s30 =	simm.s32 $0x0;
	v13 =	vadd.f32 v13, v16;
	v16 =	vmul.f32 v28, v22;
	v12 =	vadd.f32 v12, v23  }
0x177: {  	v20 =	vld.idx.msk [tilespmem:v26+s15+$0x0], $0xffff;
	v22 =	vadd.s32 s28, v9;
	v18 =	vmul.f32 v18, v30;
	v23 =	vadd.s32 s30, v10  }
0x178: {  	s29 =	simm.s32 $0x3;
	v15 =	vmul.f32 v15, v29;
	v24 =	vadd.s32 s28, v10;
	v22 =	vadd.s32 v8, v22  }
0x179: {  	v11 =	vadd.f32 v16, v11;
	v16 =	vadd.s32 s29, v9;
	v23 =	vadd.s32 v8, v23  }
0x17a: {  	v17 =	vmul.f32 v17, v21;
	v16 =	vadd.s32 v8, v16;
	v28 =	vadd.f32 v18, v13  }
0x17b: {  	v13 =	vadd.s32 s30, v9;
	v18 =	vadd.s32 v8, v24;
	v30 =	vadd.f32 v15, v14  }
0x17c: {  	s28 =	simm.s32 $0x2;
	v14 =	vadd.s32 s29, v10;
	v15 =	vmul.f32 v19, v20;
	v13 =	vadd.s32 v8, v13  }
0x17d: {  	v21 =	vadd.s32 s28, v10;
	v19 =	vadd.s32 s28, v9;
	v14 =	vadd.s32 v8, v14;
	v20 =	vld.idx.msk [tilespmem:v22+s15+$0x0], $0xffff  }
0x17e: {  	s29 =	simm.s32 $0x7;
	v19 =	vadd.s32 v8, v19;
	v32 =	vadd.f32 v15, v12;
	v15 =	vadd.s32 v8, v21;
	v21 =	vld.idx.msk [tilespmem:v23+s16+$0x0], $0xffff  }
0x17f: {  	s31 =	simm.s32 $0x4;
	v12 =	vadd.f32 v17, v11;
	v11 =	vadd.s32 s29, v9;
	v22 =	vld.idx.msk [tilespmem:v16+s15+$0x0], $0xffff  }
0x180: {  	s28 =	simm.s32 $0x5;
	v11 =	vadd.s32 v8, v11;
	v23 =	vadd.s32 s31, v10;
	v17 =	vld.idx.msk [tilespmem:v18+s16+$0x0], $0xffff  }
0x181: {  	v16 =	vadd.s32 s28, v9;
	v18 =	vadd.s32 s31, v9;
	s31 =	simm.s32 $0x6;
	v23 =	vadd.s32 v8, v23;
	v24 =	vld.idx.msk [tilespmem:v13+s15+$0x0], $0xffff  }
0x182: {  	v16 =	vadd.s32 v8, v16;
	v13 =	vadd.s32 s28, v10;
	v25 =	vadd.s32 s31, v10;
	v31 =	vld.idx.msk [tilespmem:v14+s16+$0x0], $0xffff  }
0x183: {  	v34 =	vld.idx.msk [tilespmem:v19+s15+$0x0], $0xffff;
	v14 =	vadd.s32 s31, v9;
	v27 =	vadd.s32 v8, v18;
	v26 =	vadd.s32 v8, v13  }
0x184: {  	s28 =	simm.s32 $0x8;
	v33 =	vadd.s32 v8, v25;
	v13 =	vadd.s32 s29, v10;
	v35 =	vld.idx.msk [tilespmem:v15+s16+$0x0], $0xffff;
	v36 =	vadd.s32 v8, v14  }
0x185: {  	s31 =	simm.s32 $0xB;
	v37 =	vadd.s32 s28, v9;
	v15 =	vadd.s32 s28, v10;
	s28 =	simm.s32 $0x9;
	v19 =	vadd.s32 v8, v13;
	v13 =	vld.idx.msk [tilespmem:v11+s15+$0x0], $0xffff  }
0x186: {  	v38 =	vadd.s32 s31, v9;
	v18 =	vadd.s32 s28, v10;
	v11 =	vadd.s32 v8, v15;
	v14 =	vld.idx.msk [tilespmem:v23+s16+$0x0], $0xffff  }
0x187: {  	s29 =	simm.s32 $0xA;
	v15 =	vadd.s32 v8, v18;
	v17 =	vmul.f32 v17, v20;
	v25 =	vld.idx.msk [tilespmem:v16+s15+$0x0], $0xffff;
	v16 =	vadd.s32 s28, v9  }
0x188: {  	v20 =	vadd.s32 s29, v10;
	v21 =	vmul.f32 v21, v24;
	v27 =	vld.idx.msk [tilespmem:v27+s15+$0x0], $0xffff;
	v29 =	vadd.s32 v8, v16  }
0x189: {  	v18 =	vadd.s32 v8, v20;
	v20 =	vadd.s32 s31, v10;
	v24 =	vld.idx.msk [tilespmem:v26+s16+$0x0], $0xffff;
	v26 =	vadd.s32 v8, v38  }
0x18a: {  	v23 =	vmul.f32 v31, v22;
	v22 =	vadd.s32 s29, v9;
	v17 =	vadd.f32 v17, v30;
	v19 =	vld.idx.msk [tilespmem:v19+s16+$0x0], $0xffff  }
0x18b: {  	v20 =	vadd.s32 v8, v20;
	v31 =	vmul.f32 v35, v34;
	v16 =	vadd.f32 v21, v28;
	v21 =	vld.idx.msk [tilespmem:v36+s15+$0x0], $0xffff  }
0x18c: {  	s28 =	simm.s32 $0xC;
	v30 =	vadd.s32 v8, v37;
	v22 =	vadd.s32 v8, v22;
	v28 =	vld.idx.msk [tilespmem:v33+s16+$0x0], $0xffff;
	v23 =	vadd.f32 v23, v32  }
.LBB2_18:
0x18d: {  	v32 =	vadd.s32 s28, v9;
	v33 =	vadd.s32 s28, v10;
	s29 =	sadd.s32 $0x1, s28;
	s30 =	sadd.s32 $0x2, s28;
	s31 =	sadd.s32 $0x3, s28;
	v34 =	vld.idx.msk [tilespmem:v29+s15+$0x0], $0xffff;
	v12 =	vadd.f32 v31, v12;
	v31 =	vmovc v13;
	v35 =	vmovc v18  }
0x18e: {  	p0 =	sne.s32 s28, $0x3C;
	s28 =	sadd.s32 $0x4, s28;
	v25 =	vmul.f32 v24, v25;
	v18 =	vadd.s32 s29, v9;
	v36 =	vadd.s32 s29, v10;
	v13 =	vld.idx.msk [tilespmem:v26+s15+$0x0], $0xffff  }
0x18f: {  	v26 =	vadd.s32 s30, v10;
	v37 =	vadd.s32 s31, v9;
	v38 =	vmul.f32 v14, v27;
	v14 =	vld.idx.msk [tilespmem:v11+s16+$0x0], $0xffff  }
.Ltmp8:
0x190: {  	v11 =	vadd.s32 v8, v33;
	v29 =	vadd.s32 v8, v18;
	v24 =	vld.idx.msk [tilespmem:v15+s16+$0x0], $0xffff;
	v15 =	vadd.s32 v8, v36;
	(pc) =	sbr.rel @p0 .LBB2_18-.Ltmp8, $4  }
0x191: {  	v18 =	vadd.s32 v8, v26;
	v26 =	vadd.s32 v8, v37;
	v16 =	vadd.f32 v38, v16;
	v27 =	vld.idx.msk [tilespmem:v30+s15+$0x0], $0xffff  }
0x192: {  	v17 =	vadd.f32 v25, v17;
	v33 =	vmul.f32 v19, v31;
	v30 =	vadd.s32 s31, v10;
	v19 =	vld.idx.msk [tilespmem:v20+s16+$0x0], $0xffff  }
0x193: {  	v36 =	vadd.s32 s30, v9;
	v31 =	vmul.f32 v28, v21;
	v20 =	vadd.s32 v8, v30;
	v25 =	vmovc v34;
	v21 =	vld.idx.msk [tilespmem:v22+s15+$0x0], $0xffff  }
0x194: {  	v23 =	vadd.f32 v33, v23;
	v30 =	vadd.s32 v8, v32;
	v22 =	vadd.s32 v8, v36;
	v28 =	vld.idx.msk [tilespmem:v35+s16+$0x0], $0xffff  }
0x195: {  	_ =	sdelay $0x3  }
0x196: {  	v29 =	vld.idx.msk [tilespmem:v29+s15+$0x0], $0xffff  }
0x197: {  	v32 =	vld.idx.msk [tilespmem:v11+s16+$0x0], $0xffff  }
0x198: {  	v30 =	vld.idx.msk [tilespmem:v30+s15+$0x0], $0xffff  }
0x199: {  	v11 =	vld [tilespmem:$0x490]  }
0x19a: {  	v15 =	vld.idx.msk [tilespmem:v15+s16+$0x0], $0xffff  }
0x19b: {  	v10 =	vld [tilespmem:$0x690];
	v9 =	vmul.f32 v14, v27;
	v14 =	vmul.f32 v24, v25  }
0x19c: {  	v12 =	vadd.f32 v31, v12;
	v20 =	vld.idx.msk [tilespmem:v20+s16+$0x0], $0xffff;
	v13 =	vmul.f32 v19, v13  }
0x19d: {  	s28 =	simm.s32 $0x3;
	v19 =	vld.idx.msk [tilespmem:v26+s15+$0x0], $0xffff;
	v16 =	vadd.f32 v9, v16;
	v14 =	vadd.f32 v14, v17;
	v9 =	vmul.f32 v28, v21  }
0x19e: {  	v17 =	vadd.f32 v13, v23;
	v21 =	vld.idx.msk [tilespmem:v22+s15+$0x0], $0xffff;
	v13 =	vadd.s32 s28, v11;
	v22 =	vmul.f32 v32, v30  }
0x19f: {  	v18 =	vld.idx.msk [tilespmem:v18+s16+$0x0], $0xffff;
	s29 =	simm.s32 $0x1;
	v15 =	vmul.f32 v15, v29;
	v12 =	vadd.f32 v9, v12;
	v9 =	vor.u32 $0x4800, v0  }
0x1a0: {  	v24 =	vadd.s32 s29, v11;
	v23 =	vadd.s32 v9, v13;
	v13 =	vadd.s32 s28, v10  }
0x1a1: {  	s28 =	simm.s32 $0x2;
	v27 =	vadd.f32 v15, v14;
	v25 =	vadd.s32 v9, v13;
	v13 =	vadd.f32 v22, v16  }
0x1a2: {  	v16 =	vadd.s32 s29, v10;
	v22 =	vadd.s32 v9, v24;
	v14 =	vadd.s32 s28, v11  }
0x1a3: {  	s29 =	simm.s32 $0x0;
	v15 =	vadd.s32 v9, v16;
	v16 =	vmul.f32 v20, v19;
	v19 =	vadd.s32 s28, v10  }
0x1a4: {  	v20 =	vadd.s32 v9, v14;
	v14 =	vmul.f32 v18, v21;
	v18 =	vadd.s32 s29, v11  }
0x1a5: {  	s28 =	simm.s32 $0x7;
	v19 =	vadd.s32 v9, v19;
	v18 =	vadd.s32 v9, v18;
	v21 =	vld.idx.msk [tilespmem:v23+s15+$0x0], $0xffff  }
0x1a6: {  	v24 =	vadd.s32 s28, v10;
	v16 =	vadd.f32 v16, v17;
	v17 =	vadd.s32 s29, v10;
	v23 =	vld.idx.msk [tilespmem:v25+s16+$0x0], $0xffff  }
0x1a7: {  	v14 =	vadd.f32 v14, v12;
	v12 =	vadd.s32 v9, v17;
	v17 =	vadd.s32 s28, v11;
	v25 =	vld.idx.msk [tilespmem:v22+s15+$0x0], $0xffff  }
0x1a8: {  	s29 =	simm.s32 $0x4;
	v29 =	vadd.s32 v9, v24;
	s28 =	simm.s32 $0x5;
	v26 =	vadd.s32 v9, v17;
	v15 =	vld.idx.msk [tilespmem:v15+s16+$0x0], $0xffff  }
0x1a9: {  	v28 =	vadd.s32 s29, v10;
	v22 =	vadd.s32 s29, v11;
	v17 =	vadd.s32 s28, v11;
	s29 =	simm.s32 $0x6;
	v63 =	vld.idx.msk [tilespmem:v20+s15+$0x0], $0xffff  }
0x1aa: {  	v20 =	vadd.s32 s28, v10;
	v24 =	vadd.s32 s29, v11;
	v33 =	vadd.s32 v9, v17;
	v34 =	vld.idx.msk [tilespmem:v19+s16+$0x0], $0xffff  }
0x1ab: {  	v19 =	vadd.s32 s29, v10;
	v35 =	vadd.s32 v9, v20;
	v20 =	vadd.s32 v9, v24;
	v24 =	vld.idx.msk [tilespmem:v18+s15+$0x0], $0xffff  }
0x1ac: {  	s28 =	simm.s32 $0x8;
	v17 =	vadd.s32 v9, v22;
	v18 =	vadd.s32 v9, v28;
	s29 =	simm.s32 $0x9;
	v22 =	vadd.s32 v9, v19;
	v12 =	vld.idx.msk [tilespmem:v12+s16+$0x0], $0xffff  }
0x1ad: {  	v19 =	vadd.s32 s28, v11;
	v31 =	vadd.s32 s29, v11;
	v23 =	vmul.f32 v23, v21;
	v21 =	vld.idx.msk [tilespmem:v26+s15+$0x0], $0xffff  }
0x1ae: {  	v30 =	vadd.s32 s29, v10;
	v26 =	vld.idx.msk [tilespmem:v29+s16+$0x0], $0xffff;
	v28 =	vmul.f32 v15, v25;
	v25 =	vadd.s32 s28, v10;
	s28 =	simm.s32 $0xA  }
0x1af: {  	s29 =	simm.s32 $0xB;
	v15 =	vadd.f32 v23, v16;
	v29 =	vadd.s32 s28, v11;
	v23 =	vld.idx.msk [tilespmem:v33+s15+$0x0], $0xffff;
	v32 =	vadd.s32 s28, v10  }
0x1b0: {  	v33 =	vadd.s32 s29, v11;
	s28 =	simm.s32 $0xC;
	v16 =	vadd.f32 v28, v27;
	v27 =	vmul.f32 v34, v63;
	v28 =	vld.idx.msk [tilespmem:v35+s16+$0x0], $0xffff  }
.LBB2_20:
0x1b1: {  	p0 =	sne.s32 s28, $0x3C;
	v34 =	vadd.s32 v9, v31;
	v31 =	vadd.s32 v9, v33;
	v33 =	vadd.s32 s29, v10;
	v35 =	vld.idx.msk [tilespmem:v20+s15+$0x0], $0xffff  }
0x1b2: {  	v36 =	vadd.s32 v9, v30;
	v20 =	vadd.s32 v9, v29;
	v29 =	vadd.s32 v9, v33;
	v33 =	vld.idx.msk [tilespmem:v22+s16+$0x0], $0xffff  }
0x1b3: {  	v25 =	vadd.s32 v9, v25;
	v22 =	vadd.s32 v9, v32;
	v37 =	vld.idx.msk [tilespmem:v17+s15+$0x0], $0xffff;
	v17 =	vadd.s32 v9, v19  }
0x1b4: {  	v24 =	vmul.f32 v12, v24;
	v14 =	vadd.f32 v27, v14;
	v26 =	vmul.f32 v26, v21;
	v12 =	vld.idx.msk [tilespmem:v18+s16+$0x0], $0xffff  }
.Ltmp9:
0x1b5: {  	v19 =	vadd.s32 s28, v11;
	v18 =	vmov v25;
	(pc) =	sbr.rel @p0 .LBB2_20-.Ltmp9, $4  }
0x1b6: {  	s29 =	sadd.s32 $0x1, s28;
	v13 =	vadd.f32 v24, v13;
	v27 =	vmul.f32 v28, v23;
	v15 =	vadd.f32 v26, v15;
	v21 =	vld.idx.msk [tilespmem:v31+s15+$0x0], $0xffff  }
0x1b7: {  	s30 =	sadd.s32 $0x2, s28;
	v30 =	vadd.s32 s29, v10;
	v25 =	vadd.s32 s28, v10;
	v31 =	vadd.s32 s29, v11;
	v26 =	vld.idx.msk [tilespmem:v29+s16+$0x0], $0xffff  }
0x1b8: {  	s29 =	sadd.s32 $0x3, s28;
	v29 =	vadd.s32 s30, v11;
	v16 =	vadd.f32 v27, v16;
	v27 =	vmul.f32 v33, v35;
	v23 =	vld.idx.msk [tilespmem:v34+s15+$0x0], $0xffff  }
0x1b9: {  	v32 =	vadd.s32 s30, v10;
	s28 =	sadd.s32 $0x4, s28;
	v33 =	vadd.s32 s29, v11;
	v24 =	vmov v37;
	v28 =	vld.idx.msk [tilespmem:v36+s16+$0x0], $0xffff  }
0x1ba: {  	_ =	sdelay $0x3  }
0x1bb: {  	v11 =	vadd.s32 v9, v33;
	v20 =	vld.idx.msk [tilespmem:v20+s15+$0x0], $0xffff  }
0x1bc: {  	v31 =	vadd.s32 v9, v31;
	v22 =	vld.idx.msk [tilespmem:v22+s16+$0x0], $0xffff  }
0x1bd: {  	v30 =	vadd.s32 v9, v30;
	v17 =	vld.idx.msk [tilespmem:v17+s15+$0x0], $0xffff  }
0x1be: {  	v10 =	vadd.s32 s29, v10;
	v18 =	vld.idx.msk [tilespmem:v18+s16+$0x0], $0xffff  }
0x1bf: {  	v24 =	vmul.f32 v12, v24;
	v12 =	vld [tilespmem:$0x6A0];
	v10 =	vadd.s32 v9, v10  }
0x1c0: {  	v29 =	vadd.s32 v9, v29;
	v33 =	vld.idx.msk [tilespmem:v11+s15+$0x0], $0xffff  }
0x1c1: {  	v32 =	vadd.s32 v9, v32;
	v31 =	vld.idx.msk [tilespmem:v31+s15+$0x0], $0xffff  }
0x1c2: {  	v19 =	vadd.s32 v9, v19;
	v30 =	vld.idx.msk [tilespmem:v30+s16+$0x0], $0xffff  }
0x1c3: {  	v25 =	vadd.s32 v9, v25;
	v21 =	vmul.f32 v26, v21;
	v11 =	vld [tilespmem:$0x4A0]  }
0x1c4: {  	v10 =	vld.idx.msk [tilespmem:v10+s16+$0x0], $0xffff  }
0x1c5: {  	v23 =	vmul.f32 v28, v23;
	v15 =	vadd.f32 v21, v15;
	v21 =	vld.idx.msk [tilespmem:v29+s15+$0x0], $0xffff  }
0x1c6: {  	v14 =	vadd.f32 v27, v14;
	v20 =	vmul.f32 v22, v20;
	v22 =	vld.idx.msk [tilespmem:v32+s16+$0x0], $0xffff  }
0x1c7: {  	s28 =	simm.s32 $0x3;
	v13 =	vadd.f32 v24, v13;
	v17 =	vmul.f32 v18, v17;
	v18 =	vld.idx.msk [tilespmem:v19+s15+$0x0], $0xffff;
	v16 =	vadd.f32 v23, v16  }
0x1c8: {  	v14 =	vadd.f32 v20, v14;
	v20 =	vld.idx.msk [tilespmem:v25+s16+$0x0], $0xffff;
	v25 =	vadd.s32 s28, v12;
	v19 =	vadd.s32 s28, v11  }
0x1c9: {  	s29 =	simm.s32 $0x1;
	v24 =	vmul.f32 v30, v31;
	v23 =	vmul.f32 v10, v33;
	v10 =	vor.u32 $0x5000, v0  }
0x1ca: {  	v13 =	vadd.f32 v17, v13;
	v17 =	vadd.s32 s29, v12;
	v19 =	vadd.s32 v10, v19  }
0x1cb: {  	v28 =	vadd.f32 v24, v16;
	v16 =	vadd.s32 v10, v17;
	v17 =	vmul.f32 v22, v21  }
0x1cc: {  	s28 =	simm.s32 $0x2;
	v26 =	vadd.f32 v23, v15;
	v15 =	vadd.s32 s29, v11;
	v23 =	vadd.s32 v10, v25  }
0x1cd: {  	v25 =	vadd.s32 v10, v15;
	v15 =	vadd.s32 s28, v11  }
0x1ce: {  	v21 =	vadd.s32 s28, v12;
	s29 =	simm.s32 $0x0;
	v14 =	vadd.f32 v17, v14;
	v22 =	vadd.s32 v10, v15  }
0x1cf: {  	s28 =	simm.s32 $0x7;
	v15 =	vmul.f32 v20, v18;
	v18 =	vadd.s32 s29, v11;
	v20 =	vadd.s32 v10, v21;
	v24 =	vld.idx.msk [tilespmem:v19+s15+$0x0], $0xffff  }
0x1d0: {  	v17 =	vadd.s32 s29, v12;
	s29 =	simm.s32 $0x4;
	v21 =	vadd.s32 s28, v12;
	v18 =	vadd.s32 v10, v18;
	v16 =	vld.idx.msk [tilespmem:v16+s16+$0x0], $0xffff  }
0x1d1: {  	v27 =	vadd.s32 s29, v11;
	v30 =	vadd.s32 v10, v21;
	v23 =	vld.idx.msk [tilespmem:v23+s16+$0x0], $0xffff  }
0x1d2: {  	v15 =	vadd.f32 v15, v13;
	v13 =	vadd.s32 v10, v17;
	v19 =	vadd.s32 s28, v11;
	s28 =	simm.s32 $0x5;
	v17 =	vld.idx.msk [tilespmem:v25+s15+$0x0], $0xffff  }
0x1d3: {  	v29 =	vadd.s32 v10, v19;
	v19 =	vadd.s32 s29, v12;
	s29 =	simm.s32 $0x6;
	v25 =	vadd.s32 s28, v11;
	v63 =	vld.idx.msk [tilespmem:v22+s15+$0x0], $0xffff  }
0x1d4: {  	v21 =	vadd.s32 s28, v12;
	v22 =	vadd.s32 s29, v11;
	v34 =	vadd.s32 v10, v25;
	v35 =	vld.idx.msk [tilespmem:v20+s16+$0x0], $0xffff  }
0x1d5: {  	v36 =	vadd.s32 v10, v21;
	v20 =	vadd.s32 s29, v12;
	s29 =	simm.s32 $0x9;
	v21 =	vadd.s32 v10, v22;
	v25 =	vld.idx.msk [tilespmem:v18+s15+$0x0], $0xffff  }
0x1d6: {  	s28 =	simm.s32 $0x8;
	v18 =	vadd.s32 v10, v27;
	v32 =	vadd.s32 s29, v11;
	v27 =	vld.idx.msk [tilespmem:v30+s16+$0x0], $0xffff;
	v24 =	vmul.f32 v23, v24  }
0x1d7: {  	v31 =	vadd.s32 s29, v12;
	v13 =	vld.idx.msk [tilespmem:v13+s16+$0x0], $0xffff;
	v23 =	vadd.s32 v10, v20;
	v20 =	vadd.s32 s28, v11  }
0x1d8: {  	s29 =	simm.s32 $0xB;
	v22 =	vld.idx.msk [tilespmem:v29+s15+$0x0], $0xffff;
	v17 =	vmul.f32 v16, v17;
	v16 =	vadd.f32 v24, v26;
	v26 =	vadd.s32 s28, v12;
	s28 =	simm.s32 $0xA  }
0x1d9: {  	v19 =	vadd.s32 v10, v19;
	v24 =	vld.idx.msk [tilespmem:v34+s15+$0x0], $0xffff;
	v34 =	vadd.s32 s29, v11;
	v30 =	vadd.s32 s28, v11  }
0x1da: {  	v29 =	vld.idx.msk [tilespmem:v36+s16+$0x0], $0xffff;
	v17 =	vadd.f32 v17, v28;
	v28 =	vmul.f32 v35, v63;
	v33 =	vadd.s32 s28, v12;
	s28 =	simm.s32 $0xC  }
.LBB2_22:
0x1db: {  	p0 =	sne.s32 s28, $0x3C;
	v35 =	vadd.s32 v10, v32;
	v32 =	vadd.s32 v10, v34;
	v34 =	vadd.s32 s29, v12;
	v36 =	vld.idx.msk [tilespmem:v21+s15+$0x0], $0xffff  }
0x1dc: {  	v37 =	vadd.s32 v10, v31;
	v21 =	vadd.s32 v10, v30;
	v30 =	vadd.s32 v10, v34;
	v34 =	vld.idx.msk [tilespmem:v23+s16+$0x0], $0xffff  }
0x1dd: {  	v26 =	vadd.s32 v10, v26;
	v23 =	vadd.s32 v10, v33;
	v38 =	vld.idx.msk [tilespmem:v18+s15+$0x0], $0xffff;
	v18 =	vadd.s32 v10, v20  }
0x1de: {  	v25 =	vmul.f32 v13, v25;
	v14 =	vadd.f32 v28, v14;
	v27 =	vmul.f32 v27, v22;
	v13 =	vld.idx.msk [tilespmem:v19+s16+$0x0], $0xffff  }
.Ltmp10:
0x1df: {  	v20 =	vadd.s32 s28, v11;
	v19 =	vmov v26;
	(pc) =	sbr.rel @p0 .LBB2_22-.Ltmp10, $4  }
0x1e0: {  	s29 =	sadd.s32 $0x1, s28;
	v15 =	vadd.f32 v25, v15;
	v28 =	vmul.f32 v29, v24;
	v16 =	vadd.f32 v27, v16;
	v22 =	vld.idx.msk [tilespmem:v32+s15+$0x0], $0xffff  }
0x1e1: {  	s30 =	sadd.s32 $0x2, s28;
	v31 =	vadd.s32 s29, v12;
	v26 =	vadd.s32 s28, v12;
	v32 =	vadd.s32 s29, v11;
	v27 =	vld.idx.msk [tilespmem:v30+s16+$0x0], $0xffff  }
0x1e2: {  	s29 =	sadd.s32 $0x3, s28;
	v30 =	vadd.s32 s30, v11;
	v17 =	vadd.f32 v28, v17;
	v28 =	vmul.f32 v34, v36;
	v24 =	vld.idx.msk [tilespmem:v35+s15+$0x0], $0xffff  }
0x1e3: {  	v33 =	vadd.s32 s30, v12;
	s28 =	sadd.s32 $0x4, s28;
	v34 =	vadd.s32 s29, v11;
	v25 =	vmov v38;
	v29 =	vld.idx.msk [tilespmem:v37+s16+$0x0], $0xffff  }
0x1e4: {  	_ =	sdelay $0x3  }
0x1e5: {  	v11 =	vadd.s32 v10, v34;
	v21 =	vld.idx.msk [tilespmem:v21+s15+$0x0], $0xffff  }
0x1e6: {  	v32 =	vadd.s32 v10, v32;
	v23 =	vld.idx.msk [tilespmem:v23+s16+$0x0], $0xffff  }
0x1e7: {  	v12 =	vadd.s32 s29, v12;
	v31 =	vadd.s32 v10, v31;
	v18 =	vld.idx.msk [tilespmem:v18+s15+$0x0], $0xffff  }
0x1e8: {  	v19 =	vld.idx.msk [tilespmem:v19+s16+$0x0], $0xffff;
	v12 =	vadd.s32 v10, v12  }
0x1e9: {  	v25 =	vmul.f32 v13, v25;
	v13 =	vld [tilespmem:$0x6B0]  }
0x1ea: {  	v30 =	vadd.s32 v10, v30;
	v11 =	vld.idx.msk [tilespmem:v11+s15+$0x0], $0xffff  }
0x1eb: {  	v33 =	vadd.s32 v10, v33;
	v32 =	vld.idx.msk [tilespmem:v32+s15+$0x0], $0xffff  }
0x1ec: {  	v31 =	vld.idx.msk [tilespmem:v31+s16+$0x0], $0xffff  }
0x1ed: {  	v26 =	vadd.s32 v10, v26;
	v22 =	vmul.f32 v27, v22;
	v62 =	vld.idx.msk [tilespmem:v12+s16+$0x0], $0xffff  }
0x1ee: {  	v20 =	vadd.s32 v10, v20;
	v12 =	vld [tilespmem:$0x4B0]  }
0x1ef: {  	v24 =	vmul.f32 v29, v24;
	v16 =	vadd.f32 v22, v16;
	v22 =	vld.idx.msk [tilespmem:v30+s15+$0x0], $0xffff  }
0x1f0: {  	v14 =	vadd.f32 v28, v14;
	v21 =	vmul.f32 v23, v21;
	v23 =	vld.idx.msk [tilespmem:v33+s16+$0x0], $0xffff  }
0x1f1: {  	s28 =	simm.s32 $0x3;
	v15 =	vadd.f32 v25, v15;
	v18 =	vmul.f32 v19, v18;
	v17 =	vadd.f32 v24, v17  }
0x1f2: {  	v14 =	vadd.f32 v21, v14;
	v21 =	vld.idx.msk [tilespmem:v26+s16+$0x0], $0xffff;
	v26 =	vadd.s32 s28, v13;
	v25 =	vmul.f32 v31, v32  }
0x1f3: {  	s29 =	simm.s32 $0x1;
	v19 =	vld.idx.msk [tilespmem:v20+s15+$0x0], $0xffff;
	v24 =	vmul.f32 v62, v11;
	v11 =	vor.u32 $0x5800, v0;
	v20 =	vadd.s32 s28, v12  }
0x1f4: {  	v18 =	vadd.f32 v18, v15;
	v15 =	vadd.s32 s29, v13;
	v20 =	vadd.s32 v11, v20  }
0x1f5: {  	v29 =	vadd.f32 v25, v17;
	v17 =	vadd.s32 v11, v15;
	v15 =	vmul.f32 v23, v22  }
0x1f6: {  	s28 =	simm.s32 $0x2;
	v27 =	vadd.f32 v24, v16;
	v16 =	vadd.s32 s29, v12;
	v24 =	vadd.s32 v11, v26  }
0x1f7: {  	v26 =	vadd.s32 v11, v16;
	v16 =	vadd.s32 s28, v12  }
0x1f8: {  	v22 =	vadd.s32 s28, v13;
	s29 =	simm.s32 $0x0;
	v15 =	vadd.f32 v15, v14;
	v23 =	vadd.s32 v11, v16  }
0x1f9: {  	v14 =	vadd.s32 s29, v13;
	v16 =	vmul.f32 v21, v19;
	v21 =	vadd.s32 v11, v22;
	v25 =	vld.idx.msk [tilespmem:v20+s15+$0x0], $0xffff  }
0x1fa: {  	s28 =	simm.s32 $0x7;
	v19 =	vadd.s32 s29, v12;
	s29 =	simm.s32 $0x4;
	v14 =	vadd.s32 v11, v14;
	v17 =	vld.idx.msk [tilespmem:v17+s16+$0x0], $0xffff  }
0x1fb: {  	v22 =	vadd.s32 s28, v13;
	v19 =	vadd.s32 v11, v19;
	v28 =	vadd.s32 s29, v12;
	v24 =	vld.idx.msk [tilespmem:v24+s16+$0x0], $0xffff  }
0x1fc: {  	v31 =	vadd.s32 v11, v22;
	v16 =	vadd.f32 v16, v18;
	v20 =	vadd.s32 s28, v12;
	s28 =	simm.s32 $0x5;
	v18 =	vld.idx.msk [tilespmem:v26+s15+$0x0], $0xffff  }
0x1fd: {  	v30 =	vadd.s32 v11, v20;
	v20 =	vadd.s32 s29, v13;
	s29 =	simm.s32 $0x6;
	v26 =	vadd.s32 s28, v12;
	v63 =	vld.idx.msk [tilespmem:v23+s15+$0x0], $0xffff  }
0x1fe: {  	v22 =	vadd.s32 s28, v13;
	v23 =	vadd.s32 s29, v12;
	v35 =	vadd.s32 v11, v26;
	v36 =	vld.idx.msk [tilespmem:v21+s16+$0x0], $0xffff  }
0x1ff: {  	v37 =	vadd.s32 v11, v22;
	v21 =	vadd.s32 s29, v13;
	v14 =	vld.idx.msk [tilespmem:v14+s16+$0x0], $0xffff;
	s29 =	simm.s32 $0x9;
	v22 =	vadd.s32 v11, v23  }
0x200: {  	s28 =	simm.s32 $0x8;
	v26 =	vld.idx.msk [tilespmem:v19+s15+$0x0], $0xffff;
	v19 =	vadd.s32 v11, v28;
	v33 =	vadd.s32 s29, v12;
	v25 =	vmul.f32 v24, v25  }
0x201: {  	v28 =	vld.idx.msk [tilespmem:v31+s16+$0x0], $0xffff;
	v32 =	vadd.s32 s29, v13;
	v24 =	vadd.s32 v11, v21;
	v21 =	vadd.s32 s28, v12  }
0x202: {  	s29 =	simm.s32 $0xB;
	v23 =	vld.idx.msk [tilespmem:v30+s15+$0x0], $0xffff;
	v18 =	vmul.f32 v17, v18;
	v17 =	vadd.f32 v25, v27;
	v27 =	vadd.s32 s28, v13;
	s28 =	simm.s32 $0xA  }
0x203: {  	v20 =	vadd.s32 v11, v20;
	v25 =	vld.idx.msk [tilespmem:v35+s15+$0x0], $0xffff;
	v35 =	vadd.s32 s29, v12;
	v31 =	vadd.s32 s28, v12  }
0x204: {  	v30 =	vld.idx.msk [tilespmem:v37+s16+$0x0], $0xffff;
	v18 =	vadd.f32 v18, v29;
	v29 =	vmul.f32 v36, v63;
	v34 =	vadd.s32 s28, v13;
	s28 =	simm.s32 $0xC  }
.LBB2_24:
0x205: {  	p0 =	sne.s32 s28, $0x3C;
	v36 =	vadd.s32 v11, v33;
	v33 =	vadd.s32 v11, v35;
	v35 =	vadd.s32 s29, v13;
	v37 =	vld.idx.msk [tilespmem:v22+s15+$0x0], $0xffff  }
0x206: {  	v38 =	vadd.s32 v11, v32;
	v22 =	vadd.s32 v11, v31;
	v31 =	vadd.s32 v11, v35;
	v35 =	vld.idx.msk [tilespmem:v24+s16+$0x0], $0xffff  }
0x207: {  	v27 =	vadd.s32 v11, v27;
	v24 =	vadd.s32 v11, v34;
	v39 =	vld.idx.msk [tilespmem:v19+s15+$0x0], $0xffff;
	v19 =	vadd.s32 v11, v21  }
0x208: {  	v26 =	vmul.f32 v14, v26;
	v15 =	vadd.f32 v29, v15;
	v28 =	vmul.f32 v28, v23;
	v14 =	vld.idx.msk [tilespmem:v20+s16+$0x0], $0xffff  }
.Ltmp11:
0x209: {  	v21 =	vadd.s32 s28, v12;
	v20 =	vmov v27;
	(pc) =	sbr.rel @p0 .LBB2_24-.Ltmp11, $4  }
0x20a: {  	s29 =	sadd.s32 $0x1, s28;
	v16 =	vadd.f32 v26, v16;
	v29 =	vmul.f32 v30, v25;
	v17 =	vadd.f32 v28, v17;
	v23 =	vld.idx.msk [tilespmem:v33+s15+$0x0], $0xffff  }
0x20b: {  	s30 =	sadd.s32 $0x2, s28;
	v32 =	vadd.s32 s29, v13;
	v27 =	vadd.s32 s28, v13;
	v33 =	vadd.s32 s29, v12;
	v28 =	vld.idx.msk [tilespmem:v31+s16+$0x0], $0xffff  }
0x20c: {  	s29 =	sadd.s32 $0x3, s28;
	v31 =	vadd.s32 s30, v12;
	v18 =	vadd.f32 v29, v18;
	v29 =	vmul.f32 v35, v37;
	v25 =	vld.idx.msk [tilespmem:v36+s15+$0x0], $0xffff  }
0x20d: {  	v34 =	vadd.s32 s30, v13;
	s28 =	sadd.s32 $0x4, s28;
	v35 =	vadd.s32 s29, v12;
	v26 =	vmov v39;
	v30 =	vld.idx.msk [tilespmem:v38+s16+$0x0], $0xffff  }
0x20e: {  	_ =	sdelay $0x3  }
0x20f: {  	v12 =	vadd.s32 v11, v35;
	v22 =	vld.idx.msk [tilespmem:v22+s15+$0x0], $0xffff  }
0x210: {  	v33 =	vadd.s32 v11, v33;
	v24 =	vld.idx.msk [tilespmem:v24+s16+$0x0], $0xffff  }
0x211: {  	v13 =	vadd.s32 s29, v13;
	v32 =	vadd.s32 v11, v32;
	v19 =	vld.idx.msk [tilespmem:v19+s15+$0x0], $0xffff  }
0x212: {  	v20 =	vld.idx.msk [tilespmem:v20+s16+$0x0], $0xffff;
	v13 =	vadd.s32 v11, v13  }
0x213: {  	v26 =	vmul.f32 v14, v26;
	v14 =	vld [tilespmem:$0x6C0]  }
0x214: {  	v31 =	vadd.s32 v11, v31;
	v12 =	vld.idx.msk [tilespmem:v12+s15+$0x0], $0xffff  }
0x215: {  	v34 =	vadd.s32 v11, v34;
	v33 =	vld.idx.msk [tilespmem:v33+s15+$0x0], $0xffff  }
0x216: {  	v32 =	vld.idx.msk [tilespmem:v32+s16+$0x0], $0xffff  }
0x217: {  	v27 =	vadd.s32 v11, v27;
	v23 =	vmul.f32 v28, v23;
	v61 =	vld.idx.msk [tilespmem:v13+s16+$0x0], $0xffff  }
0x218: {  	v21 =	vadd.s32 v11, v21;
	v13 =	vld [tilespmem:$0x4C0]  }
0x219: {  	v25 =	vmul.f32 v30, v25;
	v17 =	vadd.f32 v23, v17;
	v23 =	vld.idx.msk [tilespmem:v31+s15+$0x0], $0xffff  }
0x21a: {  	v15 =	vadd.f32 v29, v15;
	v22 =	vmul.f32 v24, v22;
	v24 =	vld.idx.msk [tilespmem:v34+s16+$0x0], $0xffff  }
0x21b: {  	s28 =	simm.s32 $0x3;
	v16 =	vadd.f32 v26, v16;
	v19 =	vmul.f32 v20, v19;
	v18 =	vadd.f32 v25, v18  }
0x21c: {  	v15 =	vadd.f32 v22, v15;
	v22 =	vld.idx.msk [tilespmem:v27+s16+$0x0], $0xffff;
	v27 =	vadd.s32 s28, v14;
	v26 =	vmul.f32 v32, v33  }
0x21d: {  	s29 =	simm.s32 $0x1;
	v20 =	vld.idx.msk [tilespmem:v21+s15+$0x0], $0xffff;
	v25 =	vmul.f32 v61, v12;
	v12 =	vor.u32 $0x6000, v0;
	v21 =	vadd.s32 s28, v13  }
0x21e: {  	v19 =	vadd.f32 v19, v16;
	v16 =	vadd.s32 s29, v14;
	v21 =	vadd.s32 v12, v21  }
0x21f: {  	v30 =	vadd.f32 v26, v18;
	v18 =	vadd.s32 v12, v16;
	v16 =	vmul.f32 v24, v23  }
0x220: {  	s28 =	simm.s32 $0x2;
	v28 =	vadd.f32 v25, v17;
	v17 =	vadd.s32 s29, v13;
	v25 =	vadd.s32 v12, v27  }
0x221: {  	v27 =	vadd.s32 v12, v17;
	v17 =	vadd.s32 s28, v13  }
0x222: {  	v23 =	vadd.s32 s28, v14;
	s29 =	simm.s32 $0x0;
	v16 =	vadd.f32 v16, v15;
	v24 =	vadd.s32 v12, v17  }
0x223: {  	v15 =	vadd.s32 s29, v14;
	v17 =	vmul.f32 v22, v20;
	v22 =	vadd.s32 v12, v23;
	v26 =	vld.idx.msk [tilespmem:v21+s15+$0x0], $0xffff  }
0x224: {  	s28 =	simm.s32 $0x7;
	v20 =	vadd.s32 s29, v13;
	s29 =	simm.s32 $0x4;
	v15 =	vadd.s32 v12, v15;
	v18 =	vld.idx.msk [tilespmem:v18+s16+$0x0], $0xffff  }
0x225: {  	v23 =	vadd.s32 s28, v14;
	v20 =	vadd.s32 v12, v20;
	v29 =	vadd.s32 s29, v13;
	v25 =	vld.idx.msk [tilespmem:v25+s16+$0x0], $0xffff  }
0x226: {  	v63 =	vadd.s32 v12, v23;
	v17 =	vadd.f32 v17, v19;
	v21 =	vadd.s32 s28, v13;
	s28 =	simm.s32 $0x5;
	v19 =	vld.idx.msk [tilespmem:v27+s15+$0x0], $0xffff  }
0x227: {  	v31 =	vadd.s32 v12, v21;
	v21 =	vadd.s32 s29, v14;
	s29 =	simm.s32 $0x6;
	v27 =	vadd.s32 s28, v13;
	v62 =	vld.idx.msk [tilespmem:v24+s15+$0x0], $0xffff  }
0x228: {  	v23 =	vadd.s32 s28, v14;
	v24 =	vadd.s32 s29, v13;
	v36 =	vadd.s32 v12, v27;
	v37 =	vld.idx.msk [tilespmem:v22+s16+$0x0], $0xffff  }
0x229: {  	v38 =	vadd.s32 v12, v23;
	v22 =	vadd.s32 s29, v14;
	v15 =	vld.idx.msk [tilespmem:v15+s16+$0x0], $0xffff;
	s29 =	simm.s32 $0x9;
	v23 =	vadd.s32 v12, v24  }
0x22a: {  	s28 =	simm.s32 $0x8;
	v27 =	vld.idx.msk [tilespmem:v20+s15+$0x0], $0xffff;
	v20 =	vadd.s32 v12, v29;
	v34 =	vadd.s32 s29, v13;
	v26 =	vmul.f32 v25, v26  }
0x22b: {  	v29 =	vld.idx.msk [tilespmem:v63+s16+$0x0], $0xffff;
	v33 =	vadd.s32 s29, v14;
	v25 =	vadd.s32 v12, v22;
	v22 =	vadd.s32 s28, v13  }
0x22c: {  	s29 =	simm.s32 $0xB;
	v24 =	vld.idx.msk [tilespmem:v31+s15+$0x0], $0xffff;
	v19 =	vmul.f32 v18, v19;
	v18 =	vadd.f32 v26, v28;
	v28 =	vadd.s32 s28, v14;
	s28 =	simm.s32 $0xA  }
0x22d: {  	v21 =	vadd.s32 v12, v21;
	v26 =	vld.idx.msk [tilespmem:v36+s15+$0x0], $0xffff;
	v36 =	vadd.s32 s29, v13;
	v32 =	vadd.s32 s28, v13  }
0x22e: {  	v31 =	vld.idx.msk [tilespmem:v38+s16+$0x0], $0xffff;
	v19 =	vadd.f32 v19, v30;
	v30 =	vmul.f32 v37, v62;
	v35 =	vadd.s32 s28, v14;
	s28 =	simm.s32 $0xC  }
.LBB2_26:
0x22f: {  	p0 =	sne.s32 s28, $0x3C;
	v37 =	vadd.s32 v12, v34;
	v34 =	vadd.s32 v12, v36;
	v36 =	vadd.s32 s29, v14;
	v38 =	vld.idx.msk [tilespmem:v23+s15+$0x0], $0xffff  }
0x230: {  	v39 =	vadd.s32 v12, v33;
	v23 =	vadd.s32 v12, v32;
	v32 =	vadd.s32 v12, v36;
	v36 =	vld.idx.msk [tilespmem:v25+s16+$0x0], $0xffff  }
0x231: {  	v28 =	vadd.s32 v12, v28;
	v25 =	vadd.s32 v12, v35;
	v40 =	vld.idx.msk [tilespmem:v20+s15+$0x0], $0xffff;
	v20 =	vadd.s32 v12, v22  }
0x232: {  	v27 =	vmul.f32 v15, v27;
	v16 =	vadd.f32 v30, v16;
	v29 =	vmul.f32 v29, v24;
	v15 =	vld.idx.msk [tilespmem:v21+s16+$0x0], $0xffff  }
.Ltmp12:
0x233: {  	v22 =	vadd.s32 s28, v13;
	v21 =	vmov v28;
	(pc) =	sbr.rel @p0 .LBB2_26-.Ltmp12, $4  }
0x234: {  	s29 =	sadd.s32 $0x1, s28;
	v17 =	vadd.f32 v27, v17;
	v30 =	vmul.f32 v31, v26;
	v18 =	vadd.f32 v29, v18;
	v24 =	vld.idx.msk [tilespmem:v34+s15+$0x0], $0xffff  }
0x235: {  	s30 =	sadd.s32 $0x2, s28;
	v33 =	vadd.s32 s29, v14;
	v28 =	vadd.s32 s28, v14;
	v34 =	vadd.s32 s29, v13;
	v29 =	vld.idx.msk [tilespmem:v32+s16+$0x0], $0xffff  }
0x236: {  	s29 =	sadd.s32 $0x3, s28;
	v32 =	vadd.s32 s30, v13;
	v19 =	vadd.f32 v30, v19;
	v30 =	vmul.f32 v36, v38;
	v26 =	vld.idx.msk [tilespmem:v37+s15+$0x0], $0xffff  }
0x237: {  	v35 =	vadd.s32 s30, v14;
	s28 =	sadd.s32 $0x4, s28;
	v36 =	vadd.s32 s29, v13;
	v27 =	vmov v40;
	v31 =	vld.idx.msk [tilespmem:v39+s16+$0x0], $0xffff  }
0x238: {  	_ =	sdelay $0x3  }
0x239: {  	v13 =	vadd.s32 v12, v36;
	v23 =	vld.idx.msk [tilespmem:v23+s15+$0x0], $0xffff  }
0x23a: {  	v34 =	vadd.s32 v12, v34;
	v25 =	vld.idx.msk [tilespmem:v25+s16+$0x0], $0xffff  }
0x23b: {  	v14 =	vadd.s32 s29, v14;
	v33 =	vadd.s32 v12, v33;
	v20 =	vld.idx.msk [tilespmem:v20+s15+$0x0], $0xffff  }
0x23c: {  	v21 =	vld.idx.msk [tilespmem:v21+s16+$0x0], $0xffff;
	v14 =	vadd.s32 v12, v14  }
0x23d: {  	v27 =	vmul.f32 v15, v27;
	v15 =	vld [tilespmem:$0x6D0]  }
0x23e: {  	v32 =	vadd.s32 v12, v32;
	v13 =	vld.idx.msk [tilespmem:v13+s15+$0x0], $0xffff  }
0x23f: {  	v35 =	vadd.s32 v12, v35;
	v34 =	vld.idx.msk [tilespmem:v34+s15+$0x0], $0xffff  }
0x240: {  	v33 =	vld.idx.msk [tilespmem:v33+s16+$0x0], $0xffff  }
0x241: {  	v28 =	vadd.s32 v12, v28;
	v24 =	vmul.f32 v29, v24;
	v60 =	vld.idx.msk [tilespmem:v14+s16+$0x0], $0xffff  }
0x242: {  	v22 =	vadd.s32 v12, v22;
	v14 =	vld [tilespmem:$0x4D0]  }
0x243: {  	v26 =	vmul.f32 v31, v26;
	v18 =	vadd.f32 v24, v18;
	v24 =	vld.idx.msk [tilespmem:v32+s15+$0x0], $0xffff  }
0x244: {  	v16 =	vadd.f32 v30, v16;
	v23 =	vmul.f32 v25, v23;
	v25 =	vld.idx.msk [tilespmem:v35+s16+$0x0], $0xffff  }
0x245: {  	s28 =	simm.s32 $0x3;
	v17 =	vadd.f32 v27, v17;
	v20 =	vmul.f32 v21, v20;
	v19 =	vadd.f32 v26, v19  }
0x246: {  	v16 =	vadd.f32 v23, v16;
	v23 =	vld.idx.msk [tilespmem:v28+s16+$0x0], $0xffff;
	v28 =	vadd.s32 s28, v15;
	v27 =	vmul.f32 v33, v34  }
0x247: {  	s29 =	simm.s32 $0x1;
	v21 =	vld.idx.msk [tilespmem:v22+s15+$0x0], $0xffff;
	v26 =	vmul.f32 v60, v13;
	v13 =	vor.u32 $0x6800, v0;
	v22 =	vadd.s32 s28, v14  }
0x248: {  	v20 =	vadd.f32 v20, v17;
	v17 =	vadd.s32 s29, v15;
	v22 =	vadd.s32 v13, v22  }
0x249: {  	v31 =	vadd.f32 v27, v19;
	v19 =	vadd.s32 v13, v17;
	v17 =	vmul.f32 v25, v24  }
0x24a: {  	s28 =	simm.s32 $0x2;
	v29 =	vadd.f32 v26, v18;
	v18 =	vadd.s32 s29, v14;
	v26 =	vadd.s32 v13, v28  }
0x24b: {  	v28 =	vadd.s32 v13, v18;
	v18 =	vadd.s32 s28, v14  }
0x24c: {  	v24 =	vadd.s32 s28, v15;
	s29 =	simm.s32 $0x0;
	v17 =	vadd.f32 v17, v16;
	v25 =	vadd.s32 v13, v18  }
0x24d: {  	v16 =	vadd.s32 s29, v15;
	v18 =	vmul.f32 v23, v21;
	v23 =	vadd.s32 v13, v24;
	v27 =	vld.idx.msk [tilespmem:v22+s15+$0x0], $0xffff  }
0x24e: {  	s28 =	simm.s32 $0x7;
	v21 =	vadd.s32 s29, v14;
	s29 =	simm.s32 $0x4;
	v16 =	vadd.s32 v13, v16;
	v19 =	vld.idx.msk [tilespmem:v19+s16+$0x0], $0xffff  }
0x24f: {  	v24 =	vadd.s32 s28, v15;
	v21 =	vadd.s32 v13, v21;
	v30 =	vadd.s32 s29, v14;
	v26 =	vld.idx.msk [tilespmem:v26+s16+$0x0], $0xffff  }
0x250: {  	v63 =	vadd.s32 v13, v24;
	v18 =	vadd.f32 v18, v20;
	v22 =	vadd.s32 s28, v14;
	s28 =	simm.s32 $0x5;
	v20 =	vld.idx.msk [tilespmem:v28+s15+$0x0], $0xffff  }
0x251: {  	v61 =	vadd.s32 v13, v22;
	v22 =	vadd.s32 s29, v15;
	s29 =	simm.s32 $0x6;
	v28 =	vadd.s32 s28, v14;
	v62 =	vld.idx.msk [tilespmem:v25+s15+$0x0], $0xffff  }
0x252: {  	v24 =	vadd.s32 s28, v15;
	v25 =	vadd.s32 s29, v14;
	v37 =	vadd.s32 v13, v28;
	v38 =	vld.idx.msk [tilespmem:v23+s16+$0x0], $0xffff  }
0x253: {  	v39 =	vadd.s32 v13, v24;
	v23 =	vadd.s32 s29, v15;
	v16 =	vld.idx.msk [tilespmem:v16+s16+$0x0], $0xffff;
	s29 =	simm.s32 $0x9;
	v24 =	vadd.s32 v13, v25  }
0x254: {  	s28 =	simm.s32 $0x8;
	v28 =	vld.idx.msk [tilespmem:v21+s15+$0x0], $0xffff;
	v21 =	vadd.s32 v13, v30;
	v35 =	vadd.s32 s29, v14;
	v27 =	vmul.f32 v26, v27  }
0x255: {  	v30 =	vld.idx.msk [tilespmem:v63+s16+$0x0], $0xffff;
	v34 =	vadd.s32 s29, v15;
	v26 =	vadd.s32 v13, v23;
	v23 =	vadd.s32 s28, v14  }
0x256: {  	s29 =	simm.s32 $0xB;
	v25 =	vld.idx.msk [tilespmem:v61+s15+$0x0], $0xffff;
	v20 =	vmul.f32 v19, v20;
	v19 =	vadd.f32 v27, v29;
	v29 =	vadd.s32 s28, v15;
	s28 =	simm.s32 $0xA  }
0x257: {  	v22 =	vadd.s32 v13, v22;
	v27 =	vld.idx.msk [tilespmem:v37+s15+$0x0], $0xffff;
	v37 =	vadd.s32 s29, v14;
	v33 =	vadd.s32 s28, v14  }
0x258: {  	v32 =	vld.idx.msk [tilespmem:v39+s16+$0x0], $0xffff;
	v20 =	vadd.f32 v20, v31;
	v31 =	vmul.f32 v38, v62;
	v36 =	vadd.s32 s28, v15;
	s28 =	simm.s32 $0xC  }
.LBB2_28:
0x259: {  	p0 =	sne.s32 s28, $0x3C;
	v38 =	vadd.s32 v13, v35;
	v35 =	vadd.s32 v13, v37;
	v37 =	vadd.s32 s29, v15;
	v39 =	vld.idx.msk [tilespmem:v24+s15+$0x0], $0xffff  }
0x25a: {  	v40 =	vadd.s32 v13, v34;
	v24 =	vadd.s32 v13, v33;
	v33 =	vadd.s32 v13, v37;
	v37 =	vld.idx.msk [tilespmem:v26+s16+$0x0], $0xffff  }
0x25b: {  	v29 =	vadd.s32 v13, v29;
	v26 =	vadd.s32 v13, v36;
	v41 =	vld.idx.msk [tilespmem:v21+s15+$0x0], $0xffff;
	v21 =	vadd.s32 v13, v23  }
0x25c: {  	v28 =	vmul.f32 v16, v28;
	v17 =	vadd.f32 v31, v17;
	v30 =	vmul.f32 v30, v25;
	v16 =	vld.idx.msk [tilespmem:v22+s16+$0x0], $0xffff  }
.Ltmp13:
0x25d: {  	v23 =	vadd.s32 s28, v14;
	v22 =	vmov v29;
	(pc) =	sbr.rel @p0 .LBB2_28-.Ltmp13, $4  }
0x25e: {  	s29 =	sadd.s32 $0x1, s28;
	v18 =	vadd.f32 v28, v18;
	v31 =	vmul.f32 v32, v27;
	v19 =	vadd.f32 v30, v19;
	v25 =	vld.idx.msk [tilespmem:v35+s15+$0x0], $0xffff  }
0x25f: {  	s30 =	sadd.s32 $0x2, s28;
	v34 =	vadd.s32 s29, v15;
	v29 =	vadd.s32 s28, v15;
	v35 =	vadd.s32 s29, v14;
	v30 =	vld.idx.msk [tilespmem:v33+s16+$0x0], $0xffff  }
0x260: {  	s29 =	sadd.s32 $0x3, s28;
	v33 =	vadd.s32 s30, v14;
	v20 =	vadd.f32 v31, v20;
	v31 =	vmul.f32 v37, v39;
	v27 =	vld.idx.msk [tilespmem:v38+s15+$0x0], $0xffff  }
0x261: {  	v36 =	vadd.s32 s30, v15;
	s28 =	sadd.s32 $0x4, s28;
	v37 =	vadd.s32 s29, v14;
	v28 =	vmov v41;
	v32 =	vld.idx.msk [tilespmem:v40+s16+$0x0], $0xffff  }
0x262: {  	_ =	sdelay $0x3  }
0x263: {  	v14 =	vadd.s32 v13, v37;
	v24 =	vld.idx.msk [tilespmem:v24+s15+$0x0], $0xffff  }
0x264: {  	v35 =	vadd.s32 v13, v35;
	v26 =	vld.idx.msk [tilespmem:v26+s16+$0x0], $0xffff  }
0x265: {  	v15 =	vadd.s32 s29, v15;
	v34 =	vadd.s32 v13, v34;
	v21 =	vld.idx.msk [tilespmem:v21+s15+$0x0], $0xffff  }
0x266: {  	v22 =	vld.idx.msk [tilespmem:v22+s16+$0x0], $0xffff;
	v15 =	vadd.s32 v13, v15  }
0x267: {  	v28 =	vmul.f32 v16, v28;
	v16 =	vld [tilespmem:$0x6E0]  }
0x268: {  	v33 =	vadd.s32 v13, v33;
	v14 =	vld.idx.msk [tilespmem:v14+s15+$0x0], $0xffff  }
0x269: {  	v36 =	vadd.s32 v13, v36;
	v35 =	vld.idx.msk [tilespmem:v35+s15+$0x0], $0xffff  }
0x26a: {  	v34 =	vld.idx.msk [tilespmem:v34+s16+$0x0], $0xffff  }
0x26b: {  	v29 =	vadd.s32 v13, v29;
	v25 =	vmul.f32 v30, v25;
	v59 =	vld.idx.msk [tilespmem:v15+s16+$0x0], $0xffff  }
0x26c: {  	v23 =	vadd.s32 v13, v23;
	v15 =	vld [tilespmem:$0x4E0]  }
0x26d: {  	v27 =	vmul.f32 v32, v27;
	v19 =	vadd.f32 v25, v19;
	v25 =	vld.idx.msk [tilespmem:v33+s15+$0x0], $0xffff  }
0x26e: {  	v17 =	vadd.f32 v31, v17;
	v24 =	vmul.f32 v26, v24;
	v26 =	vld.idx.msk [tilespmem:v36+s16+$0x0], $0xffff  }
0x26f: {  	s28 =	simm.s32 $0x3;
	v18 =	vadd.f32 v28, v18;
	v21 =	vmul.f32 v22, v21;
	v20 =	vadd.f32 v27, v20  }
0x270: {  	v17 =	vadd.f32 v24, v17;
	v24 =	vld.idx.msk [tilespmem:v29+s16+$0x0], $0xffff;
	v29 =	vadd.s32 s28, v16;
	v28 =	vmul.f32 v34, v35  }
0x271: {  	s29 =	simm.s32 $0x1;
	v22 =	vld.idx.msk [tilespmem:v23+s15+$0x0], $0xffff;
	v27 =	vmul.f32 v59, v14;
	v14 =	vor.u32 $0x7000, v0;
	v23 =	vadd.s32 s28, v15  }
0x272: {  	v21 =	vadd.f32 v21, v18;
	v18 =	vadd.s32 s29, v16;
	v23 =	vadd.s32 v14, v23  }
0x273: {  	v60 =	vadd.f32 v28, v20;
	v20 =	vadd.s32 v14, v18;
	v18 =	vmul.f32 v26, v25  }
0x274: {  	s28 =	simm.s32 $0x2;
	v30 =	vadd.f32 v27, v19;
	v19 =	vadd.s32 s29, v15;
	v27 =	vadd.s32 v14, v29  }
0x275: {  	v29 =	vadd.s32 v14, v19;
	v19 =	vadd.s32 s28, v15  }
0x276: {  	v25 =	vadd.s32 s28, v16;
	s29 =	simm.s32 $0x0;
	v18 =	vadd.f32 v18, v17;
	v26 =	vadd.s32 v14, v19  }
0x277: {  	v17 =	vadd.s32 s29, v16;
	v19 =	vmul.f32 v24, v22;
	v24 =	vadd.s32 v14, v25;
	v28 =	vld.idx.msk [tilespmem:v23+s15+$0x0], $0xffff  }
0x278: {  	s28 =	simm.s32 $0x7;
	v22 =	vadd.s32 s29, v15;
	s29 =	simm.s32 $0x4;
	v17 =	vadd.s32 v14, v17;
	v20 =	vld.idx.msk [tilespmem:v20+s16+$0x0], $0xffff  }
0x279: {  	v25 =	vadd.s32 s28, v16;
	v22 =	vadd.s32 v14, v22;
	v31 =	vadd.s32 s29, v15;
	v27 =	vld.idx.msk [tilespmem:v27+s16+$0x0], $0xffff  }
0x27a: {  	v63 =	vadd.s32 v14, v25;
	v19 =	vadd.f32 v19, v21;
	v23 =	vadd.s32 s28, v15;
	s28 =	simm.s32 $0x5;
	v21 =	vld.idx.msk [tilespmem:v29+s15+$0x0], $0xffff  }
0x27b: {  	v61 =	vadd.s32 v14, v23;
	v25 =	vadd.s32 s28, v16;
	v29 =	vadd.s32 s28, v15;
	v62 =	vld.idx.msk [tilespmem:v26+s15+$0x0], $0xffff  }
0x27c: {  	v23 =	vadd.s32 s29, v16;
	s29 =	simm.s32 $0x6;
	v40 =	vadd.s32 v14, v25;
	v38 =	vadd.s32 v14, v29;
	v39 =	vld.idx.msk [tilespmem:v24+s16+$0x0], $0xffff  }
0x27d: {  	v23 =	vadd.s32 v14, v23;
	v26 =	vadd.s32 s29, v15;
	v24 =	vadd.s32 s29, v16;
	v17 =	vld.idx.msk [tilespmem:v17+s16+$0x0], $0xffff  }
0x27e: {  	s29 =	simm.s32 $0x9;
	v25 =	vadd.s32 v14, v26;
	v29 =	vld.idx.msk [tilespmem:v22+s15+$0x0], $0xffff;
	v22 =	vadd.s32 v14, v31;
	v28 =	vmul.f32 v27, v28  }
0x27f: {  	s28 =	simm.s32 $0x8;
	v36 =	vadd.s32 s29, v15;
	v31 =	vld.idx.msk [tilespmem:v63+s16+$0x0], $0xffff;
	v35 =	vadd.s32 s29, v16;
	v27 =	vadd.s32 v14, v24  }
0x280: {  	s29 =	simm.s32 $0xB;
	v24 =	vadd.s32 s28, v15;
	v26 =	vld.idx.msk [tilespmem:v61+s15+$0x0], $0xffff;
	v21 =	vmul.f32 v20, v21;
	v20 =	vadd.f32 v28, v30  }
0x281: {  	v30 =	vadd.s32 s28, v16;
	s28 =	simm.s32 $0xA;
	v28 =	vld.idx.msk [tilespmem:v38+s15+$0x0], $0xffff;
	v32 =	vmul.f32 v39, v62;
	v38 =	vadd.s32 s29, v15  }
0x282: {  	v33 =	vld.idx.msk [tilespmem:v40+s16+$0x0], $0xffff;
	v34 =	vadd.s32 s28, v15;
	v21 =	vadd.f32 v21, v60;
	v37 =	vadd.s32 s28, v16;
	s28 =	simm.s32 $0xC  }
.LBB2_30:
0x283: {  	p0 =	sne.s32 s28, $0x3C;
	v39 =	vadd.s32 v14, v36;
	v36 =	vadd.s32 v14, v38;
	v38 =	vadd.s32 s29, v16;
	v40 =	vld.idx.msk [tilespmem:v25+s15+$0x0], $0xffff  }
0x284: {  	v41 =	vadd.s32 v14, v35;
	v25 =	vadd.s32 v14, v34;
	v34 =	vadd.s32 v14, v38;
	v38 =	vld.idx.msk [tilespmem:v27+s16+$0x0], $0xffff  }
0x285: {  	v30 =	vadd.s32 v14, v30;
	v27 =	vadd.s32 v14, v37;
	v42 =	vld.idx.msk [tilespmem:v22+s15+$0x0], $0xffff;
	v22 =	vadd.s32 v14, v24  }
0x286: {  	v29 =	vmul.f32 v17, v29;
	v18 =	vadd.f32 v32, v18;
	v31 =	vmul.f32 v31, v26;
	v17 =	vld.idx.msk [tilespmem:v23+s16+$0x0], $0xffff  }
.Ltmp14:
0x287: {  	v24 =	vadd.s32 s28, v15;
	v23 =	vmov v30;
	(pc) =	sbr.rel @p0 .LBB2_30-.Ltmp14, $4  }
0x288: {  	s29 =	sadd.s32 $0x1, s28;
	v19 =	vadd.f32 v29, v19;
	v32 =	vmul.f32 v33, v28;
	v20 =	vadd.f32 v31, v20;
	v26 =	vld.idx.msk [tilespmem:v36+s15+$0x0], $0xffff  }
0x289: {  	s30 =	sadd.s32 $0x2, s28;
	v35 =	vadd.s32 s29, v16;
	v30 =	vadd.s32 s28, v16;
	v36 =	vadd.s32 s29, v15;
	v31 =	vld.idx.msk [tilespmem:v34+s16+$0x0], $0xffff  }
0x28a: {  	s29 =	sadd.s32 $0x3, s28;
	v34 =	vadd.s32 s30, v15;
	v21 =	vadd.f32 v32, v21;
	v32 =	vmul.f32 v38, v40;
	v28 =	vld.idx.msk [tilespmem:v39+s15+$0x0], $0xffff  }
0x28b: {  	v37 =	vadd.s32 s30, v16;
	s28 =	sadd.s32 $0x4, s28;
	v38 =	vadd.s32 s29, v15;
	v29 =	vmov v42;
	v33 =	vld.idx.msk [tilespmem:v41+s16+$0x0], $0xffff  }
0x28c: {  	_ =	sdelay $0x3  }
0x28d: {  	v15 =	vadd.s32 v14, v38;
	v16 =	vadd.s32 s29, v16;
	v25 =	vld.idx.msk [tilespmem:v25+s15+$0x0], $0xffff  }
0x28e: {  	v27 =	vld.idx.msk [tilespmem:v27+s16+$0x0], $0xffff;
	v16 =	vadd.s32 v14, v16  }
0x28f: {  	v22 =	vld.idx.msk [tilespmem:v22+s15+$0x0], $0xffff  }
0x290: {  	v36 =	vadd.s32 v14, v36;
	v23 =	vld.idx.msk [tilespmem:v23+s16+$0x0], $0xffff  }
0x291: {  	v35 =	vadd.s32 v14, v35;
	v29 =	vmul.f32 v17, v29;
	v17 =	vld [tilespmem:$0x6F0]  }
0x292: {  	v34 =	vadd.s32 v14, v34;
	v15 =	vld.idx.msk [tilespmem:v15+s15+$0x0], $0xffff  }
0x293: {  	v37 =	vadd.s32 v14, v37;
	v57 =	vld.idx.msk [tilespmem:v16+s16+$0x0], $0xffff  }
0x294: {  	v24 =	vadd.s32 v14, v24;
	v16 =	vld [tilespmem:$0x4F0]  }
0x295: {  	v30 =	vadd.s32 v14, v30;
	v26 =	vmul.f32 v31, v26;
	v36 =	vld.idx.msk [tilespmem:v36+s15+$0x0], $0xffff  }
0x296: {  	v18 =	vadd.f32 v32, v18;
	v28 =	vmul.f32 v33, v28;
	v35 =	vld.idx.msk [tilespmem:v35+s16+$0x0], $0xffff;
	v25 =	vmul.f32 v27, v25  }
0x297: {  	v19 =	vadd.f32 v29, v19;
	v20 =	vadd.f32 v26, v20;
	v26 =	vld.idx.msk [tilespmem:v34+s15+$0x0], $0xffff  }
0x298: {  	s28 =	simm.s32 $0x3;
	v27 =	vld.idx.msk [tilespmem:v37+s16+$0x0], $0xffff;
	v22 =	vmul.f32 v23, v22;
	v21 =	vadd.f32 v28, v21;
	v18 =	vadd.f32 v25, v18  }
0x299: {  	s29 =	simm.s32 $0x1;
	v23 =	vld.idx.msk [tilespmem:v24+s15+$0x0], $0xffff;
	v28 =	vmul.f32 v57, v15;
	v15 =	vor.u32 $0x7800, v0;
	v24 =	vadd.s32 s28, v16  }
0x29a: {  	v25 =	vld.idx.msk [tilespmem:v30+s16+$0x0], $0xffff;
	v19 =	vadd.f32 v22, v19;
	v22 =	vadd.s32 s29, v17;
	v24 =	vadd.s32 v15, v24  }
0x29b: {  	v30 =	vadd.s32 s28, v17;
	v29 =	vmul.f32 v35, v36;
	v22 =	vadd.s32 v15, v22  }
0x29c: {  	s28 =	simm.s32 $0x2;
	v58 =	vadd.f32 v28, v20;
	v20 =	vadd.s32 s29, v16;
	v28 =	vadd.s32 v15, v30  }
0x29d: {  	v26 =	vmul.f32 v27, v26;
	v27 =	vadd.s32 s28, v17;
	v20 =	vadd.s32 v15, v20  }
0x29e: {  	v30 =	vadd.f32 v29, v21;
	v21 =	vadd.s32 s28, v16;
	s29 =	simm.s32 $0x0;
	v27 =	vadd.s32 v15, v27  }
0x29f: {  	v23 =	vmul.f32 v25, v23;
	v21 =	vadd.s32 v15, v21;
	v25 =	vadd.s32 s29, v16;
	v31 =	vld.idx.msk [tilespmem:v24+s15+$0x0], $0xffff  }
0x2a0: {  	v18 =	vadd.f32 v26, v18;
	s28 =	simm.s32 $0x7;
	v25 =	vadd.s32 v15, v25;
	v24 =	vadd.s32 s29, v17;
	v22 =	vld.idx.msk [tilespmem:v22+s16+$0x0], $0xffff  }
0x2a1: {  	v19 =	vadd.f32 v23, v19;
	s29 =	simm.s32 $0x4;
	v26 =	vld.idx.msk [tilespmem:v28+s16+$0x0], $0xffff;
	v23 =	vadd.s32 v15, v24;
	v24 =	vadd.s32 s28, v17  }
0x2a2: {  	v28 =	vadd.s32 s29, v16;
	v59 =	vld.idx.msk [tilespmem:v20+s15+$0x0], $0xffff;
	v20 =	vadd.s32 s28, v16;
	s28 =	simm.s32 $0x5;
	v62 =	vadd.s32 v15, v24  }
0x2a3: {  	v40 =	vld.idx.msk [tilespmem:v27+s16+$0x0], $0xffff;
	v60 =	vadd.s32 v15, v20;
	v20 =	vadd.s32 s29, v17;
	v29 =	vadd.s32 s28, v16;
	s29 =	simm.s32 $0x6  }
0x2a4: {  	v61 =	vld.idx.msk [tilespmem:v21+s15+$0x0], $0xffff;
	v21 =	vadd.s32 s28, v17;
	v24 =	vadd.s32 s29, v16;
	v39 =	vadd.s32 v15, v29  }
0x2a5: {  	v27 =	vadd.s32 v15, v28;
	s28 =	simm.s32 $0x8;
	v41 =	vadd.s32 v15, v21;
	v29 =	vadd.s32 v15, v24;
	v24 =	vld.idx.msk [tilespmem:v25+s15+$0x0], $0xffff  }
0x2a6: {  	v63 =	vadd.s32 s29, v17;
	v28 =	vadd.s32 v15, v20;
	s29 =	simm.s32 $0x9;
	v34 =	vadd.s32 s28, v17;
	v20 =	vld.idx.msk [tilespmem:v23+s16+$0x0], $0xffff  }
0x2a7: {  	v32 =	vadd.s32 v15, v63;
	v37 =	vadd.s32 s29, v16;
	v21 =	vmul.f32 v26, v31;
	v26 =	vld.idx.msk [tilespmem:v62+s16+$0x0], $0xffff  }
0x2a8: {  	v35 =	vadd.s32 s29, v17;
	v31 =	vadd.s32 s28, v16;
	s28 =	simm.s32 $0xA;
	v22 =	vmul.f32 v22, v59;
	v23 =	vld.idx.msk [tilespmem:v60+s15+$0x0], $0xffff  }
0x2a9: {  	s29 =	simm.s32 $0xB;
	v36 =	vadd.s32 s28, v16;
	v38 =	vadd.s32 s28, v17;
	v21 =	vadd.f32 v21, v58;
	v25 =	vld.idx.msk [tilespmem:v39+s15+$0x0], $0xffff  }
0x2aa: {  	s28 =	simm.s32 $0xC;
	v22 =	vadd.f32 v22, v30;
	v30 =	vmul.f32 v40, v61;
	v39 =	vadd.s32 s29, v16;
	v33 =	vld.idx.msk [tilespmem:v41+s16+$0x0], $0xffff  }
.LBB2_32:
0x2ab: {  	p0 =	sne.s32 s28, $0x3C;
	v40 =	vadd.s32 v15, v37;
	v37 =	vadd.s32 v15, v39;
	v39 =	vadd.s32 s29, v17;
	v41 =	vld.idx.msk [tilespmem:v29+s15+$0x0], $0xffff  }
0x2ac: {  	v42 =	vadd.s32 v15, v35;
	v29 =	vadd.s32 v15, v36;
	v36 =	vadd.s32 v15, v39;
	v39 =	vld.idx.msk [tilespmem:v32+s16+$0x0], $0xffff  }
0x2ad: {  	v34 =	vadd.s32 v15, v34;
	v32 =	vadd.s32 v15, v38;
	v43 =	vld.idx.msk [tilespmem:v27+s15+$0x0], $0xffff;
	v27 =	vadd.s32 v15, v31  }
0x2ae: {  	v24 =	vmul.f32 v20, v24;
	v18 =	vadd.f32 v30, v18;
	v26 =	vmul.f32 v26, v23;
	v20 =	vld.idx.msk [tilespmem:v28+s16+$0x0], $0xffff  }
.Ltmp15:
0x2af: {  	v31 =	vadd.s32 s28, v16;
	v28 =	vmov v34;
	(pc) =	sbr.rel @p0 .LBB2_32-.Ltmp15, $4  }
0x2b0: {  	s29 =	sadd.s32 $0x1, s28;
	v19 =	vadd.f32 v24, v19;
	v30 =	vmul.f32 v33, v25;
	v21 =	vadd.f32 v26, v21;
	v23 =	vld.idx.msk [tilespmem:v37+s15+$0x0], $0xffff  }
0x2b1: {  	s30 =	sadd.s32 $0x2, s28;
	v35 =	vadd.s32 s29, v17;
	v34 =	vadd.s32 s28, v17;
	v37 =	vadd.s32 s29, v16;
	v26 =	vld.idx.msk [tilespmem:v36+s16+$0x0], $0xffff  }
0x2b2: {  	s29 =	sadd.s32 $0x3, s28;
	v36 =	vadd.s32 s30, v16;
	v22 =	vadd.f32 v30, v22;
	v30 =	vmul.f32 v39, v41;
	v25 =	vld.idx.msk [tilespmem:v40+s15+$0x0], $0xffff  }
0x2b3: {  	v38 =	vadd.s32 s30, v17;
	s28 =	sadd.s32 $0x4, s28;
	v39 =	vadd.s32 s29, v16;
	v24 =	vmov v43;
	v33 =	vld.idx.msk [tilespmem:v42+s16+$0x0], $0xffff  }
0x2b4: {  	_ =	sdelay $0x2  }
0x2b5: {  	v16 =	vadd.s32 v15, v39  }
0x2b6: {  	v17 =	vadd.s32 s29, v17;
	v29 =	vld.idx.msk [tilespmem:v29+s15+$0x0], $0xffff;
	v37 =	vadd.s32 v15, v37  }
0x2b7: {  	v32 =	vld.idx.msk [tilespmem:v32+s16+$0x0], $0xffff;
	v17 =	vadd.s32 v15, v17  }
0x2b8: {  	v35 =	vadd.s32 v15, v35;
	v27 =	vld.idx.msk [tilespmem:v27+s15+$0x0], $0xffff  }
0x2b9: {  	v36 =	vadd.s32 v15, v36;
	v28 =	vld.idx.msk [tilespmem:v28+s16+$0x0], $0xffff  }
0x2ba: {  	v38 =	vadd.s32 v15, v38;
	v39 =	vld.idx.msk [tilespmem:v16+s15+$0x0], $0xffff  }
0x2bb: {  	v16 =	vadd.s32 v15, v31;
	v48 =	vld.idx.msk [tilespmem:v37+s15+$0x0], $0xffff  }
0x2bc: {  	v31 =	vld.idx.msk [tilespmem:v17+s16+$0x0], $0xffff;
	v17 =	vadd.s32 v15, v34  }
0x2bd: {  	v35 =	vld.idx.msk [tilespmem:v35+s16+$0x0], $0xffff  }
0x2be: {  	v36 =	vld.idx.msk [tilespmem:v36+s15+$0x0], $0xffff  }
0x2bf: {  	v49 =	vld.idx.msk [tilespmem:v38+s16+$0x0], $0xffff  }
0x2c0: {  	v50 =	vld.idx.msk [tilespmem:v16+s15+$0x0], $0xffff  }
0x2c1: {  	v40 =	vld.idx.msk [tilespmem:v17+s16+$0x0], $0xffff;
	[tilespmem:s15], [sflag:$0x1] =	stream.indirect.gather [hbm4b:s3+s14], $0x80, s21, s14, $0xb8  }
0x2c2: {  	_ = 	snop  }
0x2c3: {  	[tilespmem:s16], [sflag:$0x1] =	stream.indirect.gather [hbm4b:s3+s14], $0x80, s22, s14, $0xb8;
	[tilespmem:$0x10880] =	vst v63  }
0x2c4: {  	_ = 	snop  }
0x2c5: {  	[tilespmem:s17], [sflag:$0x1] =	stream.indirect.gather [hbm4b:s3+s14], $0x80, s23, s14, $0xb8;
	[tilespmem:$0x10880] =	vst v63  }
0x2c6: {  	_ = 	snop  }
0x2c7: {  	[tilespmem:s19], [sflag:$0x1] =	stream.indirect.gather [hbm4b:s3+s14], $0x80, s24, s14, $0xb8;
	[tilespmem:$0x10880] =	vst v63  }
0x2c8: {  	_ =	swait.ge [sflag:s20], $0x4000  }
0x2c9: {  	[sflag:s20] =	ssyncset.done $0x0  }
0x2ca: {  	[sflag:s20] =	ssyncadd.s32 $0xFFFFC000  }
0x2cb: {  	_ =	swait.ge [sflag:s20], $0x4000  }
0x2cc: {  	[sflag:s20] =	ssyncset.done $0x0  }
0x2cd: {  	[sflag:s20] =	ssyncadd.s32 $0xFFFFC000  }
0x2ce: {  	_ =	swait.ge [sflag:s20], $0x4000  }
0x2cf: {  	[sflag:s20] =	ssyncset.done $0x0  }
0x2d0: {  	[sflag:s20] =	ssyncadd.s32 $0xFFFFC000  }
0x2d1: {  	_ =	swait.ge [sflag:s20], $0x4000  }
0x2d2: {  	[sflag:s20] =	ssyncset.done $0x0  }
0x2d3: {  	[sflag:s20] =	ssyncadd.s32 $0xFFFFC000  }
0x2d4: {  	v20 =	vmul.f32 v20, v24;
	v16 =	vld [tilespmem:$0x500]  }
0x2d5: {  	v24 =	vmul.f32 v33, v25  }
0x2d6: {  	v18 =	vadd.f32 v30, v18;
	v23 =	vmul.f32 v26, v23;
	v19 =	vadd.f32 v20, v19;
	v17 =	vld [tilespmem:$0x700]  }
0x2d7: {  	v20 =	vadd.f32 v24, v22;
	v22 =	vmul.f32 v32, v29;
	v24 =	vmul.f32 v28, v27  }
0x2d8: {  	s28 =	simm.s32 $0x1;
	v21 =	vadd.f32 v23, v21  }
0x2d9: {  	s31 =	simm.s32 $0x3;
	v18 =	vadd.f32 v22, v18;
	v19 =	vadd.f32 v24, v19;
	v25 =	vadd.s32 s28, v16  }
0x2da: {  	s30 =	simm.s32 $0x0;
	v23 =	vmul.f32 v31, v39;
	v22 =	vadd.s32 s31, v16;
	v25 =	vadd.s32 v0, v25  }
0x2db: {  	v26 =	vmul.f32 v35, v48;
	v27 =	vadd.s32 s30, v17;
	v22 =	vadd.s32 v0, v22  }
0x2dc: {  	v30 =	vadd.f32 v23, v21;
	v21 =	vadd.s32 s28, v17;
	v23 =	vadd.s32 v0, v27  }
0x2dd: {  	v29 =	vmul.f32 v40, v50;
	v24 =	vadd.s32 s30, v16;
	v21 =	vadd.s32 v0, v21  }
0x2de: {  	s29 =	simm.s32 $0x7;
	v26 =	vadd.f32 v26, v20;
	v20 =	vadd.s32 s31, v17;
	v24 =	vadd.s32 v0, v24  }
0x2df: {  	v29 =	vadd.f32 v29, v19;
	s28 =	simm.s32 $0x2;
	v19 =	vadd.s32 s29, v16;
	v20 =	vadd.s32 v0, v20;
	v25 =	vld.idx.msk [tilespmem:v25+s15+$0x0], $0xffff  }
0x2e0: {  	s31 =	simm.s32 $0x4;
	v27 =	vmul.f32 v49, v36;
	v28 =	vadd.s32 s28, v16;
	v19 =	vadd.s32 v0, v19;
	v51 =	vld.idx.msk [tilespmem:v22+s15+$0x0], $0xffff  }
0x2e1: {  	v31 =	vadd.s32 s28, v17;
	s28 =	simm.s32 $0x5;
	v52 =	vadd.s32 s31, v17;
	v28 =	vadd.s32 v0, v28;
	v23 =	vld.idx.msk [tilespmem:v23+s16+$0x0], $0xffff  }
0x2e2: {  	v53 =	vadd.s32 s28, v17;
	v55 =	vadd.s32 v0, v52;
	v21 =	vld.idx.msk [tilespmem:v21+s16+$0x0], $0xffff  }
0x2e3: {  	v18 =	vadd.f32 v27, v18;
	v27 =	vadd.s32 s28, v16;
	s28 =	simm.s32 $0x8;
	v22 =	vadd.s32 v0, v31;
	v24 =	vld.idx.msk [tilespmem:v24+s15+$0x0], $0xffff  }
0x2e4: {  	v27 =	vadd.s32 v0, v27;
	v42 =	vadd.s32 s28, v16;
	v31 =	vadd.s32 s31, v16;
	v56 =	vld.idx.msk [tilespmem:v20+s16+$0x0], $0xffff  }
0x2e5: {  	v33 =	vadd.s32 v0, v53;
	v37 =	vadd.s32 v0, v42;
	s31 =	simm.s32 $0x6;
	v19 =	vld.idx.msk [tilespmem:v19+s15+$0x0], $0xffff;
	v60 =	vadd.s32 v0, v31  }
0x2e6: {  	v20 =	vadd.s32 s29, v17;
	s29 =	simm.s32 $0xA;
	v54 =	vadd.s32 s31, v17;
	v28 =	vld.idx.msk [tilespmem:v28+s15+$0x0], $0xffff;
	v58 =	vadd.s32 s31, v16  }
0x2e7: {  	v59 =	vadd.s32 v0, v20;
	v43 =	vadd.s32 s29, v17;
	v20 =	vld.idx.msk [tilespmem:v55+s16+$0x0], $0xffff;
	v63 =	vadd.s32 s29, v16  }
0x2e8: {  	s31 =	simm.s32 $0xB;
	v57 =	vadd.s32 v0, v54;
	v41 =	vadd.s32 v0, v58;
	v61 =	vld.idx.msk [tilespmem:v22+s16+$0x0], $0xffff;
	v22 =	vadd.s32 s28, v17;
	s28 =	simm.s32 $0x9  }
0x2e9: {  	v44 =	vadd.s32 s31, v16;
	v32 =	vld.idx.msk [tilespmem:v27+s15+$0x0], $0xffff;
	v21 =	vmul.f32 v21, v25;
	v27 =	vadd.s32 s28, v16  }
0x2ea: {  	v23 =	vmul.f32 v23, v24;
	v31 =	vadd.s32 s28, v17;
	v34 =	vld.idx.msk [tilespmem:v60+s15+$0x0], $0xffff;
	v36 =	vadd.s32 v0, v27  }
0x2eb: {  	v25 =	vadd.s32 v0, v22;
	v22 =	vadd.s32 v0, v31;
	v31 =	vld.idx.msk [tilespmem:v33+s16+$0x0], $0xffff;
	v33 =	vadd.s32 v0, v44  }
0x2ec: {  	v24 =	vadd.s32 v0, v43;
	v62 =	vmul.f32 v56, v51;
	v23 =	vadd.f32 v23, v29;
	v27 =	vld.idx.msk [tilespmem:v59+s16+$0x0], $0xffff  }
0x2ed: {  	v29 =	vadd.s32 s31, v17;
	v21 =	vadd.f32 v21, v26;
	v35 =	vld.idx.msk [tilespmem:v57+s16+$0x0], $0xffff;
	v38 =	vmul.f32 v61, v28  }
0x2ee: {  	s28 =	simm.s32 $0xC;
	v30 =	vadd.f32 v62, v30;
	v26 =	vadd.s32 v0, v29;
	v29 =	vld.idx.msk [tilespmem:v41+s15+$0x0], $0xffff;
	v28 =	vadd.s32 v0, v63  }
.LBB2_34:
0x2ef: {  	v39 =	vadd.s32 s28, v16;
	v40 =	vadd.s32 s28, v17;
	s29 =	sadd.s32 $0x1, s28;
	s30 =	sadd.s32 $0x2, s28;
	s31 =	sadd.s32 $0x3, s28;
	v41 =	vld.idx.msk [tilespmem:v36+s15+$0x0], $0xffff;
	v18 =	vadd.f32 v38, v18;
	v38 =	vmovc v19;
	v42 =	vmovc v24  }
0x2f0: {  	p0 =	sne.s32 s28, $0x3C;
	s28 =	sadd.s32 $0x4, s28;
	v32 =	vmul.f32 v31, v32;
	v24 =	vadd.s32 s29, v16;
	v43 =	vadd.s32 s29, v17;
	v19 =	vld.idx.msk [tilespmem:v33+s15+$0x0], $0xffff  }
0x2f1: {  	v33 =	vadd.s32 s30, v17;
	v44 =	vadd.s32 s31, v16;
	v45 =	vmul.f32 v20, v34;
	v20 =	vld.idx.msk [tilespmem:v25+s16+$0x0], $0xffff  }
.Ltmp16:
0x2f2: {  	v25 =	vadd.s32 v0, v40;
	v36 =	vadd.s32 v0, v24;
	v31 =	vld.idx.msk [tilespmem:v22+s16+$0x0], $0xffff;
	v22 =	vadd.s32 v0, v43;
	(pc) =	sbr.rel @p0 .LBB2_34-.Ltmp16, $4  }
0x2f3: {  	v24 =	vadd.s32 v0, v33;
	v33 =	vadd.s32 v0, v44;
	v23 =	vadd.f32 v45, v23;
	v34 =	vld.idx.msk [tilespmem:v37+s15+$0x0], $0xffff  }
0x2f4: {  	v21 =	vadd.f32 v32, v21;
	v40 =	vmul.f32 v27, v38;
	v37 =	vadd.s32 s31, v17;
	v27 =	vld.idx.msk [tilespmem:v26+s16+$0x0], $0xffff  }
0x2f5: {  	v43 =	vadd.s32 s30, v16;
	v38 =	vmul.f32 v35, v29;
	v26 =	vadd.s32 v0, v37;
	v32 =	vmovc v41;
	v29 =	vld.idx.msk [tilespmem:v28+s15+$0x0], $0xffff  }
0x2f6: {  	v30 =	vadd.f32 v40, v30;
	v37 =	vadd.s32 v0, v39;
	v28 =	vadd.s32 v0, v43;
	v35 =	vld.idx.msk [tilespmem:v42+s16+$0x0], $0xffff  }
0x2f7: {  	_ =	sdelay $0x3  }
0x2f8: {  	v36 =	vld.idx.msk [tilespmem:v36+s15+$0x0], $0xffff  }
0x2f9: {  	v25 =	vld.idx.msk [tilespmem:v25+s16+$0x0], $0xffff  }
0x2fa: {  	v16 =	vld [tilespmem:$0x510]  }
0x2fb: {  	v37 =	vld.idx.msk [tilespmem:v37+s15+$0x0], $0xffff  }
0x2fc: {  	v17 =	vld [tilespmem:$0x710]  }
0x2fd: {  	v22 =	vld.idx.msk [tilespmem:v22+s16+$0x0], $0xffff  }
0x2fe: {  	v31 =	vmul.f32 v31, v32;
	v20 =	vmul.f32 v20, v34  }
0x2ff: {  	v18 =	vadd.f32 v38, v18;
	v26 =	vld.idx.msk [tilespmem:v26+s16+$0x0], $0xffff;
	v19 =	vmul.f32 v27, v19  }
0x300: {  	s28 =	simm.s32 $0x1;
	v28 =	vld.idx.msk [tilespmem:v28+s15+$0x0], $0xffff;
	v21 =	vadd.f32 v31, v21;
	v20 =	vadd.f32 v20, v23;
	v23 =	vmul.f32 v35, v29  }
0x301: {  	s30 =	simm.s32 $0x0;
	v27 =	vld.idx.msk [tilespmem:v33+s15+$0x0], $0xffff;
	v19 =	vadd.f32 v19, v30;
	v29 =	vadd.s32 s28, v16;
	v25 =	vmul.f32 v25, v37  }
0x302: {  	s29 =	simm.s32 $0x3;
	v24 =	vld.idx.msk [tilespmem:v24+s16+$0x0], $0xffff;
	v30 =	vadd.s32 s30, v17;
	v22 =	vmul.f32 v22, v36;
	v29 =	vadd.s32 v1, v29  }
0x303: {  	v18 =	vadd.f32 v23, v18;
	v23 =	vadd.s32 s29, v16;
	v30 =	vadd.s32 v1, v30  }
0x304: {  	v31 =	vadd.s32 s28, v17;
	v23 =	vadd.s32 v1, v23;
	v58 =	vadd.f32 v25, v20  }
0x305: {  	v20 =	vadd.s32 s30, v16;
	v25 =	vadd.s32 v1, v31;
	v21 =	vadd.f32 v22, v21  }
0x306: {  	s28 =	simm.s32 $0x2;
	v22 =	vadd.s32 s29, v17;
	v26 =	vmul.f32 v26, v27;
	v20 =	vadd.s32 v1, v20  }
0x307: {  	v24 =	vmul.f32 v24, v28;
	v27 =	vadd.s32 s28, v16;
	v22 =	vadd.s32 v1, v22;
	v29 =	vld.idx.msk [tilespmem:v29+s15+$0x0], $0xffff  }
0x308: {  	v28 =	vadd.s32 s28, v17;
	s29 =	simm.s32 $0x7;
	v27 =	vadd.s32 v1, v27;
	v39 =	vadd.f32 v26, v19;
	v26 =	vld.idx.msk [tilespmem:v30+s16+$0x0], $0xffff  }
0x309: {  	s31 =	simm.s32 $0x4;
	v18 =	vadd.f32 v24, v18;
	v24 =	vadd.s32 s29, v16;
	v19 =	vadd.s32 v1, v28;
	v59 =	vld.idx.msk [tilespmem:v23+s15+$0x0], $0xffff  }
0x30a: {  	s28 =	simm.s32 $0x5;
	v28 =	vadd.s32 s31, v16;
	v24 =	vadd.s32 v1, v24;
	v25 =	vld.idx.msk [tilespmem:v25+s16+$0x0], $0xffff  }
0x30b: {  	v28 =	vadd.s32 v1, v28;
	v30 =	vadd.s32 s31, v17;
	s31 =	simm.s32 $0x6;
	v23 =	vadd.s32 s28, v16;
	v31 =	vld.idx.msk [tilespmem:v20+s15+$0x0], $0xffff  }
0x30c: {  	v60 =	vadd.s32 s31, v17;
	v30 =	vadd.s32 v1, v30;
	v23 =	vadd.s32 v1, v23;
	v61 =	vld.idx.msk [tilespmem:v22+s16+$0x0], $0xffff  }
0x30d: {  	v20 =	vadd.s32 s28, v17;
	v40 =	vadd.s32 v1, v60;
	v41 =	vld.idx.msk [tilespmem:v27+s15+$0x0], $0xffff;
	v22 =	vadd.s32 s31, v16  }
0x30e: {  	s28 =	simm.s32 $0x8;
	s31 =	simm.s32 $0xB;
	v62 =	vadd.s32 v1, v20;
	v20 =	vadd.s32 s29, v17;
	v42 =	vld.idx.msk [tilespmem:v19+s16+$0x0], $0xffff;
	v43 =	vadd.s32 v1, v22  }
0x30f: {  	v44 =	vadd.s32 s28, v16;
	v22 =	vadd.s32 s28, v17;
	s28 =	simm.s32 $0x9;
	s29 =	simm.s32 $0xA;
	v19 =	vld.idx.msk [tilespmem:v24+s15+$0x0], $0xffff;
	v45 =	vadd.s32 s31, v16  }
0x310: {  	v27 =	vadd.s32 v1, v20;
	v63 =	vadd.s32 s28, v17;
	v24 =	vadd.s32 s29, v17;
	v34 =	vld.idx.msk [tilespmem:v28+s15+$0x0], $0xffff  }
0x311: {  	v33 =	vadd.s32 v1, v45;
	v28 =	vadd.s32 s29, v16;
	v32 =	vld.idx.msk [tilespmem:v23+s15+$0x0], $0xffff;
	v23 =	vadd.s32 s28, v16  }
0x312: {  	v37 =	vadd.s32 v1, v44;
	v29 =	vmul.f32 v25, v29;
	v20 =	vld.idx.msk [tilespmem:v30+s16+$0x0], $0xffff;
	v36 =	vadd.s32 v1, v23  }
0x313: {  	v24 =	vadd.s32 v1, v24;
	v25 =	vadd.s32 v1, v22;
	v26 =	vmul.f32 v26, v31;
	v31 =	vld.idx.msk [tilespmem:v62+s16+$0x0], $0xffff  }
0x314: {  	v22 =	vadd.s32 v1, v63;
	v30 =	vmul.f32 v61, v59;
	v35 =	vld.idx.msk [tilespmem:v40+s16+$0x0], $0xffff;
	v21 =	vadd.f32 v29, v21  }
0x315: {  	v29 =	vld.idx.msk [tilespmem:v43+s15+$0x0], $0xffff;
	v38 =	vmul.f32 v42, v41;
	v23 =	vadd.f32 v26, v58;
	v26 =	vadd.s32 s31, v17  }
0x316: {  	v28 =	vadd.s32 v1, v28;
	s28 =	simm.s32 $0xC;
	v27 =	vld.idx.msk [tilespmem:v27+s16+$0x0], $0xffff;
	v30 =	vadd.f32 v30, v39;
	v26 =	vadd.s32 v1, v26  }
.LBB2_36:
0x317: {  	v39 =	vadd.s32 s28, v16;
	v40 =	vadd.s32 s28, v17;
	s29 =	sadd.s32 $0x1, s28;
	s30 =	sadd.s32 $0x2, s28;
	s31 =	sadd.s32 $0x3, s28;
	v41 =	vld.idx.msk [tilespmem:v36+s15+$0x0], $0xffff;
	v18 =	vadd.f32 v38, v18;
	v38 =	vmovc v19;
	v42 =	vmovc v24  }
0x318: {  	p0 =	sne.s32 s28, $0x3C;
	s28 =	sadd.s32 $0x4, s28;
	v32 =	vmul.f32 v31, v32;
	v24 =	vadd.s32 s29, v16;
	v43 =	vadd.s32 s29, v17;
	v19 =	vld.idx.msk [tilespmem:v33+s15+$0x0], $0xffff  }
0x319: {  	v33 =	vadd.s32 s30, v17;
	v44 =	vadd.s32 s31, v16;
	v45 =	vmul.f32 v20, v34;
	v20 =	vld.idx.msk [tilespmem:v25+s16+$0x0], $0xffff  }
.Ltmp17:
0x31a: {  	v25 =	vadd.s32 v1, v40;
	v36 =	vadd.s32 v1, v24;
	v31 =	vld.idx.msk [tilespmem:v22+s16+$0x0], $0xffff;
	v22 =	vadd.s32 v1, v43;
	(pc) =	sbr.rel @p0 .LBB2_36-.Ltmp17, $4  }
0x31b: {  	v24 =	vadd.s32 v1, v33;
	v33 =	vadd.s32 v1, v44;
	v23 =	vadd.f32 v45, v23;
	v34 =	vld.idx.msk [tilespmem:v37+s15+$0x0], $0xffff  }
0x31c: {  	v21 =	vadd.f32 v32, v21;
	v40 =	vmul.f32 v27, v38;
	v37 =	vadd.s32 s31, v17;
	v27 =	vld.idx.msk [tilespmem:v26+s16+$0x0], $0xffff  }
0x31d: {  	v43 =	vadd.s32 s30, v16;
	v38 =	vmul.f32 v35, v29;
	v26 =	vadd.s32 v1, v37;
	v32 =	vmovc v41;
	v29 =	vld.idx.msk [tilespmem:v28+s15+$0x0], $0xffff  }
0x31e: {  	v30 =	vadd.f32 v40, v30;
	v37 =	vadd.s32 v1, v39;
	v28 =	vadd.s32 v1, v43;
	v35 =	vld.idx.msk [tilespmem:v42+s16+$0x0], $0xffff  }
0x31f: {  	_ =	sdelay $0x3  }
0x320: {  	v36 =	vld.idx.msk [tilespmem:v36+s15+$0x0], $0xffff  }
0x321: {  	v25 =	vld.idx.msk [tilespmem:v25+s16+$0x0], $0xffff  }
0x322: {  	v16 =	vld [tilespmem:$0x520]  }
0x323: {  	v37 =	vld.idx.msk [tilespmem:v37+s15+$0x0], $0xffff  }
0x324: {  	v17 =	vld [tilespmem:$0x720]  }
0x325: {  	v22 =	vld.idx.msk [tilespmem:v22+s16+$0x0], $0xffff  }
0x326: {  	v31 =	vmul.f32 v31, v32;
	v20 =	vmul.f32 v20, v34  }
0x327: {  	v18 =	vadd.f32 v38, v18;
	v26 =	vld.idx.msk [tilespmem:v26+s16+$0x0], $0xffff;
	v19 =	vmul.f32 v27, v19  }
0x328: {  	s28 =	simm.s32 $0x1;
	v28 =	vld.idx.msk [tilespmem:v28+s15+$0x0], $0xffff;
	v21 =	vadd.f32 v31, v21;
	v20 =	vadd.f32 v20, v23;
	v23 =	vmul.f32 v35, v29  }
0x329: {  	s30 =	simm.s32 $0x0;
	v27 =	vld.idx.msk [tilespmem:v33+s15+$0x0], $0xffff;
	v19 =	vadd.f32 v19, v30;
	v29 =	vadd.s32 s28, v16;
	v25 =	vmul.f32 v25, v37  }
0x32a: {  	s29 =	simm.s32 $0x3;
	v24 =	vld.idx.msk [tilespmem:v24+s16+$0x0], $0xffff;
	v30 =	vadd.s32 s30, v17;
	v22 =	vmul.f32 v22, v36;
	v29 =	vadd.s32 v2, v29  }
0x32b: {  	v18 =	vadd.f32 v23, v18;
	v23 =	vadd.s32 s29, v16;
	v30 =	vadd.s32 v2, v30  }
0x32c: {  	v31 =	vadd.s32 s28, v17;
	v23 =	vadd.s32 v2, v23;
	v58 =	vadd.f32 v25, v20  }
0x32d: {  	v20 =	vadd.s32 s30, v16;
	v25 =	vadd.s32 v2, v31;
	v21 =	vadd.f32 v22, v21  }
0x32e: {  	s28 =	simm.s32 $0x2;
	v22 =	vadd.s32 s29, v17;
	v26 =	vmul.f32 v26, v27;
	v20 =	vadd.s32 v2, v20  }
0x32f: {  	v24 =	vmul.f32 v24, v28;
	v27 =	vadd.s32 s28, v16;
	v22 =	vadd.s32 v2, v22;
	v29 =	vld.idx.msk [tilespmem:v29+s15+$0x0], $0xffff  }
0x330: {  	v28 =	vadd.s32 s28, v17;
	s29 =	simm.s32 $0x7;
	v27 =	vadd.s32 v2, v27;
	v39 =	vadd.f32 v26, v19;
	v26 =	vld.idx.msk [tilespmem:v30+s16+$0x0], $0xffff  }
0x331: {  	s31 =	simm.s32 $0x4;
	v18 =	vadd.f32 v24, v18;
	v24 =	vadd.s32 s29, v16;
	v19 =	vadd.s32 v2, v28;
	v59 =	vld.idx.msk [tilespmem:v23+s15+$0x0], $0xffff  }
0x332: {  	s28 =	simm.s32 $0x5;
	v28 =	vadd.s32 s31, v16;
	v24 =	vadd.s32 v2, v24;
	v25 =	vld.idx.msk [tilespmem:v25+s16+$0x0], $0xffff  }
0x333: {  	v28 =	vadd.s32 v2, v28;
	v30 =	vadd.s32 s31, v17;
	s31 =	simm.s32 $0x6;
	v23 =	vadd.s32 s28, v16;
	v31 =	vld.idx.msk [tilespmem:v20+s15+$0x0], $0xffff  }
0x334: {  	v60 =	vadd.s32 s31, v17;
	v30 =	vadd.s32 v2, v30;
	v23 =	vadd.s32 v2, v23;
	v61 =	vld.idx.msk [tilespmem:v22+s16+$0x0], $0xffff  }
0x335: {  	v20 =	vadd.s32 s28, v17;
	v40 =	vadd.s32 v2, v60;
	v41 =	vld.idx.msk [tilespmem:v27+s15+$0x0], $0xffff;
	v22 =	vadd.s32 s31, v16  }
0x336: {  	s28 =	simm.s32 $0x8;
	s31 =	simm.s32 $0xB;
	v62 =	vadd.s32 v2, v20;
	v20 =	vadd.s32 s29, v17;
	v42 =	vld.idx.msk [tilespmem:v19+s16+$0x0], $0xffff;
	v43 =	vadd.s32 v2, v22  }
0x337: {  	v44 =	vadd.s32 s28, v16;
	v22 =	vadd.s32 s28, v17;
	s28 =	simm.s32 $0x9;
	s29 =	simm.s32 $0xA;
	v19 =	vld.idx.msk [tilespmem:v24+s15+$0x0], $0xffff;
	v45 =	vadd.s32 s31, v16  }
0x338: {  	v27 =	vadd.s32 v2, v20;
	v63 =	vadd.s32 s28, v17;
	v24 =	vadd.s32 s29, v17;
	v34 =	vld.idx.msk [tilespmem:v28+s15+$0x0], $0xffff  }
0x339: {  	v33 =	vadd.s32 v2, v45;
	v28 =	vadd.s32 s29, v16;
	v32 =	vld.idx.msk [tilespmem:v23+s15+$0x0], $0xffff;
	v23 =	vadd.s32 s28, v16  }
0x33a: {  	v37 =	vadd.s32 v2, v44;
	v29 =	vmul.f32 v25, v29;
	v20 =	vld.idx.msk [tilespmem:v30+s16+$0x0], $0xffff;
	v36 =	vadd.s32 v2, v23  }
0x33b: {  	v24 =	vadd.s32 v2, v24;
	v25 =	vadd.s32 v2, v22;
	v26 =	vmul.f32 v26, v31;
	v31 =	vld.idx.msk [tilespmem:v62+s16+$0x0], $0xffff  }
0x33c: {  	v22 =	vadd.s32 v2, v63;
	v30 =	vmul.f32 v61, v59;
	v35 =	vld.idx.msk [tilespmem:v40+s16+$0x0], $0xffff;
	v21 =	vadd.f32 v29, v21  }
0x33d: {  	v29 =	vld.idx.msk [tilespmem:v43+s15+$0x0], $0xffff;
	v38 =	vmul.f32 v42, v41;
	v23 =	vadd.f32 v26, v58;
	v26 =	vadd.s32 s31, v17  }
0x33e: {  	v28 =	vadd.s32 v2, v28;
	s28 =	simm.s32 $0xC;
	v27 =	vld.idx.msk [tilespmem:v27+s16+$0x0], $0xffff;
	v30 =	vadd.f32 v30, v39;
	v26 =	vadd.s32 v2, v26  }
.LBB2_38:
0x33f: {  	v39 =	vadd.s32 s28, v16;
	v40 =	vadd.s32 s28, v17;
	s29 =	sadd.s32 $0x1, s28;
	s30 =	sadd.s32 $0x2, s28;
	s31 =	sadd.s32 $0x3, s28;
	v41 =	vld.idx.msk [tilespmem:v36+s15+$0x0], $0xffff;
	v18 =	vadd.f32 v38, v18;
	v38 =	vmovc v19;
	v42 =	vmovc v24  }
0x340: {  	p0 =	sne.s32 s28, $0x3C;
	s28 =	sadd.s32 $0x4, s28;
	v32 =	vmul.f32 v31, v32;
	v24 =	vadd.s32 s29, v16;
	v43 =	vadd.s32 s29, v17;
	v19 =	vld.idx.msk [tilespmem:v33+s15+$0x0], $0xffff  }
0x341: {  	v33 =	vadd.s32 s30, v17;
	v44 =	vadd.s32 s31, v16;
	v45 =	vmul.f32 v20, v34;
	v20 =	vld.idx.msk [tilespmem:v25+s16+$0x0], $0xffff  }
.Ltmp18:
0x342: {  	v25 =	vadd.s32 v2, v40;
	v36 =	vadd.s32 v2, v24;
	v31 =	vld.idx.msk [tilespmem:v22+s16+$0x0], $0xffff;
	v22 =	vadd.s32 v2, v43;
	(pc) =	sbr.rel @p0 .LBB2_38-.Ltmp18, $4  }
0x343: {  	v24 =	vadd.s32 v2, v33;
	v33 =	vadd.s32 v2, v44;
	v23 =	vadd.f32 v45, v23;
	v34 =	vld.idx.msk [tilespmem:v37+s15+$0x0], $0xffff  }
0x344: {  	v21 =	vadd.f32 v32, v21;
	v40 =	vmul.f32 v27, v38;
	v37 =	vadd.s32 s31, v17;
	v27 =	vld.idx.msk [tilespmem:v26+s16+$0x0], $0xffff  }
0x345: {  	v43 =	vadd.s32 s30, v16;
	v38 =	vmul.f32 v35, v29;
	v26 =	vadd.s32 v2, v37;
	v32 =	vmovc v41;
	v29 =	vld.idx.msk [tilespmem:v28+s15+$0x0], $0xffff  }
0x346: {  	v30 =	vadd.f32 v40, v30;
	v37 =	vadd.s32 v2, v39;
	v28 =	vadd.s32 v2, v43;
	v35 =	vld.idx.msk [tilespmem:v42+s16+$0x0], $0xffff  }
0x347: {  	_ =	sdelay $0x3  }
0x348: {  	v36 =	vld.idx.msk [tilespmem:v36+s15+$0x0], $0xffff  }
0x349: {  	v25 =	vld.idx.msk [tilespmem:v25+s16+$0x0], $0xffff  }
0x34a: {  	v16 =	vld [tilespmem:$0x530]  }
0x34b: {  	v37 =	vld.idx.msk [tilespmem:v37+s15+$0x0], $0xffff  }
0x34c: {  	v17 =	vld [tilespmem:$0x730]  }
0x34d: {  	v22 =	vld.idx.msk [tilespmem:v22+s16+$0x0], $0xffff  }
0x34e: {  	v31 =	vmul.f32 v31, v32;
	v20 =	vmul.f32 v20, v34  }
0x34f: {  	v18 =	vadd.f32 v38, v18;
	v26 =	vld.idx.msk [tilespmem:v26+s16+$0x0], $0xffff;
	v19 =	vmul.f32 v27, v19  }
0x350: {  	s28 =	simm.s32 $0x1;
	v28 =	vld.idx.msk [tilespmem:v28+s15+$0x0], $0xffff;
	v21 =	vadd.f32 v31, v21;
	v20 =	vadd.f32 v20, v23;
	v23 =	vmul.f32 v35, v29  }
0x351: {  	s30 =	simm.s32 $0x0;
	v27 =	vld.idx.msk [tilespmem:v33+s15+$0x0], $0xffff;
	v19 =	vadd.f32 v19, v30;
	v29 =	vadd.s32 s28, v16;
	v25 =	vmul.f32 v25, v37  }
0x352: {  	s29 =	simm.s32 $0x3;
	v24 =	vld.idx.msk [tilespmem:v24+s16+$0x0], $0xffff;
	v30 =	vadd.s32 s30, v17;
	v22 =	vmul.f32 v22, v36;
	v29 =	vadd.s32 v3, v29  }
0x353: {  	v18 =	vadd.f32 v23, v18;
	v23 =	vadd.s32 s29, v16;
	v30 =	vadd.s32 v3, v30  }
0x354: {  	v31 =	vadd.s32 s28, v17;
	v23 =	vadd.s32 v3, v23;
	v58 =	vadd.f32 v25, v20  }
0x355: {  	v20 =	vadd.s32 s30, v16;
	v25 =	vadd.s32 v3, v31;
	v21 =	vadd.f32 v22, v21  }
0x356: {  	s28 =	simm.s32 $0x2;
	v22 =	vadd.s32 s29, v17;
	v26 =	vmul.f32 v26, v27;
	v20 =	vadd.s32 v3, v20  }
0x357: {  	v24 =	vmul.f32 v24, v28;
	v27 =	vadd.s32 s28, v16;
	v22 =	vadd.s32 v3, v22;
	v29 =	vld.idx.msk [tilespmem:v29+s15+$0x0], $0xffff  }
0x358: {  	v28 =	vadd.s32 s28, v17;
	s29 =	simm.s32 $0x7;
	v27 =	vadd.s32 v3, v27;
	v39 =	vadd.f32 v26, v19;
	v26 =	vld.idx.msk [tilespmem:v30+s16+$0x0], $0xffff  }
0x359: {  	s31 =	simm.s32 $0x4;
	v18 =	vadd.f32 v24, v18;
	v24 =	vadd.s32 s29, v16;
	v19 =	vadd.s32 v3, v28;
	v59 =	vld.idx.msk [tilespmem:v23+s15+$0x0], $0xffff  }
0x35a: {  	s28 =	simm.s32 $0x5;
	v28 =	vadd.s32 s31, v16;
	v24 =	vadd.s32 v3, v24;
	v25 =	vld.idx.msk [tilespmem:v25+s16+$0x0], $0xffff  }
0x35b: {  	v28 =	vadd.s32 v3, v28;
	v30 =	vadd.s32 s31, v17;
	s31 =	simm.s32 $0x6;
	v23 =	vadd.s32 s28, v16;
	v31 =	vld.idx.msk [tilespmem:v20+s15+$0x0], $0xffff  }
0x35c: {  	v60 =	vadd.s32 s31, v17;
	v30 =	vadd.s32 v3, v30;
	v23 =	vadd.s32 v3, v23;
	v61 =	vld.idx.msk [tilespmem:v22+s16+$0x0], $0xffff  }
0x35d: {  	v20 =	vadd.s32 s28, v17;
	v40 =	vadd.s32 v3, v60;
	v41 =	vld.idx.msk [tilespmem:v27+s15+$0x0], $0xffff;
	v22 =	vadd.s32 s31, v16  }
0x35e: {  	s28 =	simm.s32 $0x8;
	s31 =	simm.s32 $0xB;
	v62 =	vadd.s32 v3, v20;
	v20 =	vadd.s32 s29, v17;
	v42 =	vld.idx.msk [tilespmem:v19+s16+$0x0], $0xffff;
	v43 =	vadd.s32 v3, v22  }
0x35f: {  	v44 =	vadd.s32 s28, v16;
	v22 =	vadd.s32 s28, v17;
	s28 =	simm.s32 $0x9;
	s29 =	simm.s32 $0xA;
	v19 =	vld.idx.msk [tilespmem:v24+s15+$0x0], $0xffff;
	v45 =	vadd.s32 s31, v16  }
0x360: {  	v27 =	vadd.s32 v3, v20;
	v63 =	vadd.s32 s28, v17;
	v24 =	vadd.s32 s29, v17;
	v34 =	vld.idx.msk [tilespmem:v28+s15+$0x0], $0xffff  }
0x361: {  	v33 =	vadd.s32 v3, v45;
	v28 =	vadd.s32 s29, v16;
	v32 =	vld.idx.msk [tilespmem:v23+s15+$0x0], $0xffff;
	v23 =	vadd.s32 s28, v16  }
0x362: {  	v37 =	vadd.s32 v3, v44;
	v29 =	vmul.f32 v25, v29;
	v20 =	vld.idx.msk [tilespmem:v30+s16+$0x0], $0xffff;
	v36 =	vadd.s32 v3, v23  }
0x363: {  	v24 =	vadd.s32 v3, v24;
	v25 =	vadd.s32 v3, v22;
	v26 =	vmul.f32 v26, v31;
	v31 =	vld.idx.msk [tilespmem:v62+s16+$0x0], $0xffff  }
0x364: {  	v22 =	vadd.s32 v3, v63;
	v30 =	vmul.f32 v61, v59;
	v35 =	vld.idx.msk [tilespmem:v40+s16+$0x0], $0xffff;
	v21 =	vadd.f32 v29, v21  }
0x365: {  	v29 =	vld.idx.msk [tilespmem:v43+s15+$0x0], $0xffff;
	v38 =	vmul.f32 v42, v41;
	v23 =	vadd.f32 v26, v58;
	v26 =	vadd.s32 s31, v17  }
0x366: {  	v28 =	vadd.s32 v3, v28;
	s28 =	simm.s32 $0xC;
	v27 =	vld.idx.msk [tilespmem:v27+s16+$0x0], $0xffff;
	v30 =	vadd.f32 v30, v39;
	v26 =	vadd.s32 v3, v26  }
.LBB2_40:
0x367: {  	v39 =	vadd.s32 s28, v16;
	v40 =	vadd.s32 s28, v17;
	s29 =	sadd.s32 $0x1, s28;
	s30 =	sadd.s32 $0x2, s28;
	s31 =	sadd.s32 $0x3, s28;
	v41 =	vld.idx.msk [tilespmem:v36+s15+$0x0], $0xffff;
	v18 =	vadd.f32 v38, v18;
	v38 =	vmovc v19;
	v42 =	vmovc v24  }
0x368: {  	p0 =	sne.s32 s28, $0x3C;
	s28 =	sadd.s32 $0x4, s28;
	v32 =	vmul.f32 v31, v32;
	v24 =	vadd.s32 s29, v16;
	v43 =	vadd.s32 s29, v17;
	v19 =	vld.idx.msk [tilespmem:v33+s15+$0x0], $0xffff  }
0x369: {  	v33 =	vadd.s32 s30, v17;
	v44 =	vadd.s32 s31, v16;
	v45 =	vmul.f32 v20, v34;
	v20 =	vld.idx.msk [tilespmem:v25+s16+$0x0], $0xffff  }
.Ltmp19:
0x36a: {  	v25 =	vadd.s32 v3, v40;
	v36 =	vadd.s32 v3, v24;
	v31 =	vld.idx.msk [tilespmem:v22+s16+$0x0], $0xffff;
	v22 =	vadd.s32 v3, v43;
	(pc) =	sbr.rel @p0 .LBB2_40-.Ltmp19, $4  }
0x36b: {  	v24 =	vadd.s32 v3, v33;
	v33 =	vadd.s32 v3, v44;
	v23 =	vadd.f32 v45, v23;
	v34 =	vld.idx.msk [tilespmem:v37+s15+$0x0], $0xffff  }
0x36c: {  	v21 =	vadd.f32 v32, v21;
	v40 =	vmul.f32 v27, v38;
	v37 =	vadd.s32 s31, v17;
	v27 =	vld.idx.msk [tilespmem:v26+s16+$0x0], $0xffff  }
0x36d: {  	v43 =	vadd.s32 s30, v16;
	v38 =	vmul.f32 v35, v29;
	v26 =	vadd.s32 v3, v37;
	v32 =	vmovc v41;
	v29 =	vld.idx.msk [tilespmem:v28+s15+$0x0], $0xffff  }
0x36e: {  	v30 =	vadd.f32 v40, v30;
	v37 =	vadd.s32 v3, v39;
	v28 =	vadd.s32 v3, v43;
	v35 =	vld.idx.msk [tilespmem:v42+s16+$0x0], $0xffff  }
0x36f: {  	_ =	sdelay $0x3  }
0x370: {  	v36 =	vld.idx.msk [tilespmem:v36+s15+$0x0], $0xffff  }
0x371: {  	v25 =	vld.idx.msk [tilespmem:v25+s16+$0x0], $0xffff  }
0x372: {  	v16 =	vld [tilespmem:$0x540]  }
0x373: {  	v37 =	vld.idx.msk [tilespmem:v37+s15+$0x0], $0xffff  }
0x374: {  	v17 =	vld [tilespmem:$0x740]  }
0x375: {  	v22 =	vld.idx.msk [tilespmem:v22+s16+$0x0], $0xffff  }
0x376: {  	v31 =	vmul.f32 v31, v32;
	v20 =	vmul.f32 v20, v34  }
0x377: {  	v18 =	vadd.f32 v38, v18;
	v26 =	vld.idx.msk [tilespmem:v26+s16+$0x0], $0xffff;
	v19 =	vmul.f32 v27, v19  }
0x378: {  	s28 =	simm.s32 $0x1;
	v28 =	vld.idx.msk [tilespmem:v28+s15+$0x0], $0xffff;
	v21 =	vadd.f32 v31, v21;
	v20 =	vadd.f32 v20, v23;
	v23 =	vmul.f32 v35, v29  }
0x379: {  	s30 =	simm.s32 $0x0;
	v27 =	vld.idx.msk [tilespmem:v33+s15+$0x0], $0xffff;
	v19 =	vadd.f32 v19, v30;
	v29 =	vadd.s32 s28, v16;
	v25 =	vmul.f32 v25, v37  }
0x37a: {  	s29 =	simm.s32 $0x3;
	v24 =	vld.idx.msk [tilespmem:v24+s16+$0x0], $0xffff;
	v30 =	vadd.s32 s30, v17;
	v22 =	vmul.f32 v22, v36;
	v29 =	vadd.s32 v4, v29  }
0x37b: {  	v18 =	vadd.f32 v23, v18;
	v23 =	vadd.s32 s29, v16;
	v30 =	vadd.s32 v4, v30  }
0x37c: {  	v31 =	vadd.s32 s28, v17;
	v23 =	vadd.s32 v4, v23;
	v58 =	vadd.f32 v25, v20  }
0x37d: {  	v20 =	vadd.s32 s30, v16;
	v25 =	vadd.s32 v4, v31;
	v21 =	vadd.f32 v22, v21  }
0x37e: {  	s28 =	simm.s32 $0x2;
	v22 =	vadd.s32 s29, v17;
	v26 =	vmul.f32 v26, v27;
	v20 =	vadd.s32 v4, v20  }
0x37f: {  	v24 =	vmul.f32 v24, v28;
	v27 =	vadd.s32 s28, v16;
	v22 =	vadd.s32 v4, v22;
	v29 =	vld.idx.msk [tilespmem:v29+s15+$0x0], $0xffff  }
0x380: {  	v28 =	vadd.s32 s28, v17;
	s29 =	simm.s32 $0x7;
	v27 =	vadd.s32 v4, v27;
	v39 =	vadd.f32 v26, v19;
	v26 =	vld.idx.msk [tilespmem:v30+s16+$0x0], $0xffff  }
0x381: {  	s31 =	simm.s32 $0x4;
	v18 =	vadd.f32 v24, v18;
	v24 =	vadd.s32 s29, v16;
	v19 =	vadd.s32 v4, v28;
	v59 =	vld.idx.msk [tilespmem:v23+s15+$0x0], $0xffff  }
0x382: {  	s28 =	simm.s32 $0x5;
	v28 =	vadd.s32 s31, v16;
	v24 =	vadd.s32 v4, v24;
	v25 =	vld.idx.msk [tilespmem:v25+s16+$0x0], $0xffff  }
0x383: {  	v28 =	vadd.s32 v4, v28;
	v30 =	vadd.s32 s31, v17;
	s31 =	simm.s32 $0x6;
	v23 =	vadd.s32 s28, v16;
	v31 =	vld.idx.msk [tilespmem:v20+s15+$0x0], $0xffff  }
0x384: {  	v60 =	vadd.s32 s31, v17;
	v30 =	vadd.s32 v4, v30;
	v23 =	vadd.s32 v4, v23;
	v61 =	vld.idx.msk [tilespmem:v22+s16+$0x0], $0xffff  }
0x385: {  	v20 =	vadd.s32 s28, v17;
	v40 =	vadd.s32 v4, v60;
	v41 =	vld.idx.msk [tilespmem:v27+s15+$0x0], $0xffff;
	v22 =	vadd.s32 s31, v16  }
0x386: {  	s28 =	simm.s32 $0x8;
	s31 =	simm.s32 $0xB;
	v62 =	vadd.s32 v4, v20;
	v20 =	vadd.s32 s29, v17;
	v42 =	vld.idx.msk [tilespmem:v19+s16+$0x0], $0xffff;
	v43 =	vadd.s32 v4, v22  }
0x387: {  	v44 =	vadd.s32 s28, v16;
	v22 =	vadd.s32 s28, v17;
	s28 =	simm.s32 $0x9;
	s29 =	simm.s32 $0xA;
	v19 =	vld.idx.msk [tilespmem:v24+s15+$0x0], $0xffff;
	v45 =	vadd.s32 s31, v16  }
0x388: {  	v27 =	vadd.s32 v4, v20;
	v63 =	vadd.s32 s28, v17;
	v24 =	vadd.s32 s29, v17;
	v34 =	vld.idx.msk [tilespmem:v28+s15+$0x0], $0xffff  }
0x389: {  	v33 =	vadd.s32 v4, v45;
	v28 =	vadd.s32 s29, v16;
	v32 =	vld.idx.msk [tilespmem:v23+s15+$0x0], $0xffff;
	v23 =	vadd.s32 s28, v16  }
0x38a: {  	v37 =	vadd.s32 v4, v44;
	v29 =	vmul.f32 v25, v29;
	v20 =	vld.idx.msk [tilespmem:v30+s16+$0x0], $0xffff;
	v36 =	vadd.s32 v4, v23  }
0x38b: {  	v24 =	vadd.s32 v4, v24;
	v25 =	vadd.s32 v4, v22;
	v26 =	vmul.f32 v26, v31;
	v31 =	vld.idx.msk [tilespmem:v62+s16+$0x0], $0xffff  }
0x38c: {  	v22 =	vadd.s32 v4, v63;
	v30 =	vmul.f32 v61, v59;
	v35 =	vld.idx.msk [tilespmem:v40+s16+$0x0], $0xffff;
	v21 =	vadd.f32 v29, v21  }
0x38d: {  	v29 =	vld.idx.msk [tilespmem:v43+s15+$0x0], $0xffff;
	v38 =	vmul.f32 v42, v41;
	v23 =	vadd.f32 v26, v58;
	v26 =	vadd.s32 s31, v17  }
0x38e: {  	v28 =	vadd.s32 v4, v28;
	s28 =	simm.s32 $0xC;
	v27 =	vld.idx.msk [tilespmem:v27+s16+$0x0], $0xffff;
	v30 =	vadd.f32 v30, v39;
	v26 =	vadd.s32 v4, v26  }
.LBB2_42:
0x38f: {  	v39 =	vadd.s32 s28, v16;
	v40 =	vadd.s32 s28, v17;
	s29 =	sadd.s32 $0x1, s28;
	s30 =	sadd.s32 $0x2, s28;
	s31 =	sadd.s32 $0x3, s28;
	v41 =	vld.idx.msk [tilespmem:v36+s15+$0x0], $0xffff;
	v18 =	vadd.f32 v38, v18;
	v38 =	vmovc v19;
	v42 =	vmovc v24  }
0x390: {  	p0 =	sne.s32 s28, $0x3C;
	s28 =	sadd.s32 $0x4, s28;
	v32 =	vmul.f32 v31, v32;
	v24 =	vadd.s32 s29, v16;
	v43 =	vadd.s32 s29, v17;
	v19 =	vld.idx.msk [tilespmem:v33+s15+$0x0], $0xffff  }
0x391: {  	v33 =	vadd.s32 s30, v17;
	v44 =	vadd.s32 s31, v16;
	v45 =	vmul.f32 v20, v34;
	v20 =	vld.idx.msk [tilespmem:v25+s16+$0x0], $0xffff  }
.Ltmp20:
0x392: {  	v25 =	vadd.s32 v4, v40;
	v36 =	vadd.s32 v4, v24;
	v31 =	vld.idx.msk [tilespmem:v22+s16+$0x0], $0xffff;
	v22 =	vadd.s32 v4, v43;
	(pc) =	sbr.rel @p0 .LBB2_42-.Ltmp20, $4  }
0x393: {  	v24 =	vadd.s32 v4, v33;
	v33 =	vadd.s32 v4, v44;
	v23 =	vadd.f32 v45, v23;
	v34 =	vld.idx.msk [tilespmem:v37+s15+$0x0], $0xffff  }
0x394: {  	v21 =	vadd.f32 v32, v21;
	v40 =	vmul.f32 v27, v38;
	v37 =	vadd.s32 s31, v17;
	v27 =	vld.idx.msk [tilespmem:v26+s16+$0x0], $0xffff  }
0x395: {  	v43 =	vadd.s32 s30, v16;
	v38 =	vmul.f32 v35, v29;
	v26 =	vadd.s32 v4, v37;
	v32 =	vmovc v41;
	v29 =	vld.idx.msk [tilespmem:v28+s15+$0x0], $0xffff  }
0x396: {  	v30 =	vadd.f32 v40, v30;
	v37 =	vadd.s32 v4, v39;
	v28 =	vadd.s32 v4, v43;
	v35 =	vld.idx.msk [tilespmem:v42+s16+$0x0], $0xffff  }
0x397: {  	_ =	sdelay $0x3  }
0x398: {  	v36 =	vld.idx.msk [tilespmem:v36+s15+$0x0], $0xffff  }
0x399: {  	v25 =	vld.idx.msk [tilespmem:v25+s16+$0x0], $0xffff  }
0x39a: {  	v16 =	vld [tilespmem:$0x550]  }
0x39b: {  	v37 =	vld.idx.msk [tilespmem:v37+s15+$0x0], $0xffff  }
0x39c: {  	v17 =	vld [tilespmem:$0x750]  }
0x39d: {  	v22 =	vld.idx.msk [tilespmem:v22+s16+$0x0], $0xffff  }
0x39e: {  	v31 =	vmul.f32 v31, v32;
	v20 =	vmul.f32 v20, v34  }
0x39f: {  	v18 =	vadd.f32 v38, v18;
	v26 =	vld.idx.msk [tilespmem:v26+s16+$0x0], $0xffff;
	v19 =	vmul.f32 v27, v19  }
0x3a0: {  	s28 =	simm.s32 $0x1;
	v28 =	vld.idx.msk [tilespmem:v28+s15+$0x0], $0xffff;
	v21 =	vadd.f32 v31, v21;
	v20 =	vadd.f32 v20, v23;
	v23 =	vmul.f32 v35, v29  }
0x3a1: {  	s30 =	simm.s32 $0x0;
	v27 =	vld.idx.msk [tilespmem:v33+s15+$0x0], $0xffff;
	v19 =	vadd.f32 v19, v30;
	v29 =	vadd.s32 s28, v16;
	v25 =	vmul.f32 v25, v37  }
0x3a2: {  	s29 =	simm.s32 $0x3;
	v24 =	vld.idx.msk [tilespmem:v24+s16+$0x0], $0xffff;
	v30 =	vadd.s32 s30, v17;
	v22 =	vmul.f32 v22, v36;
	v29 =	vadd.s32 v5, v29  }
0x3a3: {  	v18 =	vadd.f32 v23, v18;
	v23 =	vadd.s32 s29, v16;
	v30 =	vadd.s32 v5, v30  }
0x3a4: {  	v31 =	vadd.s32 s28, v17;
	v23 =	vadd.s32 v5, v23;
	v58 =	vadd.f32 v25, v20  }
0x3a5: {  	v20 =	vadd.s32 s30, v16;
	v25 =	vadd.s32 v5, v31;
	v21 =	vadd.f32 v22, v21  }
0x3a6: {  	s28 =	simm.s32 $0x2;
	v22 =	vadd.s32 s29, v17;
	v26 =	vmul.f32 v26, v27;
	v20 =	vadd.s32 v5, v20  }
0x3a7: {  	v24 =	vmul.f32 v24, v28;
	v27 =	vadd.s32 s28, v16;
	v22 =	vadd.s32 v5, v22;
	v29 =	vld.idx.msk [tilespmem:v29+s15+$0x0], $0xffff  }
0x3a8: {  	v28 =	vadd.s32 s28, v17;
	s29 =	simm.s32 $0x7;
	v27 =	vadd.s32 v5, v27;
	v39 =	vadd.f32 v26, v19;
	v26 =	vld.idx.msk [tilespmem:v30+s16+$0x0], $0xffff  }
0x3a9: {  	s31 =	simm.s32 $0x4;
	v18 =	vadd.f32 v24, v18;
	v24 =	vadd.s32 s29, v16;
	v19 =	vadd.s32 v5, v28;
	v59 =	vld.idx.msk [tilespmem:v23+s15+$0x0], $0xffff  }
0x3aa: {  	s28 =	simm.s32 $0x5;
	v28 =	vadd.s32 s31, v16;
	v24 =	vadd.s32 v5, v24;
	v25 =	vld.idx.msk [tilespmem:v25+s16+$0x0], $0xffff  }
0x3ab: {  	v28 =	vadd.s32 v5, v28;
	v30 =	vadd.s32 s31, v17;
	s31 =	simm.s32 $0x6;
	v23 =	vadd.s32 s28, v16;
	v31 =	vld.idx.msk [tilespmem:v20+s15+$0x0], $0xffff  }
0x3ac: {  	v60 =	vadd.s32 s31, v17;
	v30 =	vadd.s32 v5, v30;
	v23 =	vadd.s32 v5, v23;
	v61 =	vld.idx.msk [tilespmem:v22+s16+$0x0], $0xffff  }
0x3ad: {  	v20 =	vadd.s32 s28, v17;
	v40 =	vadd.s32 v5, v60;
	v41 =	vld.idx.msk [tilespmem:v27+s15+$0x0], $0xffff;
	v22 =	vadd.s32 s31, v16  }
0x3ae: {  	s28 =	simm.s32 $0x8;
	s31 =	simm.s32 $0xB;
	v62 =	vadd.s32 v5, v20;
	v20 =	vadd.s32 s29, v17;
	v42 =	vld.idx.msk [tilespmem:v19+s16+$0x0], $0xffff;
	v43 =	vadd.s32 v5, v22  }
0x3af: {  	v44 =	vadd.s32 s28, v16;
	v22 =	vadd.s32 s28, v17;
	s28 =	simm.s32 $0x9;
	s29 =	simm.s32 $0xA;
	v19 =	vld.idx.msk [tilespmem:v24+s15+$0x0], $0xffff;
	v45 =	vadd.s32 s31, v16  }
0x3b0: {  	v27 =	vadd.s32 v5, v20;
	v63 =	vadd.s32 s28, v17;
	v24 =	vadd.s32 s29, v17;
	v34 =	vld.idx.msk [tilespmem:v28+s15+$0x0], $0xffff  }
0x3b1: {  	v33 =	vadd.s32 v5, v45;
	v28 =	vadd.s32 s29, v16;
	v32 =	vld.idx.msk [tilespmem:v23+s15+$0x0], $0xffff;
	v23 =	vadd.s32 s28, v16  }
0x3b2: {  	v37 =	vadd.s32 v5, v44;
	v29 =	vmul.f32 v25, v29;
	v20 =	vld.idx.msk [tilespmem:v30+s16+$0x0], $0xffff;
	v36 =	vadd.s32 v5, v23  }
0x3b3: {  	v24 =	vadd.s32 v5, v24;
	v25 =	vadd.s32 v5, v22;
	v26 =	vmul.f32 v26, v31;
	v31 =	vld.idx.msk [tilespmem:v62+s16+$0x0], $0xffff  }
0x3b4: {  	v22 =	vadd.s32 v5, v63;
	v30 =	vmul.f32 v61, v59;
	v35 =	vld.idx.msk [tilespmem:v40+s16+$0x0], $0xffff;
	v21 =	vadd.f32 v29, v21  }
0x3b5: {  	v29 =	vld.idx.msk [tilespmem:v43+s15+$0x0], $0xffff;
	v38 =	vmul.f32 v42, v41;
	v23 =	vadd.f32 v26, v58;
	v26 =	vadd.s32 s31, v17  }
0x3b6: {  	v28 =	vadd.s32 v5, v28;
	s28 =	simm.s32 $0xC;
	v27 =	vld.idx.msk [tilespmem:v27+s16+$0x0], $0xffff;
	v30 =	vadd.f32 v30, v39;
	v26 =	vadd.s32 v5, v26  }
.LBB2_44:
0x3b7: {  	v39 =	vadd.s32 s28, v16;
	v40 =	vadd.s32 s28, v17;
	s29 =	sadd.s32 $0x1, s28;
	s30 =	sadd.s32 $0x2, s28;
	s31 =	sadd.s32 $0x3, s28;
	v41 =	vld.idx.msk [tilespmem:v36+s15+$0x0], $0xffff;
	v18 =	vadd.f32 v38, v18;
	v38 =	vmovc v19;
	v42 =	vmovc v24  }
0x3b8: {  	p0 =	sne.s32 s28, $0x3C;
	s28 =	sadd.s32 $0x4, s28;
	v32 =	vmul.f32 v31, v32;
	v24 =	vadd.s32 s29, v16;
	v43 =	vadd.s32 s29, v17;
	v19 =	vld.idx.msk [tilespmem:v33+s15+$0x0], $0xffff  }
0x3b9: {  	v33 =	vadd.s32 s30, v17;
	v44 =	vadd.s32 s31, v16;
	v45 =	vmul.f32 v20, v34;
	v20 =	vld.idx.msk [tilespmem:v25+s16+$0x0], $0xffff  }
.Ltmp21:
0x3ba: {  	v25 =	vadd.s32 v5, v40;
	v36 =	vadd.s32 v5, v24;
	v31 =	vld.idx.msk [tilespmem:v22+s16+$0x0], $0xffff;
	v22 =	vadd.s32 v5, v43;
	(pc) =	sbr.rel @p0 .LBB2_44-.Ltmp21, $4  }
0x3bb: {  	v24 =	vadd.s32 v5, v33;
	v33 =	vadd.s32 v5, v44;
	v23 =	vadd.f32 v45, v23;
	v34 =	vld.idx.msk [tilespmem:v37+s15+$0x0], $0xffff  }
0x3bc: {  	v21 =	vadd.f32 v32, v21;
	v40 =	vmul.f32 v27, v38;
	v37 =	vadd.s32 s31, v17;
	v27 =	vld.idx.msk [tilespmem:v26+s16+$0x0], $0xffff  }
0x3bd: {  	v43 =	vadd.s32 s30, v16;
	v38 =	vmul.f32 v35, v29;
	v26 =	vadd.s32 v5, v37;
	v32 =	vmovc v41;
	v29 =	vld.idx.msk [tilespmem:v28+s15+$0x0], $0xffff  }
0x3be: {  	v30 =	vadd.f32 v40, v30;
	v37 =	vadd.s32 v5, v39;
	v28 =	vadd.s32 v5, v43;
	v35 =	vld.idx.msk [tilespmem:v42+s16+$0x0], $0xffff  }
0x3bf: {  	_ =	sdelay $0x3  }
0x3c0: {  	v36 =	vld.idx.msk [tilespmem:v36+s15+$0x0], $0xffff  }
0x3c1: {  	v25 =	vld.idx.msk [tilespmem:v25+s16+$0x0], $0xffff  }
0x3c2: {  	v16 =	vld [tilespmem:$0x560]  }
0x3c3: {  	v37 =	vld.idx.msk [tilespmem:v37+s15+$0x0], $0xffff  }
0x3c4: {  	v17 =	vld [tilespmem:$0x760]  }
0x3c5: {  	v22 =	vld.idx.msk [tilespmem:v22+s16+$0x0], $0xffff  }
0x3c6: {  	v31 =	vmul.f32 v31, v32;
	v20 =	vmul.f32 v20, v34  }
0x3c7: {  	v18 =	vadd.f32 v38, v18;
	v26 =	vld.idx.msk [tilespmem:v26+s16+$0x0], $0xffff;
	v19 =	vmul.f32 v27, v19  }
0x3c8: {  	s28 =	simm.s32 $0x1;
	v28 =	vld.idx.msk [tilespmem:v28+s15+$0x0], $0xffff;
	v21 =	vadd.f32 v31, v21;
	v20 =	vadd.f32 v20, v23;
	v23 =	vmul.f32 v35, v29  }
0x3c9: {  	s30 =	simm.s32 $0x0;
	v27 =	vld.idx.msk [tilespmem:v33+s15+$0x0], $0xffff;
	v19 =	vadd.f32 v19, v30;
	v29 =	vadd.s32 s28, v16;
	v25 =	vmul.f32 v25, v37  }
0x3ca: {  	s29 =	simm.s32 $0x3;
	v24 =	vld.idx.msk [tilespmem:v24+s16+$0x0], $0xffff;
	v30 =	vadd.s32 s30, v17;
	v22 =	vmul.f32 v22, v36;
	v29 =	vadd.s32 v6, v29  }
0x3cb: {  	v18 =	vadd.f32 v23, v18;
	v23 =	vadd.s32 s29, v16;
	v30 =	vadd.s32 v6, v30  }
0x3cc: {  	v31 =	vadd.s32 s28, v17;
	v23 =	vadd.s32 v6, v23;
	v58 =	vadd.f32 v25, v20  }
0x3cd: {  	v20 =	vadd.s32 s30, v16;
	v25 =	vadd.s32 v6, v31;
	v21 =	vadd.f32 v22, v21  }
0x3ce: {  	s28 =	simm.s32 $0x2;
	v22 =	vadd.s32 s29, v17;
	v26 =	vmul.f32 v26, v27;
	v20 =	vadd.s32 v6, v20  }
0x3cf: {  	v24 =	vmul.f32 v24, v28;
	v27 =	vadd.s32 s28, v16;
	v22 =	vadd.s32 v6, v22;
	v29 =	vld.idx.msk [tilespmem:v29+s15+$0x0], $0xffff  }
0x3d0: {  	v28 =	vadd.s32 s28, v17;
	s29 =	simm.s32 $0x7;
	v27 =	vadd.s32 v6, v27;
	v39 =	vadd.f32 v26, v19;
	v26 =	vld.idx.msk [tilespmem:v30+s16+$0x0], $0xffff  }
0x3d1: {  	s31 =	simm.s32 $0x4;
	v18 =	vadd.f32 v24, v18;
	v24 =	vadd.s32 s29, v16;
	v19 =	vadd.s32 v6, v28;
	v59 =	vld.idx.msk [tilespmem:v23+s15+$0x0], $0xffff  }
0x3d2: {  	s28 =	simm.s32 $0x5;
	v28 =	vadd.s32 s31, v16;
	v24 =	vadd.s32 v6, v24;
	v25 =	vld.idx.msk [tilespmem:v25+s16+$0x0], $0xffff  }
0x3d3: {  	v28 =	vadd.s32 v6, v28;
	v30 =	vadd.s32 s31, v17;
	s31 =	simm.s32 $0x6;
	v23 =	vadd.s32 s28, v16;
	v31 =	vld.idx.msk [tilespmem:v20+s15+$0x0], $0xffff  }
0x3d4: {  	v60 =	vadd.s32 s31, v17;
	v30 =	vadd.s32 v6, v30;
	v23 =	vadd.s32 v6, v23;
	v61 =	vld.idx.msk [tilespmem:v22+s16+$0x0], $0xffff  }
0x3d5: {  	v20 =	vadd.s32 s28, v17;
	v40 =	vadd.s32 v6, v60;
	v41 =	vld.idx.msk [tilespmem:v27+s15+$0x0], $0xffff;
	v22 =	vadd.s32 s31, v16  }
0x3d6: {  	s28 =	simm.s32 $0x8;
	s31 =	simm.s32 $0xB;
	v62 =	vadd.s32 v6, v20;
	v20 =	vadd.s32 s29, v17;
	v42 =	vld.idx.msk [tilespmem:v19+s16+$0x0], $0xffff;
	v43 =	vadd.s32 v6, v22  }
0x3d7: {  	v44 =	vadd.s32 s28, v16;
	v22 =	vadd.s32 s28, v17;
	s28 =	simm.s32 $0x9;
	s29 =	simm.s32 $0xA;
	v19 =	vld.idx.msk [tilespmem:v24+s15+$0x0], $0xffff;
	v45 =	vadd.s32 s31, v16  }
0x3d8: {  	v27 =	vadd.s32 v6, v20;
	v63 =	vadd.s32 s28, v17;
	v24 =	vadd.s32 s29, v17;
	v34 =	vld.idx.msk [tilespmem:v28+s15+$0x0], $0xffff  }
0x3d9: {  	v33 =	vadd.s32 v6, v45;
	v28 =	vadd.s32 s29, v16;
	v32 =	vld.idx.msk [tilespmem:v23+s15+$0x0], $0xffff;
	v23 =	vadd.s32 s28, v16  }
0x3da: {  	v37 =	vadd.s32 v6, v44;
	v29 =	vmul.f32 v25, v29;
	v20 =	vld.idx.msk [tilespmem:v30+s16+$0x0], $0xffff;
	v36 =	vadd.s32 v6, v23  }
0x3db: {  	v24 =	vadd.s32 v6, v24;
	v25 =	vadd.s32 v6, v22;
	v26 =	vmul.f32 v26, v31;
	v31 =	vld.idx.msk [tilespmem:v62+s16+$0x0], $0xffff  }
0x3dc: {  	v22 =	vadd.s32 v6, v63;
	v30 =	vmul.f32 v61, v59;
	v35 =	vld.idx.msk [tilespmem:v40+s16+$0x0], $0xffff;
	v21 =	vadd.f32 v29, v21  }
0x3dd: {  	v29 =	vld.idx.msk [tilespmem:v43+s15+$0x0], $0xffff;
	v38 =	vmul.f32 v42, v41;
	v23 =	vadd.f32 v26, v58;
	v26 =	vadd.s32 s31, v17  }
0x3de: {  	v28 =	vadd.s32 v6, v28;
	s28 =	simm.s32 $0xC;
	v27 =	vld.idx.msk [tilespmem:v27+s16+$0x0], $0xffff;
	v30 =	vadd.f32 v30, v39;
	v26 =	vadd.s32 v6, v26  }
.LBB2_46:
0x3df: {  	v39 =	vadd.s32 s28, v16;
	v40 =	vadd.s32 s28, v17;
	s29 =	sadd.s32 $0x1, s28;
	s30 =	sadd.s32 $0x2, s28;
	s31 =	sadd.s32 $0x3, s28;
	v41 =	vld.idx.msk [tilespmem:v36+s15+$0x0], $0xffff;
	v18 =	vadd.f32 v38, v18;
	v38 =	vmovc v19;
	v42 =	vmovc v24  }
0x3e0: {  	p0 =	sne.s32 s28, $0x3C;
	s28 =	sadd.s32 $0x4, s28;
	v32 =	vmul.f32 v31, v32;
	v24 =	vadd.s32 s29, v16;
	v43 =	vadd.s32 s29, v17;
	v19 =	vld.idx.msk [tilespmem:v33+s15+$0x0], $0xffff  }
0x3e1: {  	v33 =	vadd.s32 s30, v17;
	v44 =	vadd.s32 s31, v16;
	v45 =	vmul.f32 v20, v34;
	v20 =	vld.idx.msk [tilespmem:v25+s16+$0x0], $0xffff  }
.Ltmp22:
0x3e2: {  	v25 =	vadd.s32 v6, v40;
	v36 =	vadd.s32 v6, v24;
	v31 =	vld.idx.msk [tilespmem:v22+s16+$0x0], $0xffff;
	v22 =	vadd.s32 v6, v43;
	(pc) =	sbr.rel @p0 .LBB2_46-.Ltmp22, $4  }
0x3e3: {  	v24 =	vadd.s32 v6, v33;
	v33 =	vadd.s32 v6, v44;
	v23 =	vadd.f32 v45, v23;
	v34 =	vld.idx.msk [tilespmem:v37+s15+$0x0], $0xffff  }
0x3e4: {  	v21 =	vadd.f32 v32, v21;
	v40 =	vmul.f32 v27, v38;
	v37 =	vadd.s32 s31, v17;
	v27 =	vld.idx.msk [tilespmem:v26+s16+$0x0], $0xffff  }
0x3e5: {  	v43 =	vadd.s32 s30, v16;
	v38 =	vmul.f32 v35, v29;
	v26 =	vadd.s32 v6, v37;
	v32 =	vmovc v41;
	v29 =	vld.idx.msk [tilespmem:v28+s15+$0x0], $0xffff  }
0x3e6: {  	v30 =	vadd.f32 v40, v30;
	v37 =	vadd.s32 v6, v39;
	v28 =	vadd.s32 v6, v43;
	v35 =	vld.idx.msk [tilespmem:v42+s16+$0x0], $0xffff  }
0x3e7: {  	_ =	sdelay $0x3  }
0x3e8: {  	v36 =	vld.idx.msk [tilespmem:v36+s15+$0x0], $0xffff  }
0x3e9: {  	v25 =	vld.idx.msk [tilespmem:v25+s16+$0x0], $0xffff  }
0x3ea: {  	v16 =	vld [tilespmem:$0x570]  }
0x3eb: {  	v37 =	vld.idx.msk [tilespmem:v37+s15+$0x0], $0xffff  }
0x3ec: {  	v17 =	vld [tilespmem:$0x770]  }
0x3ed: {  	v22 =	vld.idx.msk [tilespmem:v22+s16+$0x0], $0xffff  }
0x3ee: {  	v31 =	vmul.f32 v31, v32;
	v20 =	vmul.f32 v20, v34  }
0x3ef: {  	v18 =	vadd.f32 v38, v18;
	v26 =	vld.idx.msk [tilespmem:v26+s16+$0x0], $0xffff;
	v19 =	vmul.f32 v27, v19  }
0x3f0: {  	s28 =	simm.s32 $0x1;
	v28 =	vld.idx.msk [tilespmem:v28+s15+$0x0], $0xffff;
	v21 =	vadd.f32 v31, v21;
	v20 =	vadd.f32 v20, v23;
	v23 =	vmul.f32 v35, v29  }
0x3f1: {  	s30 =	simm.s32 $0x0;
	v27 =	vld.idx.msk [tilespmem:v33+s15+$0x0], $0xffff;
	v19 =	vadd.f32 v19, v30;
	v29 =	vadd.s32 s28, v16;
	v25 =	vmul.f32 v25, v37  }
0x3f2: {  	s29 =	simm.s32 $0x3;
	v24 =	vld.idx.msk [tilespmem:v24+s16+$0x0], $0xffff;
	v30 =	vadd.s32 s30, v17;
	v22 =	vmul.f32 v22, v36;
	v29 =	vadd.s32 v7, v29  }
0x3f3: {  	v18 =	vadd.f32 v23, v18;
	v23 =	vadd.s32 s29, v16;
	v30 =	vadd.s32 v7, v30  }
0x3f4: {  	v31 =	vadd.s32 s28, v17;
	v23 =	vadd.s32 v7, v23;
	v58 =	vadd.f32 v25, v20  }
0x3f5: {  	v20 =	vadd.s32 s30, v16;
	v25 =	vadd.s32 v7, v31;
	v21 =	vadd.f32 v22, v21  }
0x3f6: {  	s28 =	simm.s32 $0x2;
	v22 =	vadd.s32 s29, v17;
	v26 =	vmul.f32 v26, v27;
	v20 =	vadd.s32 v7, v20  }
0x3f7: {  	v24 =	vmul.f32 v24, v28;
	v27 =	vadd.s32 s28, v16;
	v22 =	vadd.s32 v7, v22;
	v29 =	vld.idx.msk [tilespmem:v29+s15+$0x0], $0xffff  }
0x3f8: {  	v28 =	vadd.s32 s28, v17;
	s29 =	simm.s32 $0x7;
	v27 =	vadd.s32 v7, v27;
	v39 =	vadd.f32 v26, v19;
	v26 =	vld.idx.msk [tilespmem:v30+s16+$0x0], $0xffff  }
0x3f9: {  	s31 =	simm.s32 $0x4;
	v18 =	vadd.f32 v24, v18;
	v24 =	vadd.s32 s29, v16;
	v19 =	vadd.s32 v7, v28;
	v59 =	vld.idx.msk [tilespmem:v23+s15+$0x0], $0xffff  }
0x3fa: {  	s28 =	simm.s32 $0x5;
	v28 =	vadd.s32 s31, v16;
	v24 =	vadd.s32 v7, v24;
	v25 =	vld.idx.msk [tilespmem:v25+s16+$0x0], $0xffff  }
0x3fb: {  	v28 =	vadd.s32 v7, v28;
	v30 =	vadd.s32 s31, v17;
	s31 =	simm.s32 $0x6;
	v23 =	vadd.s32 s28, v16;
	v31 =	vld.idx.msk [tilespmem:v20+s15+$0x0], $0xffff  }
0x3fc: {  	v60 =	vadd.s32 s31, v17;
	v30 =	vadd.s32 v7, v30;
	v23 =	vadd.s32 v7, v23;
	v61 =	vld.idx.msk [tilespmem:v22+s16+$0x0], $0xffff  }
0x3fd: {  	v20 =	vadd.s32 s28, v17;
	v40 =	vadd.s32 v7, v60;
	v41 =	vld.idx.msk [tilespmem:v27+s15+$0x0], $0xffff;
	v22 =	vadd.s32 s31, v16  }
0x3fe: {  	s28 =	simm.s32 $0x8;
	s31 =	simm.s32 $0xB;
	v62 =	vadd.s32 v7, v20;
	v20 =	vadd.s32 s29, v17;
	v42 =	vld.idx.msk [tilespmem:v19+s16+$0x0], $0xffff;
	v43 =	vadd.s32 v7, v22  }
0x3ff: {  	v44 =	vadd.s32 s28, v16;
	v22 =	vadd.s32 s28, v17;
	s28 =	simm.s32 $0x9;
	s29 =	simm.s32 $0xA;
	v19 =	vld.idx.msk [tilespmem:v24+s15+$0x0], $0xffff;
	v45 =	vadd.s32 s31, v16  }
0x400: {  	v27 =	vadd.s32 v7, v20;
	v63 =	vadd.s32 s28, v17;
	v24 =	vadd.s32 s29, v17;
	v34 =	vld.idx.msk [tilespmem:v28+s15+$0x0], $0xffff  }
0x401: {  	v33 =	vadd.s32 v7, v45;
	v28 =	vadd.s32 s29, v16;
	v32 =	vld.idx.msk [tilespmem:v23+s15+$0x0], $0xffff;
	v23 =	vadd.s32 s28, v16  }
0x402: {  	v37 =	vadd.s32 v7, v44;
	v29 =	vmul.f32 v25, v29;
	v20 =	vld.idx.msk [tilespmem:v30+s16+$0x0], $0xffff;
	v36 =	vadd.s32 v7, v23  }
0x403: {  	v24 =	vadd.s32 v7, v24;
	v25 =	vadd.s32 v7, v22;
	v26 =	vmul.f32 v26, v31;
	v31 =	vld.idx.msk [tilespmem:v62+s16+$0x0], $0xffff  }
0x404: {  	v22 =	vadd.s32 v7, v63;
	v30 =	vmul.f32 v61, v59;
	v35 =	vld.idx.msk [tilespmem:v40+s16+$0x0], $0xffff;
	v21 =	vadd.f32 v29, v21  }
0x405: {  	v29 =	vld.idx.msk [tilespmem:v43+s15+$0x0], $0xffff;
	v38 =	vmul.f32 v42, v41;
	v23 =	vadd.f32 v26, v58;
	v26 =	vadd.s32 s31, v17  }
0x406: {  	v28 =	vadd.s32 v7, v28;
	s28 =	simm.s32 $0xC;
	v27 =	vld.idx.msk [tilespmem:v27+s16+$0x0], $0xffff;
	v30 =	vadd.f32 v30, v39;
	v26 =	vadd.s32 v7, v26  }
.LBB2_48:
0x407: {  	v39 =	vadd.s32 s28, v16;
	v40 =	vadd.s32 s28, v17;
	s29 =	sadd.s32 $0x1, s28;
	s30 =	sadd.s32 $0x2, s28;
	s31 =	sadd.s32 $0x3, s28;
	v41 =	vld.idx.msk [tilespmem:v36+s15+$0x0], $0xffff;
	v18 =	vadd.f32 v38, v18;
	v38 =	vmovc v19;
	v42 =	vmovc v24  }
0x408: {  	p0 =	sne.s32 s28, $0x3C;
	s28 =	sadd.s32 $0x4, s28;
	v32 =	vmul.f32 v31, v32;
	v24 =	vadd.s32 s29, v16;
	v43 =	vadd.s32 s29, v17;
	v19 =	vld.idx.msk [tilespmem:v33+s15+$0x0], $0xffff  }
0x409: {  	v33 =	vadd.s32 s30, v17;
	v44 =	vadd.s32 s31, v16;
	v45 =	vmul.f32 v20, v34;
	v20 =	vld.idx.msk [tilespmem:v25+s16+$0x0], $0xffff  }
.Ltmp23:
0x40a: {  	v25 =	vadd.s32 v7, v40;
	v36 =	vadd.s32 v7, v24;
	v31 =	vld.idx.msk [tilespmem:v22+s16+$0x0], $0xffff;
	v22 =	vadd.s32 v7, v43;
	(pc) =	sbr.rel @p0 .LBB2_48-.Ltmp23, $4  }
0x40b: {  	v24 =	vadd.s32 v7, v33;
	v33 =	vadd.s32 v7, v44;
	v23 =	vadd.f32 v45, v23;
	v34 =	vld.idx.msk [tilespmem:v37+s15+$0x0], $0xffff  }
0x40c: {  	v21 =	vadd.f32 v32, v21;
	v40 =	vmul.f32 v27, v38;
	v37 =	vadd.s32 s31, v17;
	v27 =	vld.idx.msk [tilespmem:v26+s16+$0x0], $0xffff  }
0x40d: {  	v43 =	vadd.s32 s30, v16;
	v38 =	vmul.f32 v35, v29;
	v26 =	vadd.s32 v7, v37;
	v32 =	vmovc v41;
	v29 =	vld.idx.msk [tilespmem:v28+s15+$0x0], $0xffff  }
0x40e: {  	v30 =	vadd.f32 v40, v30;
	v37 =	vadd.s32 v7, v39;
	v28 =	vadd.s32 v7, v43;
	v35 =	vld.idx.msk [tilespmem:v42+s16+$0x0], $0xffff  }
0x40f: {  	_ =	sdelay $0x3  }
0x410: {  	v36 =	vld.idx.msk [tilespmem:v36+s15+$0x0], $0xffff  }
0x411: {  	v25 =	vld.idx.msk [tilespmem:v25+s16+$0x0], $0xffff  }
0x412: {  	v16 =	vld [tilespmem:$0x580]  }
0x413: {  	v37 =	vld.idx.msk [tilespmem:v37+s15+$0x0], $0xffff  }
0x414: {  	v17 =	vld [tilespmem:$0x780]  }
0x415: {  	v22 =	vld.idx.msk [tilespmem:v22+s16+$0x0], $0xffff  }
0x416: {  	v31 =	vmul.f32 v31, v32;
	v20 =	vmul.f32 v20, v34  }
0x417: {  	v18 =	vadd.f32 v38, v18;
	v26 =	vld.idx.msk [tilespmem:v26+s16+$0x0], $0xffff;
	v19 =	vmul.f32 v27, v19  }
0x418: {  	s28 =	simm.s32 $0x1;
	v28 =	vld.idx.msk [tilespmem:v28+s15+$0x0], $0xffff;
	v21 =	vadd.f32 v31, v21;
	v20 =	vadd.f32 v20, v23;
	v23 =	vmul.f32 v35, v29  }
0x419: {  	s30 =	simm.s32 $0x0;
	v27 =	vld.idx.msk [tilespmem:v33+s15+$0x0], $0xffff;
	v19 =	vadd.f32 v19, v30;
	v29 =	vadd.s32 s28, v16;
	v25 =	vmul.f32 v25, v37  }
0x41a: {  	s29 =	simm.s32 $0x3;
	v24 =	vld.idx.msk [tilespmem:v24+s16+$0x0], $0xffff;
	v30 =	vadd.s32 s30, v17;
	v22 =	vmul.f32 v22, v36;
	v29 =	vadd.s32 v8, v29  }
0x41b: {  	v18 =	vadd.f32 v23, v18;
	v23 =	vadd.s32 s29, v16;
	v30 =	vadd.s32 v8, v30  }
0x41c: {  	v31 =	vadd.s32 s28, v17;
	v23 =	vadd.s32 v8, v23;
	v58 =	vadd.f32 v25, v20  }
0x41d: {  	v20 =	vadd.s32 s30, v16;
	v25 =	vadd.s32 v8, v31;
	v21 =	vadd.f32 v22, v21  }
0x41e: {  	s28 =	simm.s32 $0x2;
	v22 =	vadd.s32 s29, v17;
	v26 =	vmul.f32 v26, v27;
	v20 =	vadd.s32 v8, v20  }
0x41f: {  	v24 =	vmul.f32 v24, v28;
	v27 =	vadd.s32 s28, v16;
	v22 =	vadd.s32 v8, v22;
	v29 =	vld.idx.msk [tilespmem:v29+s15+$0x0], $0xffff  }
0x420: {  	v28 =	vadd.s32 s28, v17;
	s29 =	simm.s32 $0x7;
	v27 =	vadd.s32 v8, v27;
	v39 =	vadd.f32 v26, v19;
	v26 =	vld.idx.msk [tilespmem:v30+s16+$0x0], $0xffff  }
0x421: {  	s31 =	simm.s32 $0x4;
	v18 =	vadd.f32 v24, v18;
	v24 =	vadd.s32 s29, v16;
	v19 =	vadd.s32 v8, v28;
	v59 =	vld.idx.msk [tilespmem:v23+s15+$0x0], $0xffff  }
0x422: {  	s28 =	simm.s32 $0x5;
	v28 =	vadd.s32 s31, v16;
	v24 =	vadd.s32 v8, v24;
	v25 =	vld.idx.msk [tilespmem:v25+s16+$0x0], $0xffff  }
0x423: {  	v28 =	vadd.s32 v8, v28;
	v30 =	vadd.s32 s31, v17;
	s31 =	simm.s32 $0x6;
	v23 =	vadd.s32 s28, v16;
	v31 =	vld.idx.msk [tilespmem:v20+s15+$0x0], $0xffff  }
0x424: {  	v60 =	vadd.s32 s31, v17;
	v30 =	vadd.s32 v8, v30;
	v23 =	vadd.s32 v8, v23;
	v61 =	vld.idx.msk [tilespmem:v22+s16+$0x0], $0xffff  }
0x425: {  	v20 =	vadd.s32 s28, v17;
	v40 =	vadd.s32 v8, v60;
	v41 =	vld.idx.msk [tilespmem:v27+s15+$0x0], $0xffff;
	v22 =	vadd.s32 s31, v16  }
0x426: {  	s28 =	simm.s32 $0x8;
	s31 =	simm.s32 $0xB;
	v62 =	vadd.s32 v8, v20;
	v20 =	vadd.s32 s29, v17;
	v42 =	vld.idx.msk [tilespmem:v19+s16+$0x0], $0xffff;
	v43 =	vadd.s32 v8, v22  }
0x427: {  	v44 =	vadd.s32 s28, v16;
	v22 =	vadd.s32 s28, v17;
	s28 =	simm.s32 $0x9;
	s29 =	simm.s32 $0xA;
	v19 =	vld.idx.msk [tilespmem:v24+s15+$0x0], $0xffff;
	v45 =	vadd.s32 s31, v16  }
0x428: {  	v27 =	vadd.s32 v8, v20;
	v63 =	vadd.s32 s28, v17;
	v24 =	vadd.s32 s29, v17;
	v34 =	vld.idx.msk [tilespmem:v28+s15+$0x0], $0xffff  }
0x429: {  	v33 =	vadd.s32 v8, v45;
	v28 =	vadd.s32 s29, v16;
	v32 =	vld.idx.msk [tilespmem:v23+s15+$0x0], $0xffff;
	v23 =	vadd.s32 s28, v16  }
0x42a: {  	v37 =	vadd.s32 v8, v44;
	v29 =	vmul.f32 v25, v29;
	v20 =	vld.idx.msk [tilespmem:v30+s16+$0x0], $0xffff;
	v36 =	vadd.s32 v8, v23  }
0x42b: {  	v24 =	vadd.s32 v8, v24;
	v25 =	vadd.s32 v8, v22;
	v26 =	vmul.f32 v26, v31;
	v31 =	vld.idx.msk [tilespmem:v62+s16+$0x0], $0xffff  }
0x42c: {  	v22 =	vadd.s32 v8, v63;
	v30 =	vmul.f32 v61, v59;
	v35 =	vld.idx.msk [tilespmem:v40+s16+$0x0], $0xffff;
	v21 =	vadd.f32 v29, v21  }
0x42d: {  	v29 =	vld.idx.msk [tilespmem:v43+s15+$0x0], $0xffff;
	v38 =	vmul.f32 v42, v41;
	v23 =	vadd.f32 v26, v58;
	v26 =	vadd.s32 s31, v17  }
0x42e: {  	v28 =	vadd.s32 v8, v28;
	s28 =	simm.s32 $0xC;
	v27 =	vld.idx.msk [tilespmem:v27+s16+$0x0], $0xffff;
	v30 =	vadd.f32 v30, v39;
	v26 =	vadd.s32 v8, v26  }
.LBB2_50:
0x42f: {  	v39 =	vadd.s32 s28, v16;
	v40 =	vadd.s32 s28, v17;
	s29 =	sadd.s32 $0x1, s28;
	s30 =	sadd.s32 $0x2, s28;
	s31 =	sadd.s32 $0x3, s28;
	v41 =	vld.idx.msk [tilespmem:v36+s15+$0x0], $0xffff;
	v18 =	vadd.f32 v38, v18;
	v38 =	vmovc v19;
	v42 =	vmovc v24  }
0x430: {  	p0 =	sne.s32 s28, $0x3C;
	s28 =	sadd.s32 $0x4, s28;
	v32 =	vmul.f32 v31, v32;
	v24 =	vadd.s32 s29, v16;
	v43 =	vadd.s32 s29, v17;
	v19 =	vld.idx.msk [tilespmem:v33+s15+$0x0], $0xffff  }
0x431: {  	v33 =	vadd.s32 s30, v17;
	v44 =	vadd.s32 s31, v16;
	v45 =	vmul.f32 v20, v34;
	v20 =	vld.idx.msk [tilespmem:v25+s16+$0x0], $0xffff  }
.Ltmp24:
0x432: {  	v25 =	vadd.s32 v8, v40;
	v36 =	vadd.s32 v8, v24;
	v31 =	vld.idx.msk [tilespmem:v22+s16+$0x0], $0xffff;
	v22 =	vadd.s32 v8, v43;
	(pc) =	sbr.rel @p0 .LBB2_50-.Ltmp24, $4  }
0x433: {  	v24 =	vadd.s32 v8, v33;
	v33 =	vadd.s32 v8, v44;
	v23 =	vadd.f32 v45, v23;
	v34 =	vld.idx.msk [tilespmem:v37+s15+$0x0], $0xffff  }
0x434: {  	v21 =	vadd.f32 v32, v21;
	v40 =	vmul.f32 v27, v38;
	v37 =	vadd.s32 s31, v17;
	v27 =	vld.idx.msk [tilespmem:v26+s16+$0x0], $0xffff  }
0x435: {  	v43 =	vadd.s32 s30, v16;
	v38 =	vmul.f32 v35, v29;
	v26 =	vadd.s32 v8, v37;
	v32 =	vmovc v41;
	v29 =	vld.idx.msk [tilespmem:v28+s15+$0x0], $0xffff  }
0x436: {  	v30 =	vadd.f32 v40, v30;
	v37 =	vadd.s32 v8, v39;
	v28 =	vadd.s32 v8, v43;
	v35 =	vld.idx.msk [tilespmem:v42+s16+$0x0], $0xffff  }
0x437: {  	_ =	sdelay $0x3  }
0x438: {  	v36 =	vld.idx.msk [tilespmem:v36+s15+$0x0], $0xffff  }
0x439: {  	v25 =	vld.idx.msk [tilespmem:v25+s16+$0x0], $0xffff  }
0x43a: {  	v16 =	vld [tilespmem:$0x590]  }
0x43b: {  	v37 =	vld.idx.msk [tilespmem:v37+s15+$0x0], $0xffff  }
0x43c: {  	v17 =	vld [tilespmem:$0x790]  }
0x43d: {  	v22 =	vld.idx.msk [tilespmem:v22+s16+$0x0], $0xffff  }
0x43e: {  	v31 =	vmul.f32 v31, v32;
	v20 =	vmul.f32 v20, v34  }
0x43f: {  	v18 =	vadd.f32 v38, v18;
	v26 =	vld.idx.msk [tilespmem:v26+s16+$0x0], $0xffff;
	v19 =	vmul.f32 v27, v19  }
0x440: {  	s28 =	simm.s32 $0x1;
	v28 =	vld.idx.msk [tilespmem:v28+s15+$0x0], $0xffff;
	v21 =	vadd.f32 v31, v21;
	v20 =	vadd.f32 v20, v23;
	v23 =	vmul.f32 v35, v29  }
0x441: {  	s30 =	simm.s32 $0x0;
	v27 =	vld.idx.msk [tilespmem:v33+s15+$0x0], $0xffff;
	v19 =	vadd.f32 v19, v30;
	v29 =	vadd.s32 s28, v16;
	v25 =	vmul.f32 v25, v37  }
0x442: {  	s29 =	simm.s32 $0x3;
	v24 =	vld.idx.msk [tilespmem:v24+s16+$0x0], $0xffff;
	v30 =	vadd.s32 s30, v17;
	v22 =	vmul.f32 v22, v36;
	v29 =	vadd.s32 v9, v29  }
0x443: {  	v18 =	vadd.f32 v23, v18;
	v23 =	vadd.s32 s29, v16;
	v30 =	vadd.s32 v9, v30  }
0x444: {  	v31 =	vadd.s32 s28, v17;
	v23 =	vadd.s32 v9, v23;
	v58 =	vadd.f32 v25, v20  }
0x445: {  	v20 =	vadd.s32 s30, v16;
	v25 =	vadd.s32 v9, v31;
	v21 =	vadd.f32 v22, v21  }
0x446: {  	s28 =	simm.s32 $0x2;
	v22 =	vadd.s32 s29, v17;
	v26 =	vmul.f32 v26, v27;
	v20 =	vadd.s32 v9, v20  }
0x447: {  	v24 =	vmul.f32 v24, v28;
	v27 =	vadd.s32 s28, v16;
	v22 =	vadd.s32 v9, v22;
	v29 =	vld.idx.msk [tilespmem:v29+s15+$0x0], $0xffff  }
0x448: {  	v28 =	vadd.s32 s28, v17;
	s29 =	simm.s32 $0x7;
	v27 =	vadd.s32 v9, v27;
	v39 =	vadd.f32 v26, v19;
	v26 =	vld.idx.msk [tilespmem:v30+s16+$0x0], $0xffff  }
0x449: {  	s31 =	simm.s32 $0x4;
	v18 =	vadd.f32 v24, v18;
	v24 =	vadd.s32 s29, v16;
	v19 =	vadd.s32 v9, v28;
	v59 =	vld.idx.msk [tilespmem:v23+s15+$0x0], $0xffff  }
0x44a: {  	s28 =	simm.s32 $0x5;
	v28 =	vadd.s32 s31, v16;
	v24 =	vadd.s32 v9, v24;
	v25 =	vld.idx.msk [tilespmem:v25+s16+$0x0], $0xffff  }
0x44b: {  	v28 =	vadd.s32 v9, v28;
	v30 =	vadd.s32 s31, v17;
	s31 =	simm.s32 $0x6;
	v23 =	vadd.s32 s28, v16;
	v31 =	vld.idx.msk [tilespmem:v20+s15+$0x0], $0xffff  }
0x44c: {  	v60 =	vadd.s32 s31, v17;
	v30 =	vadd.s32 v9, v30;
	v23 =	vadd.s32 v9, v23;
	v61 =	vld.idx.msk [tilespmem:v22+s16+$0x0], $0xffff  }
0x44d: {  	v20 =	vadd.s32 s28, v17;
	v40 =	vadd.s32 v9, v60;
	v41 =	vld.idx.msk [tilespmem:v27+s15+$0x0], $0xffff;
	v22 =	vadd.s32 s31, v16  }
0x44e: {  	s28 =	simm.s32 $0x8;
	s31 =	simm.s32 $0xB;
	v62 =	vadd.s32 v9, v20;
	v20 =	vadd.s32 s29, v17;
	v42 =	vld.idx.msk [tilespmem:v19+s16+$0x0], $0xffff;
	v43 =	vadd.s32 v9, v22  }
0x44f: {  	v44 =	vadd.s32 s28, v16;
	v22 =	vadd.s32 s28, v17;
	s28 =	simm.s32 $0x9;
	s29 =	simm.s32 $0xA;
	v19 =	vld.idx.msk [tilespmem:v24+s15+$0x0], $0xffff;
	v45 =	vadd.s32 s31, v16  }
0x450: {  	v27 =	vadd.s32 v9, v20;
	v63 =	vadd.s32 s28, v17;
	v24 =	vadd.s32 s29, v17;
	v34 =	vld.idx.msk [tilespmem:v28+s15+$0x0], $0xffff  }
0x451: {  	v33 =	vadd.s32 v9, v45;
	v28 =	vadd.s32 s29, v16;
	v32 =	vld.idx.msk [tilespmem:v23+s15+$0x0], $0xffff;
	v23 =	vadd.s32 s28, v16  }
0x452: {  	v37 =	vadd.s32 v9, v44;
	v29 =	vmul.f32 v25, v29;
	v20 =	vld.idx.msk [tilespmem:v30+s16+$0x0], $0xffff;
	v36 =	vadd.s32 v9, v23  }
0x453: {  	v24 =	vadd.s32 v9, v24;
	v25 =	vadd.s32 v9, v22;
	v26 =	vmul.f32 v26, v31;
	v31 =	vld.idx.msk [tilespmem:v62+s16+$0x0], $0xffff  }
0x454: {  	v22 =	vadd.s32 v9, v63;
	v30 =	vmul.f32 v61, v59;
	v35 =	vld.idx.msk [tilespmem:v40+s16+$0x0], $0xffff;
	v21 =	vadd.f32 v29, v21  }
0x455: {  	v29 =	vld.idx.msk [tilespmem:v43+s15+$0x0], $0xffff;
	v38 =	vmul.f32 v42, v41;
	v23 =	vadd.f32 v26, v58;
	v26 =	vadd.s32 s31, v17  }
0x456: {  	v28 =	vadd.s32 v9, v28;
	s28 =	simm.s32 $0xC;
	v27 =	vld.idx.msk [tilespmem:v27+s16+$0x0], $0xffff;
	v30 =	vadd.f32 v30, v39;
	v26 =	vadd.s32 v9, v26  }
.LBB2_52:
0x457: {  	v39 =	vadd.s32 s28, v16;
	v40 =	vadd.s32 s28, v17;
	s29 =	sadd.s32 $0x1, s28;
	s30 =	sadd.s32 $0x2, s28;
	s31 =	sadd.s32 $0x3, s28;
	v41 =	vld.idx.msk [tilespmem:v36+s15+$0x0], $0xffff;
	v18 =	vadd.f32 v38, v18;
	v38 =	vmovc v19;
	v42 =	vmovc v24  }
0x458: {  	p0 =	sne.s32 s28, $0x3C;
	s28 =	sadd.s32 $0x4, s28;
	v32 =	vmul.f32 v31, v32;
	v24 =	vadd.s32 s29, v16;
	v43 =	vadd.s32 s29, v17;
	v19 =	vld.idx.msk [tilespmem:v33+s15+$0x0], $0xffff  }
0x459: {  	v33 =	vadd.s32 s30, v17;
	v44 =	vadd.s32 s31, v16;
	v45 =	vmul.f32 v20, v34;
	v20 =	vld.idx.msk [tilespmem:v25+s16+$0x0], $0xffff  }
.Ltmp25:
0x45a: {  	v25 =	vadd.s32 v9, v40;
	v36 =	vadd.s32 v9, v24;
	v31 =	vld.idx.msk [tilespmem:v22+s16+$0x0], $0xffff;
	v22 =	vadd.s32 v9, v43;
	(pc) =	sbr.rel @p0 .LBB2_52-.Ltmp25, $4  }
0x45b: {  	v24 =	vadd.s32 v9, v33;
	v33 =	vadd.s32 v9, v44;
	v23 =	vadd.f32 v45, v23;
	v34 =	vld.idx.msk [tilespmem:v37+s15+$0x0], $0xffff  }
0x45c: {  	v21 =	vadd.f32 v32, v21;
	v40 =	vmul.f32 v27, v38;
	v37 =	vadd.s32 s31, v17;
	v27 =	vld.idx.msk [tilespmem:v26+s16+$0x0], $0xffff  }
0x45d: {  	v43 =	vadd.s32 s30, v16;
	v38 =	vmul.f32 v35, v29;
	v26 =	vadd.s32 v9, v37;
	v32 =	vmovc v41;
	v29 =	vld.idx.msk [tilespmem:v28+s15+$0x0], $0xffff  }
0x45e: {  	v30 =	vadd.f32 v40, v30;
	v37 =	vadd.s32 v9, v39;
	v28 =	vadd.s32 v9, v43;
	v35 =	vld.idx.msk [tilespmem:v42+s16+$0x0], $0xffff  }
0x45f: {  	_ =	sdelay $0x3  }
0x460: {  	v17 =	vld.idx.msk [tilespmem:v36+s15+$0x0], $0xffff  }
0x461: {  	v25 =	vld.idx.msk [tilespmem:v25+s16+$0x0], $0xffff  }
0x462: {  	v9 =	vld [tilespmem:$0x5A0]  }
0x463: {  	v56 =	vld.idx.msk [tilespmem:v37+s15+$0x0], $0xffff  }
0x464: {  	v16 =	vld [tilespmem:$0x7A0]  }
0x465: {  	v31 =	vmul.f32 v31, v32;
	v22 =	vld.idx.msk [tilespmem:v22+s16+$0x0], $0xffff  }
0x466: {  	v20 =	vmul.f32 v20, v34;
	v19 =	vmul.f32 v27, v19  }
0x467: {  	v18 =	vadd.f32 v38, v18;
	v26 =	vld.idx.msk [tilespmem:v26+s16+$0x0], $0xffff;
	v21 =	vadd.f32 v31, v21  }
0x468: {  	s28 =	simm.s32 $0x1;
	v28 =	vld.idx.msk [tilespmem:v28+s15+$0x0], $0xffff;
	s30 =	simm.s32 $0x0;
	v20 =	vadd.f32 v20, v23;
	v23 =	vmul.f32 v35, v29;
	v19 =	vadd.f32 v19, v30  }
0x469: {  	v27 =	vld.idx.msk [tilespmem:v33+s15+$0x0], $0xffff;
	v29 =	vadd.s32 s28, v9;
	v25 =	vmul.f32 v25, v56;
	v30 =	vadd.s32 s30, v16  }
0x46a: {  	s29 =	simm.s32 $0x3;
	v24 =	vld.idx.msk [tilespmem:v24+s16+$0x0], $0xffff;
	v17 =	vmul.f32 v22, v17;
	v22 =	vadd.s32 s28, v16;
	v29 =	vadd.s32 v10, v29  }
0x46b: {  	v18 =	vadd.f32 v23, v18;
	v23 =	vadd.s32 s29, v9;
	v30 =	vadd.s32 v10, v30  }
0x46c: {  	v22 =	vadd.s32 v10, v22;
	v23 =	vadd.s32 v10, v23;
	v20 =	vadd.f32 v25, v20  }
0x46d: {  	s28 =	simm.s32 $0x2;
	v25 =	vadd.s32 s30, v9;
	v57 =	vadd.f32 v17, v21;
	v17 =	vadd.s32 s29, v16  }
0x46e: {  	v21 =	vadd.s32 v10, v25;
	v25 =	vmul.f32 v26, v27;
	v26 =	vadd.s32 s28, v9  }
0x46f: {  	v27 =	vadd.s32 v10, v17;
	v17 =	vmul.f32 v24, v28;
	v24 =	vadd.s32 s28, v16;
	v29 =	vld.idx.msk [tilespmem:v29+s15+$0x0], $0xffff  }
0x470: {  	s29 =	simm.s32 $0x7;
	v26 =	vadd.s32 v10, v26;
	v58 =	vadd.f32 v25, v19;
	v19 =	vadd.s32 v10, v24;
	v24 =	vld.idx.msk [tilespmem:v30+s16+$0x0], $0xffff  }
0x471: {  	s31 =	simm.s32 $0x4;
	v17 =	vadd.f32 v17, v18;
	v18 =	vadd.s32 s29, v9;
	v22 =	vld.idx.msk [tilespmem:v22+s16+$0x0], $0xffff  }
0x472: {  	s28 =	simm.s32 $0x5;
	v25 =	vadd.s32 s31, v9;
	v18 =	vadd.s32 v10, v18;
	v28 =	vld.idx.msk [tilespmem:v23+s15+$0x0], $0xffff  }
0x473: {  	v31 =	vadd.s32 s28, v16;
	v25 =	vadd.s32 v10, v25;
	v23 =	vadd.s32 s28, v9;
	v21 =	vld.idx.msk [tilespmem:v21+s15+$0x0], $0xffff  }
0x474: {  	v60 =	vadd.s32 v10, v31;
	v30 =	vadd.s32 s31, v16;
	s31 =	simm.s32 $0x6;
	v23 =	vadd.s32 v10, v23;
	v27 =	vld.idx.msk [tilespmem:v27+s16+$0x0], $0xffff  }
0x475: {  	v31 =	vadd.s32 s29, v16;
	v59 =	vadd.s32 s31, v16;
	v30 =	vadd.s32 v10, v30;
	v61 =	vld.idx.msk [tilespmem:v26+s15+$0x0], $0xffff  }
0x476: {  	v62 =	vadd.s32 v10, v31;
	s28 =	simm.s32 $0x8;
	v39 =	vadd.s32 v10, v59;
	v26 =	vadd.s32 s31, v9;
	v40 =	vld.idx.msk [tilespmem:v19+s16+$0x0], $0xffff  }
0x477: {  	v42 =	vadd.s32 s28, v9;
	s31 =	simm.s32 $0xB;
	v41 =	vadd.s32 v10, v26;
	v26 =	vadd.s32 s28, v16;
	s28 =	simm.s32 $0x9;
	v18 =	vld.idx.msk [tilespmem:v18+s15+$0x0], $0xffff  }
0x478: {  	s29 =	simm.s32 $0xA;
	v36 =	vadd.s32 v10, v42;
	v43 =	vadd.s32 s31, v9;
	v63 =	vadd.s32 s28, v16;
	v33 =	vld.idx.msk [tilespmem:v25+s15+$0x0], $0xffff  }
0x479: {  	v29 =	vmul.f32 v22, v29;
	v22 =	vadd.s32 s29, v16;
	v31 =	vld.idx.msk [tilespmem:v23+s15+$0x0], $0xffff;
	v23 =	vadd.s32 s28, v9  }
0x47a: {  	v32 =	vadd.s32 v10, v43;
	v19 =	vld.idx.msk [tilespmem:v30+s16+$0x0], $0xffff;
	v44 =	vmul.f32 v24, v21;
	v35 =	vadd.s32 v10, v23  }
0x47b: {  	v25 =	vadd.s32 s31, v16;
	v30 =	vld.idx.msk [tilespmem:v60+s16+$0x0], $0xffff;
	v24 =	vadd.s32 v10, v26;
	v23 =	vadd.s32 v10, v22  }
0x47c: {  	v26 =	vld.idx.msk [tilespmem:v62+s16+$0x0], $0xffff;
	v22 =	vadd.f32 v44, v20;
	v20 =	vadd.f32 v29, v57;
	v29 =	vmul.f32 v27, v28  }
0x47d: {  	v21 =	vadd.s32 v10, v63;
	v34 =	vld.idx.msk [tilespmem:v39+s16+$0x0], $0xffff;
	v27 =	vadd.s32 s29, v9;
	v37 =	vmul.f32 v40, v61  }
0x47e: {  	v25 =	vadd.s32 v10, v25;
	s28 =	simm.s32 $0xC;
	v28 =	vld.idx.msk [tilespmem:v41+s15+$0x0], $0xffff;
	v27 =	vadd.s32 v10, v27;
	v29 =	vadd.f32 v29, v58  }
.LBB2_54:
0x47f: {  	v38 =	vadd.s32 s28, v9;
	v39 =	vadd.s32 s28, v16;
	s29 =	sadd.s32 $0x1, s28;
	s30 =	sadd.s32 $0x2, s28;
	s31 =	sadd.s32 $0x3, s28;
	v40 =	vld.idx.msk [tilespmem:v35+s15+$0x0], $0xffff;
	v17 =	vadd.f32 v37, v17;
	v37 =	vmovc v18;
	v41 =	vmovc v23  }
0x480: {  	p0 =	sne.s32 s28, $0x3C;
	s28 =	sadd.s32 $0x4, s28;
	v31 =	vmul.f32 v30, v31;
	v23 =	vadd.s32 s29, v9;
	v42 =	vadd.s32 s29, v16;
	v18 =	vld.idx.msk [tilespmem:v32+s15+$0x0], $0xffff  }
0x481: {  	v32 =	vadd.s32 s30, v16;
	v43 =	vadd.s32 s31, v9;
	v44 =	vmul.f32 v19, v33;
	v19 =	vld.idx.msk [tilespmem:v24+s16+$0x0], $0xffff  }
.Ltmp26:
0x482: {  	v24 =	vadd.s32 v10, v39;
	v35 =	vadd.s32 v10, v23;
	v30 =	vld.idx.msk [tilespmem:v21+s16+$0x0], $0xffff;
	v21 =	vadd.s32 v10, v42;
	(pc) =	sbr.rel @p0 .LBB2_54-.Ltmp26, $4  }
0x483: {  	v23 =	vadd.s32 v10, v32;
	v32 =	vadd.s32 v10, v43;
	v22 =	vadd.f32 v44, v22;
	v33 =	vld.idx.msk [tilespmem:v36+s15+$0x0], $0xffff  }
0x484: {  	v20 =	vadd.f32 v31, v20;
	v39 =	vmul.f32 v26, v37;
	v36 =	vadd.s32 s31, v16;
	v26 =	vld.idx.msk [tilespmem:v25+s16+$0x0], $0xffff  }
0x485: {  	v42 =	vadd.s32 s30, v9;
	v37 =	vmul.f32 v34, v28;
	v25 =	vadd.s32 v10, v36;
	v31 =	vmovc v40;
	v28 =	vld.idx.msk [tilespmem:v27+s15+$0x0], $0xffff  }
0x486: {  	v29 =	vadd.f32 v39, v29;
	v36 =	vadd.s32 v10, v38;
	v27 =	vadd.s32 v10, v42;
	v34 =	vld.idx.msk [tilespmem:v41+s16+$0x0], $0xffff  }
0x487: {  	_ =	sdelay $0x3  }
0x488: {  	v16 =	vld.idx.msk [tilespmem:v35+s15+$0x0], $0xffff  }
0x489: {  	v24 =	vld.idx.msk [tilespmem:v24+s16+$0x0], $0xffff  }
0x48a: {  	v9 =	vld [tilespmem:$0x5B0]  }
0x48b: {  	v58 =	vld.idx.msk [tilespmem:v36+s15+$0x0], $0xffff  }
0x48c: {  	v10 =	vld [tilespmem:$0x7B0]  }
0x48d: {  	v30 =	vmul.f32 v30, v31;
	v21 =	vld.idx.msk [tilespmem:v21+s16+$0x0], $0xffff  }
0x48e: {  	v19 =	vmul.f32 v19, v33;
	v18 =	vmul.f32 v26, v18  }
0x48f: {  	v17 =	vadd.f32 v37, v17;
	v25 =	vld.idx.msk [tilespmem:v25+s16+$0x0], $0xffff;
	v20 =	vadd.f32 v30, v20  }
0x490: {  	s28 =	simm.s32 $0x1;
	v27 =	vld.idx.msk [tilespmem:v27+s15+$0x0], $0xffff;
	s30 =	simm.s32 $0x0;
	v19 =	vadd.f32 v19, v22;
	v22 =	vmul.f32 v34, v28;
	v18 =	vadd.f32 v18, v29  }
0x491: {  	v26 =	vld.idx.msk [tilespmem:v32+s15+$0x0], $0xffff;
	v28 =	vadd.s32 s28, v9;
	v24 =	vmul.f32 v24, v58;
	v29 =	vadd.s32 s30, v10  }
0x492: {  	s29 =	simm.s32 $0x3;
	v23 =	vld.idx.msk [tilespmem:v23+s16+$0x0], $0xffff;
	v16 =	vmul.f32 v21, v16;
	v21 =	vadd.s32 s28, v10;
	v28 =	vadd.s32 v11, v28  }
0x493: {  	v17 =	vadd.f32 v22, v17;
	v22 =	vadd.s32 s29, v9;
	v29 =	vadd.s32 v11, v29  }
0x494: {  	v21 =	vadd.s32 v11, v21;
	v22 =	vadd.s32 v11, v22;
	v19 =	vadd.f32 v24, v19  }
0x495: {  	s28 =	simm.s32 $0x2;
	v24 =	vadd.s32 s30, v9;
	v59 =	vadd.f32 v16, v20;
	v16 =	vadd.s32 s29, v10  }
0x496: {  	v20 =	vadd.s32 v11, v24;
	v24 =	vmul.f32 v25, v26;
	v25 =	vadd.s32 s28, v9  }
0x497: {  	v26 =	vadd.s32 v11, v16;
	v16 =	vmul.f32 v23, v27;
	v23 =	vadd.s32 s28, v10;
	v28 =	vld.idx.msk [tilespmem:v28+s15+$0x0], $0xffff  }
0x498: {  	s29 =	simm.s32 $0x7;
	v25 =	vadd.s32 v11, v25;
	v60 =	vadd.f32 v24, v18;
	v18 =	vadd.s32 v11, v23;
	v23 =	vld.idx.msk [tilespmem:v29+s16+$0x0], $0xffff  }
0x499: {  	s31 =	simm.s32 $0x4;
	v16 =	vadd.f32 v16, v17;
	v17 =	vadd.s32 s29, v9;
	v21 =	vld.idx.msk [tilespmem:v21+s16+$0x0], $0xffff  }
0x49a: {  	s28 =	simm.s32 $0x5;
	v24 =	vadd.s32 s31, v9;
	v17 =	vadd.s32 v11, v17;
	v27 =	vld.idx.msk [tilespmem:v22+s15+$0x0], $0xffff  }
0x49b: {  	v30 =	vadd.s32 s28, v10;
	v24 =	vadd.s32 v11, v24;
	v22 =	vadd.s32 s28, v9;
	v20 =	vld.idx.msk [tilespmem:v20+s15+$0x0], $0xffff  }
0x49c: {  	v61 =	vadd.s32 v11, v30;
	v29 =	vadd.s32 s31, v10;
	s31 =	simm.s32 $0x6;
	v22 =	vadd.s32 v11, v22;
	v26 =	vld.idx.msk [tilespmem:v26+s16+$0x0], $0xffff  }
0x49d: {  	v30 =	vadd.s32 s29, v10;
	v31 =	vadd.s32 s31, v10;
	v29 =	vadd.s32 v11, v29;
	v62 =	vld.idx.msk [tilespmem:v25+s15+$0x0], $0xffff  }
0x49e: {  	v63 =	vadd.s32 v11, v30;
	s28 =	simm.s32 $0x8;
	v38 =	vadd.s32 v11, v31;
	v25 =	vadd.s32 s31, v9;
	v39 =	vld.idx.msk [tilespmem:v18+s16+$0x0], $0xffff  }
0x49f: {  	v41 =	vadd.s32 s28, v9;
	s31 =	simm.s32 $0xB;
	v40 =	vadd.s32 v11, v25;
	v25 =	vadd.s32 s28, v10;
	s28 =	simm.s32 $0x9;
	v17 =	vld.idx.msk [tilespmem:v17+s15+$0x0], $0xffff  }
0x4a0: {  	s29 =	simm.s32 $0xA;
	v35 =	vadd.s32 v11, v41;
	v42 =	vadd.s32 s31, v9;
	v31 =	vadd.s32 s28, v10;
	v32 =	vld.idx.msk [tilespmem:v24+s15+$0x0], $0xffff  }
0x4a1: {  	v28 =	vmul.f32 v21, v28;
	v21 =	vadd.s32 s29, v10;
	v30 =	vld.idx.msk [tilespmem:v22+s15+$0x0], $0xffff;
	v22 =	vadd.s32 s28, v9  }
0x4a2: {  	v18 =	vld.idx.msk [tilespmem:v29+s16+$0x0], $0xffff;
	v43 =	vmul.f32 v23, v20;
	v23 =	vadd.s32 v11, v25;
	v34 =	vadd.s32 v11, v22  }
0x4a3: {  	v29 =	vld.idx.msk [tilespmem:v61+s16+$0x0], $0xffff;
	v20 =	vadd.s32 v11, v31;
	v31 =	vadd.s32 v11, v42;
	v22 =	vadd.s32 v11, v21  }
0x4a4: {  	v25 =	vld.idx.msk [tilespmem:v63+s16+$0x0], $0xffff;
	v21 =	vadd.f32 v43, v19;
	v19 =	vadd.f32 v28, v59;
	v28 =	vmul.f32 v26, v27  }
0x4a5: {  	v24 =	vadd.s32 s31, v10;
	v33 =	vld.idx.msk [tilespmem:v38+s16+$0x0], $0xffff;
	v26 =	vadd.s32 s29, v9;
	v36 =	vmul.f32 v39, v62  }
0x4a6: {  	v24 =	vadd.s32 v11, v24;
	s28 =	simm.s32 $0xC;
	v27 =	vld.idx.msk [tilespmem:v40+s15+$0x0], $0xffff;
	v26 =	vadd.s32 v11, v26;
	v28 =	vadd.f32 v28, v60  }
.LBB2_56:
0x4a7: {  	v37 =	vadd.s32 s28, v9;
	v38 =	vadd.s32 s28, v10;
	s29 =	sadd.s32 $0x1, s28;
	s30 =	sadd.s32 $0x2, s28;
	s31 =	sadd.s32 $0x3, s28;
	v39 =	vld.idx.msk [tilespmem:v34+s15+$0x0], $0xffff;
	v16 =	vadd.f32 v36, v16;
	v36 =	vmovc v17;
	v40 =	vmovc v22  }
0x4a8: {  	p0 =	sne.s32 s28, $0x3C;
	s28 =	sadd.s32 $0x4, s28;
	v30 =	vmul.f32 v29, v30;
	v22 =	vadd.s32 s29, v9;
	v41 =	vadd.s32 s29, v10;
	v17 =	vld.idx.msk [tilespmem:v31+s15+$0x0], $0xffff  }
0x4a9: {  	v31 =	vadd.s32 s30, v10;
	v42 =	vadd.s32 s31, v9;
	v43 =	vmul.f32 v18, v32;
	v18 =	vld.idx.msk [tilespmem:v23+s16+$0x0], $0xffff  }
.Ltmp27:
0x4aa: {  	v23 =	vadd.s32 v11, v38;
	v34 =	vadd.s32 v11, v22;
	v29 =	vld.idx.msk [tilespmem:v20+s16+$0x0], $0xffff;
	v20 =	vadd.s32 v11, v41;
	(pc) =	sbr.rel @p0 .LBB2_56-.Ltmp27, $4  }
0x4ab: {  	v22 =	vadd.s32 v11, v31;
	v31 =	vadd.s32 v11, v42;
	v21 =	vadd.f32 v43, v21;
	v32 =	vld.idx.msk [tilespmem:v35+s15+$0x0], $0xffff  }
0x4ac: {  	v19 =	vadd.f32 v30, v19;
	v38 =	vmul.f32 v25, v36;
	v35 =	vadd.s32 s31, v10;
	v25 =	vld.idx.msk [tilespmem:v24+s16+$0x0], $0xffff  }
0x4ad: {  	v41 =	vadd.s32 s30, v9;
	v36 =	vmul.f32 v33, v27;
	v24 =	vadd.s32 v11, v35;
	v30 =	vmovc v39;
	v27 =	vld.idx.msk [tilespmem:v26+s15+$0x0], $0xffff  }
0x4ae: {  	v28 =	vadd.f32 v38, v28;
	v35 =	vadd.s32 v11, v37;
	v26 =	vadd.s32 v11, v41;
	v33 =	vld.idx.msk [tilespmem:v40+s16+$0x0], $0xffff  }
0x4af: {  	_ =	sdelay $0x3  }
0x4b0: {  	v11 =	vld.idx.msk [tilespmem:v34+s15+$0x0], $0xffff  }
0x4b1: {  	v23 =	vld.idx.msk [tilespmem:v23+s16+$0x0], $0xffff  }
0x4b2: {  	v9 =	vld [tilespmem:$0x5C0]  }
0x4b3: {  	v59 =	vld.idx.msk [tilespmem:v35+s15+$0x0], $0xffff  }
0x4b4: {  	v10 =	vld [tilespmem:$0x7C0]  }
0x4b5: {  	v29 =	vmul.f32 v29, v30;
	v20 =	vld.idx.msk [tilespmem:v20+s16+$0x0], $0xffff  }
0x4b6: {  	v18 =	vmul.f32 v18, v32;
	v17 =	vmul.f32 v25, v17  }
0x4b7: {  	v16 =	vadd.f32 v36, v16;
	v24 =	vld.idx.msk [tilespmem:v24+s16+$0x0], $0xffff;
	v19 =	vadd.f32 v29, v19  }
0x4b8: {  	s28 =	simm.s32 $0x1;
	v26 =	vld.idx.msk [tilespmem:v26+s15+$0x0], $0xffff;
	s30 =	simm.s32 $0x0;
	v18 =	vadd.f32 v18, v21;
	v21 =	vmul.f32 v33, v27;
	v17 =	vadd.f32 v17, v28  }
0x4b9: {  	v25 =	vld.idx.msk [tilespmem:v31+s15+$0x0], $0xffff;
	v27 =	vadd.s32 s28, v9;
	v23 =	vmul.f32 v23, v59;
	v28 =	vadd.s32 s30, v10  }
0x4ba: {  	s29 =	simm.s32 $0x3;
	v22 =	vld.idx.msk [tilespmem:v22+s16+$0x0], $0xffff;
	v11 =	vmul.f32 v20, v11;
	v20 =	vadd.s32 s28, v10;
	v27 =	vadd.s32 v12, v27  }
0x4bb: {  	v16 =	vadd.f32 v21, v16;
	v21 =	vadd.s32 s29, v9;
	v28 =	vadd.s32 v12, v28  }
0x4bc: {  	v20 =	vadd.s32 v12, v20;
	v21 =	vadd.s32 v12, v21;
	v18 =	vadd.f32 v23, v18  }
0x4bd: {  	s28 =	simm.s32 $0x2;
	v23 =	vadd.s32 s30, v9;
	v60 =	vadd.f32 v11, v19;
	v11 =	vadd.s32 s29, v10  }
0x4be: {  	v19 =	vadd.s32 v12, v23;
	v23 =	vmul.f32 v24, v25;
	v24 =	vadd.s32 s28, v9  }
0x4bf: {  	v25 =	vadd.s32 v12, v11;
	v11 =	vmul.f32 v22, v26;
	v22 =	vadd.s32 s28, v10;
	v27 =	vld.idx.msk [tilespmem:v27+s15+$0x0], $0xffff  }
0x4c0: {  	s29 =	simm.s32 $0x7;
	v24 =	vadd.s32 v12, v24;
	v61 =	vadd.f32 v23, v17;
	v17 =	vadd.s32 v12, v22;
	v22 =	vld.idx.msk [tilespmem:v28+s16+$0x0], $0xffff  }
0x4c1: {  	s31 =	simm.s32 $0x4;
	s28 =	simm.s32 $0x5;
	v11 =	vadd.f32 v11, v16;
	v16 =	vadd.s32 s29, v9;
	v20 =	vld.idx.msk [tilespmem:v20+s16+$0x0], $0xffff  }
0x4c2: {  	v29 =	vadd.s32 s28, v10;
	v28 =	vadd.s32 s31, v10;
	v16 =	vadd.s32 v12, v16;
	v26 =	vld.idx.msk [tilespmem:v21+s15+$0x0], $0xffff  }
0x4c3: {  	v23 =	vadd.s32 s31, v9;
	v21 =	vadd.s32 s28, v9;
	v28 =	vadd.s32 v12, v28;
	v19 =	vld.idx.msk [tilespmem:v19+s15+$0x0], $0xffff  }
0x4c4: {  	v31 =	vadd.s32 v12, v29;
	v29 =	vadd.s32 s29, v10;
	s31 =	simm.s32 $0x6;
	v21 =	vadd.s32 v12, v21;
	v25 =	vld.idx.msk [tilespmem:v25+s16+$0x0], $0xffff  }
0x4c5: {  	v63 =	vadd.s32 v12, v29;
	v30 =	vadd.s32 s31, v10;
	v62 =	vld.idx.msk [tilespmem:v24+s15+$0x0], $0xffff  }
0x4c6: {  	v23 =	vadd.s32 v12, v23;
	s28 =	simm.s32 $0x8;
	v37 =	vadd.s32 v12, v30;
	v24 =	vadd.s32 s31, v9;
	v38 =	vld.idx.msk [tilespmem:v17+s16+$0x0], $0xffff  }
0x4c7: {  	v40 =	vadd.s32 s28, v9;
	s31 =	simm.s32 $0xB;
	v39 =	vadd.s32 v12, v24;
	v24 =	vadd.s32 s28, v10;
	s28 =	simm.s32 $0x9;
	v16 =	vld.idx.msk [tilespmem:v16+s15+$0x0], $0xffff  }
0x4c8: {  	s29 =	simm.s32 $0xA;
	v34 =	vadd.s32 v12, v40;
	v41 =	vadd.s32 s31, v9;
	v30 =	vadd.s32 s28, v10;
	v17 =	vld.idx.msk [tilespmem:v28+s16+$0x0], $0xffff  }
0x4c9: {  	v27 =	vmul.f32 v20, v27;
	v20 =	vadd.s32 s29, v10;
	v29 =	vld.idx.msk [tilespmem:v21+s15+$0x0], $0xffff;
	v21 =	vadd.s32 s28, v9  }
0x4ca: {  	v28 =	vld.idx.msk [tilespmem:v31+s16+$0x0], $0xffff;
	v42 =	vmul.f32 v22, v19;
	v22 =	vadd.s32 v12, v24;
	v33 =	vadd.s32 v12, v21  }
0x4cb: {  	v31 =	vld.idx.msk [tilespmem:v23+s15+$0x0], $0xffff;
	v19 =	vadd.s32 v12, v30;
	v30 =	vadd.s32 v12, v41;
	v21 =	vadd.s32 v12, v20  }
0x4cc: {  	v24 =	vld.idx.msk [tilespmem:v63+s16+$0x0], $0xffff;
	v20 =	vadd.f32 v42, v18;
	v18 =	vadd.f32 v27, v60;
	v27 =	vmul.f32 v25, v26  }
0x4cd: {  	v23 =	vadd.s32 s31, v10;
	v32 =	vld.idx.msk [tilespmem:v37+s16+$0x0], $0xffff;
	v25 =	vadd.s32 s29, v9;
	v35 =	vmul.f32 v38, v62  }
0x4ce: {  	v23 =	vadd.s32 v12, v23;
	s28 =	simm.s32 $0xC;
	v26 =	vld.idx.msk [tilespmem:v39+s15+$0x0], $0xffff;
	v25 =	vadd.s32 v12, v25;
	v27 =	vadd.f32 v27, v61  }
.LBB2_58:
0x4cf: {  	v36 =	vadd.s32 s28, v9;
	v37 =	vadd.s32 s28, v10;
	s29 =	sadd.s32 $0x1, s28;
	s30 =	sadd.s32 $0x2, s28;
	s31 =	sadd.s32 $0x3, s28;
	v38 =	vld.idx.msk [tilespmem:v33+s15+$0x0], $0xffff;
	v11 =	vadd.f32 v35, v11;
	v35 =	vmovc v16;
	v39 =	vmovc v21  }
0x4d0: {  	p0 =	sne.s32 s28, $0x3C;
	s28 =	sadd.s32 $0x4, s28;
	v29 =	vmul.f32 v28, v29;
	v21 =	vadd.s32 s29, v9;
	v40 =	vadd.s32 s29, v10;
	v16 =	vld.idx.msk [tilespmem:v30+s15+$0x0], $0xffff  }
0x4d1: {  	v30 =	vadd.s32 s30, v10;
	v41 =	vadd.s32 s31, v9;
	v42 =	vmul.f32 v17, v31;
	v17 =	vld.idx.msk [tilespmem:v22+s16+$0x0], $0xffff  }
.Ltmp28:
0x4d2: {  	v22 =	vadd.s32 v12, v37;
	v33 =	vadd.s32 v12, v21;
	v28 =	vld.idx.msk [tilespmem:v19+s16+$0x0], $0xffff;
	v19 =	vadd.s32 v12, v40;
	(pc) =	sbr.rel @p0 .LBB2_58-.Ltmp28, $4  }
0x4d3: {  	v21 =	vadd.s32 v12, v30;
	v30 =	vadd.s32 v12, v41;
	v20 =	vadd.f32 v42, v20;
	v31 =	vld.idx.msk [tilespmem:v34+s15+$0x0], $0xffff  }
0x4d4: {  	v18 =	vadd.f32 v29, v18;
	v37 =	vmul.f32 v24, v35;
	v34 =	vadd.s32 s31, v10;
	v24 =	vld.idx.msk [tilespmem:v23+s16+$0x0], $0xffff  }
0x4d5: {  	v40 =	vadd.s32 s30, v9;
	v35 =	vmul.f32 v32, v26;
	v23 =	vadd.s32 v12, v34;
	v29 =	vmovc v38;
	v26 =	vld.idx.msk [tilespmem:v25+s15+$0x0], $0xffff  }
0x4d6: {  	v27 =	vadd.f32 v37, v27;
	v34 =	vadd.s32 v12, v36;
	v25 =	vadd.s32 v12, v40;
	v32 =	vld.idx.msk [tilespmem:v39+s16+$0x0], $0xffff  }
0x4d7: {  	_ =	sdelay $0x3  }
0x4d8: {  	v12 =	vld.idx.msk [tilespmem:v33+s15+$0x0], $0xffff  }
0x4d9: {  	v22 =	vld.idx.msk [tilespmem:v22+s16+$0x0], $0xffff  }
0x4da: {  	v9 =	vld [tilespmem:$0x5D0]  }
0x4db: {  	v60 =	vld.idx.msk [tilespmem:v34+s15+$0x0], $0xffff  }
0x4dc: {  	v10 =	vld [tilespmem:$0x7D0]  }
0x4dd: {  	v28 =	vmul.f32 v28, v29;
	v19 =	vld.idx.msk [tilespmem:v19+s16+$0x0], $0xffff  }
0x4de: {  	v25 =	vld.idx.msk [tilespmem:v25+s15+$0x0], $0xffff;
	v17 =	vmul.f32 v17, v31;
	v16 =	vmul.f32 v24, v16  }
0x4df: {  	v11 =	vadd.f32 v35, v11;
	v21 =	vld.idx.msk [tilespmem:v21+s16+$0x0], $0xffff;
	v18 =	vadd.f32 v28, v18  }
0x4e0: {  	s28 =	simm.s32 $0x1;
	v23 =	vld.idx.msk [tilespmem:v23+s16+$0x0], $0xffff;
	s30 =	simm.s32 $0x0;
	v17 =	vadd.f32 v17, v20;
	v20 =	vmul.f32 v32, v26;
	v16 =	vadd.f32 v16, v27  }
0x4e1: {  	v24 =	vld.idx.msk [tilespmem:v30+s15+$0x0], $0xffff;
	v26 =	vadd.s32 s28, v9;
	v22 =	vmul.f32 v22, v60;
	v27 =	vadd.s32 s30, v10  }
0x4e2: {  	s29 =	simm.s32 $0x3;
	v12 =	vmul.f32 v19, v12;
	v19 =	vadd.s32 s28, v10;
	v26 =	vadd.s32 v13, v26  }
0x4e3: {  	v11 =	vadd.f32 v20, v11;
	v20 =	vadd.s32 s29, v9;
	v27 =	vadd.s32 v13, v27  }
0x4e4: {  	v21 =	vmul.f32 v21, v25;
	v19 =	vadd.s32 v13, v19;
	v20 =	vadd.s32 v13, v20  }
0x4e5: {  	v17 =	vadd.f32 v22, v17;
	v22 =	vadd.s32 s30, v9;
	v31 =	vadd.f32 v12, v18  }
0x4e6: {  	s28 =	simm.s32 $0x2;
	v12 =	vadd.s32 s29, v10;
	v18 =	vadd.s32 v13, v22;
	v22 =	vmul.f32 v23, v24  }
0x4e7: {  	s29 =	simm.s32 $0x7;
	v23 =	vadd.s32 s28, v9;
	v12 =	vadd.s32 v13, v12;
	v11 =	vadd.f32 v21, v11;
	v24 =	vld.idx.msk [tilespmem:v26+s15+$0x0], $0xffff  }
0x4e8: {  	v21 =	vadd.s32 s29, v9;
	v23 =	vadd.s32 v13, v23;
	v61 =	vadd.f32 v22, v16;
	v22 =	vld.idx.msk [tilespmem:v27+s16+$0x0], $0xffff  }
0x4e9: {  	s31 =	simm.s32 $0x4;
	v25 =	vadd.s32 s28, v10;
	v21 =	vadd.s32 v13, v21;
	v19 =	vld.idx.msk [tilespmem:v19+s16+$0x0], $0xffff  }
0x4ea: {  	s28 =	simm.s32 $0x5;
	v16 =	vadd.s32 v13, v25;
	v27 =	vadd.s32 s31, v10;
	v26 =	vld.idx.msk [tilespmem:v20+s15+$0x0], $0xffff  }
0x4eb: {  	v28 =	vadd.s32 s28, v10;
	v20 =	vadd.s32 s28, v9;
	v27 =	vadd.s32 v13, v27;
	v18 =	vld.idx.msk [tilespmem:v18+s15+$0x0], $0xffff  }
0x4ec: {  	v25 =	vadd.s32 s31, v9;
	v30 =	vadd.s32 v13, v28;
	s31 =	simm.s32 $0x6;
	v20 =	vadd.s32 v13, v20;
	v62 =	vld.idx.msk [tilespmem:v12+s16+$0x0], $0xffff  }
0x4ed: {  	v25 =	vadd.s32 v13, v25;
	v29 =	vadd.s32 s31, v10;
	v12 =	vadd.s32 s29, v10;
	v63 =	vld.idx.msk [tilespmem:v23+s15+$0x0], $0xffff  }
0x4ee: {  	s28 =	simm.s32 $0x8;
	v36 =	vadd.s32 v13, v29;
	v23 =	vadd.s32 s31, v9;
	v37 =	vadd.s32 v13, v12;
	v12 =	vld.idx.msk [tilespmem:v21+s15+$0x0], $0xffff  }
0x4ef: {  	v40 =	vadd.s32 s28, v9;
	s31 =	simm.s32 $0xB;
	v38 =	vld.idx.msk [tilespmem:v16+s16+$0x0], $0xffff;
	v39 =	vadd.s32 v13, v23;
	v23 =	vadd.s32 s28, v10;
	s28 =	simm.s32 $0x9  }
0x4f0: {  	s29 =	simm.s32 $0xA;
	v33 =	vadd.s32 v13, v40;
	v41 =	vadd.s32 s31, v9;
	v29 =	vadd.s32 s28, v10;
	v16 =	vld.idx.msk [tilespmem:v27+s16+$0x0], $0xffff  }
0x4f1: {  	v24 =	vmul.f32 v19, v24;
	v19 =	vadd.s32 s29, v10;
	v28 =	vld.idx.msk [tilespmem:v20+s15+$0x0], $0xffff;
	v20 =	vadd.s32 s28, v9  }
0x4f2: {  	v21 =	vadd.s32 v13, v23;
	v27 =	vld.idx.msk [tilespmem:v30+s16+$0x0], $0xffff;
	v22 =	vmul.f32 v22, v18;
	v32 =	vadd.s32 v13, v20  }
0x4f3: {  	v30 =	vld.idx.msk [tilespmem:v25+s15+$0x0], $0xffff;
	v18 =	vadd.s32 v13, v29;
	v29 =	vadd.s32 v13, v41;
	v26 =	vmul.f32 v62, v26  }
0x4f4: {  	v20 =	vadd.s32 v13, v19;
	v23 =	vld.idx.msk [tilespmem:v37+s16+$0x0], $0xffff;
	v19 =	vadd.f32 v22, v17;
	v22 =	vadd.s32 s31, v10  }
0x4f5: {  	v17 =	vadd.f32 v24, v31;
	v24 =	vadd.s32 s29, v9;
	v25 =	vld.idx.msk [tilespmem:v39+s15+$0x0], $0xffff;
	v34 =	vmul.f32 v38, v63  }
0x4f6: {  	s28 =	simm.s32 $0xC;
	v31 =	vld.idx.msk [tilespmem:v36+s16+$0x0], $0xffff;
	v26 =	vadd.f32 v26, v61;
	v22 =	vadd.s32 v13, v22;
	v24 =	vadd.s32 v13, v24  }
.LBB2_60:
0x4f7: {  	v35 =	vadd.s32 s28, v9;
	v36 =	vadd.s32 s28, v10;
	s29 =	sadd.s32 $0x1, s28;
	s30 =	sadd.s32 $0x2, s28;
	s31 =	sadd.s32 $0x3, s28;
	v37 =	vld.idx.msk [tilespmem:v32+s15+$0x0], $0xffff;
	v11 =	vadd.f32 v34, v11;
	v34 =	vmovc v12;
	v38 =	vmovc v20  }
0x4f8: {  	p0 =	sne.s32 s28, $0x3C;
	s28 =	sadd.s32 $0x4, s28;
	v28 =	vmul.f32 v27, v28;
	v20 =	vadd.s32 s29, v9;
	v39 =	vadd.s32 s29, v10;
	v12 =	vld.idx.msk [tilespmem:v29+s15+$0x0], $0xffff  }
0x4f9: {  	v29 =	vadd.s32 s30, v10;
	v40 =	vadd.s32 s31, v9;
	v41 =	vmul.f32 v16, v30;
	v16 =	vld.idx.msk [tilespmem:v21+s16+$0x0], $0xffff  }
.Ltmp29:
0x4fa: {  	v21 =	vadd.s32 v13, v36;
	v32 =	vadd.s32 v13, v20;
	v27 =	vld.idx.msk [tilespmem:v18+s16+$0x0], $0xffff;
	v18 =	vadd.s32 v13, v39;
	(pc) =	sbr.rel @p0 .LBB2_60-.Ltmp29, $4  }
0x4fb: {  	v20 =	vadd.s32 v13, v29;
	v29 =	vadd.s32 v13, v40;
	v19 =	vadd.f32 v41, v19;
	v30 =	vld.idx.msk [tilespmem:v33+s15+$0x0], $0xffff  }
0x4fc: {  	v17 =	vadd.f32 v28, v17;
	v36 =	vmul.f32 v23, v34;
	v33 =	vadd.s32 s31, v10;
	v23 =	vld.idx.msk [tilespmem:v22+s16+$0x0], $0xffff  }
0x4fd: {  	v39 =	vadd.s32 s30, v9;
	v34 =	vmul.f32 v31, v25;
	v22 =	vadd.s32 v13, v33;
	v28 =	vmovc v37;
	v25 =	vld.idx.msk [tilespmem:v24+s15+$0x0], $0xffff  }
0x4fe: {  	v26 =	vadd.f32 v36, v26;
	v33 =	vadd.s32 v13, v35;
	v24 =	vadd.s32 v13, v39;
	v31 =	vld.idx.msk [tilespmem:v38+s16+$0x0], $0xffff  }
0x4ff: {  	_ =	sdelay $0x3  }
0x500: {  	v13 =	vld.idx.msk [tilespmem:v32+s15+$0x0], $0xffff  }
0x501: {  	v21 =	vld.idx.msk [tilespmem:v21+s16+$0x0], $0xffff  }
0x502: {  	v9 =	vld [tilespmem:$0x5E0]  }
0x503: {  	v60 =	vld.idx.msk [tilespmem:v33+s15+$0x0], $0xffff  }
0x504: {  	v10 =	vld [tilespmem:$0x7E0]  }
0x505: {  	v27 =	vmul.f32 v27, v28;
	v18 =	vld.idx.msk [tilespmem:v18+s16+$0x0], $0xffff  }
0x506: {  	v16 =	vmul.f32 v16, v30;
	v12 =	vmul.f32 v23, v12  }
0x507: {  	v11 =	vadd.f32 v34, v11;
	v22 =	vld.idx.msk [tilespmem:v22+s16+$0x0], $0xffff;
	v17 =	vadd.f32 v27, v17  }
0x508: {  	s28 =	simm.s32 $0x1;
	v24 =	vld.idx.msk [tilespmem:v24+s15+$0x0], $0xffff;
	s30 =	simm.s32 $0x0;
	v16 =	vadd.f32 v16, v19;
	v19 =	vmul.f32 v31, v25;
	v12 =	vadd.f32 v12, v26  }
0x509: {  	v23 =	vld.idx.msk [tilespmem:v29+s15+$0x0], $0xffff;
	v25 =	vadd.s32 s28, v9;
	v21 =	vmul.f32 v21, v60;
	v26 =	vadd.s32 s30, v10  }
0x50a: {  	s29 =	simm.s32 $0x3;
	v20 =	vld.idx.msk [tilespmem:v20+s16+$0x0], $0xffff;
	v13 =	vmul.f32 v18, v13;
	v18 =	vadd.s32 s28, v10;
	v25 =	vadd.s32 v14, v25  }
0x50b: {  	v11 =	vadd.f32 v19, v11;
	v19 =	vadd.s32 s29, v9;
	v26 =	vadd.s32 v14, v26  }
0x50c: {  	v18 =	vadd.s32 v14, v18;
	v19 =	vadd.s32 v14, v19  }
0x50d: {  	v16 =	vadd.f32 v21, v16;
	v21 =	vadd.s32 s30, v9;
	v30 =	vadd.f32 v13, v17  }
0x50e: {  	s28 =	simm.s32 $0x2;
	v13 =	vadd.s32 s29, v10;
	v17 =	vadd.s32 v14, v21;
	v21 =	vmul.f32 v22, v23  }
0x50f: {  	v20 =	vmul.f32 v20, v24;
	v22 =	vadd.s32 s28, v9;
	v13 =	vadd.s32 v14, v13;
	v23 =	vld.idx.msk [tilespmem:v25+s15+$0x0], $0xffff  }
0x510: {  	v24 =	vadd.s32 s28, v10;
	s29 =	simm.s32 $0x7;
	v22 =	vadd.s32 v14, v22;
	v61 =	vadd.f32 v21, v12;
	v21 =	vld.idx.msk [tilespmem:v26+s16+$0x0], $0xffff  }
0x511: {  	s31 =	simm.s32 $0x4;
	v11 =	vadd.f32 v20, v11;
	v20 =	vadd.s32 s29, v9;
	v12 =	vadd.s32 v14, v24;
	v18 =	vld.idx.msk [tilespmem:v18+s16+$0x0], $0xffff  }
0x512: {  	s28 =	simm.s32 $0x5;
	v20 =	vadd.s32 v14, v20;
	v26 =	vadd.s32 s31, v10;
	v25 =	vld.idx.msk [tilespmem:v19+s15+$0x0], $0xffff  }
0x513: {  	v24 =	vadd.s32 s31, v9;
	s31 =	simm.s32 $0x6;
	v19 =	vadd.s32 s28, v9;
	v26 =	vadd.s32 v14, v26;
	v17 =	vld.idx.msk [tilespmem:v17+s15+$0x0], $0xffff  }
0x514: {  	v27 =	vadd.s32 s28, v10;
	v28 =	vadd.s32 s31, v10;
	v19 =	vadd.s32 v14, v19;
	v62 =	vld.idx.msk [tilespmem:v13+s16+$0x0], $0xffff  }
0x515: {  	v29 =	vadd.s32 v14, v27;
	v24 =	vadd.s32 v14, v24;
	s28 =	simm.s32 $0x8;
	v35 =	vadd.s32 v14, v28;
	v63 =	vld.idx.msk [tilespmem:v22+s15+$0x0], $0xffff  }
0x516: {  	v13 =	vadd.s32 s29, v10;
	v39 =	vadd.s32 s28, v9;
	v22 =	vadd.s32 s31, v9;
	v37 =	vld.idx.msk [tilespmem:v12+s16+$0x0], $0xffff  }
0x517: {  	v36 =	vadd.s32 v14, v13;
	s31 =	simm.s32 $0xB;
	v38 =	vadd.s32 v14, v22;
	v22 =	vadd.s32 s28, v10;
	s28 =	simm.s32 $0x9;
	v12 =	vld.idx.msk [tilespmem:v20+s15+$0x0], $0xffff  }
0x518: {  	s29 =	simm.s32 $0xA;
	v32 =	vadd.s32 v14, v39;
	v40 =	vadd.s32 s31, v9;
	v28 =	vadd.s32 s28, v10;
	v13 =	vld.idx.msk [tilespmem:v26+s16+$0x0], $0xffff  }
0x519: {  	v23 =	vmul.f32 v18, v23;
	v18 =	vadd.s32 s29, v10;
	v27 =	vld.idx.msk [tilespmem:v19+s15+$0x0], $0xffff;
	v19 =	vadd.s32 s28, v9  }
0x51a: {  	v20 =	vadd.s32 v14, v22;
	v26 =	vld.idx.msk [tilespmem:v29+s16+$0x0], $0xffff;
	v21 =	vmul.f32 v21, v17;
	v31 =	vadd.s32 v14, v19  }
0x51b: {  	v29 =	vld.idx.msk [tilespmem:v24+s15+$0x0], $0xffff;
	v17 =	vadd.s32 v14, v28;
	v28 =	vadd.s32 v14, v40;
	v25 =	vmul.f32 v62, v25  }
0x51c: {  	v19 =	vadd.s32 v14, v18;
	v22 =	vld.idx.msk [tilespmem:v36+s16+$0x0], $0xffff;
	v18 =	vadd.f32 v21, v16;
	v21 =	vadd.s32 s31, v10  }
0x51d: {  	v16 =	vadd.f32 v23, v30;
	v23 =	vadd.s32 s29, v9;
	v24 =	vld.idx.msk [tilespmem:v38+s15+$0x0], $0xffff;
	v33 =	vmul.f32 v37, v63  }
0x51e: {  	s28 =	simm.s32 $0xC;
	v30 =	vld.idx.msk [tilespmem:v35+s16+$0x0], $0xffff;
	v25 =	vadd.f32 v25, v61;
	v21 =	vadd.s32 v14, v21;
	v23 =	vadd.s32 v14, v23  }
.LBB2_62:
0x51f: {  	v34 =	vadd.s32 s28, v9;
	v35 =	vadd.s32 s28, v10;
	s29 =	sadd.s32 $0x1, s28;
	s30 =	sadd.s32 $0x2, s28;
	s31 =	sadd.s32 $0x3, s28;
	v36 =	vld.idx.msk [tilespmem:v31+s15+$0x0], $0xffff;
	v11 =	vadd.f32 v33, v11;
	v33 =	vmovc v12;
	v37 =	vmovc v19  }
0x520: {  	p0 =	sne.s32 s28, $0x3C;
	s28 =	sadd.s32 $0x4, s28;
	v27 =	vmul.f32 v26, v27;
	v19 =	vadd.s32 s29, v9;
	v38 =	vadd.s32 s29, v10;
	v12 =	vld.idx.msk [tilespmem:v28+s15+$0x0], $0xffff  }
0x521: {  	v28 =	vadd.s32 s30, v10;
	v39 =	vadd.s32 s31, v9;
	v40 =	vmul.f32 v13, v29;
	v13 =	vld.idx.msk [tilespmem:v20+s16+$0x0], $0xffff  }
.Ltmp30:
0x522: {  	v20 =	vadd.s32 v14, v35;
	v31 =	vadd.s32 v14, v19;
	v26 =	vld.idx.msk [tilespmem:v17+s16+$0x0], $0xffff;
	v17 =	vadd.s32 v14, v38;
	(pc) =	sbr.rel @p0 .LBB2_62-.Ltmp30, $4  }
0x523: {  	v19 =	vadd.s32 v14, v28;
	v28 =	vadd.s32 v14, v39;
	v18 =	vadd.f32 v40, v18;
	v29 =	vld.idx.msk [tilespmem:v32+s15+$0x0], $0xffff  }
0x524: {  	v16 =	vadd.f32 v27, v16;
	v35 =	vmul.f32 v22, v33;
	v32 =	vadd.s32 s31, v10;
	v22 =	vld.idx.msk [tilespmem:v21+s16+$0x0], $0xffff  }
0x525: {  	v38 =	vadd.s32 s30, v9;
	v33 =	vmul.f32 v30, v24;
	v21 =	vadd.s32 v14, v32;
	v27 =	vmovc v36;
	v24 =	vld.idx.msk [tilespmem:v23+s15+$0x0], $0xffff  }
0x526: {  	v25 =	vadd.f32 v35, v25;
	v32 =	vadd.s32 v14, v34;
	v23 =	vadd.s32 v14, v38;
	v30 =	vld.idx.msk [tilespmem:v37+s16+$0x0], $0xffff  }
0x527: {  	_ =	sdelay $0x3  }
0x528: {  	v14 =	vld.idx.msk [tilespmem:v31+s15+$0x0], $0xffff  }
0x529: {  	v20 =	vld.idx.msk [tilespmem:v20+s16+$0x0], $0xffff  }
0x52a: {  	v9 =	vld [tilespmem:$0x5F0]  }
0x52b: {  	v31 =	vld.idx.msk [tilespmem:v32+s15+$0x0], $0xffff  }
0x52c: {  	v10 =	vld [tilespmem:$0x7F0]  }
0x52d: {  	v26 =	vmul.f32 v26, v27;
	v17 =	vld.idx.msk [tilespmem:v17+s16+$0x0], $0xffff  }
0x52e: {  	v13 =	vmul.f32 v13, v29;
	v12 =	vmul.f32 v22, v12  }
0x52f: {  	v11 =	vadd.f32 v33, v11;
	v21 =	vld.idx.msk [tilespmem:v21+s16+$0x0], $0xffff;
	v16 =	vadd.f32 v26, v16  }
0x530: {  	s28 =	simm.s32 $0x1;
	v23 =	vld.idx.msk [tilespmem:v23+s15+$0x0], $0xffff;
	s30 =	simm.s32 $0x0;
	v13 =	vadd.f32 v13, v18;
	v18 =	vmul.f32 v30, v24;
	v12 =	vadd.f32 v12, v25  }
0x531: {  	v22 =	vld.idx.msk [tilespmem:v28+s15+$0x0], $0xffff;
	v24 =	vadd.s32 s28, v9;
	v20 =	vmul.f32 v20, v31;
	v25 =	vadd.s32 s30, v10  }
0x532: {  	s29 =	simm.s32 $0x3;
	v19 =	vld.idx.msk [tilespmem:v19+s16+$0x0], $0xffff;
	v14 =	vmul.f32 v17, v14;
	v17 =	vadd.s32 s28, v10;
	v24 =	vadd.s32 v15, v24  }
0x533: {  	v11 =	vadd.f32 v18, v11;
	v18 =	vadd.s32 s29, v9;
	v25 =	vadd.s32 v15, v25  }
0x534: {  	v17 =	vadd.s32 v15, v17;
	v18 =	vadd.s32 v15, v18  }
0x535: {  	v20 =	vadd.f32 v20, v13;
	v13 =	vadd.s32 s30, v9;
	v16 =	vadd.f32 v14, v16  }
0x536: {  	s28 =	simm.s32 $0x2;
	v14 =	vadd.s32 s29, v10;
	v21 =	vmul.f32 v21, v22;
	v13 =	vadd.s32 v15, v13  }
0x537: {  	v19 =	vmul.f32 v19, v23;
	v22 =	vadd.s32 s28, v9;
	v14 =	vadd.s32 v15, v14;
	v24 =	vld.idx.msk [tilespmem:v24+s15+$0x0], $0xffff  }
0x538: {  	v23 =	vadd.s32 s28, v10;
	s29 =	simm.s32 $0x7;
	v22 =	vadd.s32 v15, v22;
	v61 =	vadd.f32 v21, v12;
	v21 =	vld.idx.msk [tilespmem:v25+s16+$0x0], $0xffff  }
0x539: {  	s31 =	simm.s32 $0x4;
	v11 =	vadd.f32 v19, v11;
	v19 =	vadd.s32 s29, v9;
	v12 =	vadd.s32 v15, v23;
	v17 =	vld.idx.msk [tilespmem:v17+s16+$0x0], $0xffff  }
0x53a: {  	s28 =	simm.s32 $0x5;
	v19 =	vadd.s32 v15, v19;
	v25 =	vadd.s32 s31, v10;
	v26 =	vld.idx.msk [tilespmem:v18+s15+$0x0], $0xffff  }
0x53b: {  	v23 =	vadd.s32 s31, v9;
	s31 =	simm.s32 $0x6;
	v18 =	vadd.s32 s28, v9;
	v25 =	vadd.s32 v15, v25;
	v27 =	vld.idx.msk [tilespmem:v13+s15+$0x0], $0xffff  }
0x53c: {  	v35 =	vadd.s32 v15, v23;
	v28 =	vadd.s32 s31, v10;
	v18 =	vadd.s32 v15, v18;
	v31 =	vld.idx.msk [tilespmem:v14+s16+$0x0], $0xffff  }
0x53d: {  	v13 =	vadd.s32 s28, v10;
	v34 =	vadd.s32 v15, v28;
	v22 =	vld.idx.msk [tilespmem:v22+s15+$0x0], $0xffff;
	v28 =	vadd.s32 s31, v9  }
0x53e: {  	s28 =	simm.s32 $0x8;
	v14 =	vadd.s32 v15, v13;
	v13 =	vadd.s32 s29, v10;
	v36 =	vld.idx.msk [tilespmem:v12+s16+$0x0], $0xffff;
	v28 =	vadd.s32 v15, v28  }
0x53f: {  	v37 =	vadd.s32 s28, v9;
	v29 =	vadd.s32 s28, v10;
	s28 =	simm.s32 $0x9;
	v12 =	vld.idx.msk [tilespmem:v19+s15+$0x0], $0xffff;
	v62 =	vadd.s32 v15, v13  }
0x540: {  	s31 =	simm.s32 $0xB;
	s29 =	simm.s32 $0xA;
	v30 =	vadd.s32 s28, v9;
	v38 =	vadd.s32 s28, v10;
	v39 =	vmul.f32 v17, v24;
	v13 =	vld.idx.msk [tilespmem:v25+s16+$0x0], $0xffff  }
0x541: {  	v17 =	vadd.s32 s29, v10;
	v24 =	vadd.s32 s31, v9;
	v30 =	vadd.s32 v15, v30;
	v23 =	vld.idx.msk [tilespmem:v18+s15+$0x0], $0xffff  }
0x542: {  	v25 =	vmul.f32 v21, v27;
	v18 =	vadd.s32 v15, v29;
	v29 =	vadd.s32 v15, v24;
	v24 =	vld.idx.msk [tilespmem:v35+s15+$0x0], $0xffff  }
0x543: {  	v19 =	vadd.s32 v15, v38;
	v27 =	vadd.s32 v15, v17;
	v16 =	vadd.f32 v39, v16;
	v21 =	vld.idx.msk [tilespmem:v14+s16+$0x0], $0xffff  }
0x544: {  	v63 =	vmul.f32 v31, v26;
	v14 =	vadd.f32 v25, v20;
	v20 =	vadd.s32 s31, v10;
	v17 =	vld.idx.msk [tilespmem:v62+s16+$0x0], $0xffff  }
0x545: {  	v26 =	vadd.s32 s29, v9;
	v32 =	vmul.f32 v36, v22;
	v25 =	vadd.s32 v15, v20;
	v20 =	vld.idx.msk [tilespmem:v28+s15+$0x0], $0xffff  }
0x546: {  	s28 =	simm.s32 $0xC;
	v31 =	vadd.s32 v15, v37;
	v22 =	vadd.f32 v63, v61;
	v28 =	vadd.s32 v15, v26;
	v26 =	vld.idx.msk [tilespmem:v34+s16+$0x0], $0xffff  }
.LBB2_64:
0x547: {  	v33 =	vadd.s32 s28, v9;
	v34 =	vadd.s32 s28, v10;
	s29 =	sadd.s32 $0x1, s28;
	s30 =	sadd.s32 $0x2, s28;
	s31 =	sadd.s32 $0x3, s28;
	v35 =	vld.idx.msk [tilespmem:v30+s15+$0x0], $0xffff;
	v11 =	vadd.f32 v32, v11;
	v32 =	vmovc v12;
	v36 =	vmovc v27  }
0x548: {  	p0 =	sne.s32 s28, $0x3C;
	s28 =	sadd.s32 $0x4, s28;
	v23 =	vmul.f32 v21, v23;
	v27 =	vadd.s32 s29, v9;
	v37 =	vadd.s32 s29, v10;
	v12 =	vld.idx.msk [tilespmem:v29+s15+$0x0], $0xffff  }
0x549: {  	v29 =	vadd.s32 s30, v10;
	v38 =	vadd.s32 s31, v9;
	v39 =	vmul.f32 v13, v24;
	v13 =	vld.idx.msk [tilespmem:v18+s16+$0x0], $0xffff  }
.Ltmp31:
0x54a: {  	v18 =	vadd.s32 v15, v34;
	v30 =	vadd.s32 v15, v27;
	v21 =	vld.idx.msk [tilespmem:v19+s16+$0x0], $0xffff;
	v19 =	vadd.s32 v15, v37;
	(pc) =	sbr.rel @p0 .LBB2_64-.Ltmp31, $4  }
0x54b: {  	v27 =	vadd.s32 v15, v29;
	v29 =	vadd.s32 v15, v38;
	v14 =	vadd.f32 v39, v14;
	v24 =	vld.idx.msk [tilespmem:v31+s15+$0x0], $0xffff  }
0x54c: {  	v16 =	vadd.f32 v23, v16;
	v34 =	vmul.f32 v17, v32;
	v31 =	vadd.s32 s31, v10;
	v17 =	vld.idx.msk [tilespmem:v25+s16+$0x0], $0xffff  }
0x54d: {  	v37 =	vadd.s32 s30, v9;
	v32 =	vmul.f32 v26, v20;
	v25 =	vadd.s32 v15, v31;
	v23 =	vmovc v35;
	v20 =	vld.idx.msk [tilespmem:v28+s15+$0x0], $0xffff  }
0x54e: {  	v22 =	vadd.f32 v34, v22;
	v31 =	vadd.s32 v15, v33;
	v28 =	vadd.s32 v15, v37;
	v26 =	vld.idx.msk [tilespmem:v36+s16+$0x0], $0xffff  }
0x54f: {  	_ =	sdelay $0x3  }
0x550: {  	v9 =	vld.idx.msk [tilespmem:v30+s15+$0x0], $0xffff  }
0x551: {  	v10 =	vld.idx.msk [tilespmem:v29+s15+$0x0], $0xffff  }
0x552: {  	v15 =	vld.idx.msk [tilespmem:v18+s16+$0x0], $0xffff  }
0x553: {  	v59 =	vld.idx.msk [tilespmem:v19+s16+$0x0], $0xffff  }
0x554: {  	v60 =	vld.idx.msk [tilespmem:v31+s15+$0x0], $0xffff  }
0x555: {  	v25 =	vld.idx.msk [tilespmem:v25+s16+$0x0], $0xffff  }
0x556: {  	v28 =	vld.idx.msk [tilespmem:v28+s15+$0x0], $0xffff  }
0x557: {  	v27 =	vld.idx.msk [tilespmem:v27+s16+$0x0], $0xffff  }
0x558: {  	v21 =	vmul.f32 v21, v23;
	v13 =	vmul.f32 v13, v24  }
0x559: {  	v11 =	vadd.f32 v32, v11;
	v12 =	vmul.f32 v17, v12  }
0x55a: {  	v61 =	vadd.f32 v21, v16;
	v13 =	vadd.f32 v13, v14;
	v62 =	vmul.f32 v26, v20  }
0x55b: {  	v12 =	vadd.f32 v12, v22;
	v9 =	vmul.f32 v59, v9;
	v15 =	vmul.f32 v15, v60  }
0x55c: {  	v10 =	vmul.f32 v25, v10;
	v63 =	vmul.f32 v27, v28;
	v11 =	vadd.f32 v62, v11  }
0x55d: {  	v13 =	vadd.f32 v15, v13;
	v9 =	vadd.f32 v9, v61  }
0x55e: {  	v10 =	vadd.f32 v10, v12;
	v11 =	vadd.f32 v63, v11;
	_ =	sdelay $0x1  }
0x55f: {  	v9 =	vadd.f32 v9, v13;
	v10 =	vadd.f32 v10, v11;
	_ =	sdelay $0x1  }
0x560: {  	s26 =	sadd.s32 $0x1, s26;
	v9 =	vadd.f32 v10, v9  }
0x561: {  	p0 =	sne.s32 s26, s9  }
.Ltmp32:
0x562: {  	[tilespmem:$0x10800] =	vst v9;
	(pc) =	sbr.rel @p0 .LBB2_1-.Ltmp32, $4  }
0x563: {  	[hbm4b:s8+s2] =	stream.linear.scatter [tilespmem:s25], [sflag:$0x2], $0x80, $0x38;
	[tilespmem:$0x10880] =	vst v63  }
0x564: {  	_ =	swait.ge [sflag:s10], $0x80  }
0x565: {  	[sflag:s10] =	ssyncset.done $0x0  }
0x566: {  	[sflag:s10] =	ssyncadd.s32 $0xFFFFFF80  }
0x567: {  	_ =	sfence.sel $0x180000  }
0x568: {  	[bflag:$0x0] =	sbarrier.arrive $0xFFFF  }
0x569: {  	p0 =	sne.s32 s1, $0x0;
	_ =	strace $0x90000047  }
0x56a: {  	s0 =	sadd.s32 @!p0 $0x100000, s0;
	[bflag:$0x2] =	sbarrier.arrive $0xFFFF  }
0x56b: {  	[sflag:s0] =	ssyncadd.tile.s32 @!p0 $0x1;
	_ =	shalt  }
.Lfunc_end2:
_tile_overlayer_lowered:
.L_overlay_start_2:
0x56c: {  	(tag) =	ssettag $0x2  }
0x56d: {  	s0 =	rddreg [dreg:$0x0];
	s2 =	stileid.u32  }
0x56e: {  	s1 =	rddreg [dreg:$0x1];
	p0 =	sne.s32 s2, $0x0  }
0x56f: {  	s3 =	rddreg [dreg:$0x2];
	[bflag:$0x3] =	sbarrier.arrive $0xFFFF;
	s2 =	simm.s32 @!p0 $0x1C02  }
0x570: {  	[timem:s3], [sflag:s2] =	dma.local @!p0 [hbm:s0], s1  }
0x571: {  	s0 =	simm.s32 @!p0 $0x2  }
0x572: {  	_ =	swait.ge @!p0 [sflag:s0], s1  }
0x573: {  	s1 =	ssub.s32 @!p0 $0x0, s1;
	[sflag:s0] =	ssyncset.done @!p0 $0x0  }
0x574: {  	[sflag:s0] =	ssyncadd.s32 @!p0 s1  }
0x575: {  	[bflag:$0x3] =	sbarrier.arrive $0xFFFF  }
0x576: {  	_ =	shalt  }

</sc_bundles>
